<compile_context>
chip_gen: v7x
topology: tpu7x:2x2x1
jax: 0.10.2.dev20260603
libtpu: 0.0.44.dev20260713+nightly
codegen_flags: <defaults>
</compile_context>

<pallas_src>
import functools

import jax
import jax.numpy as jnp
from jax import lax
from jax.experimental import pallas as pl
from jax.experimental.pallas import tpu as pltpu
from jax.experimental.pallas import tpu_sc as plsc

N = 10000
E = 320000
D = 128

NC = 2
NS = 16
NW = NC * NS
B = 128
C = 80
SS = C // 8
C2 = C + 16
EP = NW * C * B
NP = 10112
Z = NP // NS
PAD_DST = NP - 1

_f32 = jnp.float32


def _dot_t(a, w):
    return lax.dot_general(a, w, (((1,), (1,)), ((), ())),
                           precision=lax.Precision.HIGHEST,
                           preferred_element_type=_f32)



_RB = 2000


def _tc1_body(x_ref, wl_ref, wr_ref, b_ref, y_ref, r_ref):
    xb = x_ref[...]
    y_ref[...] = _dot_t(xb, wl_ref[...])
    r_ref[...] = _dot_t(xb, wr_ref[...]) + b_ref[...]


def _tc1(x, Wl, Wr, b):
    grid = (N // _RB,)
    return pl.pallas_call(
        _tc1_body,
        grid=grid,
        in_specs=[
            pl.BlockSpec((_RB, D), lambda i: (i, 0)),
            pl.BlockSpec((D, D), lambda i: (0, 0)),
            pl.BlockSpec((D, D), lambda i: (0, 0)),
            pl.BlockSpec((1, D), lambda i: (0, 0)),
        ],
        out_specs=[
            pl.BlockSpec((_RB, D), lambda i: (i, 0)),
            pl.BlockSpec((_RB, D), lambda i: (i, 0)),
        ],
        out_shape=[
            jax.ShapeDtypeStruct((N, D), _f32),
            jax.ShapeDtypeStruct((N, D), _f32),
        ],
    )(x, Wl, Wr, b)


def _tc2_body(p_ref, cnt_ref, r1_ref, wl_ref, wr_ref, b_ref,
              y2_ref, r2_ref, rcp_ref):
    cnt = cnt_ref[0] + cnt_ref[1]
    rcp = 1.0 / jnp.maximum(cnt, 1.0)
    agg = (p_ref[0] + p_ref[1]) * rcp[:, 0:1]
    h = jnp.maximum(agg + r1_ref[...], 0.0)
    y2_ref[...] = _dot_t(h, wl_ref[...])
    r2_ref[...] = _dot_t(h, wr_ref[...]) + b_ref[...]
    rcp_ref[...] = rcp


def _tc2(p, cntp, r1, Wl, Wr, b):
    grid = (N // _RB,)
    return pl.pallas_call(
        _tc2_body,
        grid=grid,
        in_specs=[
            pl.BlockSpec((2, _RB, D), lambda i: (0, i, 0)),
            pl.BlockSpec((2, _RB, 16), lambda i: (0, i, 0)),
            pl.BlockSpec((_RB, D), lambda i: (i, 0)),
            pl.BlockSpec((D, D), lambda i: (0, 0)),
            pl.BlockSpec((D, D), lambda i: (0, 0)),
            pl.BlockSpec((1, D), lambda i: (0, 0)),
        ],
        out_specs=[
            pl.BlockSpec((_RB, D), lambda i: (i, 0)),
            pl.BlockSpec((_RB, D), lambda i: (i, 0)),
            pl.BlockSpec((_RB, 16), lambda i: (i, 0)),
        ],
        out_shape=[
            jax.ShapeDtypeStruct((N, D), _f32),
            jax.ShapeDtypeStruct((N, D), _f32),
            jax.ShapeDtypeStruct((N, 16), _f32),
        ],
    )(p, cntp, r1, Wl, Wr, b)


def _tc3_body(q_ref, rcp_ref, r2_ref, out_ref):
    agg = (q_ref[0] + q_ref[1]) * rcp_ref[:, 0:1]
    out_ref[...] = agg + r2_ref[...]


def _tc3(q, rcp, r2):
    grid = (N // _RB,)
    return pl.pallas_call(
        _tc3_body,
        grid=grid,
        in_specs=[
            pl.BlockSpec((2, _RB, D), lambda i: (0, i, 0)),
            pl.BlockSpec((_RB, 16), lambda i: (i, 0)),
            pl.BlockSpec((_RB, D), lambda i: (i, 0)),
        ],
        out_specs=pl.BlockSpec((_RB, D), lambda i: (i, 0)),
        out_shape=jax.ShapeDtypeStruct((N, D), _f32),
    )(q, rcp, r2)



_MESH = plsc.VectorSubcoreMesh(core_axis_name="c", subcore_axis_name="s")


def _sc_edge_loop(y_hbm, sidx, didx, buf, acc_sh, wid,
                  srcT_hbm, dstT_hbm, gs0, gs1, is0, is1, ss):
    gsem = (gs0, gs1)
    isem = (is0, is1)

    def idx_rows(t_hbm, sstep):
        return t_hbm.at[wid, pl.ds(pl.multiple_of(sstep * 8, 8), 8)]

    pltpu.sync_copy(idx_rows(srcT_hbm, 0), sidx.at[0])
    pltpu.sync_copy(idx_rows(dstT_hbm, 0), didx.at[0])
    plsc.subcore_barrier()
    pltpu.async_copy(idx_rows(srcT_hbm, 1), sidx.at[1], isem[1])
    pltpu.async_copy(idx_rows(dstT_hbm, 1), didx.at[1], isem[1])
    pltpu.async_copy(y_hbm.at[sidx.at[0, 0]], buf.at[0], gsem[0])

    def body(t, carry):
        for sp in (0, 1):
            sstep = 2 * t + sp
            ip = sp
            for k in range(8):
                bp = k % 2
                ob = 1 - bp
                pltpu.make_async_copy(
                    y_hbm.at[sidx.at[ip, k]], buf.at[bp], gsem[bp]).wait()
                pltpu.async_copy(
                    buf.at[bp], acc_sh.at[didx.at[ip, k]], ss, add=True)
                if k < 7:
                    pltpu.async_copy(
                        y_hbm.at[sidx.at[ip, k + 1]], buf.at[ob], gsem[ob])
                else:
                    pltpu.make_async_copy(
                        idx_rows(srcT_hbm, sstep + 1), sidx.at[1 - ip],
                        isem[1 - ip]).wait()
                    pltpu.make_async_copy(
                        idx_rows(dstT_hbm, sstep + 1), didx.at[1 - ip],
                        isem[1 - ip]).wait()
                    pltpu.async_copy(
                        y_hbm.at[sidx.at[1 - ip, 0]], buf.at[ob], gsem[ob])
                pltpu.make_async_copy(
                    buf.at[bp], acc_sh.at[didx.at[ip, k]], ss).wait()
                if k == 7:
                    pltpu.async_copy(idx_rows(srcT_hbm, sstep + 2),
                                     sidx.at[ip], isem[ip])
                    pltpu.async_copy(idx_rows(dstT_hbm, sstep + 2),
                                     didx.at[ip], isem[ip])
        return carry

    lax.fori_loop(0, SS // 2, body, 0)

    pltpu.make_async_copy(y_hbm.at[sidx.at[0, 0]], buf.at[0], gsem[0]).wait()
    pltpu.make_async_copy(idx_rows(srcT_hbm, SS + 1), sidx.at[1],
                          isem[1]).wait()
    pltpu.make_async_copy(idx_rows(dstT_hbm, SS + 1), didx.at[1],
                          isem[1]).wait()
    plsc.subcore_barrier()


def _sc_counts_body(dstT_hbm, z16_hbm, ones_hbm,
                    cnt_out,
                    dst_v, ones_v, cnt_sh):
    c = lax.axis_index("c")
    s = lax.axis_index("s")
    wid = c * NS + s

    pltpu.sync_copy(z16_hbm, cnt_sh.at[pl.ds(s * Z, Z)])
    pltpu.sync_copy(dstT_hbm.at[wid, pl.ds(0, C)], dst_v)
    pltpu.sync_copy(ones_hbm, ones_v)
    plsc.subcore_barrier()

    def chunk(i, carry):
        pltpu.sync_copy(ones_v, cnt_sh.at[dst_v.at[i]], add=True)
        return carry

    lax.fori_loop(0, C, chunk, 0)
    plsc.subcore_barrier()
    pltpu.sync_copy(cnt_sh.at[pl.ds(s * Z, Z)], cnt_out.at[c, pl.ds(s * Z, Z)])


_sc_counts = functools.partial(
    pl.kernel,
    out_type=jax.ShapeDtypeStruct((NC, NP, 16), _f32),
    mesh=_MESH,
    scratch_types=[
        pltpu.VMEM((C, B), jnp.int32),
        pltpu.VMEM((B, 16), _f32),
        pltpu.VMEM_SHARED((NP, 16), _f32),
    ],
    compiler_params=pltpu.CompilerParams(use_tc_tiling_on_sc=False),
)(_sc_counts_body)


def _sc_agg_body(y_hbm, srcT_hbm, dstT_hbm, z128_hbm,
                 acc_out,
                 sidx, didx, buf, acc_sh, gs0, gs1, is0, is1, ss):
    c = lax.axis_index("c")
    s = lax.axis_index("s")
    wid = c * NS + s

    pltpu.sync_copy(z128_hbm, acc_sh.at[pl.ds(s * Z, Z)])

    _sc_edge_loop(y_hbm, sidx, didx, buf, acc_sh, wid,
                  srcT_hbm, dstT_hbm, gs0, gs1, is0, is1, ss)

    pltpu.sync_copy(acc_sh.at[pl.ds(s * Z, Z)], acc_out.at[c, pl.ds(s * Z, Z)])


_sc_agg = functools.partial(
    pl.kernel,
    out_type=jax.ShapeDtypeStruct((NC, NP, D), _f32),
    mesh=_MESH,
    scratch_types=[
        pltpu.VMEM((2, 8, B), jnp.int32),
        pltpu.VMEM((2, 8, B), jnp.int32),
        pltpu.VMEM((2, B, D), _f32),
        pltpu.VMEM_SHARED((NP, D), _f32),
        pltpu.SemaphoreType.DMA,
        pltpu.SemaphoreType.DMA,
        pltpu.SemaphoreType.DMA,
        pltpu.SemaphoreType.DMA,
        pltpu.SemaphoreType.DMA,
    ],
)(_sc_agg_body)



@jax.jit
def kernel(x, edge_index, W1l, b1l, W1r, W2l, b2l, W2r):
    src = edge_index[0]
    dst = edge_index[1]
    pad = EP - E
    srcT = jnp.concatenate([src, jnp.zeros((pad,), jnp.int32)]).reshape(NW, C, B)
    dstT = jnp.concatenate([dst, jnp.full((pad,), PAD_DST, jnp.int32)]).reshape(NW, C, B)
    srcT = jnp.concatenate([srcT, jnp.zeros((NW, 16, B), jnp.int32)], axis=1)
    dstT = jnp.concatenate([dstT, jnp.full((NW, 16, B), PAD_DST, jnp.int32)],
                           axis=1)
    z128 = jnp.zeros((Z, D), _f32)
    z16 = jnp.zeros((Z, 16), _f32)
    b1 = b1l.reshape(1, D)
    b2 = b2l.reshape(1, D)

    ones = jnp.ones((B, 16), _f32)
    cntp = _sc_counts(dstT, z16, ones)
    y1, r1 = _tc1(x, W1l, W1r, b1)
    p = _sc_agg(y1, srcT, dstT, z128)
    y2, r2, rcp = _tc2(p, cntp, r1, W2l, W2r, b2)
    q = _sc_agg(y2, srcT, dstT, z128)
    return _tc3(q, rcp, r2)

# --- scband reference (transcript-rebuilt; emitter-appended) ---
"""Pipeline reference for scband-sage-78348793413775 (READ-ONLY COPY).

The authoritative reference and input builder live on the scoring server;
editing this copy changes nothing except your own understanding.
"""

import jax, jax.numpy as jnp
import numpy as np

N = 10000
E = 320000
D_IN = 128
D_HID = 128
D_OUT = 128


def setup_inputs(seed: int = 0) -> dict:
    key = jax.random.key(seed)
    ks = jax.random.split(key, 10)
    x = jax.random.normal(ks[0], (N, D_IN), dtype=jnp.float32)
    edge_index = jax.random.randint(ks[1], (2, E), 0, N, dtype=jnp.int32)
    s1 = 1.0 / np.sqrt(D_IN)
    W1l = jax.random.uniform(ks[2], (D_HID, D_IN), jnp.float32, -s1, s1)
    b1l = jax.random.uniform(ks[3], (D_HID,), jnp.float32, -s1, s1)
    W1r = jax.random.uniform(ks[4], (D_HID, D_IN), jnp.float32, -s1, s1)
    s2 = 1.0 / np.sqrt(D_HID)
    W2l = jax.random.uniform(ks[5], (D_OUT, D_HID), jnp.float32, -s2, s2)
    b2l = jax.random.uniform(ks[6], (D_OUT,), jnp.float32, -s2, s2)
    W2r = jax.random.uniform(ks[7], (D_OUT, D_HID), jnp.float32, -s2, s2)
    return {"x": x, "edge_index": edge_index,
            "W1l": W1l, "b1l": b1l, "W1r": W1r,
            "W2l": W2l, "b2l": b2l, "W2r": W2r}


def _sage_conv(x, edge_index, Wl, bl, Wr):
    # PyG SAGEConv (mean aggregation): out = lin_l(mean_{j in N(i)} x_j) + lin_r(x_i)
    src = edge_index[0]
    dst = edge_index[1]
    msgs = jnp.take(x, src, axis=0)                      # gather (SparseCore)
    agg = jax.ops.segment_sum(msgs, dst, num_segments=x.shape[0])   # scatter-add
    cnt = jax.ops.segment_sum(jnp.ones((edge_index.shape[1],), x.dtype), dst,
                              num_segments=x.shape[0])
    agg = agg / jnp.clip(cnt, 1.0, None)[:, None]        # mean aggregation
    return agg @ Wl.T + bl + x @ Wr.T


def reference(x, edge_index, W1l, b1l, W1r, W2l, b2l, W2r):
    h = _sage_conv(x, edge_index, W1l, b1l, W1r)
    h = jax.nn.relu(h)
    # dropout(p=0.5) is identity in eval mode; omitted for deterministic reference
    out = _sage_conv(h, edge_index, W2l, b2l, W2r)
    return out

if __name__ == "__main__":
    import jax
    _d = setup_inputs()
    print(jax.jit(kernel)(*tuple(_d.values())))

</pallas_src>

<mosaic_0001>
#map = affine_map<(d0, d1) -> (0, 0)>
#map1 = affine_map<(d0, d1) -> (0, 0, 0)>
module attributes {stable_mosaic.version = 14 : i64} {
  func.func @_sc_agg_body(%arg0: i32, %arg1: i32, %arg2: memref<10000x128xf32, #tpu.memory_space<hbm>>, %arg3: memref<32x96x128xi32, #tpu.memory_space<hbm>>, %arg4: memref<32x96x128xi32, #tpu.memory_space<hbm>>, %arg5: memref<632x128xf32, #tpu.memory_space<hbm>>, %arg6: memref<2x10112x128xf32, #tpu.memory_space<hbm>>, %arg7: memref<2x8x128xi32, #tpu.memory_space<vmem>>, %arg8: memref<2x8x128xi32, #tpu.memory_space<vmem>>, %arg9: memref<2x128x128xf32, #tpu.memory_space<vmem>>, %arg10: memref<10112x128xf32, #tpu.memory_space<vmem_shared>>, %arg11: memref<!tpu.dma_semaphore, #tpu.memory_space<semaphore_mem>>, %arg12: memref<!tpu.dma_semaphore, #tpu.memory_space<semaphore_mem>>, %arg13: memref<!tpu.dma_semaphore, #tpu.memory_space<semaphore_mem>>, %arg14: memref<!tpu.dma_semaphore, #tpu.memory_space<semaphore_mem>>, %arg15: memref<!tpu.dma_semaphore, #tpu.memory_space<semaphore_mem>>) attributes {dimension_semantics = [#tpu.dimension_semantics<core_parallel>, #tpu.dimension_semantics<subcore_parallel>], iteration_bounds = array<i64: 2, 16>, scalar_prefetch = 0 : i64, scratch_operands = 9 : i64, tpu.core_type = #tpu.core_type<sc_vector_subcore>, window_params = [{transform_indices = #map}, {transform_indices = #map1}, {transform_indices = #map1}, {transform_indices = #map}, {transform_indices = #map1}]} {
    %mul3A = arith.constant 16 : i32
    %mul3A_0 = arith.muli %arg0, %mul3A : i32
    %add3A = arith.addi %mul3A_0, %arg1 : i32
    %mul3A_1 = arith.constant 632 : i32
    %mul3A_2 = arith.muli %arg1, %mul3A_1 : i32
    "tpu.region"() ({
      %run_scoped3A_109 = tpu.sem_alloc : memref<!tpu.dma_semaphore, #tpu.memory_space<semaphore_mem>>
      %dma_start3A_110 = arith.constant 0 : i32
      %dma_start3A_111 = tpu.memref_slice %arg10[%mul3A_2, %dma_start3A_110] : memref<10112x128xf32, #tpu.memory_space<vmem_shared>> -> memref<632x128xf32, #tpu.memory_space<vmem_shared>>
      tpu.enqueue_dma source(%arg5 : memref<632x128xf32, #tpu.memory_space<hbm>>) target(%dma_start3A_111 : memref<632x128xf32, #tpu.memory_space<vmem_shared>>) target_semaphore(%run_scoped3A_109 : memref<!tpu.dma_semaphore, #tpu.memory_space<semaphore_mem>>)
      %dma_wait3A_112 = arith.constant 0 : i32
      %dma_wait3A_113 = tpu.memref_slice %arg10[%mul3A_2, %dma_wait3A_112] : memref<10112x128xf32, #tpu.memory_space<vmem_shared>> -> memref<632x128xf32, #tpu.memory_space<vmem_shared>>
      tpu.wait_dma2 semaphore(%run_scoped3A_109 : memref<!tpu.dma_semaphore, #tpu.memory_space<semaphore_mem>>) src(%arg5 : memref<632x128xf32, #tpu.memory_space<hbm>>) dst(%dma_wait3A_113 : memref<632x128xf32, #tpu.memory_space<vmem_shared>>)
      tpu.yield
    }) : () -> ()
    %multiple_of3A = arith.constant 0 : i32
    %multiple_of3A_3 = tpu.assume_multiple %multiple_of3A, 8 : i32
    %run_scoped3A = arith.constant 0 : i32
    "tpu.region"() ({
      %run_scoped3A_109 = tpu.sem_alloc : memref<!tpu.dma_semaphore, #tpu.memory_space<semaphore_mem>>
      %dma_start3A_110 = arith.constant 0 : i32
      %dma_start3A_111 = arith.constant 0 : i32
      %dma_start3A_112 = tpu.memref_slice %arg7[%run_scoped3A, %dma_start3A_110, %dma_start3A_111] : memref<2x8x128xi32, #tpu.memory_space<vmem>> -> memref<1x8x128xi32, #tpu.memory_space<vmem>>
      %dma_start3A_113 = tpu.memref_squeeze %dma_start3A_112 : memref<1x8x128xi32, #tpu.memory_space<vmem>> -> memref<8x128xi32, #tpu.memory_space<vmem>>
      %dma_start3A_114 = arith.constant 0 : i32
      %dma_start3A_115 = tpu.memref_slice %arg3[%add3A, %multiple_of3A_3, %dma_start3A_114] : memref<32x96x128xi32, #tpu.memory_space<hbm>> -> memref<1x8x128xi32, #tpu.memory_space<hbm>>
      %dma_start3A_116 = tpu.memref_squeeze %dma_start3A_115 : memref<1x8x128xi32, #tpu.memory_space<hbm>> -> memref<8x128xi32, #tpu.memory_space<hbm>>
      %dma_start3A_117 = arith.constant 0 : i32
      %dma_start3A_118 = arith.constant 0 : i32
      %dma_start3A_119 = tpu.memref_slice %arg7[%run_scoped3A, %dma_start3A_117, %dma_start3A_118] : memref<2x8x128xi32, #tpu.memory_space<vmem>> -> memref<1x8x128xi32, #tpu.memory_space<vmem>>
      %dma_start3A_120 = tpu.memref_squeeze %dma_start3A_119 : memref<1x8x128xi32, #tpu.memory_space<vmem>> -> memref<8x128xi32, #tpu.memory_space<vmem>>
      %dma_start3A_121 = arith.constant 0 : i32
      %dma_start3A_122 = tpu.memref_slice %arg3[%add3A, %multiple_of3A_3, %dma_start3A_121] : memref<32x96x128xi32, #tpu.memory_space<hbm>> -> memref<1x8x128xi32, #tpu.memory_space<hbm>>
      %dma_start3A_123 = tpu.memref_squeeze %dma_start3A_122 : memref<1x8x128xi32, #tpu.memory_space<hbm>> -> memref<8x128xi32, #tpu.memory_space<hbm>>
      tpu.enqueue_dma source(%dma_start3A_123 : memref<8x128xi32, #tpu.memory_space<hbm>>) target(%dma_start3A_120 : memref<8x128xi32, #tpu.memory_space<vmem>>) target_semaphore(%run_scoped3A_109 : memref<!tpu.dma_semaphore, #tpu.memory_space<semaphore_mem>>)
      %dma_wait3A_124 = arith.constant 0 : i32
      %dma_wait3A_125 = arith.constant 0 : i32
      %dma_wait3A_126 = tpu.memref_slice %arg7[%run_scoped3A, %dma_wait3A_124, %dma_wait3A_125] : memref<2x8x128xi32, #tpu.memory_space<vmem>> -> memref<1x8x128xi32, #tpu.memory_space<vmem>>
      %dma_wait3A_127 = tpu.memref_squeeze %dma_wait3A_126 : memref<1x8x128xi32, #tpu.memory_space<vmem>> -> memref<8x128xi32, #tpu.memory_space<vmem>>
      %dma_wait3A_128 = arith.constant 0 : i32
      %dma_wait3A_129 = tpu.memref_slice %arg3[%add3A, %multiple_of3A_3, %dma_wait3A_128] : memref<32x96x128xi32, #tpu.memory_space<hbm>> -> memref<1x8x128xi32, #tpu.memory_space<hbm>>
      %dma_wait3A_130 = tpu.memref_squeeze %dma_wait3A_129 : memref<1x8x128xi32, #tpu.memory_space<hbm>> -> memref<8x128xi32, #tpu.memory_space<hbm>>
      %dma_wait3A_131 = arith.constant 0 : i32
      %dma_wait3A_132 = arith.constant 0 : i32
      %dma_wait3A_133 = tpu.memref_slice %arg7[%run_scoped3A, %dma_wait3A_131, %dma_wait3A_132] : memref<2x8x128xi32, #tpu.memory_space<vmem>> -> memref<1x8x128xi32, #tpu.memory_space<vmem>>
      %dma_wait3A_134 = tpu.memref_squeeze %dma_wait3A_133 : memref<1x8x128xi32, #tpu.memory_space<vmem>> -> memref<8x128xi32, #tpu.memory_space<vmem>>
      %dma_wait3A_135 = arith.constant 0 : i32
      %dma_wait3A_136 = tpu.memref_slice %arg3[%add3A, %multiple_of3A_3, %dma_wait3A_135] : memref<32x96x128xi32, #tpu.memory_space<hbm>> -> memref<1x8x128xi32, #tpu.memory_space<hbm>>
      %dma_wait3A_137 = tpu.memref_squeeze %dma_wait3A_136 : memref<1x8x128xi32, #tpu.memory_space<hbm>> -> memref<8x128xi32, #tpu.memory_space<hbm>>
      tpu.wait_dma2 semaphore(%run_scoped3A_109 : memref<!tpu.dma_semaphore, #tpu.memory_space<semaphore_mem>>) src(%dma_wait3A_137 : memref<8x128xi32, #tpu.memory_space<hbm>>) dst(%dma_wait3A_134 : memref<8x128xi32, #tpu.memory_space<vmem>>)
      tpu.yield
    }) : () -> ()
    %multiple_of3A_4 = arith.constant 0 : i32
    %multiple_of3A_5 = tpu.assume_multiple %multiple_of3A_4, 8 : i32
    %run_scoped3A_6 = arith.constant 0 : i32
    "tpu.region"() ({
      %run_scoped3A_109 = tpu.sem_alloc : memref<!tpu.dma_semaphore, #tpu.memory_space<semaphore_mem>>
      %dma_start3A_110 = arith.constant 0 : i32
      %dma_start3A_111 = arith.constant 0 : i32
      %dma_start3A_112 = tpu.memref_slice %arg8[%run_scoped3A_6, %dma_start3A_110, %dma_start3A_111] : memref<2x8x128xi32, #tpu.memory_space<vmem>> -> memref<1x8x128xi32, #tpu.memory_space<vmem>>
      %dma_start3A_113 = tpu.memref_squeeze %dma_start3A_112 : memref<1x8x128xi32, #tpu.memory_space<vmem>> -> memref<8x128xi32, #tpu.memory_space<vmem>>
      %dma_start3A_114 = arith.constant 0 : i32
      %dma_start3A_115 = tpu.memref_slice %arg4[%add3A, %multiple_of3A_5, %dma_start3A_114] : memref<32x96x128xi32, #tpu.memory_space<hbm>> -> memref<1x8x128xi32, #tpu.memory_space<hbm>>
      %dma_start3A_116 = tpu.memref_squeeze %dma_start3A_115 : memref<1x8x128xi32, #tpu.memory_space<hbm>> -> memref<8x128xi32, #tpu.memory_space<hbm>>
      %dma_start3A_117 = arith.constant 0 : i32
      %dma_start3A_118 = arith.constant 0 : i32
      %dma_start3A_119 = tpu.memref_slice %arg8[%run_scoped3A_6, %dma_start3A_117, %dma_start3A_118] : memref<2x8x128xi32, #tpu.memory_space<vmem>> -> memref<1x8x128xi32, #tpu.memory_space<vmem>>
      %dma_start3A_120 = tpu.memref_squeeze %dma_start3A_119 : memref<1x8x128xi32, #tpu.memory_space<vmem>> -> memref<8x128xi32, #tpu.memory_space<vmem>>
      %dma_start3A_121 = arith.constant 0 : i32
      %dma_start3A_122 = tpu.memref_slice %arg4[%add3A, %multiple_of3A_5, %dma_start3A_121] : memref<32x96x128xi32, #tpu.memory_space<hbm>> -> memref<1x8x128xi32, #tpu.memory_space<hbm>>
      %dma_start3A_123 = tpu.memref_squeeze %dma_start3A_122 : memref<1x8x128xi32, #tpu.memory_space<hbm>> -> memref<8x128xi32, #tpu.memory_space<hbm>>
      tpu.enqueue_dma source(%dma_start3A_123 : memref<8x128xi32, #tpu.memory_space<hbm>>) target(%dma_start3A_120 : memref<8x128xi32, #tpu.memory_space<vmem>>) target_semaphore(%run_scoped3A_109 : memref<!tpu.dma_semaphore, #tpu.memory_space<semaphore_mem>>)
      %dma_wait3A_124 = arith.constant 0 : i32
      %dma_wait3A_125 = arith.constant 0 : i32
      %dma_wait3A_126 = tpu.memref_slice %arg8[%run_scoped3A_6, %dma_wait3A_124, %dma_wait3A_125] : memref<2x8x128xi32, #tpu.memory_space<vmem>> -> memref<1x8x128xi32, #tpu.memory_space<vmem>>
      %dma_wait3A_127 = tpu.memref_squeeze %dma_wait3A_126 : memref<1x8x128xi32, #tpu.memory_space<vmem>> -> memref<8x128xi32, #tpu.memory_space<vmem>>
      %dma_wait3A_128 = arith.constant 0 : i32
      %dma_wait3A_129 = tpu.memref_slice %arg4[%add3A, %multiple_of3A_5, %dma_wait3A_128] : memref<32x96x128xi32, #tpu.memory_space<hbm>> -> memref<1x8x128xi32, #tpu.memory_space<hbm>>
      %dma_wait3A_130 = tpu.memref_squeeze %dma_wait3A_129 : memref<1x8x128xi32, #tpu.memory_space<hbm>> -> memref<8x128xi32, #tpu.memory_space<hbm>>
      %dma_wait3A_131 = arith.constant 0 : i32
      %dma_wait3A_132 = arith.constant 0 : i32
      %dma_wait3A_133 = tpu.memref_slice %arg8[%run_scoped3A_6, %dma_wait3A_131, %dma_wait3A_132] : memref<2x8x128xi32, #tpu.memory_space<vmem>> -> memref<1x8x128xi32, #tpu.memory_space<vmem>>
      %dma_wait3A_134 = tpu.memref_squeeze %dma_wait3A_133 : memref<1x8x128xi32, #tpu.memory_space<vmem>> -> memref<8x128xi32, #tpu.memory_space<vmem>>
      %dma_wait3A_135 = arith.constant 0 : i32
      %dma_wait3A_136 = tpu.memref_slice %arg4[%add3A, %multiple_of3A_5, %dma_wait3A_135] : memref<32x96x128xi32, #tpu.memory_space<hbm>> -> memref<1x8x128xi32, #tpu.memory_space<hbm>>
      %dma_wait3A_137 = tpu.memref_squeeze %dma_wait3A_136 : memref<1x8x128xi32, #tpu.memory_space<hbm>> -> memref<8x128xi32, #tpu.memory_space<hbm>>
      tpu.wait_dma2 semaphore(%run_scoped3A_109 : memref<!tpu.dma_semaphore, #tpu.memory_space<semaphore_mem>>) src(%dma_wait3A_137 : memref<8x128xi32, #tpu.memory_space<hbm>>) dst(%dma_wait3A_134 : memref<8x128xi32, #tpu.memory_space<vmem>>)
      tpu.yield
    }) : () -> ()
    %barrier3A = arith.constant 0 : index
    tpu.barrier barrier_id(%barrier3A)
    %multiple_of3A_7 = arith.constant 8 : i32
    %multiple_of3A_8 = tpu.assume_multiple %multiple_of3A_7, 8 : i32
    %dma_start3A = arith.constant 1 : i32
    %dma_start3A_9 = arith.constant 0 : i32
    %dma_start3A_10 = arith.constant 0 : i32
    %dma_start3A_11 = tpu.memref_slice %arg7[%dma_start3A, %dma_start3A_9, %dma_start3A_10] : memref<2x8x128xi32, #tpu.memory_space<vmem>> -> memref<1x8x128xi32, #tpu.memory_space<vmem>>
    %dma_start3A_12 = tpu.memref_squeeze %dma_start3A_11 : memref<1x8x128xi32, #tpu.memory_space<vmem>> -> memref<8x128xi32, #tpu.memory_space<vmem>>
    %dma_start3A_13 = arith.constant 0 : i32
    %dma_start3A_14 = tpu.memref_slice %arg3[%add3A, %multiple_of3A_8, %dma_start3A_13] : memref<32x96x128xi32, #tpu.memory_space<hbm>> -> memref<1x8x128xi32, #tpu.memory_space<hbm>>
    %dma_start3A_15 = tpu.memref_squeeze %dma_start3A_14 : memref<1x8x128xi32, #tpu.memory_space<hbm>> -> memref<8x128xi32, #tpu.memory_space<hbm>>
    %dma_start3A_16 = arith.constant 0 : i32
    %dma_start3A_17 = arith.constant 0 : i32
    %dma_start3A_18 = tpu.memref_slice %arg7[%dma_start3A, %dma_start3A_16, %dma_start3A_17] : memref<2x8x128xi32, #tpu.memory_space<vmem>> -> memref<1x8x128xi32, #tpu.memory_space<vmem>>
    %dma_start3A_19 = tpu.memref_squeeze %dma_start3A_18 : memref<1x8x128xi32, #tpu.memory_space<vmem>> -> memref<8x128xi32, #tpu.memory_space<vmem>>
    %dma_start3A_20 = arith.constant 0 : i32
    %dma_start3A_21 = tpu.memref_slice %arg3[%add3A, %multiple_of3A_8, %dma_start3A_20] : memref<32x96x128xi32, #tpu.memory_space<hbm>> -> memref<1x8x128xi32, #tpu.memory_space<hbm>>
    %dma_start3A_22 = tpu.memref_squeeze %dma_start3A_21 : memref<1x8x128xi32, #tpu.memory_space<hbm>> -> memref<8x128xi32, #tpu.memory_space<hbm>>
    tpu.enqueue_dma source(%dma_start3A_22 : memref<8x128xi32, #tpu.memory_space<hbm>>) target(%dma_start3A_19 : memref<8x128xi32, #tpu.memory_space<vmem>>) target_semaphore(%arg14 : memref<!tpu.dma_semaphore, #tpu.memory_space<semaphore_mem>>)
    %multiple_of3A_23 = arith.constant 8 : i32
    %multiple_of3A_24 = tpu.assume_multiple %multiple_of3A_23, 8 : i32
    %dma_start3A_25 = arith.constant 1 : i32
    %dma_start3A_26 = arith.constant 0 : i32
    %dma_start3A_27 = arith.constant 0 : i32
    %dma_start3A_28 = tpu.memref_slice %arg8[%dma_start3A_25, %dma_start3A_26, %dma_start3A_27] : memref<2x8x128xi32, #tpu.memory_space<vmem>> -> memref<1x8x128xi32, #tpu.memory_space<vmem>>
    %dma_start3A_29 = tpu.memref_squeeze %dma_start3A_28 : memref<1x8x128xi32, #tpu.memory_space<vmem>> -> memref<8x128xi32, #tpu.memory_space<vmem>>
    %dma_start3A_30 = arith.constant 0 : i32
    %dma_start3A_31 = tpu.memref_slice %arg4[%add3A, %multiple_of3A_24, %dma_start3A_30] : memref<32x96x128xi32, #tpu.memory_space<hbm>> -> memref<1x8x128xi32, #tpu.memory_space<hbm>>
    %dma_start3A_32 = tpu.memref_squeeze %dma_start3A_31 : memref<1x8x128xi32, #tpu.memory_space<hbm>> -> memref<8x128xi32, #tpu.memory_space<hbm>>
    %dma_start3A_33 = arith.constant 0 : i32
    %dma_start3A_34 = arith.constant 0 : i32
    %dma_start3A_35 = tpu.memref_slice %arg8[%dma_start3A_25, %dma_start3A_33, %dma_start3A_34] : memref<2x8x128xi32, #tpu.memory_space<vmem>> -> memref<1x8x128xi32, #tpu.memory_space<vmem>>
    %dma_start3A_36 = tpu.memref_squeeze %dma_start3A_35 : memref<1x8x128xi32, #tpu.memory_space<vmem>> -> memref<8x128xi32, #tpu.memory_space<vmem>>
    %dma_start3A_37 = arith.constant 0 : i32
    %dma_start3A_38 = tpu.memref_slice %arg4[%add3A, %multiple_of3A_24, %dma_start3A_37] : memref<32x96x128xi32, #tpu.memory_space<hbm>> -> memref<1x8x128xi32, #tpu.memory_space<hbm>>
    %dma_start3A_39 = tpu.memref_squeeze %dma_start3A_38 : memref<1x8x128xi32, #tpu.memory_space<hbm>> -> memref<8x128xi32, #tpu.memory_space<hbm>>
    tpu.enqueue_dma source(%dma_start3A_39 : memref<8x128xi32, #tpu.memory_space<hbm>>) target(%dma_start3A_36 : memref<8x128xi32, #tpu.memory_space<vmem>>) target_semaphore(%arg14 : memref<!tpu.dma_semaphore, #tpu.memory_space<semaphore_mem>>)
    %dma_start3A_40 = arith.constant 0 : i32
    %dma_start3A_41 = arith.constant 0 : i32
    %dma_start3A_42 = arith.constant 0 : i32
    %dma_start3A_43 = arith.constant 0 : i32
    %dma_start3A_44 = arith.constant 0 : i32
    %dma_start3A_45 = tpu.memref_slice %arg9[%dma_start3A_42, %dma_start3A_43, %dma_start3A_44] : memref<2x128x128xf32, #tpu.memory_space<vmem>> -> memref<1x128x128xf32, #tpu.memory_space<vmem>>
    %dma_start3A_46 = tpu.memref_squeeze %dma_start3A_45 : memref<1x128x128xf32, #tpu.memory_space<vmem>> -> memref<128x128xf32, #tpu.memory_space<vmem>>
    %dma_start3A_47 = arith.constant 0 : i32
    %dma_start3A_48 = tpu.memref_slice %arg7[%dma_start3A_40, %dma_start3A_41, %dma_start3A_47] : memref<2x8x128xi32, #tpu.memory_space<vmem>> -> memref<1x1x128xi32, #tpu.memory_space<vmem>>
    %dma_start3A_49 = tpu.memref_squeeze %dma_start3A_48 : memref<1x1x128xi32, #tpu.memory_space<vmem>> -> memref<128xi32, #tpu.memory_space<vmem>>
    %dma_start3A_50 = arith.constant 0 : i32
    %dma_start3A_51 = arith.constant 0 : i32
    %dma_start3A_52 = tpu.memref_slice %arg2[%dma_start3A_50, %dma_start3A_51] : memref<10000x128xf32, #tpu.memory_space<hbm>> -> memref<10000x128xf32, #tpu.memory_space<hbm>>
    tpu.enqueue_indirect_dma source(%dma_start3A_52 : memref<10000x128xf32, #tpu.memory_space<hbm>>) target(%dma_start3A_46 : memref<128x128xf32, #tpu.memory_space<vmem>>) offsets(%dma_start3A_49 : memref<128xi32, #tpu.memory_space<vmem>>) semaphore(%arg11 : memref<!tpu.dma_semaphore, #tpu.memory_space<semaphore_mem>>)
    %scan3A = arith.constant 0 : i32
    %scan3A_53 = arith.constant 0 : i32
    %scan3A_54 = arith.constant 5 : i32
    %scan3A_55 = arith.addi %scan3A_53, %scan3A_54 : i32
    %scan3A_56 = arith.constant 1 : i32
    scf.for %scan3A_109 = %scan3A_53 to %scan3A_55 step %scan3A_56  : i32 {
      %mul3A_110 = arith.constant 2 : i32
      %mul3A_111 = arith.muli %mul3A_110, %scan3A_109 : i32
      %add3A_112 = arith.constant 0 : i32
      %add3A_113 = arith.addi %mul3A_111, %add3A_112 : i32
      %dma_wait3A_114 = arith.constant 0 : i32
      %dma_wait3A_115 = arith.constant 0 : i32
      %dma_wait3A_116 = arith.constant 0 : i32
      %dma_wait3A_117 = arith.constant 0 : i32
      %dma_wait3A_118 = arith.constant 0 : i32
      %dma_wait3A_119 = tpu.memref_slice %arg9[%dma_wait3A_116, %dma_wait3A_117, %dma_wait3A_118] : memref<2x128x128xf32, #tpu.memory_space<vmem>> -> memref<1x128x128xf32, #tpu.memory_space<vmem>>
      %dma_wait3A_120 = tpu.memref_squeeze %dma_wait3A_119 : memref<1x128x128xf32, #tpu.memory_space<vmem>> -> memref<128x128xf32, #tpu.memory_space<vmem>>
      %dma_wait3A_121 = arith.constant 0 : i32
      %dma_wait3A_122 = tpu.memref_slice %arg7[%dma_wait3A_114, %dma_wait3A_115, %dma_wait3A_121] : memref<2x8x128xi32, #tpu.memory_space<vmem>> -> memref<1x1x128xi32, #tpu.memory_space<vmem>>
      %dma_wait3A_123 = tpu.memref_squeeze %dma_wait3A_122 : memref<1x1x128xi32, #tpu.memory_space<vmem>> -> memref<128xi32, #tpu.memory_space<vmem>>
      %dma_wait3A_124 = arith.constant 0 : i32
      %dma_wait3A_125 = arith.constant 0 : i32
      %dma_wait3A_126 = tpu.memref_slice %arg2[%dma_wait3A_124, %dma_wait3A_125] : memref<10000x128xf32, #tpu.memory_space<hbm>> -> memref<10000x128xf32, #tpu.memory_space<hbm>>
      tpu.wait_indirect_dma semaphore(%arg11 : memref<!tpu.dma_semaphore, #tpu.memory_space<semaphore_mem>>) src(%dma_wait3A_126 : memref<10000x128xf32, #tpu.memory_space<hbm>>) dst(%dma_wait3A_120 : memref<128x128xf32, #tpu.memory_space<vmem>>)
      %dma_start3A_127 = arith.constant 0 : i32
      %dma_start3A_128 = arith.constant 0 : i32
      %dma_start3A_129 = arith.constant 0 : i32
      %dma_start3A_130 = arith.constant 0 : i32
      %dma_start3A_131 = arith.constant 0 : i32
      %dma_start3A_132 = tpu.memref_slice %arg9[%dma_start3A_127, %dma_start3A_130, %dma_start3A_131] : memref<2x128x128xf32, #tpu.memory_space<vmem>> -> memref<1x128x128xf32, #tpu.memory_space<vmem>>
      %dma_start3A_133 = tpu.memref_squeeze %dma_start3A_132 : memref<1x128x128xf32, #tpu.memory_space<vmem>> -> memref<128x128xf32, #tpu.memory_space<vmem>>
      %dma_start3A_134 = arith.constant 0 : i32
      %dma_start3A_135 = tpu.memref_slice %arg8[%dma_start3A_128, %dma_start3A_129, %dma_start3A_134] : memref<2x8x128xi32, #tpu.memory_space<vmem>> -> memref<1x1x128xi32, #tpu.memory_space<vmem>>
      %dma_start3A_136 = tpu.memref_squeeze %dma_start3A_135 : memref<1x1x128xi32, #tpu.memory_space<vmem>> -> memref<128xi32, #tpu.memory_space<vmem>>
      %dma_start3A_137 = arith.constant 0 : i32
      %dma_start3A_138 = arith.constant 0 : i32
      %dma_start3A_139 = tpu.memref_slice %arg10[%dma_start3A_137, %dma_start3A_138] : memref<10112x128xf32, #tpu.memory_space<vmem_shared>> -> memref<10112x128xf32, #tpu.memory_space<vmem_shared>>
      tpu.enqueue_indirect_dma source(%dma_start3A_133 : memref<128x128xf32, #tpu.memory_space<vmem>>) target(%dma_start3A_139 : memref<10112x128xf32, #tpu.memory_space<vmem_shared>>) offsets(%dma_start3A_136 : memref<128xi32, #tpu.memory_space<vmem>>) semaphore(%arg15 : memref<!tpu.dma_semaphore, #tpu.memory_space<semaphore_mem>>) {add = true}
      %dma_start3A_140 = arith.constant 0 : i32
      %dma_start3A_141 = arith.constant 1 : i32
      %dma_start3A_142 = arith.constant 1 : i32
      %dma_start3A_143 = arith.constant 0 : i32
      %dma_start3A_144 = arith.constant 0 : i32
      %dma_start3A_145 = tpu.memref_slice %arg9[%dma_start3A_142, %dma_start3A_143, %dma_start3A_144] : memref<2x128x128xf32, #tpu.memory_space<vmem>> -> memref<1x128x128xf32, #tpu.memory_space<vmem>>
      %dma_start3A_146 = tpu.memref_squeeze %dma_start3A_145 : memref<1x128x128xf32, #tpu.memory_space<vmem>> -> memref<128x128xf32, #tpu.memory_space<vmem>>
      %dma_start3A_147 = arith.constant 0 : i32
      %dma_start3A_148 = tpu.memref_slice %arg7[%dma_start3A_140, %dma_start3A_141, %dma_start3A_147] : memref<2x8x128xi32, #tpu.memory_space<vmem>> -> memref<1x1x128xi32, #tpu.memory_space<vmem>>
      %dma_start3A_149 = tpu.memref_squeeze %dma_start3A_148 : memref<1x1x128xi32, #tpu.memory_space<vmem>> -> memref<128xi32, #tpu.memory_space<vmem>>
      %dma_start3A_150 = arith.constant 0 : i32
      %dma_start3A_151 = arith.constant 0 : i32
      %dma_start3A_152 = tpu.memref_slice %arg2[%dma_start3A_150, %dma_start3A_151] : memref<10000x128xf32, #tpu.memory_space<hbm>> -> memref<10000x128xf32, #tpu.memory_space<hbm>>
      tpu.enqueue_indirect_dma source(%dma_start3A_152 : memref<10000x128xf32, #tpu.memory_space<hbm>>) target(%dma_start3A_146 : memref<128x128xf32, #tpu.memory_space<vmem>>) offsets(%dma_start3A_149 : memref<128xi32, #tpu.memory_space<vmem>>) semaphore(%arg12 : memref<!tpu.dma_semaphore, #tpu.memory_space<semaphore_mem>>)
      %dma_wait3A_153 = arith.constant 0 : i32
      %dma_wait3A_154 = arith.constant 0 : i32
      %dma_wait3A_155 = arith.constant 0 : i32
      %dma_wait3A_156 = arith.constant 0 : i32
      %dma_wait3A_157 = arith.constant 0 : i32
      %dma_wait3A_158 = tpu.memref_slice %arg9[%dma_wait3A_153, %dma_wait3A_156, %dma_wait3A_157] : memref<2x128x128xf32, #tpu.memory_space<vmem>> -> memref<1x128x128xf32, #tpu.memory_space<vmem>>
      %dma_wait3A_159 = tpu.memref_squeeze %dma_wait3A_158 : memref<1x128x128xf32, #tpu.memory_space<vmem>> -> memref<128x128xf32, #tpu.memory_space<vmem>>
      %dma_wait3A_160 = arith.constant 0 : i32
      %dma_wait3A_161 = tpu.memref_slice %arg8[%dma_wait3A_154, %dma_wait3A_155, %dma_wait3A_160] : memref<2x8x128xi32, #tpu.memory_space<vmem>> -> memref<1x1x128xi32, #tpu.memory_space<vmem>>
      %dma_wait3A_162 = tpu.memref_squeeze %dma_wait3A_161 : memref<1x1x128xi32, #tpu.memory_space<vmem>> -> memref<128xi32, #tpu.memory_space<vmem>>
      %dma_wait3A_163 = arith.constant 0 : i32
      %dma_wait3A_164 = arith.constant 0 : i32
      %dma_wait3A_165 = tpu.memref_slice %arg10[%dma_wait3A_163, %dma_wait3A_164] : memref<10112x128xf32, #tpu.memory_space<vmem_shared>> -> memref<10112x128xf32, #tpu.memory_space<vmem_shared>>
      tpu.wait_indirect_dma semaphore(%arg15 : memref<!tpu.dma_semaphore, #tpu.memory_space<semaphore_mem>>) src(%dma_wait3A_159 : memref<128x128xf32, #tpu.memory_space<vmem>>) dst(%dma_wait3A_165 : memref<10112x128xf32, #tpu.memory_space<vmem_shared>>)
      %dma_wait3A_166 = arith.constant 0 : i32
      %dma_wait3A_167 = arith.constant 1 : i32
      %dma_wait3A_168 = arith.constant 1 : i32
      %dma_wait3A_169 = arith.constant 0 : i32
      %dma_wait3A_170 = arith.constant 0 : i32
      %dma_wait3A_171 = tpu.memref_slice %arg9[%dma_wait3A_168, %dma_wait3A_169, %dma_wait3A_170] : memref<2x128x128xf32, #tpu.memory_space<vmem>> -> memref<1x128x128xf32, #tpu.memory_space<vmem>>
      %dma_wait3A_172 = tpu.memref_squeeze %dma_wait3A_171 : memref<1x128x128xf32, #tpu.memory_space<vmem>> -> memref<128x128xf32, #tpu.memory_space<vmem>>
      %dma_wait3A_173 = arith.constant 0 : i32
      %dma_wait3A_174 = tpu.memref_slice %arg7[%dma_wait3A_166, %dma_wait3A_167, %dma_wait3A_173] : memref<2x8x128xi32, #tpu.memory_space<vmem>> -> memref<1x1x128xi32, #tpu.memory_space<vmem>>
      %dma_wait3A_175 = tpu.memref_squeeze %dma_wait3A_174 : memref<1x1x128xi32, #tpu.memory_space<vmem>> -> memref<128xi32, #tpu.memory_space<vmem>>
      %dma_wait3A_176 = arith.constant 0 : i32
      %dma_wait3A_177 = arith.constant 0 : i32
      %dma_wait3A_178 = tpu.memref_slice %arg2[%dma_wait3A_176, %dma_wait3A_177] : memref<10000x128xf32, #tpu.memory_space<hbm>> -> memref<10000x128xf32, #tpu.memory_space<hbm>>
      tpu.wait_indirect_dma semaphore(%arg12 : memref<!tpu.dma_semaphore, #tpu.memory_space<semaphore_mem>>) src(%dma_wait3A_178 : memref<10000x128xf32, #tpu.memory_space<hbm>>) dst(%dma_wait3A_172 : memref<128x128xf32, #tpu.memory_space<vmem>>)
      %dma_start3A_179 = arith.constant 1 : i32
      %dma_start3A_180 = arith.constant 0 : i32
      %dma_start3A_181 = arith.constant 1 : i32
      %dma_start3A_182 = arith.constant 0 : i32
      %dma_start3A_183 = arith.constant 0 : i32
      %dma_start3A_184 = tpu.memref_slice %arg9[%dma_start3A_179, %dma_start3A_182, %dma_start3A_183] : memref<2x128x128xf32, #tpu.memory_space<vmem>> -> memref<1x128x128xf32, #tpu.memory_space<vmem>>
      %dma_start3A_185 = tpu.memref_squeeze %dma_start3A_184 : memref<1x128x128xf32, #tpu.memory_space<vmem>> -> memref<128x128xf32, #tpu.memory_space<vmem>>
      %dma_start3A_186 = arith.constant 0 : i32
      %dma_start3A_187 = tpu.memref_slice %arg8[%dma_start3A_180, %dma_start3A_181, %dma_start3A_186] : memref<2x8x128xi32, #tpu.memory_space<vmem>> -> memref<1x1x128xi32, #tpu.memory_space<vmem>>
      %dma_start3A_188 = tpu.memref_squeeze %dma_start3A_187 : memref<1x1x128xi32, #tpu.memory_space<vmem>> -> memref<128xi32, #tpu.memory_space<vmem>>
      %dma_start3A_189 = arith.constant 0 : i32
      %dma_start3A_190 = arith.constant 0 : i32
      %dma_start3A_191 = tpu.memref_slice %arg10[%dma_start3A_189, %dma_start3A_190] : memref<10112x128xf32, #tpu.memory_space<vmem_shared>> -> memref<10112x128xf32, #tpu.memory_space<vmem_shared>>
      tpu.enqueue_indirect_dma source(%dma_start3A_185 : memref<128x128xf32, #tpu.memory_space<vmem>>) target(%dma_start3A_191 : memref<10112x128xf32, #tpu.memory_space<vmem_shared>>) offsets(%dma_start3A_188 : memref<128xi32, #tpu.memory_space<vmem>>) semaphore(%arg15 : memref<!tpu.dma_semaphore, #tpu.memory_space<semaphore_mem>>) {add = true}
      %dma_start3A_192 = arith.constant 0 : i32
      %dma_start3A_193 = arith.constant 2 : i32
      %dma_start3A_194 = arith.constant 0 : i32
      %dma_start3A_195 = arith.constant 0 : i32
      %dma_start3A_196 = arith.constant 0 : i32
      %dma_start3A_197 = tpu.memref_slice %arg9[%dma_start3A_194, %dma_start3A_195, %dma_start3A_196] : memref<2x128x128xf32, #tpu.memory_space<vmem>> -> memref<1x128x128xf32, #tpu.memory_space<vmem>>
      %dma_start3A_198 = tpu.memref_squeeze %dma_start3A_197 : memref<1x128x128xf32, #tpu.memory_space<vmem>> -> memref<128x128xf32, #tpu.memory_space<vmem>>
      %dma_start3A_199 = arith.constant 0 : i32
      %dma_start3A_200 = tpu.memref_slice %arg7[%dma_start3A_192, %dma_start3A_193, %dma_start3A_199] : memref<2x8x128xi32, #tpu.memory_space<vmem>> -> memref<1x1x128xi32, #tpu.memory_space<vmem>>
      %dma_start3A_201 = tpu.memref_squeeze %dma_start3A_200 : memref<1x1x128xi32, #tpu.memory_space<vmem>> -> memref<128xi32, #tpu.memory_space<vmem>>
      %dma_start3A_202 = arith.constant 0 : i32
      %dma_start3A_203 = arith.constant 0 : i32
      %dma_start3A_204 = tpu.memref_slice %arg2[%dma_start3A_202, %dma_start3A_203] : memref<10000x128xf32, #tpu.memory_space<hbm>> -> memref<10000x128xf32, #tpu.memory_space<hbm>>
      tpu.enqueue_indirect_dma source(%dma_start3A_204 : memref<10000x128xf32, #tpu.memory_space<hbm>>) target(%dma_start3A_198 : memref<128x128xf32, #tpu.memory_space<vmem>>) offsets(%dma_start3A_201 : memref<128xi32, #tpu.memory_space<vmem>>) semaphore(%arg11 : memref<!tpu.dma_semaphore, #tpu.memory_space<semaphore_mem>>)
      %dma_wait3A_205 = arith.constant 1 : i32
      %dma_wait3A_206 = arith.constant 0 : i32
      %dma_wait3A_207 = arith.constant 1 : i32
      %dma_wait3A_208 = arith.constant 0 : i32
      %dma_wait3A_209 = arith.constant 0 : i32
      %dma_wait3A_210 = tpu.memref_slice %arg9[%dma_wait3A_205, %dma_wait3A_208, %dma_wait3A_209] : memref<2x128x128xf32, #tpu.memory_space<vmem>> -> memref<1x128x128xf32, #tpu.memory_space<vmem>>
      %dma_wait3A_211 = tpu.memref_squeeze %dma_wait3A_210 : memref<1x128x128xf32, #tpu.memory_space<vmem>> -> memref<128x128xf32, #tpu.memory_space<vmem>>
      %dma_wait3A_212 = arith.constant 0 : i32
      %dma_wait3A_213 = tpu.memref_slice %arg8[%dma_wait3A_206, %dma_wait3A_207, %dma_wait3A_212] : memref<2x8x128xi32, #tpu.memory_space<vmem>> -> memref<1x1x128xi32, #tpu.memory_space<vmem>>
      %dma_wait3A_214 = tpu.memref_squeeze %dma_wait3A_213 : memref<1x1x128xi32, #tpu.memory_space<vmem>> -> memref<128xi32, #tpu.memory_space<vmem>>
      %dma_wait3A_215 = arith.constant 0 : i32
      %dma_wait3A_216 = arith.constant 0 : i32
      %dma_wait3A_217 = tpu.memref_slice %arg10[%dma_wait3A_215, %dma_wait3A_216] : memref<10112x128xf32, #tpu.memory_space<vmem_shared>> -> memref<10112x128xf32, #tpu.memory_space<vmem_shared>>
      tpu.wait_indirect_dma semaphore(%arg15 : memref<!tpu.dma_semaphore, #tpu.memory_space<semaphore_mem>>) src(%dma_wait3A_211 : memref<128x128xf32, #tpu.memory_space<vmem>>) dst(%dma_wait3A_217 : memref<10112x128xf32, #tpu.memory_space<vmem_shared>>)
      %dma_wait3A_218 = arith.constant 0 : i32
      %dma_wait3A_219 = arith.constant 2 : i32
      %dma_wait3A_220 = arith.constant 0 : i32
      %dma_wait3A_221 = arith.constant 0 : i32
      %dma_wait3A_222 = arith.constant 0 : i32
      %dma_wait3A_223 = tpu.memref_slice %arg9[%dma_wait3A_220, %dma_wait3A_221, %dma_wait3A_222] : memref<2x128x128xf32, #tpu.memory_space<vmem>> -> memref<1x128x128xf32, #tpu.memory_space<vmem>>
      %dma_wait3A_224 = tpu.memref_squeeze %dma_wait3A_223 : memref<1x128x128xf32, #tpu.memory_space<vmem>> -> memref<128x128xf32, #tpu.memory_space<vmem>>
      %dma_wait3A_225 = arith.constant 0 : i32
      %dma_wait3A_226 = tpu.memref_slice %arg7[%dma_wait3A_218, %dma_wait3A_219, %dma_wait3A_225] : memref<2x8x128xi32, #tpu.memory_space<vmem>> -> memref<1x1x128xi32, #tpu.memory_space<vmem>>
      %dma_wait3A_227 = tpu.memref_squeeze %dma_wait3A_226 : memref<1x1x128xi32, #tpu.memory_space<vmem>> -> memref<128xi32, #tpu.memory_space<vmem>>
      %dma_wait3A_228 = arith.constant 0 : i32
      %dma_wait3A_229 = arith.constant 0 : i32
      %dma_wait3A_230 = tpu.memref_slice %arg2[%dma_wait3A_228, %dma_wait3A_229] : memref<10000x128xf32, #tpu.memory_space<hbm>> -> memref<10000x128xf32, #tpu.memory_space<hbm>>
      tpu.wait_indirect_dma semaphore(%arg11 : memref<!tpu.dma_semaphore, #tpu.memory_space<semaphore_mem>>) src(%dma_wait3A_230 : memref<10000x128xf32, #tpu.memory_space<hbm>>) dst(%dma_wait3A_224 : memref<128x128xf32, #tpu.memory_space<vmem>>)
      %dma_start3A_231 = arith.constant 0 : i32
      %dma_start3A_232 = arith.constant 0 : i32
      %dma_start3A_233 = arith.constant 2 : i32
      %dma_start3A_234 = arith.constant 0 : i32
      %dma_start3A_235 = arith.constant 0 : i32
      %dma_start3A_236 = tpu.memref_slice %arg9[%dma_start3A_231, %dma_start3A_234, %dma_start3A_235] : memref<2x128x128xf32, #tpu.memory_space<vmem>> -> memref<1x128x128xf32, #tpu.memory_space<vmem>>
      %dma_start3A_237 = tpu.memref_squeeze %dma_start3A_236 : memref<1x128x128xf32, #tpu.memory_space<vmem>> -> memref<128x128xf32, #tpu.memory_space<vmem>>
      %dma_start3A_238 = arith.constant 0 : i32
      %dma_start3A_239 = tpu.memref_slice %arg8[%dma_start3A_232, %dma_start3A_233, %dma_start3A_238] : memref<2x8x128xi32, #tpu.memory_space<vmem>> -> memref<1x1x128xi32, #tpu.memory_space<vmem>>
      %dma_start3A_240 = tpu.memref_squeeze %dma_start3A_239 : memref<1x1x128xi32, #tpu.memory_space<vmem>> -> memref<128xi32, #tpu.memory_space<vmem>>
      %dma_start3A_241 = arith.constant 0 : i32
      %dma_start3A_242 = arith.constant 0 : i32
      %dma_start3A_243 = tpu.memref_slice %arg10[%dma_start3A_241, %dma_start3A_242] : memref<10112x128xf32, #tpu.memory_space<vmem_shared>> -> memref<10112x128xf32, #tpu.memory_space<vmem_shared>>
      tpu.enqueue_indirect_dma source(%dma_start3A_237 : memref<128x128xf32, #tpu.memory_space<vmem>>) target(%dma_start3A_243 : memref<10112x128xf32, #tpu.memory_space<vmem_shared>>) offsets(%dma_start3A_240 : memref<128xi32, #tpu.memory_space<vmem>>) semaphore(%arg15 : memref<!tpu.dma_semaphore, #tpu.memory_space<semaphore_mem>>) {add = true}
      %dma_start3A_244 = arith.constant 0 : i32
      %dma_start3A_245 = arith.constant 3 : i32
      %dma_start3A_246 = arith.constant 1 : i32
      %dma_start3A_247 = arith.constant 0 : i32
      %dma_start3A_248 = arith.constant 0 : i32
      %dma_start3A_249 = tpu.memref_slice %arg9[%dma_start3A_246, %dma_start3A_247, %dma_start3A_248] : memref<2x128x128xf32, #tpu.memory_space<vmem>> -> memref<1x128x128xf32, #tpu.memory_space<vmem>>
      %dma_start3A_250 = tpu.memref_squeeze %dma_start3A_249 : memref<1x128x128xf32, #tpu.memory_space<vmem>> -> memref<128x128xf32, #tpu.memory_space<vmem>>
      %dma_start3A_251 = arith.constant 0 : i32
      %dma_start3A_252 = tpu.memref_slice %arg7[%dma_start3A_244, %dma_start3A_245, %dma_start3A_251] : memref<2x8x128xi32, #tpu.memory_space<vmem>> -> memref<1x1x128xi32, #tpu.memory_space<vmem>>
      %dma_start3A_253 = tpu.memref_squeeze %dma_start3A_252 : memref<1x1x128xi32, #tpu.memory_space<vmem>> -> memref<128xi32, #tpu.memory_space<vmem>>
      %dma_start3A_254 = arith.constant 0 : i32
      %dma_start3A_255 = arith.constant 0 : i32
      %dma_start3A_256 = tpu.memref_slice %arg2[%dma_start3A_254, %dma_start3A_255] : memref<10000x128xf32, #tpu.memory_space<hbm>> -> memref<10000x128xf32, #tpu.memory_space<hbm>>
      tpu.enqueue_indirect_dma source(%dma_start3A_256 : memref<10000x128xf32, #tpu.memory_space<hbm>>) target(%dma_start3A_250 : memref<128x128xf32, #tpu.memory_space<vmem>>) offsets(%dma_start3A_253 : memref<128xi32, #tpu.memory_space<vmem>>) semaphore(%arg12 : memref<!tpu.dma_semaphore, #tpu.memory_space<semaphore_mem>>)
      %dma_wait3A_257 = arith.constant 0 : i32
      %dma_wait3A_258 = arith.constant 0 : i32
      %dma_wait3A_259 = arith.constant 2 : i32
      %dma_wait3A_260 = arith.constant 0 : i32
      %dma_wait3A_261 = arith.constant 0 : i32
      %dma_wait3A_262 = tpu.memref_slice %arg9[%dma_wait3A_257, %dma_wait3A_260, %dma_wait3A_261] : memref<2x128x128xf32, #tpu.memory_space<vmem>> -> memref<1x128x128xf32, #tpu.memory_space<vmem>>
      %dma_wait3A_263 = tpu.memref_squeeze %dma_wait3A_262 : memref<1x128x128xf32, #tpu.memory_space<vmem>> -> memref<128x128xf32, #tpu.memory_space<vmem>>
      %dma_wait3A_264 = arith.constant 0 : i32
      %dma_wait3A_265 = tpu.memref_slice %arg8[%dma_wait3A_258, %dma_wait3A_259, %dma_wait3A_264] : memref<2x8x128xi32, #tpu.memory_space<vmem>> -> memref<1x1x128xi32, #tpu.memory_space<vmem>>
      %dma_wait3A_266 = tpu.memref_squeeze %dma_wait3A_265 : memref<1x1x128xi32, #tpu.memory_space<vmem>> -> memref<128xi32, #tpu.memory_space<vmem>>
      %dma_wait3A_267 = arith.constant 0 : i32
      %dma_wait3A_268 = arith.constant 0 : i32
      %dma_wait3A_269 = tpu.memref_slice %arg10[%dma_wait3A_267, %dma_wait3A_268] : memref<10112x128xf32, #tpu.memory_space<vmem_shared>> -> memref<10112x128xf32, #tpu.memory_space<vmem_shared>>
      tpu.wait_indirect_dma semaphore(%arg15 : memref<!tpu.dma_semaphore, #tpu.memory_space<semaphore_mem>>) src(%dma_wait3A_263 : memref<128x128xf32, #tpu.memory_space<vmem>>) dst(%dma_wait3A_269 : memref<10112x128xf32, #tpu.memory_space<vmem_shared>>)
      %dma_wait3A_270 = arith.constant 0 : i32
      %dma_wait3A_271 = arith.constant 3 : i32
      %dma_wait3A_272 = arith.constant 1 : i32
      %dma_wait3A_273 = arith.constant 0 : i32
      %dma_wait3A_274 = arith.constant 0 : i32
      %dma_wait3A_275 = tpu.memref_slice %arg9[%dma_wait3A_272, %dma_wait3A_273, %dma_wait3A_274] : memref<2x128x128xf32, #tpu.memory_space<vmem>> -> memref<1x128x128xf32, #tpu.memory_space<vmem>>
      %dma_wait3A_276 = tpu.memref_squeeze %dma_wait3A_275 : memref<1x128x128xf32, #tpu.memory_space<vmem>> -> memref<128x128xf32, #tpu.memory_space<vmem>>
      %dma_wait3A_277 = arith.constant 0 : i32
      %dma_wait3A_278 = tpu.memref_slice %arg7[%dma_wait3A_270, %dma_wait3A_271, %dma_wait3A_277] : memref<2x8x128xi32, #tpu.memory_space<vmem>> -> memref<1x1x128xi32, #tpu.memory_space<vmem>>
      %dma_wait3A_279 = tpu.memref_squeeze %dma_wait3A_278 : memref<1x1x128xi32, #tpu.memory_space<vmem>> -> memref<128xi32, #tpu.memory_space<vmem>>
      %dma_wait3A_280 = arith.constant 0 : i32
      %dma_wait3A_281 = arith.constant 0 : i32
      %dma_wait3A_282 = tpu.memref_slice %arg2[%dma_wait3A_280, %dma_wait3A_281] : memref<10000x128xf32, #tpu.memory_space<hbm>> -> memref<10000x128xf32, #tpu.memory_space<hbm>>
      tpu.wait_indirect_dma semaphore(%arg12 : memref<!tpu.dma_semaphore, #tpu.memory_space<semaphore_mem>>) src(%dma_wait3A_282 : memref<10000x128xf32, #tpu.memory_space<hbm>>) dst(%dma_wait3A_276 : memref<128x128xf32, #tpu.memory_space<vmem>>)
      %dma_start3A_283 = arith.constant 1 : i32
      %dma_start3A_284 = arith.constant 0 : i32
      %dma_start3A_285 = arith.constant 3 : i32
      %dma_start3A_286 = arith.constant 0 : i32
      %dma_start3A_287 = arith.constant 0 : i32
      %dma_start3A_288 = tpu.memref_slice %arg9[%dma_start3A_283, %dma_start3A_286, %dma_start3A_287] : memref<2x128x128xf32, #tpu.memory_space<vmem>> -> memref<1x128x128xf32, #tpu.memory_space<vmem>>
      %dma_start3A_289 = tpu.memref_squeeze %dma_start3A_288 : memref<1x128x128xf32, #tpu.memory_space<vmem>> -> memref<128x128xf32, #tpu.memory_space<vmem>>
      %dma_start3A_290 = arith.constant 0 : i32
      %dma_start3A_291 = tpu.memref_slice %arg8[%dma_start3A_284, %dma_start3A_285, %dma_start3A_290] : memref<2x8x128xi32, #tpu.memory_space<vmem>> -> memref<1x1x128xi32, #tpu.memory_space<vmem>>
      %dma_start3A_292 = tpu.memref_squeeze %dma_start3A_291 : memref<1x1x128xi32, #tpu.memory_space<vmem>> -> memref<128xi32, #tpu.memory_space<vmem>>
      %dma_start3A_293 = arith.constant 0 : i32
      %dma_start3A_294 = arith.constant 0 : i32
      %dma_start3A_295 = tpu.memref_slice %arg10[%dma_start3A_293, %dma_start3A_294] : memref<10112x128xf32, #tpu.memory_space<vmem_shared>> -> memref<10112x128xf32, #tpu.memory_space<vmem_shared>>
      tpu.enqueue_indirect_dma source(%dma_start3A_289 : memref<128x128xf32, #tpu.memory_space<vmem>>) target(%dma_start3A_295 : memref<10112x128xf32, #tpu.memory_space<vmem_shared>>) offsets(%dma_start3A_292 : memref<128xi32, #tpu.memory_space<vmem>>) semaphore(%arg15 : memref<!tpu.dma_semaphore, #tpu.memory_space<semaphore_mem>>) {add = true}
      %dma_start3A_296 = arith.constant 0 : i32
      %dma_start3A_297 = arith.constant 4 : i32
      %dma_start3A_298 = arith.constant 0 : i32
      %dma_start3A_299 = arith.constant 0 : i32
      %dma_start3A_300 = arith.constant 0 : i32
      %dma_start3A_301 = tpu.memref_slice %arg9[%dma_start3A_298, %dma_start3A_299, %dma_start3A_300] : memref<2x128x128xf32, #tpu.memory_space<vmem>> -> memref<1x128x128xf32, #tpu.memory_space<vmem>>
      %dma_start3A_302 = tpu.memref_squeeze %dma_start3A_301 : memref<1x128x128xf32, #tpu.memory_space<vmem>> -> memref<128x128xf32, #tpu.memory_space<vmem>>
      %dma_start3A_303 = arith.constant 0 : i32
      %dma_start3A_304 = tpu.memref_slice %arg7[%dma_start3A_296, %dma_start3A_297, %dma_start3A_303] : memref<2x8x128xi32, #tpu.memory_space<vmem>> -> memref<1x1x128xi32, #tpu.memory_space<vmem>>
      %dma_start3A_305 = tpu.memref_squeeze %dma_start3A_304 : memref<1x1x128xi32, #tpu.memory_space<vmem>> -> memref<128xi32, #tpu.memory_space<vmem>>
      %dma_start3A_306 = arith.constant 0 : i32
      %dma_start3A_307 = arith.constant 0 : i32
      %dma_start3A_308 = tpu.memref_slice %arg2[%dma_start3A_306, %dma_start3A_307] : memref<10000x128xf32, #tpu.memory_space<hbm>> -> memref<10000x128xf32, #tpu.memory_space<hbm>>
      tpu.enqueue_indirect_dma source(%dma_start3A_308 : memref<10000x128xf32, #tpu.memory_space<hbm>>) target(%dma_start3A_302 : memref<128x128xf32, #tpu.memory_space<vmem>>) offsets(%dma_start3A_305 : memref<128xi32, #tpu.memory_space<vmem>>) semaphore(%arg11 : memref<!tpu.dma_semaphore, #tpu.memory_space<semaphore_mem>>)
      %dma_wait3A_309 = arith.constant 1 : i32
      %dma_wait3A_310 = arith.constant 0 : i32
      %dma_wait3A_311 = arith.constant 3 : i32
      %dma_wait3A_312 = arith.constant 0 : i32
      %dma_wait3A_313 = arith.constant 0 : i32
      %dma_wait3A_314 = tpu.memref_slice %arg9[%dma_wait3A_309, %dma_wait3A_312, %dma_wait3A_313] : memref<2x128x128xf32, #tpu.memory_space<vmem>> -> memref<1x128x128xf32, #tpu.memory_space<vmem>>
      %dma_wait3A_315 = tpu.memref_squeeze %dma_wait3A_314 : memref<1x128x128xf32, #tpu.memory_space<vmem>> -> memref<128x128xf32, #tpu.memory_space<vmem>>
      %dma_wait3A_316 = arith.constant 0 : i32
      %dma_wait3A_317 = tpu.memref_slice %arg8[%dma_wait3A_310, %dma_wait3A_311, %dma_wait3A_316] : memref<2x8x128xi32, #tpu.memory_space<vmem>> -> memref<1x1x128xi32, #tpu.memory_space<vmem>>
      %dma_wait3A_318 = tpu.memref_squeeze %dma_wait3A_317 : memref<1x1x128xi32, #tpu.memory_space<vmem>> -> memref<128xi32, #tpu.memory_space<vmem>>
      %dma_wait3A_319 = arith.constant 0 : i32
      %dma_wait3A_320 = arith.constant 0 : i32
      %dma_wait3A_321 = tpu.memref_slice %arg10[%dma_wait3A_319, %dma_wait3A_320] : memref<10112x128xf32, #tpu.memory_space<vmem_shared>> -> memref<10112x128xf32, #tpu.memory_space<vmem_shared>>
      tpu.wait_indirect_dma semaphore(%arg15 : memref<!tpu.dma_semaphore, #tpu.memory_space<semaphore_mem>>) src(%dma_wait3A_315 : memref<128x128xf32, #tpu.memory_space<vmem>>) dst(%dma_wait3A_321 : memref<10112x128xf32, #tpu.memory_space<vmem_shared>>)
      %dma_wait3A_322 = arith.constant 0 : i32
      %dma_wait3A_323 = arith.constant 4 : i32
      %dma_wait3A_324 = arith.constant 0 : i32
      %dma_wait3A_325 = arith.constant 0 : i32
      %dma_wait3A_326 = arith.constant 0 : i32
      %dma_wait3A_327 = tpu.memref_slice %arg9[%dma_wait3A_324, %dma_wait3A_325, %dma_wait3A_326] : memref<2x128x128xf32, #tpu.memory_space<vmem>> -> memref<1x128x128xf32, #tpu.memory_space<vmem>>
      %dma_wait3A_328 = tpu.memref_squeeze %dma_wait3A_327 : memref<1x128x128xf32, #tpu.memory_space<vmem>> -> memref<128x128xf32, #tpu.memory_space<vmem>>
      %dma_wait3A_329 = arith.constant 0 : i32
      %dma_wait3A_330 = tpu.memref_slice %arg7[%dma_wait3A_322, %dma_wait3A_323, %dma_wait3A_329] : memref<2x8x128xi32, #tpu.memory_space<vmem>> -> memref<1x1x128xi32, #tpu.memory_space<vmem>>
      %dma_wait3A_331 = tpu.memref_squeeze %dma_wait3A_330 : memref<1x1x128xi32, #tpu.memory_space<vmem>> -> memref<128xi32, #tpu.memory_space<vmem>>
      %dma_wait3A_332 = arith.constant 0 : i32
      %dma_wait3A_333 = arith.constant 0 : i32
      %dma_wait3A_334 = tpu.memref_slice %arg2[%dma_wait3A_332, %dma_wait3A_333] : memref<10000x128xf32, #tpu.memory_space<hbm>> -> memref<10000x128xf32, #tpu.memory_space<hbm>>
      tpu.wait_indirect_dma semaphore(%arg11 : memref<!tpu.dma_semaphore, #tpu.memory_space<semaphore_mem>>) src(%dma_wait3A_334 : memref<10000x128xf32, #tpu.memory_space<hbm>>) dst(%dma_wait3A_328 : memref<128x128xf32, #tpu.memory_space<vmem>>)
      %dma_start3A_335 = arith.constant 0 : i32
      %dma_start3A_336 = arith.constant 0 : i32
      %dma_start3A_337 = arith.constant 4 : i32
      %dma_start3A_338 = arith.constant 0 : i32
      %dma_start3A_339 = arith.constant 0 : i32
      %dma_start3A_340 = tpu.memref_slice %arg9[%dma_start3A_335, %dma_start3A_338, %dma_start3A_339] : memref<2x128x128xf32, #tpu.memory_space<vmem>> -> memref<1x128x128xf32, #tpu.memory_space<vmem>>
      %dma_start3A_341 = tpu.memref_squeeze %dma_start3A_340 : memref<1x128x128xf32, #tpu.memory_space<vmem>> -> memref<128x128xf32, #tpu.memory_space<vmem>>
      %dma_start3A_342 = arith.constant 0 : i32
      %dma_start3A_343 = tpu.memref_slice %arg8[%dma_start3A_336, %dma_start3A_337, %dma_start3A_342] : memref<2x8x128xi32, #tpu.memory_space<vmem>> -> memref<1x1x128xi32, #tpu.memory_space<vmem>>
      %dma_start3A_344 = tpu.memref_squeeze %dma_start3A_343 : memref<1x1x128xi32, #tpu.memory_space<vmem>> -> memref<128xi32, #tpu.memory_space<vmem>>
      %dma_start3A_345 = arith.constant 0 : i32
      %dma_start3A_346 = arith.constant 0 : i32
      %dma_start3A_347 = tpu.memref_slice %arg10[%dma_start3A_345, %dma_start3A_346] : memref<10112x128xf32, #tpu.memory_space<vmem_shared>> -> memref<10112x128xf32, #tpu.memory_space<vmem_shared>>
      tpu.enqueue_indirect_dma source(%dma_start3A_341 : memref<128x128xf32, #tpu.memory_space<vmem>>) target(%dma_start3A_347 : memref<10112x128xf32, #tpu.memory_space<vmem_shared>>) offsets(%dma_start3A_344 : memref<128xi32, #tpu.memory_space<vmem>>) semaphore(%arg15 : memref<!tpu.dma_semaphore, #tpu.memory_space<semaphore_mem>>) {add = true}
      %dma_start3A_348 = arith.constant 0 : i32
      %dma_start3A_349 = arith.constant 5 : i32
      %dma_start3A_350 = arith.constant 1 : i32
      %dma_start3A_351 = arith.constant 0 : i32
      %dma_start3A_352 = arith.constant 0 : i32
      %dma_start3A_353 = tpu.memref_slice %arg9[%dma_start3A_350, %dma_start3A_351, %dma_start3A_352] : memref<2x128x128xf32, #tpu.memory_space<vmem>> -> memref<1x128x128xf32, #tpu.memory_space<vmem>>
      %dma_start3A_354 = tpu.memref_squeeze %dma_start3A_353 : memref<1x128x128xf32, #tpu.memory_space<vmem>> -> memref<128x128xf32, #tpu.memory_space<vmem>>
      %dma_start3A_355 = arith.constant 0 : i32
      %dma_start3A_356 = tpu.memref_slice %arg7[%dma_start3A_348, %dma_start3A_349, %dma_start3A_355] : memref<2x8x128xi32, #tpu.memory_space<vmem>> -> memref<1x1x128xi32, #tpu.memory_space<vmem>>
      %dma_start3A_357 = tpu.memref_squeeze %dma_start3A_356 : memref<1x1x128xi32, #tpu.memory_space<vmem>> -> memref<128xi32, #tpu.memory_space<vmem>>
      %dma_start3A_358 = arith.constant 0 : i32
      %dma_start3A_359 = arith.constant 0 : i32
      %dma_start3A_360 = tpu.memref_slice %arg2[%dma_start3A_358, %dma_start3A_359] : memref<10000x128xf32, #tpu.memory_space<hbm>> -> memref<10000x128xf32, #tpu.memory_space<hbm>>
      tpu.enqueue_indirect_dma source(%dma_start3A_360 : memref<10000x128xf32, #tpu.memory_space<hbm>>) target(%dma_start3A_354 : memref<128x128xf32, #tpu.memory_space<vmem>>) offsets(%dma_start3A_357 : memref<128xi32, #tpu.memory_space<vmem>>) semaphore(%arg12 : memref<!tpu.dma_semaphore, #tpu.memory_space<semaphore_mem>>)
      %dma_wait3A_361 = arith.constant 0 : i32
      %dma_wait3A_362 = arith.constant 0 : i32
      %dma_wait3A_363 = arith.constant 4 : i32
      %dma_wait3A_364 = arith.constant 0 : i32
      %dma_wait3A_365 = arith.constant 0 : i32
      %dma_wait3A_366 = tpu.memref_slice %arg9[%dma_wait3A_361, %dma_wait3A_364, %dma_wait3A_365] : memref<2x128x128xf32, #tpu.memory_space<vmem>> -> memref<1x128x128xf32, #tpu.memory_space<vmem>>
      %dma_wait3A_367 = tpu.memref_squeeze %dma_wait3A_366 : memref<1x128x128xf32, #tpu.memory_space<vmem>> -> memref<128x128xf32, #tpu.memory_space<vmem>>
      %dma_wait3A_368 = arith.constant 0 : i32
      %dma_wait3A_369 = tpu.memref_slice %arg8[%dma_wait3A_362, %dma_wait3A_363, %dma_wait3A_368] : memref<2x8x128xi32, #tpu.memory_space<vmem>> -> memref<1x1x128xi32, #tpu.memory_space<vmem>>
      %dma_wait3A_370 = tpu.memref_squeeze %dma_wait3A_369 : memref<1x1x128xi32, #tpu.memory_space<vmem>> -> memref<128xi32, #tpu.memory_space<vmem>>
      %dma_wait3A_371 = arith.constant 0 : i32
      %dma_wait3A_372 = arith.constant 0 : i32
      %dma_wait3A_373 = tpu.memref_slice %arg10[%dma_wait3A_371, %dma_wait3A_372] : memref<10112x128xf32, #tpu.memory_space<vmem_shared>> -> memref<10112x128xf32, #tpu.memory_space<vmem_shared>>
      tpu.wait_indirect_dma semaphore(%arg15 : memref<!tpu.dma_semaphore, #tpu.memory_space<semaphore_mem>>) src(%dma_wait3A_367 : memref<128x128xf32, #tpu.memory_space<vmem>>) dst(%dma_wait3A_373 : memref<10112x128xf32, #tpu.memory_space<vmem_shared>>)
      %dma_wait3A_374 = arith.constant 0 : i32
      %dma_wait3A_375 = arith.constant 5 : i32
      %dma_wait3A_376 = arith.constant 1 : i32
      %dma_wait3A_377 = arith.constant 0 : i32
      %dma_wait3A_378 = arith.constant 0 : i32
      %dma_wait3A_379 = tpu.memref_slice %arg9[%dma_wait3A_376, %dma_wait3A_377, %dma_wait3A_378] : memref<2x128x128xf32, #tpu.memory_space<vmem>> -> memref<1x128x128xf32, #tpu.memory_space<vmem>>
      %dma_wait3A_380 = tpu.memref_squeeze %dma_wait3A_379 : memref<1x128x128xf32, #tpu.memory_space<vmem>> -> memref<128x128xf32, #tpu.memory_space<vmem>>
      %dma_wait3A_381 = arith.constant 0 : i32
      %dma_wait3A_382 = tpu.memref_slice %arg7[%dma_wait3A_374, %dma_wait3A_375, %dma_wait3A_381] : memref<2x8x128xi32, #tpu.memory_space<vmem>> -> memref<1x1x128xi32, #tpu.memory_space<vmem>>
      %dma_wait3A_383 = tpu.memref_squeeze %dma_wait3A_382 : memref<1x1x128xi32, #tpu.memory_space<vmem>> -> memref<128xi32, #tpu.memory_space<vmem>>
      %dma_wait3A_384 = arith.constant 0 : i32
      %dma_wait3A_385 = arith.constant 0 : i32
      %dma_wait3A_386 = tpu.memref_slice %arg2[%dma_wait3A_384, %dma_wait3A_385] : memref<10000x128xf32, #tpu.memory_space<hbm>> -> memref<10000x128xf32, #tpu.memory_space<hbm>>
      tpu.wait_indirect_dma semaphore(%arg12 : memref<!tpu.dma_semaphore, #tpu.memory_space<semaphore_mem>>) src(%dma_wait3A_386 : memref<10000x128xf32, #tpu.memory_space<hbm>>) dst(%dma_wait3A_380 : memref<128x128xf32, #tpu.memory_space<vmem>>)
      %dma_start3A_387 = arith.constant 1 : i32
      %dma_start3A_388 = arith.constant 0 : i32
      %dma_start3A_389 = arith.constant 5 : i32
      %dma_start3A_390 = arith.constant 0 : i32
      %dma_start3A_391 = arith.constant 0 : i32
      %dma_start3A_392 = tpu.memref_slice %arg9[%dma_start3A_387, %dma_start3A_390, %dma_start3A_391] : memref<2x128x128xf32, #tpu.memory_space<vmem>> -> memref<1x128x128xf32, #tpu.memory_space<vmem>>
      %dma_start3A_393 = tpu.memref_squeeze %dma_start3A_392 : memref<1x128x128xf32, #tpu.memory_space<vmem>> -> memref<128x128xf32, #tpu.memory_space<vmem>>
      %dma_start3A_394 = arith.constant 0 : i32
      %dma_start3A_395 = tpu.memref_slice %arg8[%dma_start3A_388, %dma_start3A_389, %dma_start3A_394] : memref<2x8x128xi32, #tpu.memory_space<vmem>> -> memref<1x1x128xi32, #tpu.memory_space<vmem>>
      %dma_start3A_396 = tpu.memref_squeeze %dma_start3A_395 : memref<1x1x128xi32, #tpu.memory_space<vmem>> -> memref<128xi32, #tpu.memory_space<vmem>>
      %dma_start3A_397 = arith.constant 0 : i32
      %dma_start3A_398 = arith.constant 0 : i32
      %dma_start3A_399 = tpu.memref_slice %arg10[%dma_start3A_397, %dma_start3A_398] : memref<10112x128xf32, #tpu.memory_space<vmem_shared>> -> memref<10112x128xf32, #tpu.memory_space<vmem_shared>>
      tpu.enqueue_indirect_dma source(%dma_start3A_393 : memref<128x128xf32, #tpu.memory_space<vmem>>) target(%dma_start3A_399 : memref<10112x128xf32, #tpu.memory_space<vmem_shared>>) offsets(%dma_start3A_396 : memref<128xi32, #tpu.memory_space<vmem>>) semaphore(%arg15 : memref<!tpu.dma_semaphore, #tpu.memory_space<semaphore_mem>>) {add = true}
      %dma_start3A_400 = arith.constant 0 : i32
      %dma_start3A_401 = arith.constant 6 : i32
      %dma_start3A_402 = arith.constant 0 : i32
      %dma_start3A_403 = arith.constant 0 : i32
      %dma_start3A_404 = arith.constant 0 : i32
      %dma_start3A_405 = tpu.memref_slice %arg9[%dma_start3A_402, %dma_start3A_403, %dma_start3A_404] : memref<2x128x128xf32, #tpu.memory_space<vmem>> -> memref<1x128x128xf32, #tpu.memory_space<vmem>>
      %dma_start3A_406 = tpu.memref_squeeze %dma_start3A_405 : memref<1x128x128xf32, #tpu.memory_space<vmem>> -> memref<128x128xf32, #tpu.memory_space<vmem>>
      %dma_start3A_407 = arith.constant 0 : i32
      %dma_start3A_408 = tpu.memref_slice %arg7[%dma_start3A_400, %dma_start3A_401, %dma_start3A_407] : memref<2x8x128xi32, #tpu.memory_space<vmem>> -> memref<1x1x128xi32, #tpu.memory_space<vmem>>
      %dma_start3A_409 = tpu.memref_squeeze %dma_start3A_408 : memref<1x1x128xi32, #tpu.memory_space<vmem>> -> memref<128xi32, #tpu.memory_space<vmem>>
      %dma_start3A_410 = arith.constant 0 : i32
      %dma_start3A_411 = arith.constant 0 : i32
      %dma_start3A_412 = tpu.memref_slice %arg2[%dma_start3A_410, %dma_start3A_411] : memref<10000x128xf32, #tpu.memory_space<hbm>> -> memref<10000x128xf32, #tpu.memory_space<hbm>>
      tpu.enqueue_indirect_dma source(%dma_start3A_412 : memref<10000x128xf32, #tpu.memory_space<hbm>>) target(%dma_start3A_406 : memref<128x128xf32, #tpu.memory_space<vmem>>) offsets(%dma_start3A_409 : memref<128xi32, #tpu.memory_space<vmem>>) semaphore(%arg11 : memref<!tpu.dma_semaphore, #tpu.memory_space<semaphore_mem>>)
      %dma_wait3A_413 = arith.constant 1 : i32
      %dma_wait3A_414 = arith.constant 0 : i32
      %dma_wait3A_415 = arith.constant 5 : i32
      %dma_wait3A_416 = arith.constant 0 : i32
      %dma_wait3A_417 = arith.constant 0 : i32
      %dma_wait3A_418 = tpu.memref_slice %arg9[%dma_wait3A_413, %dma_wait3A_416, %dma_wait3A_417] : memref<2x128x128xf32, #tpu.memory_space<vmem>> -> memref<1x128x128xf32, #tpu.memory_space<vmem>>
      %dma_wait3A_419 = tpu.memref_squeeze %dma_wait3A_418 : memref<1x128x128xf32, #tpu.memory_space<vmem>> -> memref<128x128xf32, #tpu.memory_space<vmem>>
      %dma_wait3A_420 = arith.constant 0 : i32
      %dma_wait3A_421 = tpu.memref_slice %arg8[%dma_wait3A_414, %dma_wait3A_415, %dma_wait3A_420] : memref<2x8x128xi32, #tpu.memory_space<vmem>> -> memref<1x1x128xi32, #tpu.memory_space<vmem>>
      %dma_wait3A_422 = tpu.memref_squeeze %dma_wait3A_421 : memref<1x1x128xi32, #tpu.memory_space<vmem>> -> memref<128xi32, #tpu.memory_space<vmem>>
      %dma_wait3A_423 = arith.constant 0 : i32
      %dma_wait3A_424 = arith.constant 0 : i32
      %dma_wait3A_425 = tpu.memref_slice %arg10[%dma_wait3A_423, %dma_wait3A_424] : memref<10112x128xf32, #tpu.memory_space<vmem_shared>> -> memref<10112x128xf32, #tpu.memory_space<vmem_shared>>
      tpu.wait_indirect_dma semaphore(%arg15 : memref<!tpu.dma_semaphore, #tpu.memory_space<semaphore_mem>>) src(%dma_wait3A_419 : memref<128x128xf32, #tpu.memory_space<vmem>>) dst(%dma_wait3A_425 : memref<10112x128xf32, #tpu.memory_space<vmem_shared>>)
      %dma_wait3A_426 = arith.constant 0 : i32
      %dma_wait3A_427 = arith.constant 6 : i32
      %dma_wait3A_428 = arith.constant 0 : i32
      %dma_wait3A_429 = arith.constant 0 : i32
      %dma_wait3A_430 = arith.constant 0 : i32
      %dma_wait3A_431 = tpu.memref_slice %arg9[%dma_wait3A_428, %dma_wait3A_429, %dma_wait3A_430] : memref<2x128x128xf32, #tpu.memory_space<vmem>> -> memref<1x128x128xf32, #tpu.memory_space<vmem>>
      %dma_wait3A_432 = tpu.memref_squeeze %dma_wait3A_431 : memref<1x128x128xf32, #tpu.memory_space<vmem>> -> memref<128x128xf32, #tpu.memory_space<vmem>>
      %dma_wait3A_433 = arith.constant 0 : i32
      %dma_wait3A_434 = tpu.memref_slice %arg7[%dma_wait3A_426, %dma_wait3A_427, %dma_wait3A_433] : memref<2x8x128xi32, #tpu.memory_space<vmem>> -> memref<1x1x128xi32, #tpu.memory_space<vmem>>
      %dma_wait3A_435 = tpu.memref_squeeze %dma_wait3A_434 : memref<1x1x128xi32, #tpu.memory_space<vmem>> -> memref<128xi32, #tpu.memory_space<vmem>>
      %dma_wait3A_436 = arith.constant 0 : i32
      %dma_wait3A_437 = arith.constant 0 : i32
      %dma_wait3A_438 = tpu.memref_slice %arg2[%dma_wait3A_436, %dma_wait3A_437] : memref<10000x128xf32, #tpu.memory_space<hbm>> -> memref<10000x128xf32, #tpu.memory_space<hbm>>
      tpu.wait_indirect_dma semaphore(%arg11 : memref<!tpu.dma_semaphore, #tpu.memory_space<semaphore_mem>>) src(%dma_wait3A_438 : memref<10000x128xf32, #tpu.memory_space<hbm>>) dst(%dma_wait3A_432 : memref<128x128xf32, #tpu.memory_space<vmem>>)
      %dma_start3A_439 = arith.constant 0 : i32
      %dma_start3A_440 = arith.constant 0 : i32
      %dma_start3A_441 = arith.constant 6 : i32
      %dma_start3A_442 = arith.constant 0 : i32
      %dma_start3A_443 = arith.constant 0 : i32
      %dma_start3A_444 = tpu.memref_slice %arg9[%dma_start3A_439, %dma_start3A_442, %dma_start3A_443] : memref<2x128x128xf32, #tpu.memory_space<vmem>> -> memref<1x128x128xf32, #tpu.memory_space<vmem>>
      %dma_start3A_445 = tpu.memref_squeeze %dma_start3A_444 : memref<1x128x128xf32, #tpu.memory_space<vmem>> -> memref<128x128xf32, #tpu.memory_space<vmem>>
      %dma_start3A_446 = arith.constant 0 : i32
      %dma_start3A_447 = tpu.memref_slice %arg8[%dma_start3A_440, %dma_start3A_441, %dma_start3A_446] : memref<2x8x128xi32, #tpu.memory_space<vmem>> -> memref<1x1x128xi32, #tpu.memory_space<vmem>>
      %dma_start3A_448 = tpu.memref_squeeze %dma_start3A_447 : memref<1x1x128xi32, #tpu.memory_space<vmem>> -> memref<128xi32, #tpu.memory_space<vmem>>
      %dma_start3A_449 = arith.constant 0 : i32
      %dma_start3A_450 = arith.constant 0 : i32
      %dma_start3A_451 = tpu.memref_slice %arg10[%dma_start3A_449, %dma_start3A_450] : memref<10112x128xf32, #tpu.memory_space<vmem_shared>> -> memref<10112x128xf32, #tpu.memory_space<vmem_shared>>
      tpu.enqueue_indirect_dma source(%dma_start3A_445 : memref<128x128xf32, #tpu.memory_space<vmem>>) target(%dma_start3A_451 : memref<10112x128xf32, #tpu.memory_space<vmem_shared>>) offsets(%dma_start3A_448 : memref<128xi32, #tpu.memory_space<vmem>>) semaphore(%arg15 : memref<!tpu.dma_semaphore, #tpu.memory_space<semaphore_mem>>) {add = true}
      %dma_start3A_452 = arith.constant 0 : i32
      %dma_start3A_453 = arith.constant 7 : i32
      %dma_start3A_454 = arith.constant 1 : i32
      %dma_start3A_455 = arith.constant 0 : i32
      %dma_start3A_456 = arith.constant 0 : i32
      %dma_start3A_457 = tpu.memref_slice %arg9[%dma_start3A_454, %dma_start3A_455, %dma_start3A_456] : memref<2x128x128xf32, #tpu.memory_space<vmem>> -> memref<1x128x128xf32, #tpu.memory_space<vmem>>
      %dma_start3A_458 = tpu.memref_squeeze %dma_start3A_457 : memref<1x128x128xf32, #tpu.memory_space<vmem>> -> memref<128x128xf32, #tpu.memory_space<vmem>>
      %dma_start3A_459 = arith.constant 0 : i32
      %dma_start3A_460 = tpu.memref_slice %arg7[%dma_start3A_452, %dma_start3A_453, %dma_start3A_459] : memref<2x8x128xi32, #tpu.memory_space<vmem>> -> memref<1x1x128xi32, #tpu.memory_space<vmem>>
      %dma_start3A_461 = tpu.memref_squeeze %dma_start3A_460 : memref<1x1x128xi32, #tpu.memory_space<vmem>> -> memref<128xi32, #tpu.memory_space<vmem>>
      %dma_start3A_462 = arith.constant 0 : i32
      %dma_start3A_463 = arith.constant 0 : i32
      %dma_start3A_464 = tpu.memref_slice %arg2[%dma_start3A_462, %dma_start3A_463] : memref<10000x128xf32, #tpu.memory_space<hbm>> -> memref<10000x128xf32, #tpu.memory_space<hbm>>
      tpu.enqueue_indirect_dma source(%dma_start3A_464 : memref<10000x128xf32, #tpu.memory_space<hbm>>) target(%dma_start3A_458 : memref<128x128xf32, #tpu.memory_space<vmem>>) offsets(%dma_start3A_461 : memref<128xi32, #tpu.memory_space<vmem>>) semaphore(%arg12 : memref<!tpu.dma_semaphore, #tpu.memory_space<semaphore_mem>>)
      %dma_wait3A_465 = arith.constant 0 : i32
      %dma_wait3A_466 = arith.constant 0 : i32
      %dma_wait3A_467 = arith.constant 6 : i32
      %dma_wait3A_468 = arith.constant 0 : i32
      %dma_wait3A_469 = arith.constant 0 : i32
      %dma_wait3A_470 = tpu.memref_slice %arg9[%dma_wait3A_465, %dma_wait3A_468, %dma_wait3A_469] : memref<2x128x128xf32, #tpu.memory_space<vmem>> -> memref<1x128x128xf32, #tpu.memory_space<vmem>>
      %dma_wait3A_471 = tpu.memref_squeeze %dma_wait3A_470 : memref<1x128x128xf32, #tpu.memory_space<vmem>> -> memref<128x128xf32, #tpu.memory_space<vmem>>
      %dma_wait3A_472 = arith.constant 0 : i32
      %dma_wait3A_473 = tpu.memref_slice %arg8[%dma_wait3A_466, %dma_wait3A_467, %dma_wait3A_472] : memref<2x8x128xi32, #tpu.memory_space<vmem>> -> memref<1x1x128xi32, #tpu.memory_space<vmem>>
      %dma_wait3A_474 = tpu.memref_squeeze %dma_wait3A_473 : memref<1x1x128xi32, #tpu.memory_space<vmem>> -> memref<128xi32, #tpu.memory_space<vmem>>
      %dma_wait3A_475 = arith.constant 0 : i32
      %dma_wait3A_476 = arith.constant 0 : i32
      %dma_wait3A_477 = tpu.memref_slice %arg10[%dma_wait3A_475, %dma_wait3A_476] : memref<10112x128xf32, #tpu.memory_space<vmem_shared>> -> memref<10112x128xf32, #tpu.memory_space<vmem_shared>>
      tpu.wait_indirect_dma semaphore(%arg15 : memref<!tpu.dma_semaphore, #tpu.memory_space<semaphore_mem>>) src(%dma_wait3A_471 : memref<128x128xf32, #tpu.memory_space<vmem>>) dst(%dma_wait3A_477 : memref<10112x128xf32, #tpu.memory_space<vmem_shared>>)
      %dma_wait3A_478 = arith.constant 0 : i32
      %dma_wait3A_479 = arith.constant 7 : i32
      %dma_wait3A_480 = arith.constant 1 : i32
      %dma_wait3A_481 = arith.constant 0 : i32
      %dma_wait3A_482 = arith.constant 0 : i32
      %dma_wait3A_483 = tpu.memref_slice %arg9[%dma_wait3A_480, %dma_wait3A_481, %dma_wait3A_482] : memref<2x128x128xf32, #tpu.memory_space<vmem>> -> memref<1x128x128xf32, #tpu.memory_space<vmem>>
      %dma_wait3A_484 = tpu.memref_squeeze %dma_wait3A_483 : memref<1x128x128xf32, #tpu.memory_space<vmem>> -> memref<128x128xf32, #tpu.memory_space<vmem>>
      %dma_wait3A_485 = arith.constant 0 : i32
      %dma_wait3A_486 = tpu.memref_slice %arg7[%dma_wait3A_478, %dma_wait3A_479, %dma_wait3A_485] : memref<2x8x128xi32, #tpu.memory_space<vmem>> -> memref<1x1x128xi32, #tpu.memory_space<vmem>>
      %dma_wait3A_487 = tpu.memref_squeeze %dma_wait3A_486 : memref<1x1x128xi32, #tpu.memory_space<vmem>> -> memref<128xi32, #tpu.memory_space<vmem>>
      %dma_wait3A_488 = arith.constant 0 : i32
      %dma_wait3A_489 = arith.constant 0 : i32
      %dma_wait3A_490 = tpu.memref_slice %arg2[%dma_wait3A_488, %dma_wait3A_489] : memref<10000x128xf32, #tpu.memory_space<hbm>> -> memref<10000x128xf32, #tpu.memory_space<hbm>>
      tpu.wait_indirect_dma semaphore(%arg12 : memref<!tpu.dma_semaphore, #tpu.memory_space<semaphore_mem>>) src(%dma_wait3A_490 : memref<10000x128xf32, #tpu.memory_space<hbm>>) dst(%dma_wait3A_484 : memref<128x128xf32, #tpu.memory_space<vmem>>)
      %dma_start3A_491 = arith.constant 1 : i32
      %dma_start3A_492 = arith.constant 0 : i32
      %dma_start3A_493 = arith.constant 7 : i32
      %dma_start3A_494 = arith.constant 0 : i32
      %dma_start3A_495 = arith.constant 0 : i32
      %dma_start3A_496 = tpu.memref_slice %arg9[%dma_start3A_491, %dma_start3A_494, %dma_start3A_495] : memref<2x128x128xf32, #tpu.memory_space<vmem>> -> memref<1x128x128xf32, #tpu.memory_space<vmem>>
      %dma_start3A_497 = tpu.memref_squeeze %dma_start3A_496 : memref<1x128x128xf32, #tpu.memory_space<vmem>> -> memref<128x128xf32, #tpu.memory_space<vmem>>
      %dma_start3A_498 = arith.constant 0 : i32
      %dma_start3A_499 = tpu.memref_slice %arg8[%dma_start3A_492, %dma_start3A_493, %dma_start3A_498] : memref<2x8x128xi32, #tpu.memory_space<vmem>> -> memref<1x1x128xi32, #tpu.memory_space<vmem>>
      %dma_start3A_500 = tpu.memref_squeeze %dma_start3A_499 : memref<1x1x128xi32, #tpu.memory_space<vmem>> -> memref<128xi32, #tpu.memory_space<vmem>>
      %dma_start3A_501 = arith.constant 0 : i32
      %dma_start3A_502 = arith.constant 0 : i32
      %dma_start3A_503 = tpu.memref_slice %arg10[%dma_start3A_501, %dma_start3A_502] : memref<10112x128xf32, #tpu.memory_space<vmem_shared>> -> memref<10112x128xf32, #tpu.memory_space<vmem_shared>>
      tpu.enqueue_indirect_dma source(%dma_start3A_497 : memref<128x128xf32, #tpu.memory_space<vmem>>) target(%dma_start3A_503 : memref<10112x128xf32, #tpu.memory_space<vmem_shared>>) offsets(%dma_start3A_500 : memref<128xi32, #tpu.memory_space<vmem>>) semaphore(%arg15 : memref<!tpu.dma_semaphore, #tpu.memory_space<semaphore_mem>>) {add = true}
      %add3A_504 = arith.constant 1 : i32
      %add3A_505 = arith.addi %add3A_113, %add3A_504 : i32
      %mul3A_506 = arith.constant 8 : i32
      %mul3A_507 = arith.muli %add3A_505, %mul3A_506 : i32
      %multiple_of3A_508 = tpu.assume_multiple %mul3A_507, 8 : i32
      %dma_wait3A_509 = arith.constant 1 : i32
      %dma_wait3A_510 = arith.constant 0 : i32
      %dma_wait3A_511 = arith.constant 0 : i32
      %dma_wait3A_512 = tpu.memref_slice %arg7[%dma_wait3A_509, %dma_wait3A_510, %dma_wait3A_511] : memref<2x8x128xi32, #tpu.memory_space<vmem>> -> memref<1x8x128xi32, #tpu.memory_space<vmem>>
      %dma_wait3A_513 = tpu.memref_squeeze %dma_wait3A_512 : memref<1x8x128xi32, #tpu.memory_space<vmem>> -> memref<8x128xi32, #tpu.memory_space<vmem>>
      %dma_wait3A_514 = arith.constant 0 : i32
      %dma_wait3A_515 = tpu.memref_slice %arg3[%add3A, %multiple_of3A_508, %dma_wait3A_514] : memref<32x96x128xi32, #tpu.memory_space<hbm>> -> memref<1x8x128xi32, #tpu.memory_space<hbm>>
      %dma_wait3A_516 = tpu.memref_squeeze %dma_wait3A_515 : memref<1x8x128xi32, #tpu.memory_space<hbm>> -> memref<8x128xi32, #tpu.memory_space<hbm>>
      %dma_wait3A_517 = arith.constant 0 : i32
      %dma_wait3A_518 = arith.constant 0 : i32
      %dma_wait3A_519 = tpu.memref_slice %arg7[%dma_wait3A_509, %dma_wait3A_517, %dma_wait3A_518] : memref<2x8x128xi32, #tpu.memory_space<vmem>> -> memref<1x8x128xi32, #tpu.memory_space<vmem>>
      %dma_wait3A_520 = tpu.memref_squeeze %dma_wait3A_519 : memref<1x8x128xi32, #tpu.memory_space<vmem>> -> memref<8x128xi32, #tpu.memory_space<vmem>>
      %dma_wait3A_521 = arith.constant 0 : i32
      %dma_wait3A_522 = tpu.memref_slice %arg3[%add3A, %multiple_of3A_508, %dma_wait3A_521] : memref<32x96x128xi32, #tpu.memory_space<hbm>> -> memref<1x8x128xi32, #tpu.memory_space<hbm>>
      %dma_wait3A_523 = tpu.memref_squeeze %dma_wait3A_522 : memref<1x8x128xi32, #tpu.memory_space<hbm>> -> memref<8x128xi32, #tpu.memory_space<hbm>>
      tpu.wait_dma2 semaphore(%arg14 : memref<!tpu.dma_semaphore, #tpu.memory_space<semaphore_mem>>) src(%dma_wait3A_523 : memref<8x128xi32, #tpu.memory_space<hbm>>) dst(%dma_wait3A_520 : memref<8x128xi32, #tpu.memory_space<vmem>>)
      %add3A_524 = arith.constant 1 : i32
      %add3A_525 = arith.addi %add3A_113, %add3A_524 : i32
      %mul3A_526 = arith.constant 8 : i32
      %mul3A_527 = arith.muli %add3A_525, %mul3A_526 : i32
      %multiple_of3A_528 = tpu.assume_multiple %mul3A_527, 8 : i32
      %dma_wait3A_529 = arith.constant 1 : i32
      %dma_wait3A_530 = arith.constant 0 : i32
      %dma_wait3A_531 = arith.constant 0 : i32
      %dma_wait3A_532 = tpu.memref_slice %arg8[%dma_wait3A_529, %dma_wait3A_530, %dma_wait3A_531] : memref<2x8x128xi32, #tpu.memory_space<vmem>> -> memref<1x8x128xi32, #tpu.memory_space<vmem>>
      %dma_wait3A_533 = tpu.memref_squeeze %dma_wait3A_532 : memref<1x8x128xi32, #tpu.memory_space<vmem>> -> memref<8x128xi32, #tpu.memory_space<vmem>>
      %dma_wait3A_534 = arith.constant 0 : i32
      %dma_wait3A_535 = tpu.memref_slice %arg4[%add3A, %multiple_of3A_528, %dma_wait3A_534] : memref<32x96x128xi32, #tpu.memory_space<hbm>> -> memref<1x8x128xi32, #tpu.memory_space<hbm>>
      %dma_wait3A_536 = tpu.memref_squeeze %dma_wait3A_535 : memref<1x8x128xi32, #tpu.memory_space<hbm>> -> memref<8x128xi32, #tpu.memory_space<hbm>>
      %dma_wait3A_537 = arith.constant 0 : i32
      %dma_wait3A_538 = arith.constant 0 : i32
      %dma_wait3A_539 = tpu.memref_slice %arg8[%dma_wait3A_529, %dma_wait3A_537, %dma_wait3A_538] : memref<2x8x128xi32, #tpu.memory_space<vmem>> -> memref<1x8x128xi32, #tpu.memory_space<vmem>>
      %dma_wait3A_540 = tpu.memref_squeeze %dma_wait3A_539 : memref<1x8x128xi32, #tpu.memory_space<vmem>> -> memref<8x128xi32, #tpu.memory_space<vmem>>
      %dma_wait3A_541 = arith.constant 0 : i32
      %dma_wait3A_542 = tpu.memref_slice %arg4[%add3A, %multiple_of3A_528, %dma_wait3A_541] : memref<32x96x128xi32, #tpu.memory_space<hbm>> -> memref<1x8x128xi32, #tpu.memory_space<hbm>>
      %dma_wait3A_543 = tpu.memref_squeeze %dma_wait3A_542 : memref<1x8x128xi32, #tpu.memory_space<hbm>> -> memref<8x128xi32, #tpu.memory_space<hbm>>
      tpu.wait_dma2 semaphore(%arg14 : memref<!tpu.dma_semaphore, #tpu.memory_space<semaphore_mem>>) src(%dma_wait3A_543 : memref<8x128xi32, #tpu.memory_space<hbm>>) dst(%dma_wait3A_540 : memref<8x128xi32, #tpu.memory_space<vmem>>)
      %dma_start3A_544 = arith.constant 1 : i32
      %dma_start3A_545 = arith.constant 0 : i32
      %dma_start3A_546 = arith.constant 0 : i32
      %dma_start3A_547 = arith.constant 0 : i32
      %dma_start3A_548 = arith.constant 0 : i32
      %dma_start3A_549 = tpu.memref_slice %arg9[%dma_start3A_546, %dma_start3A_547, %dma_start3A_548] : memref<2x128x128xf32, #tpu.memory_space<vmem>> -> memref<1x128x128xf32, #tpu.memory_space<vmem>>
      %dma_start3A_550 = tpu.memref_squeeze %dma_start3A_549 : memref<1x128x128xf32, #tpu.memory_space<vmem>> -> memref<128x128xf32, #tpu.memory_space<vmem>>
      %dma_start3A_551 = arith.constant 0 : i32
      %dma_start3A_552 = tpu.memref_slice %arg7[%dma_start3A_544, %dma_start3A_545, %dma_start3A_551] : memref<2x8x128xi32, #tpu.memory_space<vmem>> -> memref<1x1x128xi32, #tpu.memory_space<vmem>>
      %dma_start3A_553 = tpu.memref_squeeze %dma_start3A_552 : memref<1x1x128xi32, #tpu.memory_space<vmem>> -> memref<128xi32, #tpu.memory_space<vmem>>
      %dma_start3A_554 = arith.constant 0 : i32
      %dma_start3A_555 = arith.constant 0 : i32
      %dma_start3A_556 = tpu.memref_slice %arg2[%dma_start3A_554, %dma_start3A_555] : memref<10000x128xf32, #tpu.memory_space<hbm>> -> memref<10000x128xf32, #tpu.memory_space<hbm>>
      tpu.enqueue_indirect_dma source(%dma_start3A_556 : memref<10000x128xf32, #tpu.memory_space<hbm>>) target(%dma_start3A_550 : memref<128x128xf32, #tpu.memory_space<vmem>>) offsets(%dma_start3A_553 : memref<128xi32, #tpu.memory_space<vmem>>) semaphore(%arg11 : memref<!tpu.dma_semaphore, #tpu.memory_space<semaphore_mem>>)
      %dma_wait3A_557 = arith.constant 1 : i32
      %dma_wait3A_558 = arith.constant 0 : i32
      %dma_wait3A_559 = arith.constant 7 : i32
      %dma_wait3A_560 = arith.constant 0 : i32
      %dma_wait3A_561 = arith.constant 0 : i32
      %dma_wait3A_562 = tpu.memref_slice %arg9[%dma_wait3A_557, %dma_wait3A_560, %dma_wait3A_561] : memref<2x128x128xf32, #tpu.memory_space<vmem>> -> memref<1x128x128xf32, #tpu.memory_space<vmem>>
      %dma_wait3A_563 = tpu.memref_squeeze %dma_wait3A_562 : memref<1x128x128xf32, #tpu.memory_space<vmem>> -> memref<128x128xf32, #tpu.memory_space<vmem>>
      %dma_wait3A_564 = arith.constant 0 : i32
      %dma_wait3A_565 = tpu.memref_slice %arg8[%dma_wait3A_558, %dma_wait3A_559, %dma_wait3A_564] : memref<2x8x128xi32, #tpu.memory_space<vmem>> -> memref<1x1x128xi32, #tpu.memory_space<vmem>>
      %dma_wait3A_566 = tpu.memref_squeeze %dma_wait3A_565 : memref<1x1x128xi32, #tpu.memory_space<vmem>> -> memref<128xi32, #tpu.memory_space<vmem>>
      %dma_wait3A_567 = arith.constant 0 : i32
      %dma_wait3A_568 = arith.constant 0 : i32
      %dma_wait3A_569 = tpu.memref_slice %arg10[%dma_wait3A_567, %dma_wait3A_568] : memref<10112x128xf32, #tpu.memory_space<vmem_shared>> -> memref<10112x128xf32, #tpu.memory_space<vmem_shared>>
      tpu.wait_indirect_dma semaphore(%arg15 : memref<!tpu.dma_semaphore, #tpu.memory_space<semaphore_mem>>) src(%dma_wait3A_563 : memref<128x128xf32, #tpu.memory_space<vmem>>) dst(%dma_wait3A_569 : memref<10112x128xf32, #tpu.memory_space<vmem_shared>>)
      %add3A_570 = arith.constant 2 : i32
      %add3A_571 = arith.addi %add3A_113, %add3A_570 : i32
      %mul3A_572 = arith.constant 8 : i32
      %mul3A_573 = arith.muli %add3A_571, %mul3A_572 : i32
      %multiple_of3A_574 = tpu.assume_multiple %mul3A_573, 8 : i32
      %dma_start3A_575 = arith.constant 0 : i32
      %dma_start3A_576 = arith.constant 0 : i32
      %dma_start3A_577 = arith.constant 0 : i32
      %dma_start3A_578 = tpu.memref_slice %arg7[%dma_start3A_575, %dma_start3A_576, %dma_start3A_577] : memref<2x8x128xi32, #tpu.memory_space<vmem>> -> memref<1x8x128xi32, #tpu.memory_space<vmem>>
      %dma_start3A_579 = tpu.memref_squeeze %dma_start3A_578 : memref<1x8x128xi32, #tpu.memory_space<vmem>> -> memref<8x128xi32, #tpu.memory_space<vmem>>
      %dma_start3A_580 = arith.constant 0 : i32
      %dma_start3A_581 = tpu.memref_slice %arg3[%add3A, %multiple_of3A_574, %dma_start3A_580] : memref<32x96x128xi32, #tpu.memory_space<hbm>> -> memref<1x8x128xi32, #tpu.memory_space<hbm>>
      %dma_start3A_582 = tpu.memref_squeeze %dma_start3A_581 : memref<1x8x128xi32, #tpu.memory_space<hbm>> -> memref<8x128xi32, #tpu.memory_space<hbm>>
      %dma_start3A_583 = arith.constant 0 : i32
      %dma_start3A_584 = arith.constant 0 : i32
      %dma_start3A_585 = tpu.memref_slice %arg7[%dma_start3A_575, %dma_start3A_583, %dma_start3A_584] : memref<2x8x128xi32, #tpu.memory_space<vmem>> -> memref<1x8x128xi32, #tpu.memory_space<vmem>>
      %dma_start3A_586 = tpu.memref_squeeze %dma_start3A_585 : memref<1x8x128xi32, #tpu.memory_space<vmem>> -> memref<8x128xi32, #tpu.memory_space<vmem>>
      %dma_start3A_587 = arith.constant 0 : i32
      %dma_start3A_588 = tpu.memref_slice %arg3[%add3A, %multiple_of3A_574, %dma_start3A_587] : memref<32x96x128xi32, #tpu.memory_space<hbm>> -> memref<1x8x128xi32, #tpu.memory_space<hbm>>
      %dma_start3A_589 = tpu.memref_squeeze %dma_start3A_588 : memref<1x8x128xi32, #tpu.memory_space<hbm>> -> memref<8x128xi32, #tpu.memory_space<hbm>>
      tpu.enqueue_dma source(%dma_start3A_589 : memref<8x128xi32, #tpu.memory_space<hbm>>) target(%dma_start3A_586 : memref<8x128xi32, #tpu.memory_space<vmem>>) target_semaphore(%arg13 : memref<!tpu.dma_semaphore, #tpu.memory_space<semaphore_mem>>)
      %add3A_590 = arith.constant 2 : i32
      %add3A_591 = arith.addi %add3A_113, %add3A_590 : i32
      %mul3A_592 = arith.constant 8 : i32
      %mul3A_593 = arith.muli %add3A_591, %mul3A_592 : i32
      %multiple_of3A_594 = tpu.assume_multiple %mul3A_593, 8 : i32
      %dma_start3A_595 = arith.constant 0 : i32
      %dma_start3A_596 = arith.constant 0 : i32
      %dma_start3A_597 = arith.constant 0 : i32
      %dma_start3A_598 = tpu.memref_slice %arg8[%dma_start3A_595, %dma_start3A_596, %dma_start3A_597] : memref<2x8x128xi32, #tpu.memory_space<vmem>> -> memref<1x8x128xi32, #tpu.memory_space<vmem>>
      %dma_start3A_599 = tpu.memref_squeeze %dma_start3A_598 : memref<1x8x128xi32, #tpu.memory_space<vmem>> -> memref<8x128xi32, #tpu.memory_space<vmem>>
      %dma_start3A_600 = arith.constant 0 : i32
      %dma_start3A_601 = tpu.memref_slice %arg4[%add3A, %multiple_of3A_594, %dma_start3A_600] : memref<32x96x128xi32, #tpu.memory_space<hbm>> -> memref<1x8x128xi32, #tpu.memory_space<hbm>>
      %dma_start3A_602 = tpu.memref_squeeze %dma_start3A_601 : memref<1x8x128xi32, #tpu.memory_space<hbm>> -> memref<8x128xi32, #tpu.memory_space<hbm>>
      %dma_start3A_603 = arith.constant 0 : i32
      %dma_start3A_604 = arith.constant 0 : i32
      %dma_start3A_605 = tpu.memref_slice %arg8[%dma_start3A_595, %dma_start3A_603, %dma_start3A_604] : memref<2x8x128xi32, #tpu.memory_space<vmem>> -> memref<1x8x128xi32, #tpu.memory_space<vmem>>
      %dma_start3A_606 = tpu.memref_squeeze %dma_start3A_605 : memref<1x8x128xi32, #tpu.memory_space<vmem>> -> memref<8x128xi32, #tpu.memory_space<vmem>>
      %dma_start3A_607 = arith.constant 0 : i32
      %dma_start3A_608 = tpu.memref_slice %arg4[%add3A, %multiple_of3A_594, %dma_start3A_607] : memref<32x96x128xi32, #tpu.memory_space<hbm>> -> memref<1x8x128xi32, #tpu.memory_space<hbm>>
      %dma_start3A_609 = tpu.memref_squeeze %dma_start3A_608 : memref<1x8x128xi32, #tpu.memory_space<hbm>> -> memref<8x128xi32, #tpu.memory_space<hbm>>
      tpu.enqueue_dma source(%dma_start3A_609 : memref<8x128xi32, #tpu.memory_space<hbm>>) target(%dma_start3A_606 : memref<8x128xi32, #tpu.memory_space<vmem>>) target_semaphore(%arg13 : memref<!tpu.dma_semaphore, #tpu.memory_space<semaphore_mem>>)
      %mul3A_610 = arith.constant 2 : i32
      %mul3A_611 = arith.muli %mul3A_610, %scan3A_109 : i32
      %add3A_612 = arith.constant 1 : i32
      %add3A_613 = arith.addi %mul3A_611, %add3A_612 : i32
      %dma_wait3A_614 = arith.constant 1 : i32
      %dma_wait3A_615 = arith.constant 0 : i32
      %dma_wait3A_616 = arith.constant 0 : i32
      %dma_wait3A_617 = arith.constant 0 : i32
      %dma_wait3A_618 = arith.constant 0 : i32
      %dma_wait3A_619 = tpu.memref_slice %arg9[%dma_wait3A_616, %dma_wait3A_617, %dma_wait3A_618] : memref<2x128x128xf32, #tpu.memory_space<vmem>> -> memref<1x128x128xf32, #tpu.memory_space<vmem>>
      %dma_wait3A_620 = tpu.memref_squeeze %dma_wait3A_619 : memref<1x128x128xf32, #tpu.memory_space<vmem>> -> memref<128x128xf32, #tpu.memory_space<vmem>>
      %dma_wait3A_621 = arith.constant 0 : i32
      %dma_wait3A_622 = tpu.memref_slice %arg7[%dma_wait3A_614, %dma_wait3A_615, %dma_wait3A_621] : memref<2x8x128xi32, #tpu.memory_space<vmem>> -> memref<1x1x128xi32, #tpu.memory_space<vmem>>
      %dma_wait3A_623 = tpu.memref_squeeze %dma_wait3A_622 : memref<1x1x128xi32, #tpu.memory_space<vmem>> -> memref<128xi32, #tpu.memory_space<vmem>>
      %dma_wait3A_624 = arith.constant 0 : i32
      %dma_wait3A_625 = arith.constant 0 : i32
      %dma_wait3A_626 = tpu.memref_slice %arg2[%dma_wait3A_624, %dma_wait3A_625] : memref<10000x128xf32, #tpu.memory_space<hbm>> -> memref<10000x128xf32, #tpu.memory_space<hbm>>
      tpu.wait_indirect_dma semaphore(%arg11 : memref<!tpu.dma_semaphore, #tpu.memory_space<semaphore_mem>>) src(%dma_wait3A_626 : memref<10000x128xf32, #tpu.memory_space<hbm>>) dst(%dma_wait3A_620 : memref<128x128xf32, #tpu.memory_space<vmem>>)
      %dma_start3A_627 = arith.constant 0 : i32
      %dma_start3A_628 = arith.constant 1 : i32
      %dma_start3A_629 = arith.constant 0 : i32
      %dma_start3A_630 = arith.constant 0 : i32
      %dma_start3A_631 = arith.constant 0 : i32
      %dma_start3A_632 = tpu.memref_slice %arg9[%dma_start3A_627, %dma_start3A_630, %dma_start3A_631] : memref<2x128x128xf32, #tpu.memory_space<vmem>> -> memref<1x128x128xf32, #tpu.memory_space<vmem>>
      %dma_start3A_633 = tpu.memref_squeeze %dma_start3A_632 : memref<1x128x128xf32, #tpu.memory_space<vmem>> -> memref<128x128xf32, #tpu.memory_space<vmem>>
      %dma_start3A_634 = arith.constant 0 : i32
      %dma_start3A_635 = tpu.memref_slice %arg8[%dma_start3A_628, %dma_start3A_629, %dma_start3A_634] : memref<2x8x128xi32, #tpu.memory_space<vmem>> -> memref<1x1x128xi32, #tpu.memory_space<vmem>>
      %dma_start3A_636 = tpu.memref_squeeze %dma_start3A_635 : memref<1x1x128xi32, #tpu.memory_space<vmem>> -> memref<128xi32, #tpu.memory_space<vmem>>
      %dma_start3A_637 = arith.constant 0 : i32
      %dma_start3A_638 = arith.constant 0 : i32
      %dma_start3A_639 = tpu.memref_slice %arg10[%dma_start3A_637, %dma_start3A_638] : memref<10112x128xf32, #tpu.memory_space<vmem_shared>> -> memref<10112x128xf32, #tpu.memory_space<vmem_shared>>
      tpu.enqueue_indirect_dma source(%dma_start3A_633 : memref<128x128xf32, #tpu.memory_space<vmem>>) target(%dma_start3A_639 : memref<10112x128xf32, #tpu.memory_space<vmem_shared>>) offsets(%dma_start3A_636 : memref<128xi32, #tpu.memory_space<vmem>>) semaphore(%arg15 : memref<!tpu.dma_semaphore, #tpu.memory_space<semaphore_mem>>) {add = true}
      %dma_start3A_640 = arith.constant 1 : i32
      %dma_start3A_641 = arith.constant 1 : i32
      %dma_start3A_642 = arith.constant 1 : i32
      %dma_start3A_643 = arith.constant 0 : i32
      %dma_start3A_644 = arith.constant 0 : i32
      %dma_start3A_645 = tpu.memref_slice %arg9[%dma_start3A_642, %dma_start3A_643, %dma_start3A_644] : memref<2x128x128xf32, #tpu.memory_space<vmem>> -> memref<1x128x128xf32, #tpu.memory_space<vmem>>
      %dma_start3A_646 = tpu.memref_squeeze %dma_start3A_645 : memref<1x128x128xf32, #tpu.memory_space<vmem>> -> memref<128x128xf32, #tpu.memory_space<vmem>>
      %dma_start3A_647 = arith.constant 0 : i32
      %dma_start3A_648 = tpu.memref_slice %arg7[%dma_start3A_640, %dma_start3A_641, %dma_start3A_647] : memref<2x8x128xi32, #tpu.memory_space<vmem>> -> memref<1x1x128xi32, #tpu.memory_space<vmem>>
      %dma_start3A_649 = tpu.memref_squeeze %dma_start3A_648 : memref<1x1x128xi32, #tpu.memory_space<vmem>> -> memref<128xi32, #tpu.memory_space<vmem>>
      %dma_start3A_650 = arith.constant 0 : i32
      %dma_start3A_651 = arith.constant 0 : i32
      %dma_start3A_652 = tpu.memref_slice %arg2[%dma_start3A_650, %dma_start3A_651] : memref<10000x128xf32, #tpu.memory_space<hbm>> -> memref<10000x128xf32, #tpu.memory_space<hbm>>
      tpu.enqueue_indirect_dma source(%dma_start3A_652 : memref<10000x128xf32, #tpu.memory_space<hbm>>) target(%dma_start3A_646 : memref<128x128xf32, #tpu.memory_space<vmem>>) offsets(%dma_start3A_649 : memref<128xi32, #tpu.memory_space<vmem>>) semaphore(%arg12 : memref<!tpu.dma_semaphore, #tpu.memory_space<semaphore_mem>>)
      %dma_wait3A_653 = arith.constant 0 : i32
      %dma_wait3A_654 = arith.constant 1 : i32
      %dma_wait3A_655 = arith.constant 0 : i32
      %dma_wait3A_656 = arith.constant 0 : i32
      %dma_wait3A_657 = arith.constant 0 : i32
      %dma_wait3A_658 = tpu.memref_slice %arg9[%dma_wait3A_653, %dma_wait3A_656, %dma_wait3A_657] : memref<2x128x128xf32, #tpu.memory_space<vmem>> -> memref<1x128x128xf32, #tpu.memory_space<vmem>>
      %dma_wait3A_659 = tpu.memref_squeeze %dma_wait3A_658 : memref<1x128x128xf32, #tpu.memory_space<vmem>> -> memref<128x128xf32, #tpu.memory_space<vmem>>
      %dma_wait3A_660 = arith.constant 0 : i32
      %dma_wait3A_661 = tpu.memref_slice %arg8[%dma_wait3A_654, %dma_wait3A_655, %dma_wait3A_660] : memref<2x8x128xi32, #tpu.memory_space<vmem>> -> memref<1x1x128xi32, #tpu.memory_space<vmem>>
      %dma_wait3A_662 = tpu.memref_squeeze %dma_wait3A_661 : memref<1x1x128xi32, #tpu.memory_space<vmem>> -> memref<128xi32, #tpu.memory_space<vmem>>
      %dma_wait3A_663 = arith.constant 0 : i32
      %dma_wait3A_664 = arith.constant 0 : i32
      %dma_wait3A_665 = tpu.memref_slice %arg10[%dma_wait3A_663, %dma_wait3A_664] : memref<10112x128xf32, #tpu.memory_space<vmem_shared>> -> memref<10112x128xf32, #tpu.memory_space<vmem_shared>>
      tpu.wait_indirect_dma semaphore(%arg15 : memref<!tpu.dma_semaphore, #tpu.memory_space<semaphore_mem>>) src(%dma_wait3A_659 : memref<128x128xf32, #tpu.memory_space<vmem>>) dst(%dma_wait3A_665 : memref<10112x128xf32, #tpu.memory_space<vmem_shared>>)
      %dma_wait3A_666 = arith.constant 1 : i32
      %dma_wait3A_667 = arith.constant 1 : i32
      %dma_wait3A_668 = arith.constant 1 : i32
      %dma_wait3A_669 = arith.constant 0 : i32
      %dma_wait3A_670 = arith.constant 0 : i32
      %dma_wait3A_671 = tpu.memref_slice %arg9[%dma_wait3A_668, %dma_wait3A_669, %dma_wait3A_670] : memref<2x128x128xf32, #tpu.memory_space<vmem>> -> memref<1x128x128xf32, #tpu.memory_space<vmem>>
      %dma_wait3A_672 = tpu.memref_squeeze %dma_wait3A_671 : memref<1x128x128xf32, #tpu.memory_space<vmem>> -> memref<128x128xf32, #tpu.memory_space<vmem>>
      %dma_wait3A_673 = arith.constant 0 : i32
      %dma_wait3A_674 = tpu.memref_slice %arg7[%dma_wait3A_666, %dma_wait3A_667, %dma_wait3A_673] : memref<2x8x128xi32, #tpu.memory_space<vmem>> -> memref<1x1x128xi32, #tpu.memory_space<vmem>>
      %dma_wait3A_675 = tpu.memref_squeeze %dma_wait3A_674 : memref<1x1x128xi32, #tpu.memory_space<vmem>> -> memref<128xi32, #tpu.memory_space<vmem>>
      %dma_wait3A_676 = arith.constant 0 : i32
      %dma_wait3A_677 = arith.constant 0 : i32
      %dma_wait3A_678 = tpu.memref_slice %arg2[%dma_wait3A_676, %dma_wait3A_677] : memref<10000x128xf32, #tpu.memory_space<hbm>> -> memref<10000x128xf32, #tpu.memory_space<hbm>>
      tpu.wait_indirect_dma semaphore(%arg12 : memref<!tpu.dma_semaphore, #tpu.memory_space<semaphore_mem>>) src(%dma_wait3A_678 : memref<10000x128xf32, #tpu.memory_space<hbm>>) dst(%dma_wait3A_672 : memref<128x128xf32, #tpu.memory_space<vmem>>)
      %dma_start3A_679 = arith.constant 1 : i32
      %dma_start3A_680 = arith.constant 1 : i32
      %dma_start3A_681 = arith.constant 1 : i32
      %dma_start3A_682 = arith.constant 0 : i32
      %dma_start3A_683 = arith.constant 0 : i32
      %dma_start3A_684 = tpu.memref_slice %arg9[%dma_start3A_679, %dma_start3A_682, %dma_start3A_683] : memref<2x128x128xf32, #tpu.memory_space<vmem>> -> memref<1x128x128xf32, #tpu.memory_space<vmem>>
      %dma_start3A_685 = tpu.memref_squeeze %dma_start3A_684 : memref<1x128x128xf32, #tpu.memory_space<vmem>> -> memref<128x128xf32, #tpu.memory_space<vmem>>
      %dma_start3A_686 = arith.constant 0 : i32
      %dma_start3A_687 = tpu.memref_slice %arg8[%dma_start3A_680, %dma_start3A_681, %dma_start3A_686] : memref<2x8x128xi32, #tpu.memory_space<vmem>> -> memref<1x1x128xi32, #tpu.memory_space<vmem>>
      %dma_start3A_688 = tpu.memref_squeeze %dma_start3A_687 : memref<1x1x128xi32, #tpu.memory_space<vmem>> -> memref<128xi32, #tpu.memory_space<vmem>>
      %dma_start3A_689 = arith.constant 0 : i32
      %dma_start3A_690 = arith.constant 0 : i32
      %dma_start3A_691 = tpu.memref_slice %arg10[%dma_start3A_689, %dma_start3A_690] : memref<10112x128xf32, #tpu.memory_space<vmem_shared>> -> memref<10112x128xf32, #tpu.memory_space<vmem_shared>>
      tpu.enqueue_indirect_dma source(%dma_start3A_685 : memref<128x128xf32, #tpu.memory_space<vmem>>) target(%dma_start3A_691 : memref<10112x128xf32, #tpu.memory_space<vmem_shared>>) offsets(%dma_start3A_688 : memref<128xi32, #tpu.memory_space<vmem>>) semaphore(%arg15 : memref<!tpu.dma_semaphore, #tpu.memory_space<semaphore_mem>>) {add = true}
      %dma_start3A_692 = arith.constant 1 : i32
      %dma_start3A_693 = arith.constant 2 : i32
      %dma_start3A_694 = arith.constant 0 : i32
      %dma_start3A_695 = arith.constant 0 : i32
      %dma_start3A_696 = arith.constant 0 : i32
      %dma_start3A_697 = tpu.memref_slice %arg9[%dma_start3A_694, %dma_start3A_695, %dma_start3A_696] : memref<2x128x128xf32, #tpu.memory_space<vmem>> -> memref<1x128x128xf32, #tpu.memory_space<vmem>>
      %dma_start3A_698 = tpu.memref_squeeze %dma_start3A_697 : memref<1x128x128xf32, #tpu.memory_space<vmem>> -> memref<128x128xf32, #tpu.memory_space<vmem>>
      %dma_start3A_699 = arith.constant 0 : i32
      %dma_start3A_700 = tpu.memref_slice %arg7[%dma_start3A_692, %dma_start3A_693, %dma_start3A_699] : memref<2x8x128xi32, #tpu.memory_space<vmem>> -> memref<1x1x128xi32, #tpu.memory_space<vmem>>
      %dma_start3A_701 = tpu.memref_squeeze %dma_start3A_700 : memref<1x1x128xi32, #tpu.memory_space<vmem>> -> memref<128xi32, #tpu.memory_space<vmem>>
      %dma_start3A_702 = arith.constant 0 : i32
      %dma_start3A_703 = arith.constant 0 : i32
      %dma_start3A_704 = tpu.memref_slice %arg2[%dma_start3A_702, %dma_start3A_703] : memref<10000x128xf32, #tpu.memory_space<hbm>> -> memref<10000x128xf32, #tpu.memory_space<hbm>>
      tpu.enqueue_indirect_dma source(%dma_start3A_704 : memref<10000x128xf32, #tpu.memory_space<hbm>>) target(%dma_start3A_698 : memref<128x128xf32, #tpu.memory_space<vmem>>) offsets(%dma_start3A_701 : memref<128xi32, #tpu.memory_space<vmem>>) semaphore(%arg11 : memref<!tpu.dma_semaphore, #tpu.memory_space<semaphore_mem>>)
      %dma_wait3A_705 = arith.constant 1 : i32
      %dma_wait3A_706 = arith.constant 1 : i32
      %dma_wait3A_707 = arith.constant 1 : i32
      %dma_wait3A_708 = arith.constant 0 : i32
      %dma_wait3A_709 = arith.constant 0 : i32
      %dma_wait3A_710 = tpu.memref_slice %arg9[%dma_wait3A_705, %dma_wait3A_708, %dma_wait3A_709] : memref<2x128x128xf32, #tpu.memory_space<vmem>> -> memref<1x128x128xf32, #tpu.memory_space<vmem>>
      %dma_wait3A_711 = tpu.memref_squeeze %dma_wait3A_710 : memref<1x128x128xf32, #tpu.memory_space<vmem>> -> memref<128x128xf32, #tpu.memory_space<vmem>>
      %dma_wait3A_712 = arith.constant 0 : i32
      %dma_wait3A_713 = tpu.memref_slice %arg8[%dma_wait3A_706, %dma_wait3A_707, %dma_wait3A_712] : memref<2x8x128xi32, #tpu.memory_space<vmem>> -> memref<1x1x128xi32, #tpu.memory_space<vmem>>
      %dma_wait3A_714 = tpu.memref_squeeze %dma_wait3A_713 : memref<1x1x128xi32, #tpu.memory_space<vmem>> -> memref<128xi32, #tpu.memory_space<vmem>>
      %dma_wait3A_715 = arith.constant 0 : i32
      %dma_wait3A_716 = arith.constant 0 : i32
      %dma_wait3A_717 = tpu.memref_slice %arg10[%dma_wait3A_715, %dma_wait3A_716] : memref<10112x128xf32, #tpu.memory_space<vmem_shared>> -> memref<10112x128xf32, #tpu.memory_space<vmem_shared>>
      tpu.wait_indirect_dma semaphore(%arg15 : memref<!tpu.dma_semaphore, #tpu.memory_space<semaphore_mem>>) src(%dma_wait3A_711 : memref<128x128xf32, #tpu.memory_space<vmem>>) dst(%dma_wait3A_717 : memref<10112x128xf32, #tpu.memory_space<vmem_shared>>)
      %dma_wait3A_718 = arith.constant 1 : i32
      %dma_wait3A_719 = arith.constant 2 : i32
      %dma_wait3A_720 = arith.constant 0 : i32
      %dma_wait3A_721 = arith.constant 0 : i32
      %dma_wait3A_722 = arith.constant 0 : i32
      %dma_wait3A_723 = tpu.memref_slice %arg9[%dma_wait3A_720, %dma_wait3A_721, %dma_wait3A_722] : memref<2x128x128xf32, #tpu.memory_space<vmem>> -> memref<1x128x128xf32, #tpu.memory_space<vmem>>
      %dma_wait3A_724 = tpu.memref_squeeze %dma_wait3A_723 : memref<1x128x128xf32, #tpu.memory_space<vmem>> -> memref<128x128xf32, #tpu.memory_space<vmem>>
      %dma_wait3A_725 = arith.constant 0 : i32
      %dma_wait3A_726 = tpu.memref_slice %arg7[%dma_wait3A_718, %dma_wait3A_719, %dma_wait3A_725] : memref<2x8x128xi32, #tpu.memory_space<vmem>> -> memref<1x1x128xi32, #tpu.memory_space<vmem>>
      %dma_wait3A_727 = tpu.memref_squeeze %dma_wait3A_726 : memref<1x1x128xi32, #tpu.memory_space<vmem>> -> memref<128xi32, #tpu.memory_space<vmem>>
      %dma_wait3A_728 = arith.constant 0 : i32
      %dma_wait3A_729 = arith.constant 0 : i32
      %dma_wait3A_730 = tpu.memref_slice %arg2[%dma_wait3A_728, %dma_wait3A_729] : memref<10000x128xf32, #tpu.memory_space<hbm>> -> memref<10000x128xf32, #tpu.memory_space<hbm>>
      tpu.wait_indirect_dma semaphore(%arg11 : memref<!tpu.dma_semaphore, #tpu.memory_space<semaphore_mem>>) src(%dma_wait3A_730 : memref<10000x128xf32, #tpu.memory_space<hbm>>) dst(%dma_wait3A_724 : memref<128x128xf32, #tpu.memory_space<vmem>>)
      %dma_start3A_731 = arith.constant 0 : i32
      %dma_start3A_732 = arith.constant 1 : i32
      %dma_start3A_733 = arith.constant 2 : i32
      %dma_start3A_734 = arith.constant 0 : i32
      %dma_start3A_735 = arith.constant 0 : i32
      %dma_start3A_736 = tpu.memref_slice %arg9[%dma_start3A_731, %dma_start3A_734, %dma_start3A_735] : memref<2x128x128xf32, #tpu.memory_space<vmem>> -> memref<1x128x128xf32, #tpu.memory_space<vmem>>
      %dma_start3A_737 = tpu.memref_squeeze %dma_start3A_736 : memref<1x128x128xf32, #tpu.memory_space<vmem>> -> memref<128x128xf32, #tpu.memory_space<vmem>>
      %dma_start3A_738 = arith.constant 0 : i32
      %dma_start3A_739 = tpu.memref_slice %arg8[%dma_start3A_732, %dma_start3A_733, %dma_start3A_738] : memref<2x8x128xi32, #tpu.memory_space<vmem>> -> memref<1x1x128xi32, #tpu.memory_space<vmem>>
      %dma_start3A_740 = tpu.memref_squeeze %dma_start3A_739 : memref<1x1x128xi32, #tpu.memory_space<vmem>> -> memref<128xi32, #tpu.memory_space<vmem>>
      %dma_start3A_741 = arith.constant 0 : i32
      %dma_start3A_742 = arith.constant 0 : i32
      %dma_start3A_743 = tpu.memref_slice %arg10[%dma_start3A_741, %dma_start3A_742] : memref<10112x128xf32, #tpu.memory_space<vmem_shared>> -> memref<10112x128xf32, #tpu.memory_space<vmem_shared>>
      tpu.enqueue_indirect_dma source(%dma_start3A_737 : memref<128x128xf32, #tpu.memory_space<vmem>>) target(%dma_start3A_743 : memref<10112x128xf32, #tpu.memory_space<vmem_shared>>) offsets(%dma_start3A_740 : memref<128xi32, #tpu.memory_space<vmem>>) semaphore(%arg15 : memref<!tpu.dma_semaphore, #tpu.memory_space<semaphore_mem>>) {add = true}
      %dma_start3A_744 = arith.constant 1 : i32
      %dma_start3A_745 = arith.constant 3 : i32
      %dma_start3A_746 = arith.constant 1 : i32
      %dma_start3A_747 = arith.constant 0 : i32
      %dma_start3A_748 = arith.constant 0 : i32
      %dma_start3A_749 = tpu.memref_slice %arg9[%dma_start3A_746, %dma_start3A_747, %dma_start3A_748] : memref<2x128x128xf32, #tpu.memory_space<vmem>> -> memref<1x128x128xf32, #tpu.memory_space<vmem>>
      %dma_start3A_750 = tpu.memref_squeeze %dma_start3A_749 : memref<1x128x128xf32, #tpu.memory_space<vmem>> -> memref<128x128xf32, #tpu.memory_space<vmem>>
      %dma_start3A_751 = arith.constant 0 : i32
      %dma_start3A_752 = tpu.memref_slice %arg7[%dma_start3A_744, %dma_start3A_745, %dma_start3A_751] : memref<2x8x128xi32, #tpu.memory_space<vmem>> -> memref<1x1x128xi32, #tpu.memory_space<vmem>>
      %dma_start3A_753 = tpu.memref_squeeze %dma_start3A_752 : memref<1x1x128xi32, #tpu.memory_space<vmem>> -> memref<128xi32, #tpu.memory_space<vmem>>
      %dma_start3A_754 = arith.constant 0 : i32
      %dma_start3A_755 = arith.constant 0 : i32
      %dma_start3A_756 = tpu.memref_slice %arg2[%dma_start3A_754, %dma_start3A_755] : memref<10000x128xf32, #tpu.memory_space<hbm>> -> memref<10000x128xf32, #tpu.memory_space<hbm>>
      tpu.enqueue_indirect_dma source(%dma_start3A_756 : memref<10000x128xf32, #tpu.memory_space<hbm>>) target(%dma_start3A_750 : memref<128x128xf32, #tpu.memory_space<vmem>>) offsets(%dma_start3A_753 : memref<128xi32, #tpu.memory_space<vmem>>) semaphore(%arg12 : memref<!tpu.dma_semaphore, #tpu.memory_space<semaphore_mem>>)
      %dma_wait3A_757 = arith.constant 0 : i32
      %dma_wait3A_758 = arith.constant 1 : i32
      %dma_wait3A_759 = arith.constant 2 : i32
      %dma_wait3A_760 = arith.constant 0 : i32
      %dma_wait3A_761 = arith.constant 0 : i32
      %dma_wait3A_762 = tpu.memref_slice %arg9[%dma_wait3A_757, %dma_wait3A_760, %dma_wait3A_761] : memref<2x128x128xf32, #tpu.memory_space<vmem>> -> memref<1x128x128xf32, #tpu.memory_space<vmem>>
      %dma_wait3A_763 = tpu.memref_squeeze %dma_wait3A_762 : memref<1x128x128xf32, #tpu.memory_space<vmem>> -> memref<128x128xf32, #tpu.memory_space<vmem>>
      %dma_wait3A_764 = arith.constant 0 : i32
      %dma_wait3A_765 = tpu.memref_slice %arg8[%dma_wait3A_758, %dma_wait3A_759, %dma_wait3A_764] : memref<2x8x128xi32, #tpu.memory_space<vmem>> -> memref<1x1x128xi32, #tpu.memory_space<vmem>>
      %dma_wait3A_766 = tpu.memref_squeeze %dma_wait3A_765 : memref<1x1x128xi32, #tpu.memory_space<vmem>> -> memref<128xi32, #tpu.memory_space<vmem>>
      %dma_wait3A_767 = arith.constant 0 : i32
      %dma_wait3A_768 = arith.constant 0 : i32
      %dma_wait3A_769 = tpu.memref_slice %arg10[%dma_wait3A_767, %dma_wait3A_768] : memref<10112x128xf32, #tpu.memory_space<vmem_shared>> -> memref<10112x128xf32, #tpu.memory_space<vmem_shared>>
      tpu.wait_indirect_dma semaphore(%arg15 : memref<!tpu.dma_semaphore, #tpu.memory_space<semaphore_mem>>) src(%dma_wait3A_763 : memref<128x128xf32, #tpu.memory_space<vmem>>) dst(%dma_wait3A_769 : memref<10112x128xf32, #tpu.memory_space<vmem_shared>>)
      %dma_wait3A_770 = arith.constant 1 : i32
      %dma_wait3A_771 = arith.constant 3 : i32
      %dma_wait3A_772 = arith.constant 1 : i32
      %dma_wait3A_773 = arith.constant 0 : i32
      %dma_wait3A_774 = arith.constant 0 : i32
      %dma_wait3A_775 = tpu.memref_slice %arg9[%dma_wait3A_772, %dma_wait3A_773, %dma_wait3A_774] : memref<2x128x128xf32, #tpu.memory_space<vmem>> -> memref<1x128x128xf32, #tpu.memory_space<vmem>>
      %dma_wait3A_776 = tpu.memref_squeeze %dma_wait3A_775 : memref<1x128x128xf32, #tpu.memory_space<vmem>> -> memref<128x128xf32, #tpu.memory_space<vmem>>
      %dma_wait3A_777 = arith.constant 0 : i32
      %dma_wait3A_778 = tpu.memref_slice %arg7[%dma_wait3A_770, %dma_wait3A_771, %dma_wait3A_777] : memref<2x8x128xi32, #tpu.memory_space<vmem>> -> memref<1x1x128xi32, #tpu.memory_space<vmem>>
      %dma_wait3A_779 = tpu.memref_squeeze %dma_wait3A_778 : memref<1x1x128xi32, #tpu.memory_space<vmem>> -> memref<128xi32, #tpu.memory_space<vmem>>
      %dma_wait3A_780 = arith.constant 0 : i32
      %dma_wait3A_781 = arith.constant 0 : i32
      %dma_wait3A_782 = tpu.memref_slice %arg2[%dma_wait3A_780, %dma_wait3A_781] : memref<10000x128xf32, #tpu.memory_space<hbm>> -> memref<10000x128xf32, #tpu.memory_space<hbm>>
      tpu.wait_indirect_dma semaphore(%arg12 : memref<!tpu.dma_semaphore, #tpu.memory_space<semaphore_mem>>) src(%dma_wait3A_782 : memref<10000x128xf32, #tpu.memory_space<hbm>>) dst(%dma_wait3A_776 : memref<128x128xf32, #tpu.memory_space<vmem>>)
      %dma_start3A_783 = arith.constant 1 : i32
      %dma_start3A_784 = arith.constant 1 : i32
      %dma_start3A_785 = arith.constant 3 : i32
      %dma_start3A_786 = arith.constant 0 : i32
      %dma_start3A_787 = arith.constant 0 : i32
      %dma_start3A_788 = tpu.memref_slice %arg9[%dma_start3A_783, %dma_start3A_786, %dma_start3A_787] : memref<2x128x128xf32, #tpu.memory_space<vmem>> -> memref<1x128x128xf32, #tpu.memory_space<vmem>>
      %dma_start3A_789 = tpu.memref_squeeze %dma_start3A_788 : memref<1x128x128xf32, #tpu.memory_space<vmem>> -> memref<128x128xf32, #tpu.memory_space<vmem>>
      %dma_start3A_790 = arith.constant 0 : i32
      %dma_start3A_791 = tpu.memref_slice %arg8[%dma_start3A_784, %dma_start3A_785, %dma_start3A_790] : memref<2x8x128xi32, #tpu.memory_space<vmem>> -> memref<1x1x128xi32, #tpu.memory_space<vmem>>
      %dma_start3A_792 = tpu.memref_squeeze %dma_start3A_791 : memref<1x1x128xi32, #tpu.memory_space<vmem>> -> memref<128xi32, #tpu.memory_space<vmem>>
      %dma_start3A_793 = arith.constant 0 : i32
      %dma_start3A_794 = arith.constant 0 : i32
      %dma_start3A_795 = tpu.memref_slice %arg10[%dma_start3A_793, %dma_start3A_794] : memref<10112x128xf32, #tpu.memory_space<vmem_shared>> -> memref<10112x128xf32, #tpu.memory_space<vmem_shared>>
      tpu.enqueue_indirect_dma source(%dma_start3A_789 : memref<128x128xf32, #tpu.memory_space<vmem>>) target(%dma_start3A_795 : memref<10112x128xf32, #tpu.memory_space<vmem_shared>>) offsets(%dma_start3A_792 : memref<128xi32, #tpu.memory_space<vmem>>) semaphore(%arg15 : memref<!tpu.dma_semaphore, #tpu.memory_space<semaphore_mem>>) {add = true}
      %dma_start3A_796 = arith.constant 1 : i32
      %dma_start3A_797 = arith.constant 4 : i32
      %dma_start3A_798 = arith.constant 0 : i32
      %dma_start3A_799 = arith.constant 0 : i32
      %dma_start3A_800 = arith.constant 0 : i32
      %dma_start3A_801 = tpu.memref_slice %arg9[%dma_start3A_798, %dma_start3A_799, %dma_start3A_800] : memref<2x128x128xf32, #tpu.memory_space<vmem>> -> memref<1x128x128xf32, #tpu.memory_space<vmem>>
      %dma_start3A_802 = tpu.memref_squeeze %dma_start3A_801 : memref<1x128x128xf32, #tpu.memory_space<vmem>> -> memref<128x128xf32, #tpu.memory_space<vmem>>
      %dma_start3A_803 = arith.constant 0 : i32
      %dma_start3A_804 = tpu.memref_slice %arg7[%dma_start3A_796, %dma_start3A_797, %dma_start3A_803] : memref<2x8x128xi32, #tpu.memory_space<vmem>> -> memref<1x1x128xi32, #tpu.memory_space<vmem>>
      %dma_start3A_805 = tpu.memref_squeeze %dma_start3A_804 : memref<1x1x128xi32, #tpu.memory_space<vmem>> -> memref<128xi32, #tpu.memory_space<vmem>>
      %dma_start3A_806 = arith.constant 0 : i32
      %dma_start3A_807 = arith.constant 0 : i32
      %dma_start3A_808 = tpu.memref_slice %arg2[%dma_start3A_806, %dma_start3A_807] : memref<10000x128xf32, #tpu.memory_space<hbm>> -> memref<10000x128xf32, #tpu.memory_space<hbm>>
      tpu.enqueue_indirect_dma source(%dma_start3A_808 : memref<10000x128xf32, #tpu.memory_space<hbm>>) target(%dma_start3A_802 : memref<128x128xf32, #tpu.memory_space<vmem>>) offsets(%dma_start3A_805 : memref<128xi32, #tpu.memory_space<vmem>>) semaphore(%arg11 : memref<!tpu.dma_semaphore, #tpu.memory_space<semaphore_mem>>)
      %dma_wait3A_809 = arith.constant 1 : i32
      %dma_wait3A_810 = arith.constant 1 : i32
      %dma_wait3A_811 = arith.constant 3 : i32
      %dma_wait3A_812 = arith.constant 0 : i32
      %dma_wait3A_813 = arith.constant 0 : i32
      %dma_wait3A_814 = tpu.memref_slice %arg9[%dma_wait3A_809, %dma_wait3A_812, %dma_wait3A_813] : memref<2x128x128xf32, #tpu.memory_space<vmem>> -> memref<1x128x128xf32, #tpu.memory_space<vmem>>
      %dma_wait3A_815 = tpu.memref_squeeze %dma_wait3A_814 : memref<1x128x128xf32, #tpu.memory_space<vmem>> -> memref<128x128xf32, #tpu.memory_space<vmem>>
      %dma_wait3A_816 = arith.constant 0 : i32
      %dma_wait3A_817 = tpu.memref_slice %arg8[%dma_wait3A_810, %dma_wait3A_811, %dma_wait3A_816] : memref<2x8x128xi32, #tpu.memory_space<vmem>> -> memref<1x1x128xi32, #tpu.memory_space<vmem>>
      %dma_wait3A_818 = tpu.memref_squeeze %dma_wait3A_817 : memref<1x1x128xi32, #tpu.memory_space<vmem>> -> memref<128xi32, #tpu.memory_space<vmem>>
      %dma_wait3A_819 = arith.constant 0 : i32
      %dma_wait3A_820 = arith.constant 0 : i32
      %dma_wait3A_821 = tpu.memref_slice %arg10[%dma_wait3A_819, %dma_wait3A_820] : memref<10112x128xf32, #tpu.memory_space<vmem_shared>> -> memref<10112x128xf32, #tpu.memory_space<vmem_shared>>
      tpu.wait_indirect_dma semaphore(%arg15 : memref<!tpu.dma_semaphore, #tpu.memory_space<semaphore_mem>>) src(%dma_wait3A_815 : memref<128x128xf32, #tpu.memory_space<vmem>>) dst(%dma_wait3A_821 : memref<10112x128xf32, #tpu.memory_space<vmem_shared>>)
      %dma_wait3A_822 = arith.constant 1 : i32
      %dma_wait3A_823 = arith.constant 4 : i32
      %dma_wait3A_824 = arith.constant 0 : i32
      %dma_wait3A_825 = arith.constant 0 : i32
      %dma_wait3A_826 = arith.constant 0 : i32
      %dma_wait3A_827 = tpu.memref_slice %arg9[%dma_wait3A_824, %dma_wait3A_825, %dma_wait3A_826] : memref<2x128x128xf32, #tpu.memory_space<vmem>> -> memref<1x128x128xf32, #tpu.memory_space<vmem>>
      %dma_wait3A_828 = tpu.memref_squeeze %dma_wait3A_827 : memref<1x128x128xf32, #tpu.memory_space<vmem>> -> memref<128x128xf32, #tpu.memory_space<vmem>>
      %dma_wait3A_829 = arith.constant 0 : i32
      %dma_wait3A_830 = tpu.memref_slice %arg7[%dma_wait3A_822, %dma_wait3A_823, %dma_wait3A_829] : memref<2x8x128xi32, #tpu.memory_space<vmem>> -> memref<1x1x128xi32, #tpu.memory_space<vmem>>
      %dma_wait3A_831 = tpu.memref_squeeze %dma_wait3A_830 : memref<1x1x128xi32, #tpu.memory_space<vmem>> -> memref<128xi32, #tpu.memory_space<vmem>>
      %dma_wait3A_832 = arith.constant 0 : i32
      %dma_wait3A_833 = arith.constant 0 : i32
      %dma_wait3A_834 = tpu.memref_slice %arg2[%dma_wait3A_832, %dma_wait3A_833] : memref<10000x128xf32, #tpu.memory_space<hbm>> -> memref<10000x128xf32, #tpu.memory_space<hbm>>
      tpu.wait_indirect_dma semaphore(%arg11 : memref<!tpu.dma_semaphore, #tpu.memory_space<semaphore_mem>>) src(%dma_wait3A_834 : memref<10000x128xf32, #tpu.memory_space<hbm>>) dst(%dma_wait3A_828 : memref<128x128xf32, #tpu.memory_space<vmem>>)
      %dma_start3A_835 = arith.constant 0 : i32
      %dma_start3A_836 = arith.constant 1 : i32
      %dma_start3A_837 = arith.constant 4 : i32
      %dma_start3A_838 = arith.constant 0 : i32
      %dma_start3A_839 = arith.constant 0 : i32
      %dma_start3A_840 = tpu.memref_slice %arg9[%dma_start3A_835, %dma_start3A_838, %dma_start3A_839] : memref<2x128x128xf32, #tpu.memory_space<vmem>> -> memref<1x128x128xf32, #tpu.memory_space<vmem>>
      %dma_start3A_841 = tpu.memref_squeeze %dma_start3A_840 : memref<1x128x128xf32, #tpu.memory_space<vmem>> -> memref<128x128xf32, #tpu.memory_space<vmem>>
      %dma_start3A_842 = arith.constant 0 : i32
      %dma_start3A_843 = tpu.memref_slice %arg8[%dma_start3A_836, %dma_start3A_837, %dma_start3A_842] : memref<2x8x128xi32, #tpu.memory_space<vmem>> -> memref<1x1x128xi32, #tpu.memory_space<vmem>>
      %dma_start3A_844 = tpu.memref_squeeze %dma_start3A_843 : memref<1x1x128xi32, #tpu.memory_space<vmem>> -> memref<128xi32, #tpu.memory_space<vmem>>
      %dma_start3A_845 = arith.constant 0 : i32
      %dma_start3A_846 = arith.constant 0 : i32
      %dma_start3A_847 = tpu.memref_slice %arg10[%dma_start3A_845, %dma_start3A_846] : memref<10112x128xf32, #tpu.memory_space<vmem_shared>> -> memref<10112x128xf32, #tpu.memory_space<vmem_shared>>
      tpu.enqueue_indirect_dma source(%dma_start3A_841 : memref<128x128xf32, #tpu.memory_space<vmem>>) target(%dma_start3A_847 : memref<10112x128xf32, #tpu.memory_space<vmem_shared>>) offsets(%dma_start3A_844 : memref<128xi32, #tpu.memory_space<vmem>>) semaphore(%arg15 : memref<!tpu.dma_semaphore, #tpu.memory_space<semaphore_mem>>) {add = true}
      %dma_start3A_848 = arith.constant 1 : i32
      %dma_start3A_849 = arith.constant 5 : i32
      %dma_start3A_850 = arith.constant 1 : i32
      %dma_start3A_851 = arith.constant 0 : i32
      %dma_start3A_852 = arith.constant 0 : i32
      %dma_start3A_853 = tpu.memref_slice %arg9[%dma_start3A_850, %dma_start3A_851, %dma_start3A_852] : memref<2x128x128xf32, #tpu.memory_space<vmem>> -> memref<1x128x128xf32, #tpu.memory_space<vmem>>
      %dma_start3A_854 = tpu.memref_squeeze %dma_start3A_853 : memref<1x128x128xf32, #tpu.memory_space<vmem>> -> memref<128x128xf32, #tpu.memory_space<vmem>>
      %dma_start3A_855 = arith.constant 0 : i32
      %dma_start3A_856 = tpu.memref_slice %arg7[%dma_start3A_848, %dma_start3A_849, %dma_start3A_855] : memref<2x8x128xi32, #tpu.memory_space<vmem>> -> memref<1x1x128xi32, #tpu.memory_space<vmem>>
      %dma_start3A_857 = tpu.memref_squeeze %dma_start3A_856 : memref<1x1x128xi32, #tpu.memory_space<vmem>> -> memref<128xi32, #tpu.memory_space<vmem>>
      %dma_start3A_858 = arith.constant 0 : i32
      %dma_start3A_859 = arith.constant 0 : i32
      %dma_start3A_860 = tpu.memref_slice %arg2[%dma_start3A_858, %dma_start3A_859] : memref<10000x128xf32, #tpu.memory_space<hbm>> -> memref<10000x128xf32, #tpu.memory_space<hbm>>
      tpu.enqueue_indirect_dma source(%dma_start3A_860 : memref<10000x128xf32, #tpu.memory_space<hbm>>) target(%dma_start3A_854 : memref<128x128xf32, #tpu.memory_space<vmem>>) offsets(%dma_start3A_857 : memref<128xi32, #tpu.memory_space<vmem>>) semaphore(%arg12 : memref<!tpu.dma_semaphore, #tpu.memory_space<semaphore_mem>>)
      %dma_wait3A_861 = arith.constant 0 : i32
      %dma_wait3A_862 = arith.constant 1 : i32
      %dma_wait3A_863 = arith.constant 4 : i32
      %dma_wait3A_864 = arith.constant 0 : i32
      %dma_wait3A_865 = arith.constant 0 : i32
      %dma_wait3A_866 = tpu.memref_slice %arg9[%dma_wait3A_861, %dma_wait3A_864, %dma_wait3A_865] : memref<2x128x128xf32, #tpu.memory_space<vmem>> -> memref<1x128x128xf32, #tpu.memory_space<vmem>>
      %dma_wait3A_867 = tpu.memref_squeeze %dma_wait3A_866 : memref<1x128x128xf32, #tpu.memory_space<vmem>> -> memref<128x128xf32, #tpu.memory_space<vmem>>
      %dma_wait3A_868 = arith.constant 0 : i32
      %dma_wait3A_869 = tpu.memref_slice %arg8[%dma_wait3A_862, %dma_wait3A_863, %dma_wait3A_868] : memref<2x8x128xi32, #tpu.memory_space<vmem>> -> memref<1x1x128xi32, #tpu.memory_space<vmem>>
      %dma_wait3A_870 = tpu.memref_squeeze %dma_wait3A_869 : memref<1x1x128xi32, #tpu.memory_space<vmem>> -> memref<128xi32, #tpu.memory_space<vmem>>
      %dma_wait3A_871 = arith.constant 0 : i32
      %dma_wait3A_872 = arith.constant 0 : i32
      %dma_wait3A_873 = tpu.memref_slice %arg10[%dma_wait3A_871, %dma_wait3A_872] : memref<10112x128xf32, #tpu.memory_space<vmem_shared>> -> memref<10112x128xf32, #tpu.memory_space<vmem_shared>>
      tpu.wait_indirect_dma semaphore(%arg15 : memref<!tpu.dma_semaphore, #tpu.memory_space<semaphore_mem>>) src(%dma_wait3A_867 : memref<128x128xf32, #tpu.memory_space<vmem>>) dst(%dma_wait3A_873 : memref<10112x128xf32, #tpu.memory_space<vmem_shared>>)
      %dma_wait3A_874 = arith.constant 1 : i32
      %dma_wait3A_875 = arith.constant 5 : i32
      %dma_wait3A_876 = arith.constant 1 : i32
      %dma_wait3A_877 = arith.constant 0 : i32
      %dma_wait3A_878 = arith.constant 0 : i32
      %dma_wait3A_879 = tpu.memref_slice %arg9[%dma_wait3A_876, %dma_wait3A_877, %dma_wait3A_878] : memref<2x128x128xf32, #tpu.memory_space<vmem>> -> memref<1x128x128xf32, #tpu.memory_space<vmem>>
      %dma_wait3A_880 = tpu.memref_squeeze %dma_wait3A_879 : memref<1x128x128xf32, #tpu.memory_space<vmem>> -> memref<128x128xf32, #tpu.memory_space<vmem>>
      %dma_wait3A_881 = arith.constant 0 : i32
      %dma_wait3A_882 = tpu.memref_slice %arg7[%dma_wait3A_874, %dma_wait3A_875, %dma_wait3A_881] : memref<2x8x128xi32, #tpu.memory_space<vmem>> -> memref<1x1x128xi32, #tpu.memory_space<vmem>>
      %dma_wait3A_883 = tpu.memref_squeeze %dma_wait3A_882 : memref<1x1x128xi32, #tpu.memory_space<vmem>> -> memref<128xi32, #tpu.memory_space<vmem>>
      %dma_wait3A_884 = arith.constant 0 : i32
      %dma_wait3A_885 = arith.constant 0 : i32
      %dma_wait3A_886 = tpu.memref_slice %arg2[%dma_wait3A_884, %dma_wait3A_885] : memref<10000x128xf32, #tpu.memory_space<hbm>> -> memref<10000x128xf32, #tpu.memory_space<hbm>>
      tpu.wait_indirect_dma semaphore(%arg12 : memref<!tpu.dma_semaphore, #tpu.memory_space<semaphore_mem>>) src(%dma_wait3A_886 : memref<10000x128xf32, #tpu.memory_space<hbm>>) dst(%dma_wait3A_880 : memref<128x128xf32, #tpu.memory_space<vmem>>)
      %dma_start3A_887 = arith.constant 1 : i32
      %dma_start3A_888 = arith.constant 1 : i32
      %dma_start3A_889 = arith.constant 5 : i32
      %dma_start3A_890 = arith.constant 0 : i32
      %dma_start3A_891 = arith.constant 0 : i32
      %dma_start3A_892 = tpu.memref_slice %arg9[%dma_start3A_887, %dma_start3A_890, %dma_start3A_891] : memref<2x128x128xf32, #tpu.memory_space<vmem>> -> memref<1x128x128xf32, #tpu.memory_space<vmem>>
      %dma_start3A_893 = tpu.memref_squeeze %dma_start3A_892 : memref<1x128x128xf32, #tpu.memory_space<vmem>> -> memref<128x128xf32, #tpu.memory_space<vmem>>
      %dma_start3A_894 = arith.constant 0 : i32
      %dma_start3A_895 = tpu.memref_slice %arg8[%dma_start3A_888, %dma_start3A_889, %dma_start3A_894] : memref<2x8x128xi32, #tpu.memory_space<vmem>> -> memref<1x1x128xi32, #tpu.memory_space<vmem>>
      %dma_start3A_896 = tpu.memref_squeeze %dma_start3A_895 : memref<1x1x128xi32, #tpu.memory_space<vmem>> -> memref<128xi32, #tpu.memory_space<vmem>>
      %dma_start3A_897 = arith.constant 0 : i32
      %dma_start3A_898 = arith.constant 0 : i32
      %dma_start3A_899 = tpu.memref_slice %arg10[%dma_start3A_897, %dma_start3A_898] : memref<10112x128xf32, #tpu.memory_space<vmem_shared>> -> memref<10112x128xf32, #tpu.memory_space<vmem_shared>>
      tpu.enqueue_indirect_dma source(%dma_start3A_893 : memref<128x128xf32, #tpu.memory_space<vmem>>) target(%dma_start3A_899 : memref<10112x128xf32, #tpu.memory_space<vmem_shared>>) offsets(%dma_start3A_896 : memref<128xi32, #tpu.memory_space<vmem>>) semaphore(%arg15 : memref<!tpu.dma_semaphore, #tpu.memory_space<semaphore_mem>>) {add = true}
      %dma_start3A_900 = arith.constant 1 : i32
      %dma_start3A_901 = arith.constant 6 : i32
      %dma_start3A_902 = arith.constant 0 : i32
      %dma_start3A_903 = arith.constant 0 : i32
      %dma_start3A_904 = arith.constant 0 : i32
      %dma_start3A_905 = tpu.memref_slice %arg9[%dma_start3A_902, %dma_start3A_903, %dma_start3A_904] : memref<2x128x128xf32, #tpu.memory_space<vmem>> -> memref<1x128x128xf32, #tpu.memory_space<vmem>>
      %dma_start3A_906 = tpu.memref_squeeze %dma_start3A_905 : memref<1x128x128xf32, #tpu.memory_space<vmem>> -> memref<128x128xf32, #tpu.memory_space<vmem>>
      %dma_start3A_907 = arith.constant 0 : i32
      %dma_start3A_908 = tpu.memref_slice %arg7[%dma_start3A_900, %dma_start3A_901, %dma_start3A_907] : memref<2x8x128xi32, #tpu.memory_space<vmem>> -> memref<1x1x128xi32, #tpu.memory_space<vmem>>
      %dma_start3A_909 = tpu.memref_squeeze %dma_start3A_908 : memref<1x1x128xi32, #tpu.memory_space<vmem>> -> memref<128xi32, #tpu.memory_space<vmem>>
      %dma_start3A_910 = arith.constant 0 : i32
      %dma_start3A_911 = arith.constant 0 : i32
      %dma_start3A_912 = tpu.memref_slice %arg2[%dma_start3A_910, %dma_start3A_911] : memref<10000x128xf32, #tpu.memory_space<hbm>> -> memref<10000x128xf32, #tpu.memory_space<hbm>>
      tpu.enqueue_indirect_dma source(%dma_start3A_912 : memref<10000x128xf32, #tpu.memory_space<hbm>>) target(%dma_start3A_906 : memref<128x128xf32, #tpu.memory_space<vmem>>) offsets(%dma_start3A_909 : memref<128xi32, #tpu.memory_space<vmem>>) semaphore(%arg11 : memref<!tpu.dma_semaphore, #tpu.memory_space<semaphore_mem>>)
      %dma_wait3A_913 = arith.constant 1 : i32
      %dma_wait3A_914 = arith.constant 1 : i32
      %dma_wait3A_915 = arith.constant 5 : i32
      %dma_wait3A_916 = arith.constant 0 : i32
      %dma_wait3A_917 = arith.constant 0 : i32
      %dma_wait3A_918 = tpu.memref_slice %arg9[%dma_wait3A_913, %dma_wait3A_916, %dma_wait3A_917] : memref<2x128x128xf32, #tpu.memory_space<vmem>> -> memref<1x128x128xf32, #tpu.memory_space<vmem>>
      %dma_wait3A_919 = tpu.memref_squeeze %dma_wait3A_918 : memref<1x128x128xf32, #tpu.memory_space<vmem>> -> memref<128x128xf32, #tpu.memory_space<vmem>>
      %dma_wait3A_920 = arith.constant 0 : i32
      %dma_wait3A_921 = tpu.memref_slice %arg8[%dma_wait3A_914, %dma_wait3A_915, %dma_wait3A_920] : memref<2x8x128xi32, #tpu.memory_space<vmem>> -> memref<1x1x128xi32, #tpu.memory_space<vmem>>
      %dma_wait3A_922 = tpu.memref_squeeze %dma_wait3A_921 : memref<1x1x128xi32, #tpu.memory_space<vmem>> -> memref<128xi32, #tpu.memory_space<vmem>>
      %dma_wait3A_923 = arith.constant 0 : i32
      %dma_wait3A_924 = arith.constant 0 : i32
      %dma_wait3A_925 = tpu.memref_slice %arg10[%dma_wait3A_923, %dma_wait3A_924] : memref<10112x128xf32, #tpu.memory_space<vmem_shared>> -> memref<10112x128xf32, #tpu.memory_space<vmem_shared>>
      tpu.wait_indirect_dma semaphore(%arg15 : memref<!tpu.dma_semaphore, #tpu.memory_space<semaphore_mem>>) src(%dma_wait3A_919 : memref<128x128xf32, #tpu.memory_space<vmem>>) dst(%dma_wait3A_925 : memref<10112x128xf32, #tpu.memory_space<vmem_shared>>)
      %dma_wait3A_926 = arith.constant 1 : i32
      %dma_wait3A_927 = arith.constant 6 : i32
      %dma_wait3A_928 = arith.constant 0 : i32
      %dma_wait3A_929 = arith.constant 0 : i32
      %dma_wait3A_930 = arith.constant 0 : i32
      %dma_wait3A_931 = tpu.memref_slice %arg9[%dma_wait3A_928, %dma_wait3A_929, %dma_wait3A_930] : memref<2x128x128xf32, #tpu.memory_space<vmem>> -> memref<1x128x128xf32, #tpu.memory_space<vmem>>
      %dma_wait3A_932 = tpu.memref_squeeze %dma_wait3A_931 : memref<1x128x128xf32, #tpu.memory_space<vmem>> -> memref<128x128xf32, #tpu.memory_space<vmem>>
      %dma_wait3A_933 = arith.constant 0 : i32
      %dma_wait3A_934 = tpu.memref_slice %arg7[%dma_wait3A_926, %dma_wait3A_927, %dma_wait3A_933] : memref<2x8x128xi32, #tpu.memory_space<vmem>> -> memref<1x1x128xi32, #tpu.memory_space<vmem>>
      %dma_wait3A_935 = tpu.memref_squeeze %dma_wait3A_934 : memref<1x1x128xi32, #tpu.memory_space<vmem>> -> memref<128xi32, #tpu.memory_space<vmem>>
      %dma_wait3A_936 = arith.constant 0 : i32
      %dma_wait3A_937 = arith.constant 0 : i32
      %dma_wait3A_938 = tpu.memref_slice %arg2[%dma_wait3A_936, %dma_wait3A_937] : memref<10000x128xf32, #tpu.memory_space<hbm>> -> memref<10000x128xf32, #tpu.memory_space<hbm>>
      tpu.wait_indirect_dma semaphore(%arg11 : memref<!tpu.dma_semaphore, #tpu.memory_space<semaphore_mem>>) src(%dma_wait3A_938 : memref<10000x128xf32, #tpu.memory_space<hbm>>) dst(%dma_wait3A_932 : memref<128x128xf32, #tpu.memory_space<vmem>>)
      %dma_start3A_939 = arith.constant 0 : i32
      %dma_start3A_940 = arith.constant 1 : i32
      %dma_start3A_941 = arith.constant 6 : i32
      %dma_start3A_942 = arith.constant 0 : i32
      %dma_start3A_943 = arith.constant 0 : i32
      %dma_start3A_944 = tpu.memref_slice %arg9[%dma_start3A_939, %dma_start3A_942, %dma_start3A_943] : memref<2x128x128xf32, #tpu.memory_space<vmem>> -> memref<1x128x128xf32, #tpu.memory_space<vmem>>
      %dma_start3A_945 = tpu.memref_squeeze %dma_start3A_944 : memref<1x128x128xf32, #tpu.memory_space<vmem>> -> memref<128x128xf32, #tpu.memory_space<vmem>>
      %dma_start3A_946 = arith.constant 0 : i32
      %dma_start3A_947 = tpu.memref_slice %arg8[%dma_start3A_940, %dma_start3A_941, %dma_start3A_946] : memref<2x8x128xi32, #tpu.memory_space<vmem>> -> memref<1x1x128xi32, #tpu.memory_space<vmem>>
      %dma_start3A_948 = tpu.memref_squeeze %dma_start3A_947 : memref<1x1x128xi32, #tpu.memory_space<vmem>> -> memref<128xi32, #tpu.memory_space<vmem>>
      %dma_start3A_949 = arith.constant 0 : i32
      %dma_start3A_950 = arith.constant 0 : i32
      %dma_start3A_951 = tpu.memref_slice %arg10[%dma_start3A_949, %dma_start3A_950] : memref<10112x128xf32, #tpu.memory_space<vmem_shared>> -> memref<10112x128xf32, #tpu.memory_space<vmem_shared>>
      tpu.enqueue_indirect_dma source(%dma_start3A_945 : memref<128x128xf32, #tpu.memory_space<vmem>>) target(%dma_start3A_951 : memref<10112x128xf32, #tpu.memory_space<vmem_shared>>) offsets(%dma_start3A_948 : memref<128xi32, #tpu.memory_space<vmem>>) semaphore(%arg15 : memref<!tpu.dma_semaphore, #tpu.memory_space<semaphore_mem>>) {add = true}
      %dma_start3A_952 = arith.constant 1 : i32
      %dma_start3A_953 = arith.constant 7 : i32
      %dma_start3A_954 = arith.constant 1 : i32
      %dma_start3A_955 = arith.constant 0 : i32
      %dma_start3A_956 = arith.constant 0 : i32
      %dma_start3A_957 = tpu.memref_slice %arg9[%dma_start3A_954, %dma_start3A_955, %dma_start3A_956] : memref<2x128x128xf32, #tpu.memory_space<vmem>> -> memref<1x128x128xf32, #tpu.memory_space<vmem>>
      %dma_start3A_958 = tpu.memref_squeeze %dma_start3A_957 : memref<1x128x128xf32, #tpu.memory_space<vmem>> -> memref<128x128xf32, #tpu.memory_space<vmem>>
      %dma_start3A_959 = arith.constant 0 : i32
      %dma_start3A_960 = tpu.memref_slice %arg7[%dma_start3A_952, %dma_start3A_953, %dma_start3A_959] : memref<2x8x128xi32, #tpu.memory_space<vmem>> -> memref<1x1x128xi32, #tpu.memory_space<vmem>>
      %dma_start3A_961 = tpu.memref_squeeze %dma_start3A_960 : memref<1x1x128xi32, #tpu.memory_space<vmem>> -> memref<128xi32, #tpu.memory_space<vmem>>
      %dma_start3A_962 = arith.constant 0 : i32
      %dma_start3A_963 = arith.constant 0 : i32
      %dma_start3A_964 = tpu.memref_slice %arg2[%dma_start3A_962, %dma_start3A_963] : memref<10000x128xf32, #tpu.memory_space<hbm>> -> memref<10000x128xf32, #tpu.memory_space<hbm>>
      tpu.enqueue_indirect_dma source(%dma_start3A_964 : memref<10000x128xf32, #tpu.memory_space<hbm>>) target(%dma_start3A_958 : memref<128x128xf32, #tpu.memory_space<vmem>>) offsets(%dma_start3A_961 : memref<128xi32, #tpu.memory_space<vmem>>) semaphore(%arg12 : memref<!tpu.dma_semaphore, #tpu.memory_space<semaphore_mem>>)
      %dma_wait3A_965 = arith.constant 0 : i32
      %dma_wait3A_966 = arith.constant 1 : i32
      %dma_wait3A_967 = arith.constant 6 : i32
      %dma_wait3A_968 = arith.constant 0 : i32
      %dma_wait3A_969 = arith.constant 0 : i32
      %dma_wait3A_970 = tpu.memref_slice %arg9[%dma_wait3A_965, %dma_wait3A_968, %dma_wait3A_969] : memref<2x128x128xf32, #tpu.memory_space<vmem>> -> memref<1x128x128xf32, #tpu.memory_space<vmem>>
      %dma_wait3A_971 = tpu.memref_squeeze %dma_wait3A_970 : memref<1x128x128xf32, #tpu.memory_space<vmem>> -> memref<128x128xf32, #tpu.memory_space<vmem>>
      %dma_wait3A_972 = arith.constant 0 : i32
      %dma_wait3A_973 = tpu.memref_slice %arg8[%dma_wait3A_966, %dma_wait3A_967, %dma_wait3A_972] : memref<2x8x128xi32, #tpu.memory_space<vmem>> -> memref<1x1x128xi32, #tpu.memory_space<vmem>>
      %dma_wait3A_974 = tpu.memref_squeeze %dma_wait3A_973 : memref<1x1x128xi32, #tpu.memory_space<vmem>> -> memref<128xi32, #tpu.memory_space<vmem>>
      %dma_wait3A_975 = arith.constant 0 : i32
      %dma_wait3A_976 = arith.constant 0 : i32
      %dma_wait3A_977 = tpu.memref_slice %arg10[%dma_wait3A_975, %dma_wait3A_976] : memref<10112x128xf32, #tpu.memory_space<vmem_shared>> -> memref<10112x128xf32, #tpu.memory_space<vmem_shared>>
      tpu.wait_indirect_dma semaphore(%arg15 : memref<!tpu.dma_semaphore, #tpu.memory_space<semaphore_mem>>) src(%dma_wait3A_971 : memref<128x128xf32, #tpu.memory_space<vmem>>) dst(%dma_wait3A_977 : memref<10112x128xf32, #tpu.memory_space<vmem_shared>>)
      %dma_wait3A_978 = arith.constant 1 : i32
      %dma_wait3A_979 = arith.constant 7 : i32
      %dma_wait3A_980 = arith.constant 1 : i32
      %dma_wait3A_981 = arith.constant 0 : i32
      %dma_wait3A_982 = arith.constant 0 : i32
      %dma_wait3A_983 = tpu.memref_slice %arg9[%dma_wait3A_980, %dma_wait3A_981, %dma_wait3A_982] : memref<2x128x128xf32, #tpu.memory_space<vmem>> -> memref<1x128x128xf32, #tpu.memory_space<vmem>>
      %dma_wait3A_984 = tpu.memref_squeeze %dma_wait3A_983 : memref<1x128x128xf32, #tpu.memory_space<vmem>> -> memref<128x128xf32, #tpu.memory_space<vmem>>
      %dma_wait3A_985 = arith.constant 0 : i32
      %dma_wait3A_986 = tpu.memref_slice %arg7[%dma_wait3A_978, %dma_wait3A_979, %dma_wait3A_985] : memref<2x8x128xi32, #tpu.memory_space<vmem>> -> memref<1x1x128xi32, #tpu.memory_space<vmem>>
      %dma_wait3A_987 = tpu.memref_squeeze %dma_wait3A_986 : memref<1x1x128xi32, #tpu.memory_space<vmem>> -> memref<128xi32, #tpu.memory_space<vmem>>
      %dma_wait3A_988 = arith.constant 0 : i32
      %dma_wait3A_989 = arith.constant 0 : i32
      %dma_wait3A_990 = tpu.memref_slice %arg2[%dma_wait3A_988, %dma_wait3A_989] : memref<10000x128xf32, #tpu.memory_space<hbm>> -> memref<10000x128xf32, #tpu.memory_space<hbm>>
      tpu.wait_indirect_dma semaphore(%arg12 : memref<!tpu.dma_semaphore, #tpu.memory_space<semaphore_mem>>) src(%dma_wait3A_990 : memref<10000x128xf32, #tpu.memory_space<hbm>>) dst(%dma_wait3A_984 : memref<128x128xf32, #tpu.memory_space<vmem>>)
      %dma_start3A_991 = arith.constant 1 : i32
      %dma_start3A_992 = arith.constant 1 : i32
      %dma_start3A_993 = arith.constant 7 : i32
      %dma_start3A_994 = arith.constant 0 : i32
      %dma_start3A_995 = arith.constant 0 : i32
      %dma_start3A_996 = tpu.memref_slice %arg9[%dma_start3A_991, %dma_start3A_994, %dma_start3A_995] : memref<2x128x128xf32, #tpu.memory_space<vmem>> -> memref<1x128x128xf32, #tpu.memory_space<vmem>>
      %dma_start3A_997 = tpu.memref_squeeze %dma_start3A_996 : memref<1x128x128xf32, #tpu.memory_space<vmem>> -> memref<128x128xf32, #tpu.memory_space<vmem>>
      %dma_start3A_998 = arith.constant 0 : i32
      %dma_start3A_999 = tpu.memref_slice %arg8[%dma_start3A_992, %dma_start3A_993, %dma_start3A_998] : memref<2x8x128xi32, #tpu.memory_space<vmem>> -> memref<1x1x128xi32, #tpu.memory_space<vmem>>
      %dma_start3A_1000 = tpu.memref_squeeze %dma_start3A_999 : memref<1x1x128xi32, #tpu.memory_space<vmem>> -> memref<128xi32, #tpu.memory_space<vmem>>
      %dma_start3A_1001 = arith.constant 0 : i32
      %dma_start3A_1002 = arith.constant 0 : i32
      %dma_start3A_1003 = tpu.memref_slice %arg10[%dma_start3A_1001, %dma_start3A_1002] : memref<10112x128xf32, #tpu.memory_space<vmem_shared>> -> memref<10112x128xf32, #tpu.memory_space<vmem_shared>>
      tpu.enqueue_indirect_dma source(%dma_start3A_997 : memref<128x128xf32, #tpu.memory_space<vmem>>) target(%dma_start3A_1003 : memref<10112x128xf32, #tpu.memory_space<vmem_shared>>) offsets(%dma_start3A_1000 : memref<128xi32, #tpu.memory_space<vmem>>) semaphore(%arg15 : memref<!tpu.dma_semaphore, #tpu.memory_space<semaphore_mem>>) {add = true}
      %add3A_1004 = arith.constant 1 : i32
      %add3A_1005 = arith.addi %add3A_613, %add3A_1004 : i32
      %mul3A_1006 = arith.constant 8 : i32
      %mul3A_1007 = arith.muli %add3A_1005, %mul3A_1006 : i32
      %multiple_of3A_1008 = tpu.assume_multiple %mul3A_1007, 8 : i32
      %dma_wait3A_1009 = arith.constant 0 : i32
      %dma_wait3A_1010 = arith.constant 0 : i32
      %dma_wait3A_1011 = arith.constant 0 : i32
      %dma_wait3A_1012 = tpu.memref_slice %arg7[%dma_wait3A_1009, %dma_wait3A_1010, %dma_wait3A_1011] : memref<2x8x128xi32, #tpu.memory_space<vmem>> -> memref<1x8x128xi32, #tpu.memory_space<vmem>>
      %dma_wait3A_1013 = tpu.memref_squeeze %dma_wait3A_1012 : memref<1x8x128xi32, #tpu.memory_space<vmem>> -> memref<8x128xi32, #tpu.memory_space<vmem>>
      %dma_wait3A_1014 = arith.constant 0 : i32
      %dma_wait3A_1015 = tpu.memref_slice %arg3[%add3A, %multiple_of3A_1008, %dma_wait3A_1014] : memref<32x96x128xi32, #tpu.memory_space<hbm>> -> memref<1x8x128xi32, #tpu.memory_space<hbm>>
      %dma_wait3A_1016 = tpu.memref_squeeze %dma_wait3A_1015 : memref<1x8x128xi32, #tpu.memory_space<hbm>> -> memref<8x128xi32, #tpu.memory_space<hbm>>
      %dma_wait3A_1017 = arith.constant 0 : i32
      %dma_wait3A_1018 = arith.constant 0 : i32
      %dma_wait3A_1019 = tpu.memref_slice %arg7[%dma_wait3A_1009, %dma_wait3A_1017, %dma_wait3A_1018] : memref<2x8x128xi32, #tpu.memory_space<vmem>> -> memref<1x8x128xi32, #tpu.memory_space<vmem>>
      %dma_wait3A_1020 = tpu.memref_squeeze %dma_wait3A_1019 : memref<1x8x128xi32, #tpu.memory_space<vmem>> -> memref<8x128xi32, #tpu.memory_space<vmem>>
      %dma_wait3A_1021 = arith.constant 0 : i32
      %dma_wait3A_1022 = tpu.memref_slice %arg3[%add3A, %multiple_of3A_1008, %dma_wait3A_1021] : memref<32x96x128xi32, #tpu.memory_space<hbm>> -> memref<1x8x128xi32, #tpu.memory_space<hbm>>
      %dma_wait3A_1023 = tpu.memref_squeeze %dma_wait3A_1022 : memref<1x8x128xi32, #tpu.memory_space<hbm>> -> memref<8x128xi32, #tpu.memory_space<hbm>>
      tpu.wait_dma2 semaphore(%arg13 : memref<!tpu.dma_semaphore, #tpu.memory_space<semaphore_mem>>) src(%dma_wait3A_1023 : memref<8x128xi32, #tpu.memory_space<hbm>>) dst(%dma_wait3A_1020 : memref<8x128xi32, #tpu.memory_space<vmem>>)
      %add3A_1024 = arith.constant 1 : i32
      %add3A_1025 = arith.addi %add3A_613, %add3A_1024 : i32
      %mul3A_1026 = arith.constant 8 : i32
      %mul3A_1027 = arith.muli %add3A_1025, %mul3A_1026 : i32
      %multiple_of3A_1028 = tpu.assume_multiple %mul3A_1027, 8 : i32
      %dma_wait3A_1029 = arith.constant 0 : i32
      %dma_wait3A_1030 = arith.constant 0 : i32
      %dma_wait3A_1031 = arith.constant 0 : i32
      %dma_wait3A_1032 = tpu.memref_slice %arg8[%dma_wait3A_1029, %dma_wait3A_1030, %dma_wait3A_1031] : memref<2x8x128xi32, #tpu.memory_space<vmem>> -> memref<1x8x128xi32, #tpu.memory_space<vmem>>
      %dma_wait3A_1033 = tpu.memref_squeeze %dma_wait3A_1032 : memref<1x8x128xi32, #tpu.memory_space<vmem>> -> memref<8x128xi32, #tpu.memory_space<vmem>>
      %dma_wait3A_1034 = arith.constant 0 : i32
      %dma_wait3A_1035 = tpu.memref_slice %arg4[%add3A, %multiple_of3A_1028, %dma_wait3A_1034] : memref<32x96x128xi32, #tpu.memory_space<hbm>> -> memref<1x8x128xi32, #tpu.memory_space<hbm>>
      %dma_wait3A_1036 = tpu.memref_squeeze %dma_wait3A_1035 : memref<1x8x128xi32, #tpu.memory_space<hbm>> -> memref<8x128xi32, #tpu.memory_space<hbm>>
      %dma_wait3A_1037 = arith.constant 0 : i32
      %dma_wait3A_1038 = arith.constant 0 : i32
      %dma_wait3A_1039 = tpu.memref_slice %arg8[%dma_wait3A_1029, %dma_wait3A_1037, %dma_wait3A_1038] : memref<2x8x128xi32, #tpu.memory_space<vmem>> -> memref<1x8x128xi32, #tpu.memory_space<vmem>>
      %dma_wait3A_1040 = tpu.memref_squeeze %dma_wait3A_1039 : memref<1x8x128xi32, #tpu.memory_space<vmem>> -> memref<8x128xi32, #tpu.memory_space<vmem>>
      %dma_wait3A_1041 = arith.constant 0 : i32
      %dma_wait3A_1042 = tpu.memref_slice %arg4[%add3A, %multiple_of3A_1028, %dma_wait3A_1041] : memref<32x96x128xi32, #tpu.memory_space<hbm>> -> memref<1x8x128xi32, #tpu.memory_space<hbm>>
      %dma_wait3A_1043 = tpu.memref_squeeze %dma_wait3A_1042 : memref<1x8x128xi32, #tpu.memory_space<hbm>> -> memref<8x128xi32, #tpu.memory_space<hbm>>
      tpu.wait_dma2 semaphore(%arg13 : memref<!tpu.dma_semaphore, #tpu.memory_space<semaphore_mem>>) src(%dma_wait3A_1043 : memref<8x128xi32, #tpu.memory_space<hbm>>) dst(%dma_wait3A_1040 : memref<8x128xi32, #tpu.memory_space<vmem>>)
      %dma_start3A_1044 = arith.constant 0 : i32
      %dma_start3A_1045 = arith.constant 0 : i32
      %dma_start3A_1046 = arith.constant 0 : i32
      %dma_start3A_1047 = arith.constant 0 : i32
      %dma_start3A_1048 = arith.constant 0 : i32
      %dma_start3A_1049 = tpu.memref_slice %arg9[%dma_start3A_1046, %dma_start3A_1047, %dma_start3A_1048] : memref<2x128x128xf32, #tpu.memory_space<vmem>> -> memref<1x128x128xf32, #tpu.memory_space<vmem>>
      %dma_start3A_1050 = tpu.memref_squeeze %dma_start3A_1049 : memref<1x128x128xf32, #tpu.memory_space<vmem>> -> memref<128x128xf32, #tpu.memory_space<vmem>>
      %dma_start3A_1051 = arith.constant 0 : i32
      %dma_start3A_1052 = tpu.memref_slice %arg7[%dma_start3A_1044, %dma_start3A_1045, %dma_start3A_1051] : memref<2x8x128xi32, #tpu.memory_space<vmem>> -> memref<1x1x128xi32, #tpu.memory_space<vmem>>
      %dma_start3A_1053 = tpu.memref_squeeze %dma_start3A_1052 : memref<1x1x128xi32, #tpu.memory_space<vmem>> -> memref<128xi32, #tpu.memory_space<vmem>>
      %dma_start3A_1054 = arith.constant 0 : i32
      %dma_start3A_1055 = arith.constant 0 : i32
      %dma_start3A_1056 = tpu.memref_slice %arg2[%dma_start3A_1054, %dma_start3A_1055] : memref<10000x128xf32, #tpu.memory_space<hbm>> -> memref<10000x128xf32, #tpu.memory_space<hbm>>
      tpu.enqueue_indirect_dma source(%dma_start3A_1056 : memref<10000x128xf32, #tpu.memory_space<hbm>>) target(%dma_start3A_1050 : memref<128x128xf32, #tpu.memory_space<vmem>>) offsets(%dma_start3A_1053 : memref<128xi32, #tpu.memory_space<vmem>>) semaphore(%arg11 : memref<!tpu.dma_semaphore, #tpu.memory_space<semaphore_mem>>)
      %dma_wait3A_1057 = arith.constant 1 : i32
      %dma_wait3A_1058 = arith.constant 1 : i32
      %dma_wait3A_1059 = arith.constant 7 : i32
      %dma_wait3A_1060 = arith.constant 0 : i32
      %dma_wait3A_1061 = arith.constant 0 : i32
      %dma_wait3A_1062 = tpu.memref_slice %arg9[%dma_wait3A_1057, %dma_wait3A_1060, %dma_wait3A_1061] : memref<2x128x128xf32, #tpu.memory_space<vmem>> -> memref<1x128x128xf32, #tpu.memory_space<vmem>>
      %dma_wait3A_1063 = tpu.memref_squeeze %dma_wait3A_1062 : memref<1x128x128xf32, #tpu.memory_space<vmem>> -> memref<128x128xf32, #tpu.memory_space<vmem>>
      %dma_wait3A_1064 = arith.constant 0 : i32
      %dma_wait3A_1065 = tpu.memref_slice %arg8[%dma_wait3A_1058, %dma_wait3A_1059, %dma_wait3A_1064] : memref<2x8x128xi32, #tpu.memory_space<vmem>> -> memref<1x1x128xi32, #tpu.memory_space<vmem>>
      %dma_wait3A_1066 = tpu.memref_squeeze %dma_wait3A_1065 : memref<1x1x128xi32, #tpu.memory_space<vmem>> -> memref<128xi32, #tpu.memory_space<vmem>>
      %dma_wait3A_1067 = arith.constant 0 : i32
      %dma_wait3A_1068 = arith.constant 0 : i32
      %dma_wait3A_1069 = tpu.memref_slice %arg10[%dma_wait3A_1067, %dma_wait3A_1068] : memref<10112x128xf32, #tpu.memory_space<vmem_shared>> -> memref<10112x128xf32, #tpu.memory_space<vmem_shared>>
      tpu.wait_indirect_dma semaphore(%arg15 : memref<!tpu.dma_semaphore, #tpu.memory_space<semaphore_mem>>) src(%dma_wait3A_1063 : memref<128x128xf32, #tpu.memory_space<vmem>>) dst(%dma_wait3A_1069 : memref<10112x128xf32, #tpu.memory_space<vmem_shared>>)
      %add3A_1070 = arith.constant 2 : i32
      %add3A_1071 = arith.addi %add3A_613, %add3A_1070 : i32
      %mul3A_1072 = arith.constant 8 : i32
      %mul3A_1073 = arith.muli %add3A_1071, %mul3A_1072 : i32
      %multiple_of3A_1074 = tpu.assume_multiple %mul3A_1073, 8 : i32
      %dma_start3A_1075 = arith.constant 1 : i32
      %dma_start3A_1076 = arith.constant 0 : i32
      %dma_start3A_1077 = arith.constant 0 : i32
      %dma_start3A_1078 = tpu.memref_slice %arg7[%dma_start3A_1075, %dma_start3A_1076, %dma_start3A_1077] : memref<2x8x128xi32, #tpu.memory_space<vmem>> -> memref<1x8x128xi32, #tpu.memory_space<vmem>>
      %dma_start3A_1079 = tpu.memref_squeeze %dma_start3A_1078 : memref<1x8x128xi32, #tpu.memory_space<vmem>> -> memref<8x128xi32, #tpu.memory_space<vmem>>
      %dma_start3A_1080 = arith.constant 0 : i32
      %dma_start3A_1081 = tpu.memref_slice %arg3[%add3A, %multiple_of3A_1074, %dma_start3A_1080] : memref<32x96x128xi32, #tpu.memory_space<hbm>> -> memref<1x8x128xi32, #tpu.memory_space<hbm>>
      %dma_start3A_1082 = tpu.memref_squeeze %dma_start3A_1081 : memref<1x8x128xi32, #tpu.memory_space<hbm>> -> memref<8x128xi32, #tpu.memory_space<hbm>>
      %dma_start3A_1083 = arith.constant 0 : i32
      %dma_start3A_1084 = arith.constant 0 : i32
      %dma_start3A_1085 = tpu.memref_slice %arg7[%dma_start3A_1075, %dma_start3A_1083, %dma_start3A_1084] : memref<2x8x128xi32, #tpu.memory_space<vmem>> -> memref<1x8x128xi32, #tpu.memory_space<vmem>>
      %dma_start3A_1086 = tpu.memref_squeeze %dma_start3A_1085 : memref<1x8x128xi32, #tpu.memory_space<vmem>> -> memref<8x128xi32, #tpu.memory_space<vmem>>
      %dma_start3A_1087 = arith.constant 0 : i32
      %dma_start3A_1088 = tpu.memref_slice %arg3[%add3A, %multiple_of3A_1074, %dma_start3A_1087] : memref<32x96x128xi32, #tpu.memory_space<hbm>> -> memref<1x8x128xi32, #tpu.memory_space<hbm>>
      %dma_start3A_1089 = tpu.memref_squeeze %dma_start3A_1088 : memref<1x8x128xi32, #tpu.memory_space<hbm>> -> memref<8x128xi32, #tpu.memory_space<hbm>>
      tpu.enqueue_dma source(%dma_start3A_1089 : memref<8x128xi32, #tpu.memory_space<hbm>>) target(%dma_start3A_1086 : memref<8x128xi32, #tpu.memory_space<vmem>>) target_semaphore(%arg14 : memref<!tpu.dma_semaphore, #tpu.memory_space<semaphore_mem>>)
      %add3A_1090 = arith.constant 2 : i32
      %add3A_1091 = arith.addi %add3A_613, %add3A_1090 : i32
      %mul3A_1092 = arith.constant 8 : i32
      %mul3A_1093 = arith.muli %add3A_1091, %mul3A_1092 : i32
      %multiple_of3A_1094 = tpu.assume_multiple %mul3A_1093, 8 : i32
      %dma_start3A_1095 = arith.constant 1 : i32
      %dma_start3A_1096 = arith.constant 0 : i32
      %dma_start3A_1097 = arith.constant 0 : i32
      %dma_start3A_1098 = tpu.memref_slice %arg8[%dma_start3A_1095, %dma_start3A_1096, %dma_start3A_1097] : memref<2x8x128xi32, #tpu.memory_space<vmem>> -> memref<1x8x128xi32, #tpu.memory_space<vmem>>
      %dma_start3A_1099 = tpu.memref_squeeze %dma_start3A_1098 : memref<1x8x128xi32, #tpu.memory_space<vmem>> -> memref<8x128xi32, #tpu.memory_space<vmem>>
      %dma_start3A_1100 = arith.constant 0 : i32
      %dma_start3A_1101 = tpu.memref_slice %arg4[%add3A, %multiple_of3A_1094, %dma_start3A_1100] : memref<32x96x128xi32, #tpu.memory_space<hbm>> -> memref<1x8x128xi32, #tpu.memory_space<hbm>>
      %dma_start3A_1102 = tpu.memref_squeeze %dma_start3A_1101 : memref<1x8x128xi32, #tpu.memory_space<hbm>> -> memref<8x128xi32, #tpu.memory_space<hbm>>
      %dma_start3A_1103 = arith.constant 0 : i32
      %dma_start3A_1104 = arith.constant 0 : i32
      %dma_start3A_1105 = tpu.memref_slice %arg8[%dma_start3A_1095, %dma_start3A_1103, %dma_start3A_1104] : memref<2x8x128xi32, #tpu.memory_space<vmem>> -> memref<1x8x128xi32, #tpu.memory_space<vmem>>
      %dma_start3A_1106 = tpu.memref_squeeze %dma_start3A_1105 : memref<1x8x128xi32, #tpu.memory_space<vmem>> -> memref<8x128xi32, #tpu.memory_space<vmem>>
      %dma_start3A_1107 = arith.constant 0 : i32
      %dma_start3A_1108 = tpu.memref_slice %arg4[%add3A, %multiple_of3A_1094, %dma_start3A_1107] : memref<32x96x128xi32, #tpu.memory_space<hbm>> -> memref<1x8x128xi32, #tpu.memory_space<hbm>>
      %dma_start3A_1109 = tpu.memref_squeeze %dma_start3A_1108 : memref<1x8x128xi32, #tpu.memory_space<hbm>> -> memref<8x128xi32, #tpu.memory_space<hbm>>
      tpu.enqueue_dma source(%dma_start3A_1109 : memref<8x128xi32, #tpu.memory_space<hbm>>) target(%dma_start3A_1106 : memref<8x128xi32, #tpu.memory_space<vmem>>) target_semaphore(%arg14 : memref<!tpu.dma_semaphore, #tpu.memory_space<semaphore_mem>>)
    }
    %scan3A_57 = arith.constant 5 : i32
    %dma_wait3A = arith.constant 0 : i32
    %dma_wait3A_58 = arith.constant 0 : i32
    %dma_wait3A_59 = arith.constant 0 : i32
    %dma_wait3A_60 = arith.constant 0 : i32
    %dma_wait3A_61 = arith.constant 0 : i32
    %dma_wait3A_62 = tpu.memref_slice %arg9[%dma_wait3A_59, %dma_wait3A_60, %dma_wait3A_61] : memref<2x128x128xf32, #tpu.memory_space<vmem>> -> memref<1x128x128xf32, #tpu.memory_space<vmem>>
    %dma_wait3A_63 = tpu.memref_squeeze %dma_wait3A_62 : memref<1x128x128xf32, #tpu.memory_space<vmem>> -> memref<128x128xf32, #tpu.memory_space<vmem>>
    %dma_wait3A_64 = arith.constant 0 : i32
    %dma_wait3A_65 = tpu.memref_slice %arg7[%dma_wait3A, %dma_wait3A_58, %dma_wait3A_64] : memref<2x8x128xi32, #tpu.memory_space<vmem>> -> memref<1x1x128xi32, #tpu.memory_space<vmem>>
    %dma_wait3A_66 = tpu.memref_squeeze %dma_wait3A_65 : memref<1x1x128xi32, #tpu.memory_space<vmem>> -> memref<128xi32, #tpu.memory_space<vmem>>
    %dma_wait3A_67 = arith.constant 0 : i32
    %dma_wait3A_68 = arith.constant 0 : i32
    %dma_wait3A_69 = tpu.memref_slice %arg2[%dma_wait3A_67, %dma_wait3A_68] : memref<10000x128xf32, #tpu.memory_space<hbm>> -> memref<10000x128xf32, #tpu.memory_space<hbm>>
    tpu.wait_indirect_dma semaphore(%arg11 : memref<!tpu.dma_semaphore, #tpu.memory_space<semaphore_mem>>) src(%dma_wait3A_69 : memref<10000x128xf32, #tpu.memory_space<hbm>>) dst(%dma_wait3A_63 : memref<128x128xf32, #tpu.memory_space<vmem>>)
    %multiple_of3A_70 = arith.constant 88 : i32
    %multiple_of3A_71 = tpu.assume_multiple %multiple_of3A_70, 8 : i32
    %dma_wait3A_72 = arith.constant 1 : i32
    %dma_wait3A_73 = arith.constant 0 : i32
    %dma_wait3A_74 = arith.constant 0 : i32
    %dma_wait3A_75 = tpu.memref_slice %arg7[%dma_wait3A_72, %dma_wait3A_73, %dma_wait3A_74] : memref<2x8x128xi32, #tpu.memory_space<vmem>> -> memref<1x8x128xi32, #tpu.memory_space<vmem>>
    %dma_wait3A_76 = tpu.memref_squeeze %dma_wait3A_75 : memref<1x8x128xi32, #tpu.memory_space<vmem>> -> memref<8x128xi32, #tpu.memory_space<vmem>>
    %dma_wait3A_77 = arith.constant 0 : i32
    %dma_wait3A_78 = tpu.memref_slice %arg3[%add3A, %multiple_of3A_71, %dma_wait3A_77] : memref<32x96x128xi32, #tpu.memory_space<hbm>> -> memref<1x8x128xi32, #tpu.memory_space<hbm>>
    %dma_wait3A_79 = tpu.memref_squeeze %dma_wait3A_78 : memref<1x8x128xi32, #tpu.memory_space<hbm>> -> memref<8x128xi32, #tpu.memory_space<hbm>>
    %dma_wait3A_80 = arith.constant 0 : i32
    %dma_wait3A_81 = arith.constant 0 : i32
    %dma_wait3A_82 = tpu.memref_slice %arg7[%dma_wait3A_72, %dma_wait3A_80, %dma_wait3A_81] : memref<2x8x128xi32, #tpu.memory_space<vmem>> -> memref<1x8x128xi32, #tpu.memory_space<vmem>>
    %dma_wait3A_83 = tpu.memref_squeeze %dma_wait3A_82 : memref<1x8x128xi32, #tpu.memory_space<vmem>> -> memref<8x128xi32, #tpu.memory_space<vmem>>
    %dma_wait3A_84 = arith.constant 0 : i32
    %dma_wait3A_85 = tpu.memref_slice %arg3[%add3A, %multiple_of3A_71, %dma_wait3A_84] : memref<32x96x128xi32, #tpu.memory_space<hbm>> -> memref<1x8x128xi32, #tpu.memory_space<hbm>>
    %dma_wait3A_86 = tpu.memref_squeeze %dma_wait3A_85 : memref<1x8x128xi32, #tpu.memory_space<hbm>> -> memref<8x128xi32, #tpu.memory_space<hbm>>
    tpu.wait_dma2 semaphore(%arg14 : memref<!tpu.dma_semaphore, #tpu.memory_space<semaphore_mem>>) src(%dma_wait3A_86 : memref<8x128xi32, #tpu.memory_space<hbm>>) dst(%dma_wait3A_83 : memref<8x128xi32, #tpu.memory_space<vmem>>)
    %multiple_of3A_87 = arith.constant 88 : i32
    %multiple_of3A_88 = tpu.assume_multiple %multiple_of3A_87, 8 : i32
    %dma_wait3A_89 = arith.constant 1 : i32
    %dma_wait3A_90 = arith.constant 0 : i32
    %dma_wait3A_91 = arith.constant 0 : i32
    %dma_wait3A_92 = tpu.memref_slice %arg8[%dma_wait3A_89, %dma_wait3A_90, %dma_wait3A_91] : memref<2x8x128xi32, #tpu.memory_space<vmem>> -> memref<1x8x128xi32, #tpu.memory_space<vmem>>
    %dma_wait3A_93 = tpu.memref_squeeze %dma_wait3A_92 : memref<1x8x128xi32, #tpu.memory_space<vmem>> -> memref<8x128xi32, #tpu.memory_space<vmem>>
    %dma_wait3A_94 = arith.constant 0 : i32
    %dma_wait3A_95 = tpu.memref_slice %arg4[%add3A, %multiple_of3A_88, %dma_wait3A_94] : memref<32x96x128xi32, #tpu.memory_space<hbm>> -> memref<1x8x128xi32, #tpu.memory_space<hbm>>
    %dma_wait3A_96 = tpu.memref_squeeze %dma_wait3A_95 : memref<1x8x128xi32, #tpu.memory_space<hbm>> -> memref<8x128xi32, #tpu.memory_space<hbm>>
    %dma_wait3A_97 = arith.constant 0 : i32
    %dma_wait3A_98 = arith.constant 0 : i32
    %dma_wait3A_99 = tpu.memref_slice %arg8[%dma_wait3A_89, %dma_wait3A_97, %dma_wait3A_98] : memref<2x8x128xi32, #tpu.memory_space<vmem>> -> memref<1x8x128xi32, #tpu.memory_space<vmem>>
    %dma_wait3A_100 = tpu.memref_squeeze %dma_wait3A_99 : memref<1x8x128xi32, #tpu.memory_space<vmem>> -> memref<8x128xi32, #tpu.memory_space<vmem>>
    %dma_wait3A_101 = arith.constant 0 : i32
    %dma_wait3A_102 = tpu.memref_slice %arg4[%add3A, %multiple_of3A_88, %dma_wait3A_101] : memref<32x96x128xi32, #tpu.memory_space<hbm>> -> memref<1x8x128xi32, #tpu.memory_space<hbm>>
    %dma_wait3A_103 = tpu.memref_squeeze %dma_wait3A_102 : memref<1x8x128xi32, #tpu.memory_space<hbm>> -> memref<8x128xi32, #tpu.memory_space<hbm>>
    tpu.wait_dma2 semaphore(%arg14 : memref<!tpu.dma_semaphore, #tpu.memory_space<semaphore_mem>>) src(%dma_wait3A_103 : memref<8x128xi32, #tpu.memory_space<hbm>>) dst(%dma_wait3A_100 : memref<8x128xi32, #tpu.memory_space<vmem>>)
    %barrier3A_104 = arith.constant 0 : index
    tpu.barrier barrier_id(%barrier3A_104)
    %mul3A_105 = arith.constant 632 : i32
    %mul3A_106 = arith.muli %arg1, %mul3A_105 : i32
    %mul3A_107 = arith.constant 632 : i32
    %mul3A_108 = arith.muli %arg1, %mul3A_107 : i32
    "tpu.region"() ({
      %run_scoped3A_109 = tpu.sem_alloc : memref<!tpu.dma_semaphore, #tpu.memory_space<semaphore_mem>>
      %dma_start3A_110 = arith.constant 0 : i32
      %dma_start3A_111 = tpu.memref_slice %arg6[%arg0, %mul3A_108, %dma_start3A_110] : memref<2x10112x128xf32, #tpu.memory_space<hbm>> -> memref<1x632x128xf32, #tpu.memory_space<hbm>>
      %dma_start3A_112 = tpu.memref_squeeze %dma_start3A_111 : memref<1x632x128xf32, #tpu.memory_space<hbm>> -> memref<632x128xf32, #tpu.memory_space<hbm>>
      %dma_start3A_113 = arith.constant 0 : i32
      %dma_start3A_114 = tpu.memref_slice %arg10[%mul3A_106, %dma_start3A_113] : memref<10112x128xf32, #tpu.memory_space<vmem_shared>> -> memref<632x128xf32, #tpu.memory_space<vmem_shared>>
      tpu.enqueue_dma source(%dma_start3A_114 : memref<632x128xf32, #tpu.memory_space<vmem_shared>>) target(%dma_start3A_112 : memref<632x128xf32, #tpu.memory_space<hbm>>) target_semaphore(%run_scoped3A_109 : memref<!tpu.dma_semaphore, #tpu.memory_space<semaphore_mem>>)
      %dma_wait3A_115 = arith.constant 0 : i32
      %dma_wait3A_116 = tpu.memref_slice %arg6[%arg0, %mul3A_108, %dma_wait3A_115] : memref<2x10112x128xf32, #tpu.memory_space<hbm>> -> memref<1x632x128xf32, #tpu.memory_space<hbm>>
      %dma_wait3A_117 = tpu.memref_squeeze %dma_wait3A_116 : memref<1x632x128xf32, #tpu.memory_space<hbm>> -> memref<632x128xf32, #tpu.memory_space<hbm>>
      %dma_wait3A_118 = arith.constant 0 : i32
      %dma_wait3A_119 = tpu.memref_slice %arg10[%mul3A_106, %dma_wait3A_118] : memref<10112x128xf32, #tpu.memory_space<vmem_shared>> -> memref<632x128xf32, #tpu.memory_space<vmem_shared>>
      tpu.wait_dma2 semaphore(%run_scoped3A_109 : memref<!tpu.dma_semaphore, #tpu.memory_space<semaphore_mem>>) src(%dma_wait3A_119 : memref<632x128xf32, #tpu.memory_space<vmem_shared>>) dst(%dma_wait3A_117 : memref<632x128xf32, #tpu.memory_space<hbm>>)
      tpu.yield
    }) : () -> ()
    return
  }
}

#map = affine_map<(d0, d1) -> (0, 0)>
#map1 = affine_map<(d0, d1) -> (0, 0, 0)>
module attributes {stable_mosaic.version = 14 : i64} {
  func.func @_sc_agg_body(%arg0: i32, %arg1: i32, %arg2: memref<10000x128xf32, #tpu.memory_space<hbm>>, %arg3: memref<32x96x128xi32, #tpu.memory_space<hbm>>, %arg4: memref<32x96x128xi32, #tpu.memory_space<hbm>>, %arg5: memref<632x128xf32, #tpu.memory_space<hbm>>, %arg6: memref<2x10112x128xf32, #tpu.memory_space<hbm>>, %arg7: memref<2x8x128xi32, #tpu.memory_space<vmem>>, %arg8: memref<2x8x128xi32, #tpu.memory_space<vmem>>, %arg9: memref<2x128x128xf32, #tpu.memory_space<vmem>>, %arg10: memref<10112x128xf32, #tpu.memory_space<vmem_shared>>, %arg11: memref<!tpu.dma_semaphore, #tpu.memory_space<semaphore_mem>>, %arg12: memref<!tpu.dma_semaphore, #tpu.memory_space<semaphore_mem>>, %arg13: memref<!tpu.dma_semaphore, #tpu.memory_space<semaphore_mem>>, %arg14: memref<!tpu.dma_semaphore, #tpu.memory_space<semaphore_mem>>, %arg15: memref<!tpu.dma_semaphore, #tpu.memory_space<semaphore_mem>>) attributes {dimension_semantics = [#tpu.dimension_semantics<core_parallel>, #tpu.dimension_semantics<subcore_parallel>], iteration_bounds = array<i64: 2, 16>, scalar_prefetch = 0 : i64, scratch_operands = 9 : i64, tpu.core_type = #tpu.core_type<sc_vector_subcore>, window_params = [{transform_indices = #map}, {transform_indices = #map1}, {transform_indices = #map1}, {transform_indices = #map}, {transform_indices = #map1}]} {
    %mul3A = arith.constant 16 : i32
    %mul3A_0 = arith.muli %arg0, %mul3A : i32
    %add3A = arith.addi %mul3A_0, %arg1 : i32
    %mul3A_1 = arith.constant 632 : i32
    %mul3A_2 = arith.muli %arg1, %mul3A_1 : i32
    "tpu.region"() ({
      %run_scoped3A_109 = tpu.sem_alloc : memref<!tpu.dma_semaphore, #tpu.memory_space<semaphore_mem>>
      %dma_start3A_110 = arith.constant 0 : i32
      %dma_start3A_111 = tpu.memref_slice %arg10[%mul3A_2, %dma_start3A_110] : memref<10112x128xf32, #tpu.memory_space<vmem_shared>> -> memref<632x128xf32, #tpu.memory_space<vmem_shared>>
      tpu.enqueue_dma source(%arg5 : memref<632x128xf32, #tpu.memory_space<hbm>>) target(%dma_start3A_111 : memref<632x128xf32, #tpu.memory_space<vmem_shared>>) target_semaphore(%run_scoped3A_109 : memref<!tpu.dma_semaphore, #tpu.memory_space<semaphore_mem>>)
      %dma_wait3A_112 = arith.constant 0 : i32
      %dma_wait3A_113 = tpu.memref_slice %arg10[%mul3A_2, %dma_wait3A_112] : memref<10112x128xf32, #tpu.memory_space<vmem_shared>> -> memref<632x128xf32, #tpu.memory_space<vmem_shared>>
      tpu.wait_dma2 semaphore(%run_scoped3A_109 : memref<!tpu.dma_semaphore, #tpu.memory_space<semaphore_mem>>) src(%arg5 : memref<632x128xf32, #tpu.memory_space<hbm>>) dst(%dma_wait3A_113 : memref<632x128xf32, #tpu.memory_space<vmem_shared>>)
      tpu.yield
    }) : () -> ()
    %multiple_of3A = arith.constant 0 : i32
    %multiple_of3A_3 = tpu.assume_multiple %multiple_of3A, 8 : i32
    %run_scoped3A = arith.constant 0 : i32
    "tpu.region"() ({
      %run_scoped3A_109 = tpu.sem_alloc : memref<!tpu.dma_semaphore, #tpu.memory_space<semaphore_mem>>
      %dma_start3A_110 = arith.constant 0 : i32
      %dma_start3A_111 = arith.constant 0 : i32
      %dma_start3A_112 = tpu.memref_slice %arg7[%run_scoped3A, %dma_start3A_110, %dma_start3A_111] : memref<2x8x128xi32, #tpu.memory_space<vmem>> -> memref<1x8x128xi32, #tpu.memory_space<vmem>>
      %dma_start3A_113 = tpu.memref_squeeze %dma_start3A_112 : memref<1x8x128xi32, #tpu.memory_space<vmem>> -> memref<8x128xi32, #tpu.memory_space<vmem>>
      %dma_start3A_114 = arith.constant 0 : i32
      %dma_start3A_115 = tpu.memref_slice %arg3[%add3A, %multiple_of3A_3, %dma_start3A_114] : memref<32x96x128xi32, #tpu.memory_space<hbm>> -> memref<1x8x128xi32, #tpu.memory_space<hbm>>
      %dma_start3A_116 = tpu.memref_squeeze %dma_start3A_115 : memref<1x8x128xi32, #tpu.memory_space<hbm>> -> memref<8x128xi32, #tpu.memory_space<hbm>>
      %dma_start3A_117 = arith.constant 0 : i32
      %dma_start3A_118 = arith.constant 0 : i32
      %dma_start3A_119 = tpu.memref_slice %arg7[%run_scoped3A, %dma_start3A_117, %dma_start3A_118] : memref<2x8x128xi32, #tpu.memory_space<vmem>> -> memref<1x8x128xi32, #tpu.memory_space<vmem>>
      %dma_start3A_120 = tpu.memref_squeeze %dma_start3A_119 : memref<1x8x128xi32, #tpu.memory_space<vmem>> -> memref<8x128xi32, #tpu.memory_space<vmem>>
      %dma_start3A_121 = arith.constant 0 : i32
      %dma_start3A_122 = tpu.memref_slice %arg3[%add3A, %multiple_of3A_3, %dma_start3A_121] : memref<32x96x128xi32, #tpu.memory_space<hbm>> -> memref<1x8x128xi32, #tpu.memory_space<hbm>>
      %dma_start3A_123 = tpu.memref_squeeze %dma_start3A_122 : memref<1x8x128xi32, #tpu.memory_space<hbm>> -> memref<8x128xi32, #tpu.memory_space<hbm>>
      tpu.enqueue_dma source(%dma_start3A_123 : memref<8x128xi32, #tpu.memory_space<hbm>>) target(%dma_start3A_120 : memref<8x128xi32, #tpu.memory_space<vmem>>) target_semaphore(%run_scoped3A_109 : memref<!tpu.dma_semaphore, #tpu.memory_space<semaphore_mem>>)
      %dma_wait3A_124 = arith.constant 0 : i32
      %dma_wait3A_125 = arith.constant 0 : i32
      %dma_wait3A_126 = tpu.memref_slice %arg7[%run_scoped3A, %dma_wait3A_124, %dma_wait3A_125] : memref<2x8x128xi32, #tpu.memory_space<vmem>> -> memref<1x8x128xi32, #tpu.memory_space<vmem>>
      %dma_wait3A_127 = tpu.memref_squeeze %dma_wait3A_126 : memref<1x8x128xi32, #tpu.memory_space<vmem>> -> memref<8x128xi32, #tpu.memory_space<vmem>>
      %dma_wait3A_128 = arith.constant 0 : i32
      %dma_wait3A_129 = tpu.memref_slice %arg3[%add3A, %multiple_of3A_3, %dma_wait3A_128] : memref<32x96x128xi32, #tpu.memory_space<hbm>> -> memref<1x8x128xi32, #tpu.memory_space<hbm>>
      %dma_wait3A_130 = tpu.memref_squeeze %dma_wait3A_129 : memref<1x8x128xi32, #tpu.memory_space<hbm>> -> memref<8x128xi32, #tpu.memory_space<hbm>>
      %dma_wait3A_131 = arith.constant 0 : i32
      %dma_wait3A_132 = arith.constant 0 : i32
      %dma_wait3A_133 = tpu.memref_slice %arg7[%run_scoped3A, %dma_wait3A_131, %dma_wait3A_132] : memref<2x8x128xi32, #tpu.memory_space<vmem>> -> memref<1x8x128xi32, #tpu.memory_space<vmem>>
      %dma_wait3A_134 = tpu.memref_squeeze %dma_wait3A_133 : memref<1x8x128xi32, #tpu.memory_space<vmem>> -> memref<8x128xi32, #tpu.memory_space<vmem>>
      %dma_wait3A_135 = arith.constant 0 : i32
      %dma_wait3A_136 = tpu.memref_slice %arg3[%add3A, %multiple_of3A_3, %dma_wait3A_135] : memref<32x96x128xi32, #tpu.memory_space<hbm>> -> memref<1x8x128xi32, #tpu.memory_space<hbm>>
      %dma_wait3A_137 = tpu.memref_squeeze %dma_wait3A_136 : memref<1x8x128xi32, #tpu.memory_space<hbm>> -> memref<8x128xi32, #tpu.memory_space<hbm>>
      tpu.wait_dma2 semaphore(%run_scoped3A_109 : memref<!tpu.dma_semaphore, #tpu.memory_space<semaphore_mem>>) src(%dma_wait3A_137 : memref<8x128xi32, #tpu.memory_space<hbm>>) dst(%dma_wait3A_134 : memref<8x128xi32, #tpu.memory_space<vmem>>)
      tpu.yield
    }) : () -> ()
    %multiple_of3A_4 = arith.constant 0 : i32
    %multiple_of3A_5 = tpu.assume_multiple %multiple_of3A_4, 8 : i32
    %run_scoped3A_6 = arith.constant 0 : i32
    "tpu.region"() ({
      %run_scoped3A_109 = tpu.sem_alloc : memref<!tpu.dma_semaphore, #tpu.memory_space<semaphore_mem>>
      %dma_start3A_110 = arith.constant 0 : i32
      %dma_start3A_111 = arith.constant 0 : i32
      %dma_start3A_112 = tpu.memref_slice %arg8[%run_scoped3A_6, %dma_start3A_110, %dma_start3A_111] : memref<2x8x128xi32, #tpu.memory_space<vmem>> -> memref<1x8x128xi32, #tpu.memory_space<vmem>>
      %dma_start3A_113 = tpu.memref_squeeze %dma_start3A_112 : memref<1x8x128xi32, #tpu.memory_space<vmem>> -> memref<8x128xi32, #tpu.memory_space<vmem>>
      %dma_start3A_114 = arith.constant 0 : i32
      %dma_start3A_115 = tpu.memref_slice %arg4[%add3A, %multiple_of3A_5, %dma_start3A_114] : memref<32x96x128xi32, #tpu.memory_space<hbm>> -> memref<1x8x128xi32, #tpu.memory_space<hbm>>
      %dma_start3A_116 = tpu.memref_squeeze %dma_start3A_115 : memref<1x8x128xi32, #tpu.memory_space<hbm>> -> memref<8x128xi32, #tpu.memory_space<hbm>>
      %dma_start3A_117 = arith.constant 0 : i32
      %dma_start3A_118 = arith.constant 0 : i32
      %dma_start3A_119 = tpu.memref_slice %arg8[%run_scoped3A_6, %dma_start3A_117, %dma_start3A_118] : memref<2x8x128xi32, #tpu.memory_space<vmem>> -> memref<1x8x128xi32, #tpu.memory_space<vmem>>
      %dma_start3A_120 = tpu.memref_squeeze %dma_start3A_119 : memref<1x8x128xi32, #tpu.memory_space<vmem>> -> memref<8x128xi32, #tpu.memory_space<vmem>>
      %dma_start3A_121 = arith.constant 0 : i32
      %dma_start3A_122 = tpu.memref_slice %arg4[%add3A, %multiple_of3A_5, %dma_start3A_121] : memref<32x96x128xi32, #tpu.memory_space<hbm>> -> memref<1x8x128xi32, #tpu.memory_space<hbm>>
      %dma_start3A_123 = tpu.memref_squeeze %dma_start3A_122 : memref<1x8x128xi32, #tpu.memory_space<hbm>> -> memref<8x128xi32, #tpu.memory_space<hbm>>
      tpu.enqueue_dma source(%dma_start3A_123 : memref<8x128xi32, #tpu.memory_space<hbm>>) target(%dma_start3A_120 : memref<8x128xi32, #tpu.memory_space<vmem>>) target_semaphore(%run_scoped3A_109 : memref<!tpu.dma_semaphore, #tpu.memory_space<semaphore_mem>>)
      %dma_wait3A_124 = arith.constant 0 : i32
      %dma_wait3A_125 = arith.constant 0 : i32
      %dma_wait3A_126 = tpu.memref_slice %arg8[%run_scoped3A_6, %dma_wait3A_124, %dma_wait3A_125] : memref<2x8x128xi32, #tpu.memory_space<vmem>> -> memref<1x8x128xi32, #tpu.memory_space<vmem>>
      %dma_wait3A_127 = tpu.memref_squeeze %dma_wait3A_126 : memref<1x8x128xi32, #tpu.memory_space<vmem>> -> memref<8x128xi32, #tpu.memory_space<vmem>>
      %dma_wait3A_128 = arith.constant 0 : i32
      %dma_wait3A_129 = tpu.memref_slice %arg4[%add3A, %multiple_of3A_5, %dma_wait3A_128] : memref<32x96x128xi32, #tpu.memory_space<hbm>> -> memref<1x8x128xi32, #tpu.memory_space<hbm>>
      %dma_wait3A_130 = tpu.memref_squeeze %dma_wait3A_129 : memref<1x8x128xi32, #tpu.memory_space<hbm>> -> memref<8x128xi32, #tpu.memory_space<hbm>>
      %dma_wait3A_131 = arith.constant 0 : i32
      %dma_wait3A_132 = arith.constant 0 : i32
      %dma_wait3A_133 = tpu.memref_slice %arg8[%run_scoped3A_6, %dma_wait3A_131, %dma_wait3A_132] : memref<2x8x128xi32, #tpu.memory_space<vmem>> -> memref<1x8x128xi32, #tpu.memory_space<vmem>>
      %dma_wait3A_134 = tpu.memref_squeeze %dma_wait3A_133 : memref<1x8x128xi32, #tpu.memory_space<vmem>> -> memref<8x128xi32, #tpu.memory_space<vmem>>
      %dma_wait3A_135 = arith.constant 0 : i32
      %dma_wait3A_136 = tpu.memref_slice %arg4[%add3A, %multiple_of3A_5, %dma_wait3A_135] : memref<32x96x128xi32, #tpu.memory_space<hbm>> -> memref<1x8x128xi32, #tpu.memory_space<hbm>>
      %dma_wait3A_137 = tpu.memref_squeeze %dma_wait3A_136 : memref<1x8x128xi32, #tpu.memory_space<hbm>> -> memref<8x128xi32, #tpu.memory_space<hbm>>
      tpu.wait_dma2 semaphore(%run_scoped3A_109 : memref<!tpu.dma_semaphore, #tpu.memory_space<semaphore_mem>>) src(%dma_wait3A_137 : memref<8x128xi32, #tpu.memory_space<hbm>>) dst(%dma_wait3A_134 : memref<8x128xi32, #tpu.memory_space<vmem>>)
      tpu.yield
    }) : () -> ()
    %barrier3A = arith.constant 0 : index
    tpu.barrier barrier_id(%barrier3A)
    %multiple_of3A_7 = arith.constant 8 : i32
    %multiple_of3A_8 = tpu.assume_multiple %multiple_of3A_7, 8 : i32
    %dma_start3A = arith.constant 1 : i32
    %dma_start3A_9 = arith.constant 0 : i32
    %dma_start3A_10 = arith.constant 0 : i32
    %dma_start3A_11 = tpu.memref_slice %arg7[%dma_start3A, %dma_start3A_9, %dma_start3A_10] : memref<2x8x128xi32, #tpu.memory_space<vmem>> -> memref<1x8x128xi32, #tpu.memory_space<vmem>>
    %dma_start3A_12 = tpu.memref_squeeze %dma_start3A_11 : memref<1x8x128xi32, #tpu.memory_space<vmem>> -> memref<8x128xi32, #tpu.memory_space<vmem>>
    %dma_start3A_13 = arith.constant 0 : i32
    %dma_start3A_14 = tpu.memref_slice %arg3[%add3A, %multiple_of3A_8, %dma_start3A_13] : memref<32x96x128xi32, #tpu.memory_space<hbm>> -> memref<1x8x128xi32, #tpu.memory_space<hbm>>
    %dma_start3A_15 = tpu.memref_squeeze %dma_start3A_14 : memref<1x8x128xi32, #tpu.memory_space<hbm>> -> memref<8x128xi32, #tpu.memory_space<hbm>>
    %dma_start3A_16 = arith.constant 0 : i32
    %dma_start3A_17 = arith.constant 0 : i32
    %dma_start3A_18 = tpu.memref_slice %arg7[%dma_start3A, %dma_start3A_16, %dma_start3A_17] : memref<2x8x128xi32, #tpu.memory_space<vmem>> -> memref<1x8x128xi32, #tpu.memory_space<vmem>>
    %dma_start3A_19 = tpu.memref_squeeze %dma_start3A_18 : memref<1x8x128xi32, #tpu.memory_space<vmem>> -> memref<8x128xi32, #tpu.memory_space<vmem>>
    %dma_start3A_20 = arith.constant 0 : i32
    %dma_start3A_21 = tpu.memref_slice %arg3[%add3A, %multiple_of3A_8, %dma_start3A_20] : memref<32x96x128xi32, #tpu.memory_space<hbm>> -> memref<1x8x128xi32, #tpu.memory_space<hbm>>
    %dma_start3A_22 = tpu.memref_squeeze %dma_start3A_21 : memref<1x8x128xi32, #tpu.memory_space<hbm>> -> memref<8x128xi32, #tpu.memory_space<hbm>>
    tpu.enqueue_dma source(%dma_start3A_22 : memref<8x128xi32, #tpu.memory_space<hbm>>) target(%dma_start3A_19 : memref<8x128xi32, #tpu.memory_space<vmem>>) target_semaphore(%arg14 : memref<!tpu.dma_semaphore, #tpu.memory_space<semaphore_mem>>)
    %multiple_of3A_23 = arith.constant 8 : i32
    %multiple_of3A_24 = tpu.assume_multiple %multiple_of3A_23, 8 : i32
    %dma_start3A_25 = arith.constant 1 : i32
    %dma_start3A_26 = arith.constant 0 : i32
    %dma_start3A_27 = arith.constant 0 : i32
    %dma_start3A_28 = tpu.memref_slice %arg8[%dma_start3A_25, %dma_start3A_26, %dma_start3A_27] : memref<2x8x128xi32, #tpu.memory_space<vmem>> -> memref<1x8x128xi32, #tpu.memory_space<vmem>>
    %dma_start3A_29 = tpu.memref_squeeze %dma_start3A_28 : memref<1x8x128xi32, #tpu.memory_space<vmem>> -> memref<8x128xi32, #tpu.memory_space<vmem>>
    %dma_start3A_30 = arith.constant 0 : i32
    %dma_start3A_31 = tpu.memref_slice %arg4[%add3A, %multiple_of3A_24, %dma_start3A_30] : memref<32x96x128xi32, #tpu.memory_space<hbm>> -> memref<1x8x128xi32, #tpu.memory_space<hbm>>
    %dma_start3A_32 = tpu.memref_squeeze %dma_start3A_31 : memref<1x8x128xi32, #tpu.memory_space<hbm>> -> memref<8x128xi32, #tpu.memory_space<hbm>>
    %dma_start3A_33 = arith.constant 0 : i32
    %dma_start3A_34 = arith.constant 0 : i32
    %dma_start3A_35 = tpu.memref_slice %arg8[%dma_start3A_25, %dma_start3A_33, %dma_start3A_34] : memref<2x8x128xi32, #tpu.memory_space<vmem>> -> memref<1x8x128xi32, #tpu.memory_space<vmem>>
    %dma_start3A_36 = tpu.memref_squeeze %dma_start3A_35 : memref<1x8x128xi32, #tpu.memory_space<vmem>> -> memref<8x128xi32, #tpu.memory_space<vmem>>
    %dma_start3A_37 = arith.constant 0 : i32
    %dma_start3A_38 = tpu.memref_slice %arg4[%add3A, %multiple_of3A_24, %dma_start3A_37] : memref<32x96x128xi32, #tpu.memory_space<hbm>> -> memref<1x8x128xi32, #tpu.memory_space<hbm>>
    %dma_start3A_39 = tpu.memref_squeeze %dma_start3A_38 : memref<1x8x128xi32, #tpu.memory_space<hbm>> -> memref<8x128xi32, #tpu.memory_space<hbm>>
    tpu.enqueue_dma source(%dma_start3A_39 : memref<8x128xi32, #tpu.memory_space<hbm>>) target(%dma_start3A_36 : memref<8x128xi32, #tpu.memory_space<vmem>>) target_semaphore(%arg14 : memref<!tpu.dma_semaphore, #tpu.memory_space<semaphore_mem>>)
    %dma_start3A_40 = arith.constant 0 : i32
    %dma_start3A_41 = arith.constant 0 : i32
    %dma_start3A_42 = arith.constant 0 : i32
    %dma_start3A_43 = arith.constant 0 : i32
    %dma_start3A_44 = arith.constant 0 : i32
    %dma_start3A_45 = tpu.memref_slice %arg9[%dma_start3A_42, %dma_start3A_43, %dma_start3A_44] : memref<2x128x128xf32, #tpu.memory_space<vmem>> -> memref<1x128x128xf32, #tpu.memory_space<vmem>>
    %dma_start3A_46 = tpu.memref_squeeze %dma_start3A_45 : memref<1x128x128xf32, #tpu.memory_space<vmem>> -> memref<128x128xf32, #tpu.memory_space<vmem>>
    %dma_start3A_47 = arith.constant 0 : i32
    %dma_start3A_48 = tpu.memref_slice %arg7[%dma_start3A_40, %dma_start3A_41, %dma_start3A_47] : memref<2x8x128xi32, #tpu.memory_space<vmem>> -> memref<1x1x128xi32, #tpu.memory_space<vmem>>
    %dma_start3A_49 = tpu.memref_squeeze %dma_start3A_48 : memref<1x1x128xi32, #tpu.memory_space<vmem>> -> memref<128xi32, #tpu.memory_space<vmem>>
    %dma_start3A_50 = arith.constant 0 : i32
    %dma_start3A_51 = arith.constant 0 : i32
    %dma_start3A_52 = tpu.memref_slice %arg2[%dma_start3A_50, %dma_start3A_51] : memref<10000x128xf32, #tpu.memory_space<hbm>> -> memref<10000x128xf32, #tpu.memory_space<hbm>>
    tpu.enqueue_indirect_dma source(%dma_start3A_52 : memref<10000x128xf32, #tpu.memory_space<hbm>>) target(%dma_start3A_46 : memref<128x128xf32, #tpu.memory_space<vmem>>) offsets(%dma_start3A_49 : memref<128xi32, #tpu.memory_space<vmem>>) semaphore(%arg11 : memref<!tpu.dma_semaphore, #tpu.memory_space<semaphore_mem>>)
    %scan3A = arith.constant 0 : i32
    %scan3A_53 = arith.constant 0 : i32
    %scan3A_54 = arith.constant 5 : i32
    %scan3A_55 = arith.addi %scan3A_53, %scan3A_54 : i32
    %scan3A_56 = arith.constant 1 : i32
    scf.for %scan3A_109 = %scan3A_53 to %scan3A_55 step %scan3A_56  : i32 {
      %mul3A_110 = arith.constant 2 : i32
      %mul3A_111 = arith.muli %mul3A_110, %scan3A_109 : i32
      %add3A_112 = arith.constant 0 : i32
      %add3A_113 = arith.addi %mul3A_111, %add3A_112 : i32
      %dma_wait3A_114 = arith.constant 0 : i32
      %dma_wait3A_115 = arith.constant 0 : i32
      %dma_wait3A_116 = arith.constant 0 : i32
      %dma_wait3A_117 = arith.constant 0 : i32
      %dma_wait3A_118 = arith.constant 0 : i32
      %dma_wait3A_119 = tpu.memref_slice %arg9[%dma_wait3A_116, %dma_wait3A_117, %dma_wait3A_118] : memref<2x128x128xf32, #tpu.memory_space<vmem>> -> memref<1x128x128xf32, #tpu.memory_space<vmem>>
      %dma_wait3A_120 = tpu.memref_squeeze %dma_wait3A_119 : memref<1x128x128xf32, #tpu.memory_space<vmem>> -> memref<128x128xf32, #tpu.memory_space<vmem>>
      %dma_wait3A_121 = arith.constant 0 : i32
      %dma_wait3A_122 = tpu.memref_slice %arg7[%dma_wait3A_114, %dma_wait3A_115, %dma_wait3A_121] : memref<2x8x128xi32, #tpu.memory_space<vmem>> -> memref<1x1x128xi32, #tpu.memory_space<vmem>>
      %dma_wait3A_123 = tpu.memref_squeeze %dma_wait3A_122 : memref<1x1x128xi32, #tpu.memory_space<vmem>> -> memref<128xi32, #tpu.memory_space<vmem>>
      %dma_wait3A_124 = arith.constant 0 : i32
      %dma_wait3A_125 = arith.constant 0 : i32
      %dma_wait3A_126 = tpu.memref_slice %arg2[%dma_wait3A_124, %dma_wait3A_125] : memref<10000x128xf32, #tpu.memory_space<hbm>> -> memref<10000x128xf32, #tpu.memory_space<hbm>>
      tpu.wait_indirect_dma semaphore(%arg11 : memref<!tpu.dma_semaphore, #tpu.memory_space<semaphore_mem>>) src(%dma_wait3A_126 : memref<10000x128xf32, #tpu.memory_space<hbm>>) dst(%dma_wait3A_120 : memref<128x128xf32, #tpu.memory_space<vmem>>)
      %dma_start3A_127 = arith.constant 0 : i32
      %dma_start3A_128 = arith.constant 0 : i32
      %dma_start3A_129 = arith.constant 0 : i32
      %dma_start3A_130 = arith.constant 0 : i32
      %dma_start3A_131 = arith.constant 0 : i32
      %dma_start3A_132 = tpu.memref_slice %arg9[%dma_start3A_127, %dma_start3A_130, %dma_start3A_131] : memref<2x128x128xf32, #tpu.memory_space<vmem>> -> memref<1x128x128xf32, #tpu.memory_space<vmem>>
      %dma_start3A_133 = tpu.memref_squeeze %dma_start3A_132 : memref<1x128x128xf32, #tpu.memory_space<vmem>> -> memref<128x128xf32, #tpu.memory_space<vmem>>
      %dma_start3A_134 = arith.constant 0 : i32
      %dma_start3A_135 = tpu.memref_slice %arg8[%dma_start3A_128, %dma_start3A_129, %dma_start3A_134] : memref<2x8x128xi32, #tpu.memory_space<vmem>> -> memref<1x1x128xi32, #tpu.memory_space<vmem>>
      %dma_start3A_136 = tpu.memref_squeeze %dma_start3A_135 : memref<1x1x128xi32, #tpu.memory_space<vmem>> -> memref<128xi32, #tpu.memory_space<vmem>>
      %dma_start3A_137 = arith.constant 0 : i32
      %dma_start3A_138 = arith.constant 0 : i32
      %dma_start3A_139 = tpu.memref_slice %arg10[%dma_start3A_137, %dma_start3A_138] : memref<10112x128xf32, #tpu.memory_space<vmem_shared>> -> memref<10112x128xf32, #tpu.memory_space<vmem_shared>>
      tpu.enqueue_indirect_dma source(%dma_start3A_133 : memref<128x128xf32, #tpu.memory_space<vmem>>) target(%dma_start3A_139 : memref<10112x128xf32, #tpu.memory_space<vmem_shared>>) offsets(%dma_start3A_136 : memref<128xi32, #tpu.memory_space<vmem>>) semaphore(%arg15 : memref<!tpu.dma_semaphore, #tpu.memory_space<semaphore_mem>>) {add = true}
      %dma_start3A_140 = arith.constant 0 : i32
      %dma_start3A_141 = arith.constant 1 : i32
      %dma_start3A_142 = arith.constant 1 : i32
      %dma_start3A_143 = arith.constant 0 : i32
      %dma_start3A_144 = arith.constant 0 : i32
      %dma_start3A_145 = tpu.memref_slice %arg9[%dma_start3A_142, %dma_start3A_143, %dma_start3A_144] : memref<2x128x128xf32, #tpu.memory_space<vmem>> -> memref<1x128x128xf32, #tpu.memory_space<vmem>>
      %dma_start3A_146 = tpu.memref_squeeze %dma_start3A_145 : memref<1x128x128xf32, #tpu.memory_space<vmem>> -> memref<128x128xf32, #tpu.memory_space<vmem>>
      %dma_start3A_147 = arith.constant 0 : i32
      %dma_start3A_148 = tpu.memref_slice %arg7[%dma_start3A_140, %dma_start3A_141, %dma_start3A_147] : memref<2x8x128xi32, #tpu.memory_space<vmem>> -> memref<1x1x128xi32, #tpu.memory_space<vmem>>
      %dma_start3A_149 = tpu.memref_squeeze %dma_start3A_148 : memref<1x1x128xi32, #tpu.memory_space<vmem>> -> memref<128xi32, #tpu.memory_space<vmem>>
      %dma_start3A_150 = arith.constant 0 : i32
      %dma_start3A_151 = arith.constant 0 : i32
      %dma_start3A_152 = tpu.memref_slice %arg2[%dma_start3A_150, %dma_start3A_151] : memref<10000x128xf32, #tpu.memory_space<hbm>> -> memref<10000x128xf32, #tpu.memory_space<hbm>>
      tpu.enqueue_indirect_dma source(%dma_start3A_152 : memref<10000x128xf32, #tpu.memory_space<hbm>>) target(%dma_start3A_146 : memref<128x128xf32, #tpu.memory_space<vmem>>) offsets(%dma_start3A_149 : memref<128xi32, #tpu.memory_space<vmem>>) semaphore(%arg12 : memref<!tpu.dma_semaphore, #tpu.memory_space<semaphore_mem>>)
      %dma_wait3A_153 = arith.constant 0 : i32
      %dma_wait3A_154 = arith.constant 0 : i32
      %dma_wait3A_155 = arith.constant 0 : i32
      %dma_wait3A_156 = arith.constant 0 : i32
      %dma_wait3A_157 = arith.constant 0 : i32
      %dma_wait3A_158 = tpu.memref_slice %arg9[%dma_wait3A_153, %dma_wait3A_156, %dma_wait3A_157] : memref<2x128x128xf32, #tpu.memory_space<vmem>> -> memref<1x128x128xf32, #tpu.memory_space<vmem>>
      %dma_wait3A_159 = tpu.memref_squeeze %dma_wait3A_158 : memref<1x128x128xf32, #tpu.memory_space<vmem>> -> memref<128x128xf32, #tpu.memory_space<vmem>>
      %dma_wait3A_160 = arith.constant 0 : i32
      %dma_wait3A_161 = tpu.memref_slice %arg8[%dma_wait3A_154, %dma_wait3A_155, %dma_wait3A_160] : memref<2x8x128xi32, #tpu.memory_space<vmem>> -> memref<1x1x128xi32, #tpu.memory_space<vmem>>
      %dma_wait3A_162 = tpu.memref_squeeze %dma_wait3A_161 : memref<1x1x128xi32, #tpu.memory_space<vmem>> -> memref<128xi32, #tpu.memory_space<vmem>>
      %dma_wait3A_163 = arith.constant 0 : i32
      %dma_wait3A_164 = arith.constant 0 : i32
      %dma_wait3A_165 = tpu.memref_slice %arg10[%dma_wait3A_163, %dma_wait3A_164] : memref<10112x128xf32, #tpu.memory_space<vmem_shared>> -> memref<10112x128xf32, #tpu.memory_space<vmem_shared>>
      tpu.wait_indirect_dma semaphore(%arg15 : memref<!tpu.dma_semaphore, #tpu.memory_space<semaphore_mem>>) src(%dma_wait3A_159 : memref<128x128xf32, #tpu.memory_space<vmem>>) dst(%dma_wait3A_165 : memref<10112x128xf32, #tpu.memory_space<vmem_shared>>)
      %dma_wait3A_166 = arith.constant 0 : i32
      %dma_wait3A_167 = arith.constant 1 : i32
      %dma_wait3A_168 = arith.constant 1 : i32
      %dma_wait3A_169 = arith.constant 0 : i32
      %dma_wait3A_170 = arith.constant 0 : i32
      %dma_wait3A_171 = tpu.memref_slice %arg9[%dma_wait3A_168, %dma_wait3A_169, %dma_wait3A_170] : memref<2x128x128xf32, #tpu.memory_space<vmem>> -> memref<1x128x128xf32, #tpu.memory_space<vmem>>
      %dma_wait3A_172 = tpu.memref_squeeze %dma_wait3A_171 : memref<1x128x128xf32, #tpu.memory_space<vmem>> -> memref<128x128xf32, #tpu.memory_space<vmem>>
      %dma_wait3A_173 = arith.constant 0 : i32
      %dma_wait3A_174 = tpu.memref_slice %arg7[%dma_wait3A_166, %dma_wait3A_167, %dma_wait3A_173] : memref<2x8x128xi32, #tpu.memory_space<vmem>> -> memref<1x1x128xi32, #tpu.memory_space<vmem>>
      %dma_wait3A_175 = tpu.memref_squeeze %dma_wait3A_174 : memref<1x1x128xi32, #tpu.memory_space<vmem>> -> memref<128xi32, #tpu.memory_space<vmem>>
      %dma_wait3A_176 = arith.constant 0 : i32
      %dma_wait3A_177 = arith.constant 0 : i32
      %dma_wait3A_178 = tpu.memref_slice %arg2[%dma_wait3A_176, %dma_wait3A_177] : memref<10000x128xf32, #tpu.memory_space<hbm>> -> memref<10000x128xf32, #tpu.memory_space<hbm>>
      tpu.wait_indirect_dma semaphore(%arg12 : memref<!tpu.dma_semaphore, #tpu.memory_space<semaphore_mem>>) src(%dma_wait3A_178 : memref<10000x128xf32, #tpu.memory_space<hbm>>) dst(%dma_wait3A_172 : memref<128x128xf32, #tpu.memory_space<vmem>>)
      %dma_start3A_179 = arith.constant 1 : i32
      %dma_start3A_180 = arith.constant 0 : i32
      %dma_start3A_181 = arith.constant 1 : i32
      %dma_start3A_182 = arith.constant 0 : i32
      %dma_start3A_183 = arith.constant 0 : i32
      %dma_start3A_184 = tpu.memref_slice %arg9[%dma_start3A_179, %dma_start3A_182, %dma_start3A_183] : memref<2x128x128xf32, #tpu.memory_space<vmem>> -> memref<1x128x128xf32, #tpu.memory_space<vmem>>
      %dma_start3A_185 = tpu.memref_squeeze %dma_start3A_184 : memref<1x128x128xf32, #tpu.memory_space<vmem>> -> memref<128x128xf32, #tpu.memory_space<vmem>>
      %dma_start3A_186 = arith.constant 0 : i32
      %dma_start3A_187 = tpu.memref_slice %arg8[%dma_start3A_180, %dma_start3A_181, %dma_start3A_186] : memref<2x8x128xi32, #tpu.memory_space<vmem>> -> memref<1x1x128xi32, #tpu.memory_space<vmem>>
      %dma_start3A_188 = tpu.memref_squeeze %dma_start3A_187 : memref<1x1x128xi32, #tpu.memory_space<vmem>> -> memref<128xi32, #tpu.memory_space<vmem>>
      %dma_start3A_189 = arith.constant 0 : i32
      %dma_start3A_190 = arith.constant 0 : i32
      %dma_start3A_191 = tpu.memref_slice %arg10[%dma_start3A_189, %dma_start3A_190] : memref<10112x128xf32, #tpu.memory_space<vmem_shared>> -> memref<10112x128xf32, #tpu.memory_space<vmem_shared>>
      tpu.enqueue_indirect_dma source(%dma_start3A_185 : memref<128x128xf32, #tpu.memory_space<vmem>>) target(%dma_start3A_191 : memref<10112x128xf32, #tpu.memory_space<vmem_shared>>) offsets(%dma_start3A_188 : memref<128xi32, #tpu.memory_space<vmem>>) semaphore(%arg15 : memref<!tpu.dma_semaphore, #tpu.memory_space<semaphore_mem>>) {add = true}
      %dma_start3A_192 = arith.constant 0 : i32
      %dma_start3A_193 = arith.constant 2 : i32
      %dma_start3A_194 = arith.constant 0 : i32
      %dma_start3A_195 = arith.constant 0 : i32
      %dma_start3A_196 = arith.constant 0 : i32
      %dma_start3A_197 = tpu.memref_slice %arg9[%dma_start3A_194, %dma_start3A_195, %dma_start3A_196] : memref<2x128x128xf32, #tpu.memory_space<vmem>> -> memref<1x128x128xf32, #tpu.memory_space<vmem>>
      %dma_start3A_198 = tpu.memref_squeeze %dma_start3A_197 : memref<1x128x128xf32, #tpu.memory_space<vmem>> -> memref<128x128xf32, #tpu.memory_space<vmem>>
      %dma_start3A_199 = arith.constant 0 : i32
      %dma_start3A_200 = tpu.memref_slice %arg7[%dma_start3A_192, %dma_start3A_193, %dma_start3A_199] : memref<2x8x128xi32, #tpu.memory_space<vmem>> -> memref<1x1x128xi32, #tpu.memory_space<vmem>>
      %dma_start3A_201 = tpu.memref_squeeze %dma_start3A_200 : memref<1x1x128xi32, #tpu.memory_space<vmem>> -> memref<128xi32, #tpu.memory_space<vmem>>
      %dma_start3A_202 = arith.constant 0 : i32
      %dma_start3A_203 = arith.constant 0 : i32
      %dma_start3A_204 = tpu.memref_slice %arg2[%dma_start3A_202, %dma_start3A_203] : memref<10000x128xf32, #tpu.memory_space<hbm>> -> memref<10000x128xf32, #tpu.memory_space<hbm>>
      tpu.enqueue_indirect_dma source(%dma_start3A_204 : memref<10000x128xf32, #tpu.memory_space<hbm>>) target(%dma_start3A_198 : memref<128x128xf32, #tpu.memory_space<vmem>>) offsets(%dma_start3A_201 : memref<128xi32, #tpu.memory_space<vmem>>) semaphore(%arg11 : memref<!tpu.dma_semaphore, #tpu.memory_space<semaphore_mem>>)
      %dma_wait3A_205 = arith.constant 1 : i32
      %dma_wait3A_206 = arith.constant 0 : i32
      %dma_wait3A_207 = arith.constant 1 : i32
      %dma_wait3A_208 = arith.constant 0 : i32
      %dma_wait3A_209 = arith.constant 0 : i32
      %dma_wait3A_210 = tpu.memref_slice %arg9[%dma_wait3A_205, %dma_wait3A_208, %dma_wait3A_209] : memref<2x128x128xf32, #tpu.memory_space<vmem>> -> memref<1x128x128xf32, #tpu.memory_space<vmem>>
      %dma_wait3A_211 = tpu.memref_squeeze %dma_wait3A_210 : memref<1x128x128xf32, #tpu.memory_space<vmem>> -> memref<128x128xf32, #tpu.memory_space<vmem>>
      %dma_wait3A_212 = arith.constant 0 : i32
      %dma_wait3A_213 = tpu.memref_slice %arg8[%dma_wait3A_206, %dma_wait3A_207, %dma_wait3A_212] : memref<2x8x128xi32, #tpu.memory_space<vmem>> -> memref<1x1x128xi32, #tpu.memory_space<vmem>>
      %dma_wait3A_214 = tpu.memref_squeeze %dma_wait3A_213 : memref<1x1x128xi32, #tpu.memory_space<vmem>> -> memref<128xi32, #tpu.memory_space<vmem>>
      %dma_wait3A_215 = arith.constant 0 : i32
      %dma_wait3A_216 = arith.constant 0 : i32
      %dma_wait3A_217 = tpu.memref_slice %arg10[%dma_wait3A_215, %dma_wait3A_216] : memref<10112x128xf32, #tpu.memory_space<vmem_shared>> -> memref<10112x128xf32, #tpu.memory_space<vmem_shared>>
      tpu.wait_indirect_dma semaphore(%arg15 : memref<!tpu.dma_semaphore, #tpu.memory_space<semaphore_mem>>) src(%dma_wait3A_211 : memref<128x128xf32, #tpu.memory_space<vmem>>) dst(%dma_wait3A_217 : memref<10112x128xf32, #tpu.memory_space<vmem_shared>>)
      %dma_wait3A_218 = arith.constant 0 : i32
      %dma_wait3A_219 = arith.constant 2 : i32
      %dma_wait3A_220 = arith.constant 0 : i32
      %dma_wait3A_221 = arith.constant 0 : i32
      %dma_wait3A_222 = arith.constant 0 : i32
      %dma_wait3A_223 = tpu.memref_slice %arg9[%dma_wait3A_220, %dma_wait3A_221, %dma_wait3A_222] : memref<2x128x128xf32, #tpu.memory_space<vmem>> -> memref<1x128x128xf32, #tpu.memory_space<vmem>>
      %dma_wait3A_224 = tpu.memref_squeeze %dma_wait3A_223 : memref<1x128x128xf32, #tpu.memory_space<vmem>> -> memref<128x128xf32, #tpu.memory_space<vmem>>
      %dma_wait3A_225 = arith.constant 0 : i32
      %dma_wait3A_226 = tpu.memref_slice %arg7[%dma_wait3A_218, %dma_wait3A_219, %dma_wait3A_225] : memref<2x8x128xi32, #tpu.memory_space<vmem>> -> memref<1x1x128xi32, #tpu.memory_space<vmem>>
      %dma_wait3A_227 = tpu.memref_squeeze %dma_wait3A_226 : memref<1x1x128xi32, #tpu.memory_space<vmem>> -> memref<128xi32, #tpu.memory_space<vmem>>
      %dma_wait3A_228 = arith.constant 0 : i32
      %dma_wait3A_229 = arith.constant 0 : i32
      %dma_wait3A_230 = tpu.memref_slice %arg2[%dma_wait3A_228, %dma_wait3A_229] : memref<10000x128xf32, #tpu.memory_space<hbm>> -> memref<10000x128xf32, #tpu.memory_space<hbm>>
      tpu.wait_indirect_dma semaphore(%arg11 : memref<!tpu.dma_semaphore, #tpu.memory_space<semaphore_mem>>) src(%dma_wait3A_230 : memref<10000x128xf32, #tpu.memory_space<hbm>>) dst(%dma_wait3A_224 : memref<128x128xf32, #tpu.memory_space<vmem>>)
      %dma_start3A_231 = arith.constant 0 : i32
      %dma_start3A_232 = arith.constant 0 : i32
      %dma_start3A_233 = arith.constant 2 : i32
      %dma_start3A_234 = arith.constant 0 : i32
      %dma_start3A_235 = arith.constant 0 : i32
      %dma_start3A_236 = tpu.memref_slice %arg9[%dma_start3A_231, %dma_start3A_234, %dma_start3A_235] : memref<2x128x128xf32, #tpu.memory_space<vmem>> -> memref<1x128x128xf32, #tpu.memory_space<vmem>>
      %dma_start3A_237 = tpu.memref_squeeze %dma_start3A_236 : memref<1x128x128xf32, #tpu.memory_space<vmem>> -> memref<128x128xf32, #tpu.memory_space<vmem>>
      %dma_start3A_238 = arith.constant 0 : i32
      %dma_start3A_239 = tpu.memref_slice %arg8[%dma_start3A_232, %dma_start3A_233, %dma_start3A_238] : memref<2x8x128xi32, #tpu.memory_space<vmem>> -> memref<1x1x128xi32, #tpu.memory_space<vmem>>
      %dma_start3A_240 = tpu.memref_squeeze %dma_start3A_239 : memref<1x1x128xi32, #tpu.memory_space<vmem>> -> memref<128xi32, #tpu.memory_space<vmem>>
      %dma_start3A_241 = arith.constant 0 : i32
      %dma_start3A_242 = arith.constant 0 : i32
      %dma_start3A_243 = tpu.memref_slice %arg10[%dma_start3A_241, %dma_start3A_242] : memref<10112x128xf32, #tpu.memory_space<vmem_shared>> -> memref<10112x128xf32, #tpu.memory_space<vmem_shared>>
      tpu.enqueue_indirect_dma source(%dma_start3A_237 : memref<128x128xf32, #tpu.memory_space<vmem>>) target(%dma_start3A_243 : memref<10112x128xf32, #tpu.memory_space<vmem_shared>>) offsets(%dma_start3A_240 : memref<128xi32, #tpu.memory_space<vmem>>) semaphore(%arg15 : memref<!tpu.dma_semaphore, #tpu.memory_space<semaphore_mem>>) {add = true}
      %dma_start3A_244 = arith.constant 0 : i32
      %dma_start3A_245 = arith.constant 3 : i32
      %dma_start3A_246 = arith.constant 1 : i32
      %dma_start3A_247 = arith.constant 0 : i32
      %dma_start3A_248 = arith.constant 0 : i32
      %dma_start3A_249 = tpu.memref_slice %arg9[%dma_start3A_246, %dma_start3A_247, %dma_start3A_248] : memref<2x128x128xf32, #tpu.memory_space<vmem>> -> memref<1x128x128xf32, #tpu.memory_space<vmem>>
      %dma_start3A_250 = tpu.memref_squeeze %dma_start3A_249 : memref<1x128x128xf32, #tpu.memory_space<vmem>> -> memref<128x128xf32, #tpu.memory_space<vmem>>
      %dma_start3A_251 = arith.constant 0 : i32
      %dma_start3A_252 = tpu.memref_slice %arg7[%dma_start3A_244, %dma_start3A_245, %dma_start3A_251] : memref<2x8x128xi32, #tpu.memory_space<vmem>> -> memref<1x1x128xi32, #tpu.memory_space<vmem>>
      %dma_start3A_253 = tpu.memref_squeeze %dma_start3A_252 : memref<1x1x128xi32, #tpu.memory_space<vmem>> -> memref<128xi32, #tpu.memory_space<vmem>>
      %dma_start3A_254 = arith.constant 0 : i32
      %dma_start3A_255 = arith.constant 0 : i32
      %dma_start3A_256 = tpu.memref_slice %arg2[%dma_start3A_254, %dma_start3A_255] : memref<10000x128xf32, #tpu.memory_space<hbm>> -> memref<10000x128xf32, #tpu.memory_space<hbm>>
      tpu.enqueue_indirect_dma source(%dma_start3A_256 : memref<10000x128xf32, #tpu.memory_space<hbm>>) target(%dma_start3A_250 : memref<128x128xf32, #tpu.memory_space<vmem>>) offsets(%dma_start3A_253 : memref<128xi32, #tpu.memory_space<vmem>>) semaphore(%arg12 : memref<!tpu.dma_semaphore, #tpu.memory_space<semaphore_mem>>)
      %dma_wait3A_257 = arith.constant 0 : i32
      %dma_wait3A_258 = arith.constant 0 : i32
      %dma_wait3A_259 = arith.constant 2 : i32
      %dma_wait3A_260 = arith.constant 0 : i32
      %dma_wait3A_261 = arith.constant 0 : i32
      %dma_wait3A_262 = tpu.memref_slice %arg9[%dma_wait3A_257, %dma_wait3A_260, %dma_wait3A_261] : memref<2x128x128xf32, #tpu.memory_space<vmem>> -> memref<1x128x128xf32, #tpu.memory_space<vmem>>
      %dma_wait3A_263 = tpu.memref_squeeze %dma_wait3A_262 : memref<1x128x128xf32, #tpu.memory_space<vmem>> -> memref<128x128xf32, #tpu.memory_space<vmem>>
      %dma_wait3A_264 = arith.constant 0 : i32
      %dma_wait3A_265 = tpu.memref_slice %arg8[%dma_wait3A_258, %dma_wait3A_259, %dma_wait3A_264] : memref<2x8x128xi32, #tpu.memory_space<vmem>> -> memref<1x1x128xi32, #tpu.memory_space<vmem>>
      %dma_wait3A_266 = tpu.memref_squeeze %dma_wait3A_265 : memref<1x1x128xi32, #tpu.memory_space<vmem>> -> memref<128xi32, #tpu.memory_space<vmem>>
      %dma_wait3A_267 = arith.constant 0 : i32
      %dma_wait3A_268 = arith.constant 0 : i32
      %dma_wait3A_269 = tpu.memref_slice %arg10[%dma_wait3A_267, %dma_wait3A_268] : memref<10112x128xf32, #tpu.memory_space<vmem_shared>> -> memref<10112x128xf32, #tpu.memory_space<vmem_shared>>
      tpu.wait_indirect_dma semaphore(%arg15 : memref<!tpu.dma_semaphore, #tpu.memory_space<semaphore_mem>>) src(%dma_wait3A_263 : memref<128x128xf32, #tpu.memory_space<vmem>>) dst(%dma_wait3A_269 : memref<10112x128xf32, #tpu.memory_space<vmem_shared>>)
      %dma_wait3A_270 = arith.constant 0 : i32
      %dma_wait3A_271 = arith.constant 3 : i32
      %dma_wait3A_272 = arith.constant 1 : i32
      %dma_wait3A_273 = arith.constant 0 : i32
      %dma_wait3A_274 = arith.constant 0 : i32
      %dma_wait3A_275 = tpu.memref_slice %arg9[%dma_wait3A_272, %dma_wait3A_273, %dma_wait3A_274] : memref<2x128x128xf32, #tpu.memory_space<vmem>> -> memref<1x128x128xf32, #tpu.memory_space<vmem>>
      %dma_wait3A_276 = tpu.memref_squeeze %dma_wait3A_275 : memref<1x128x128xf32, #tpu.memory_space<vmem>> -> memref<128x128xf32, #tpu.memory_space<vmem>>
      %dma_wait3A_277 = arith.constant 0 : i32
      %dma_wait3A_278 = tpu.memref_slice %arg7[%dma_wait3A_270, %dma_wait3A_271, %dma_wait3A_277] : memref<2x8x128xi32, #tpu.memory_space<vmem>> -> memref<1x1x128xi32, #tpu.memory_space<vmem>>
      %dma_wait3A_279 = tpu.memref_squeeze %dma_wait3A_278 : memref<1x1x128xi32, #tpu.memory_space<vmem>> -> memref<128xi32, #tpu.memory_space<vmem>>
      %dma_wait3A_280 = arith.constant 0 : i32
      %dma_wait3A_281 = arith.constant 0 : i32
      %dma_wait3A_282 = tpu.memref_slice %arg2[%dma_wait3A_280, %dma_wait3A_281] : memref<10000x128xf32, #tpu.memory_space<hbm>> -> memref<10000x128xf32, #tpu.memory_space<hbm>>
      tpu.wait_indirect_dma semaphore(%arg12 : memref<!tpu.dma_semaphore, #tpu.memory_space<semaphore_mem>>) src(%dma_wait3A_282 : memref<10000x128xf32, #tpu.memory_space<hbm>>) dst(%dma_wait3A_276 : memref<128x128xf32, #tpu.memory_space<vmem>>)
      %dma_start3A_283 = arith.constant 1 : i32
      %dma_start3A_284 = arith.constant 0 : i32
      %dma_start3A_285 = arith.constant 3 : i32
      %dma_start3A_286 = arith.constant 0 : i32
      %dma_start3A_287 = arith.constant 0 : i32
      %dma_start3A_288 = tpu.memref_slice %arg9[%dma_start3A_283, %dma_start3A_286, %dma_start3A_287] : memref<2x128x128xf32, #tpu.memory_space<vmem>> -> memref<1x128x128xf32, #tpu.memory_space<vmem>>
      %dma_start3A_289 = tpu.memref_squeeze %dma_start3A_288 : memref<1x128x128xf32, #tpu.memory_space<vmem>> -> memref<128x128xf32, #tpu.memory_space<vmem>>
      %dma_start3A_290 = arith.constant 0 : i32
      %dma_start3A_291 = tpu.memref_slice %arg8[%dma_start3A_284, %dma_start3A_285, %dma_start3A_290] : memref<2x8x128xi32, #tpu.memory_space<vmem>> -> memref<1x1x128xi32, #tpu.memory_space<vmem>>
      %dma_start3A_292 = tpu.memref_squeeze %dma_start3A_291 : memref<1x1x128xi32, #tpu.memory_space<vmem>> -> memref<128xi32, #tpu.memory_space<vmem>>
      %dma_start3A_293 = arith.constant 0 : i32
      %dma_start3A_294 = arith.constant 0 : i32
      %dma_start3A_295 = tpu.memref_slice %arg10[%dma_start3A_293, %dma_start3A_294] : memref<10112x128xf32, #tpu.memory_space<vmem_shared>> -> memref<10112x128xf32, #tpu.memory_space<vmem_shared>>
      tpu.enqueue_indirect_dma source(%dma_start3A_289 : memref<128x128xf32, #tpu.memory_space<vmem>>) target(%dma_start3A_295 : memref<10112x128xf32, #tpu.memory_space<vmem_shared>>) offsets(%dma_start3A_292 : memref<128xi32, #tpu.memory_space<vmem>>) semaphore(%arg15 : memref<!tpu.dma_semaphore, #tpu.memory_space<semaphore_mem>>) {add = true}
      %dma_start3A_296 = arith.constant 0 : i32
      %dma_start3A_297 = arith.constant 4 : i32
      %dma_start3A_298 = arith.constant 0 : i32
      %dma_start3A_299 = arith.constant 0 : i32
      %dma_start3A_300 = arith.constant 0 : i32
      %dma_start3A_301 = tpu.memref_slice %arg9[%dma_start3A_298, %dma_start3A_299, %dma_start3A_300] : memref<2x128x128xf32, #tpu.memory_space<vmem>> -> memref<1x128x128xf32, #tpu.memory_space<vmem>>
      %dma_start3A_302 = tpu.memref_squeeze %dma_start3A_301 : memref<1x128x128xf32, #tpu.memory_space<vmem>> -> memref<128x128xf32, #tpu.memory_space<vmem>>
      %dma_start3A_303 = arith.constant 0 : i32
      %dma_start3A_304 = tpu.memref_slice %arg7[%dma_start3A_296, %dma_start3A_297, %dma_start3A_303] : memref<2x8x128xi32, #tpu.memory_space<vmem>> -> memref<1x1x128xi32, #tpu.memory_space<vmem>>
      %dma_start3A_305 = tpu.memref_squeeze %dma_start3A_304 : memref<1x1x128xi32, #tpu.memory_space<vmem>> -> memref<128xi32, #tpu.memory_space<vmem>>
      %dma_start3A_306 = arith.constant 0 : i32
      %dma_start3A_307 = arith.constant 0 : i32
      %dma_start3A_308 = tpu.memref_slice %arg2[%dma_start3A_306, %dma_start3A_307] : memref<10000x128xf32, #tpu.memory_space<hbm>> -> memref<10000x128xf32, #tpu.memory_space<hbm>>
      tpu.enqueue_indirect_dma source(%dma_start3A_308 : memref<10000x128xf32, #tpu.memory_space<hbm>>) target(%dma_start3A_302 : memref<128x128xf32, #tpu.memory_space<vmem>>) offsets(%dma_start3A_305 : memref<128xi32, #tpu.memory_space<vmem>>) semaphore(%arg11 : memref<!tpu.dma_semaphore, #tpu.memory_space<semaphore_mem>>)
      %dma_wait3A_309 = arith.constant 1 : i32
      %dma_wait3A_310 = arith.constant 0 : i32
      %dma_wait3A_311 = arith.constant 3 : i32
      %dma_wait3A_312 = arith.constant 0 : i32
      %dma_wait3A_313 = arith.constant 0 : i32
      %dma_wait3A_314 = tpu.memref_slice %arg9[%dma_wait3A_309, %dma_wait3A_312, %dma_wait3A_313] : memref<2x128x128xf32, #tpu.memory_space<vmem>> -> memref<1x128x128xf32, #tpu.memory_space<vmem>>
      %dma_wait3A_315 = tpu.memref_squeeze %dma_wait3A_314 : memref<1x128x128xf32, #tpu.memory_space<vmem>> -> memref<128x128xf32, #tpu.memory_space<vmem>>
      %dma_wait3A_316 = arith.constant 0 : i32
      %dma_wait3A_317 = tpu.memref_slice %arg8[%dma_wait3A_310, %dma_wait3A_311, %dma_wait3A_316] : memref<2x8x128xi32, #tpu.memory_space<vmem>> -> memref<1x1x128xi32, #tpu.memory_space<vmem>>
      %dma_wait3A_318 = tpu.memref_squeeze %dma_wait3A_317 : memref<1x1x128xi32, #tpu.memory_space<vmem>> -> memref<128xi32, #tpu.memory_space<vmem>>
      %dma_wait3A_319 = arith.constant 0 : i32
      %dma_wait3A_320 = arith.constant 0 : i32
      %dma_wait3A_321 = tpu.memref_slice %arg10[%dma_wait3A_319, %dma_wait3A_320] : memref<10112x128xf32, #tpu.memory_space<vmem_shared>> -> memref<10112x128xf32, #tpu.memory_space<vmem_shared>>
      tpu.wait_indirect_dma semaphore(%arg15 : memref<!tpu.dma_semaphore, #tpu.memory_space<semaphore_mem>>) src(%dma_wait3A_315 : memref<128x128xf32, #tpu.memory_space<vmem>>) dst(%dma_wait3A_321 : memref<10112x128xf32, #tpu.memory_space<vmem_shared>>)
      %dma_wait3A_322 = arith.constant 0 : i32
      %dma_wait3A_323 = arith.constant 4 : i32
      %dma_wait3A_324 = arith.constant 0 : i32
      %dma_wait3A_325 = arith.constant 0 : i32
      %dma_wait3A_326 = arith.constant 0 : i32
      %dma_wait3A_327 = tpu.memref_slice %arg9[%dma_wait3A_324, %dma_wait3A_325, %dma_wait3A_326] : memref<2x128x128xf32, #tpu.memory_space<vmem>> -> memref<1x128x128xf32, #tpu.memory_space<vmem>>
      %dma_wait3A_328 = tpu.memref_squeeze %dma_wait3A_327 : memref<1x128x128xf32, #tpu.memory_space<vmem>> -> memref<128x128xf32, #tpu.memory_space<vmem>>
      %dma_wait3A_329 = arith.constant 0 : i32
      %dma_wait3A_330 = tpu.memref_slice %arg7[%dma_wait3A_322, %dma_wait3A_323, %dma_wait3A_329] : memref<2x8x128xi32, #tpu.memory_space<vmem>> -> memref<1x1x128xi32, #tpu.memory_space<vmem>>
      %dma_wait3A_331 = tpu.memref_squeeze %dma_wait3A_330 : memref<1x1x128xi32, #tpu.memory_space<vmem>> -> memref<128xi32, #tpu.memory_space<vmem>>
      %dma_wait3A_332 = arith.constant 0 : i32
      %dma_wait3A_333 = arith.constant 0 : i32
      %dma_wait3A_334 = tpu.memref_slice %arg2[%dma_wait3A_332, %dma_wait3A_333] : memref<10000x128xf32, #tpu.memory_space<hbm>> -> memref<10000x128xf32, #tpu.memory_space<hbm>>
      tpu.wait_indirect_dma semaphore(%arg11 : memref<!tpu.dma_semaphore, #tpu.memory_space<semaphore_mem>>) src(%dma_wait3A_334 : memref<10000x128xf32, #tpu.memory_space<hbm>>) dst(%dma_wait3A_328 : memref<128x128xf32, #tpu.memory_space<vmem>>)
      %dma_start3A_335 = arith.constant 0 : i32
      %dma_start3A_336 = arith.constant 0 : i32
      %dma_start3A_337 = arith.constant 4 : i32
      %dma_start3A_338 = arith.constant 0 : i32
      %dma_start3A_339 = arith.constant 0 : i32
      %dma_start3A_340 = tpu.memref_slice %arg9[%dma_start3A_335, %dma_start3A_338, %dma_start3A_339] : memref<2x128x128xf32, #tpu.memory_space<vmem>> -> memref<1x128x128xf32, #tpu.memory_space<vmem>>
      %dma_start3A_341 = tpu.memref_squeeze %dma_start3A_340 : memref<1x128x128xf32, #tpu.memory_space<vmem>> -> memref<128x128xf32, #tpu.memory_space<vmem>>
      %dma_start3A_342 = arith.constant 0 : i32
      %dma_start3A_343 = tpu.memref_slice %arg8[%dma_start3A_336, %dma_start3A_337, %dma_start3A_342] : memref<2x8x128xi32, #tpu.memory_space<vmem>> -> memref<1x1x128xi32, #tpu.memory_space<vmem>>
      %dma_start3A_344 = tpu.memref_squeeze %dma_start3A_343 : memref<1x1x128xi32, #tpu.memory_space<vmem>> -> memref<128xi32, #tpu.memory_space<vmem>>
      %dma_start3A_345 = arith.constant 0 : i32
      %dma_start3A_346 = arith.constant 0 : i32
      %dma_start3A_347 = tpu.memref_slice %arg10[%dma_start3A_345, %dma_start3A_346] : memref<10112x128xf32, #tpu.memory_space<vmem_shared>> -> memref<10112x128xf32, #tpu.memory_space<vmem_shared>>
      tpu.enqueue_indirect_dma source(%dma_start3A_341 : memref<128x128xf32, #tpu.memory_space<vmem>>) target(%dma_start3A_347 : memref<10112x128xf32, #tpu.memory_space<vmem_shared>>) offsets(%dma_start3A_344 : memref<128xi32, #tpu.memory_space<vmem>>) semaphore(%arg15 : memref<!tpu.dma_semaphore, #tpu.memory_space<semaphore_mem>>) {add = true}
      %dma_start3A_348 = arith.constant 0 : i32
      %dma_start3A_349 = arith.constant 5 : i32
      %dma_start3A_350 = arith.constant 1 : i32
      %dma_start3A_351 = arith.constant 0 : i32
      %dma_start3A_352 = arith.constant 0 : i32
      %dma_start3A_353 = tpu.memref_slice %arg9[%dma_start3A_350, %dma_start3A_351, %dma_start3A_352] : memref<2x128x128xf32, #tpu.memory_space<vmem>> -> memref<1x128x128xf32, #tpu.memory_space<vmem>>
      %dma_start3A_354 = tpu.memref_squeeze %dma_start3A_353 : memref<1x128x128xf32, #tpu.memory_space<vmem>> -> memref<128x128xf32, #tpu.memory_space<vmem>>
      %dma_start3A_355 = arith.constant 0 : i32
      %dma_start3A_356 = tpu.memref_slice %arg7[%dma_start3A_348, %dma_start3A_349, %dma_start3A_355] : memref<2x8x128xi32, #tpu.memory_space<vmem>> -> memref<1x1x128xi32, #tpu.memory_space<vmem>>
      %dma_start3A_357 = tpu.memref_squeeze %dma_start3A_356 : memref<1x1x128xi32, #tpu.memory_space<vmem>> -> memref<128xi32, #tpu.memory_space<vmem>>
      %dma_start3A_358 = arith.constant 0 : i32
      %dma_start3A_359 = arith.constant 0 : i32
      %dma_start3A_360 = tpu.memref_slice %arg2[%dma_start3A_358, %dma_start3A_359] : memref<10000x128xf32, #tpu.memory_space<hbm>> -> memref<10000x128xf32, #tpu.memory_space<hbm>>
      tpu.enqueue_indirect_dma source(%dma_start3A_360 : memref<10000x128xf32, #tpu.memory_space<hbm>>) target(%dma_start3A_354 : memref<128x128xf32, #tpu.memory_space<vmem>>) offsets(%dma_start3A_357 : memref<128xi32, #tpu.memory_space<vmem>>) semaphore(%arg12 : memref<!tpu.dma_semaphore, #tpu.memory_space<semaphore_mem>>)
      %dma_wait3A_361 = arith.constant 0 : i32
      %dma_wait3A_362 = arith.constant 0 : i32
      %dma_wait3A_363 = arith.constant 4 : i32
      %dma_wait3A_364 = arith.constant 0 : i32
      %dma_wait3A_365 = arith.constant 0 : i32
      %dma_wait3A_366 = tpu.memref_slice %arg9[%dma_wait3A_361, %dma_wait3A_364, %dma_wait3A_365] : memref<2x128x128xf32, #tpu.memory_space<vmem>> -> memref<1x128x128xf32, #tpu.memory_space<vmem>>
      %dma_wait3A_367 = tpu.memref_squeeze %dma_wait3A_366 : memref<1x128x128xf32, #tpu.memory_space<vmem>> -> memref<128x128xf32, #tpu.memory_space<vmem>>
      %dma_wait3A_368 = arith.constant 0 : i32
      %dma_wait3A_369 = tpu.memref_slice %arg8[%dma_wait3A_362, %dma_wait3A_363, %dma_wait3A_368] : memref<2x8x128xi32, #tpu.memory_space<vmem>> -> memref<1x1x128xi32, #tpu.memory_space<vmem>>
      %dma_wait3A_370 = tpu.memref_squeeze %dma_wait3A_369 : memref<1x1x128xi32, #tpu.memory_space<vmem>> -> memref<128xi32, #tpu.memory_space<vmem>>
      %dma_wait3A_371 = arith.constant 0 : i32
      %dma_wait3A_372 = arith.constant 0 : i32
      %dma_wait3A_373 = tpu.memref_slice %arg10[%dma_wait3A_371, %dma_wait3A_372] : memref<10112x128xf32, #tpu.memory_space<vmem_shared>> -> memref<10112x128xf32, #tpu.memory_space<vmem_shared>>
      tpu.wait_indirect_dma semaphore(%arg15 : memref<!tpu.dma_semaphore, #tpu.memory_space<semaphore_mem>>) src(%dma_wait3A_367 : memref<128x128xf32, #tpu.memory_space<vmem>>) dst(%dma_wait3A_373 : memref<10112x128xf32, #tpu.memory_space<vmem_shared>>)
      %dma_wait3A_374 = arith.constant 0 : i32
      %dma_wait3A_375 = arith.constant 5 : i32
      %dma_wait3A_376 = arith.constant 1 : i32
      %dma_wait3A_377 = arith.constant 0 : i32
      %dma_wait3A_378 = arith.constant 0 : i32
      %dma_wait3A_379 = tpu.memref_slice %arg9[%dma_wait3A_376, %dma_wait3A_377, %dma_wait3A_378] : memref<2x128x128xf32, #tpu.memory_space<vmem>> -> memref<1x128x128xf32, #tpu.memory_space<vmem>>
      %dma_wait3A_380 = tpu.memref_squeeze %dma_wait3A_379 : memref<1x128x128xf32, #tpu.memory_space<vmem>> -> memref<128x128xf32, #tpu.memory_space<vmem>>
      %dma_wait3A_381 = arith.constant 0 : i32
      %dma_wait3A_382 = tpu.memref_slice %arg7[%dma_wait3A_374, %dma_wait3A_375, %dma_wait3A_381] : memref<2x8x128xi32, #tpu.memory_space<vmem>> -> memref<1x1x128xi32, #tpu.memory_space<vmem>>
      %dma_wait3A_383 = tpu.memref_squeeze %dma_wait3A_382 : memref<1x1x128xi32, #tpu.memory_space<vmem>> -> memref<128xi32, #tpu.memory_space<vmem>>
      %dma_wait3A_384 = arith.constant 0 : i32
      %dma_wait3A_385 = arith.constant 0 : i32
      %dma_wait3A_386 = tpu.memref_slice %arg2[%dma_wait3A_384, %dma_wait3A_385] : memref<10000x128xf32, #tpu.memory_space<hbm>> -> memref<10000x128xf32, #tpu.memory_space<hbm>>
      tpu.wait_indirect_dma semaphore(%arg12 : memref<!tpu.dma_semaphore, #tpu.memory_space<semaphore_mem>>) src(%dma_wait3A_386 : memref<10000x128xf32, #tpu.memory_space<hbm>>) dst(%dma_wait3A_380 : memref<128x128xf32, #tpu.memory_space<vmem>>)
      %dma_start3A_387 = arith.constant 1 : i32
      %dma_start3A_388 = arith.constant 0 : i32
      %dma_start3A_389 = arith.constant 5 : i32
      %dma_start3A_390 = arith.constant 0 : i32
      %dma_start3A_391 = arith.constant 0 : i32
      %dma_start3A_392 = tpu.memref_slice %arg9[%dma_start3A_387, %dma_start3A_390, %dma_start3A_391] : memref<2x128x128xf32, #tpu.memory_space<vmem>> -> memref<1x128x128xf32, #tpu.memory_space<vmem>>
      %dma_start3A_393 = tpu.memref_squeeze %dma_start3A_392 : memref<1x128x128xf32, #tpu.memory_space<vmem>> -> memref<128x128xf32, #tpu.memory_space<vmem>>
      %dma_start3A_394 = arith.constant 0 : i32
      %dma_start3A_395 = tpu.memref_slice %arg8[%dma_start3A_388, %dma_start3A_389, %dma_start3A_394] : memref<2x8x128xi32, #tpu.memory_space<vmem>> -> memref<1x1x128xi32, #tpu.memory_space<vmem>>
      %dma_start3A_396 = tpu.memref_squeeze %dma_start3A_395 : memref<1x1x128xi32, #tpu.memory_space<vmem>> -> memref<128xi32, #tpu.memory_space<vmem>>
      %dma_start3A_397 = arith.constant 0 : i32
      %dma_start3A_398 = arith.constant 0 : i32
      %dma_start3A_399 = tpu.memref_slice %arg10[%dma_start3A_397, %dma_start3A_398] : memref<10112x128xf32, #tpu.memory_space<vmem_shared>> -> memref<10112x128xf32, #tpu.memory_space<vmem_shared>>
      tpu.enqueue_indirect_dma source(%dma_start3A_393 : memref<128x128xf32, #tpu.memory_space<vmem>>) target(%dma_start3A_399 : memref<10112x128xf32, #tpu.memory_space<vmem_shared>>) offsets(%dma_start3A_396 : memref<128xi32, #tpu.memory_space<vmem>>) semaphore(%arg15 : memref<!tpu.dma_semaphore, #tpu.memory_space<semaphore_mem>>) {add = true}
      %dma_start3A_400 = arith.constant 0 : i32
      %dma_start3A_401 = arith.constant 6 : i32
      %dma_start3A_402 = arith.constant 0 : i32
      %dma_start3A_403 = arith.constant 0 : i32
      %dma_start3A_404 = arith.constant 0 : i32
      %dma_start3A_405 = tpu.memref_slice %arg9[%dma_start3A_402, %dma_start3A_403, %dma_start3A_404] : memref<2x128x128xf32, #tpu.memory_space<vmem>> -> memref<1x128x128xf32, #tpu.memory_space<vmem>>
      %dma_start3A_406 = tpu.memref_squeeze %dma_start3A_405 : memref<1x128x128xf32, #tpu.memory_space<vmem>> -> memref<128x128xf32, #tpu.memory_space<vmem>>
      %dma_start3A_407 = arith.constant 0 : i32
      %dma_start3A_408 = tpu.memref_slice %arg7[%dma_start3A_400, %dma_start3A_401, %dma_start3A_407] : memref<2x8x128xi32, #tpu.memory_space<vmem>> -> memref<1x1x128xi32, #tpu.memory_space<vmem>>
      %dma_start3A_409 = tpu.memref_squeeze %dma_start3A_408 : memref<1x1x128xi32, #tpu.memory_space<vmem>> -> memref<128xi32, #tpu.memory_space<vmem>>
      %dma_start3A_410 = arith.constant 0 : i32
      %dma_start3A_411 = arith.constant 0 : i32
      %dma_start3A_412 = tpu.memref_slice %arg2[%dma_start3A_410, %dma_start3A_411] : memref<10000x128xf32, #tpu.memory_space<hbm>> -> memref<10000x128xf32, #tpu.memory_space<hbm>>
      tpu.enqueue_indirect_dma source(%dma_start3A_412 : memref<10000x128xf32, #tpu.memory_space<hbm>>) target(%dma_start3A_406 : memref<128x128xf32, #tpu.memory_space<vmem>>) offsets(%dma_start3A_409 : memref<128xi32, #tpu.memory_space<vmem>>) semaphore(%arg11 : memref<!tpu.dma_semaphore, #tpu.memory_space<semaphore_mem>>)
      %dma_wait3A_413 = arith.constant 1 : i32
      %dma_wait3A_414 = arith.constant 0 : i32
      %dma_wait3A_415 = arith.constant 5 : i32
      %dma_wait3A_416 = arith.constant 0 : i32
      %dma_wait3A_417 = arith.constant 0 : i32
      %dma_wait3A_418 = tpu.memref_slice %arg9[%dma_wait3A_413, %dma_wait3A_416, %dma_wait3A_417] : memref<2x128x128xf32, #tpu.memory_space<vmem>> -> memref<1x128x128xf32, #tpu.memory_space<vmem>>
      %dma_wait3A_419 = tpu.memref_squeeze %dma_wait3A_418 : memref<1x128x128xf32, #tpu.memory_space<vmem>> -> memref<128x128xf32, #tpu.memory_space<vmem>>
      %dma_wait3A_420 = arith.constant 0 : i32
      %dma_wait3A_421 = tpu.memref_slice %arg8[%dma_wait3A_414, %dma_wait3A_415, %dma_wait3A_420] : memref<2x8x128xi32, #tpu.memory_space<vmem>> -> memref<1x1x128xi32, #tpu.memory_space<vmem>>
      %dma_wait3A_422 = tpu.memref_squeeze %dma_wait3A_421 : memref<1x1x128xi32, #tpu.memory_space<vmem>> -> memref<128xi32, #tpu.memory_space<vmem>>
      %dma_wait3A_423 = arith.constant 0 : i32
      %dma_wait3A_424 = arith.constant 0 : i32
      %dma_wait3A_425 = tpu.memref_slice %arg10[%dma_wait3A_423, %dma_wait3A_424] : memref<10112x128xf32, #tpu.memory_space<vmem_shared>> -> memref<10112x128xf32, #tpu.memory_space<vmem_shared>>
      tpu.wait_indirect_dma semaphore(%arg15 : memref<!tpu.dma_semaphore, #tpu.memory_space<semaphore_mem>>) src(%dma_wait3A_419 : memref<128x128xf32, #tpu.memory_space<vmem>>) dst(%dma_wait3A_425 : memref<10112x128xf32, #tpu.memory_space<vmem_shared>>)
      %dma_wait3A_426 = arith.constant 0 : i32
      %dma_wait3A_427 = arith.constant 6 : i32
      %dma_wait3A_428 = arith.constant 0 : i32
      %dma_wait3A_429 = arith.constant 0 : i32
      %dma_wait3A_430 = arith.constant 0 : i32
      %dma_wait3A_431 = tpu.memref_slice %arg9[%dma_wait3A_428, %dma_wait3A_429, %dma_wait3A_430] : memref<2x128x128xf32, #tpu.memory_space<vmem>> -> memref<1x128x128xf32, #tpu.memory_space<vmem>>
      %dma_wait3A_432 = tpu.memref_squeeze %dma_wait3A_431 : memref<1x128x128xf32, #tpu.memory_space<vmem>> -> memref<128x128xf32, #tpu.memory_space<vmem>>
      %dma_wait3A_433 = arith.constant 0 : i32
      %dma_wait3A_434 = tpu.memref_slice %arg7[%dma_wait3A_426, %dma_wait3A_427, %dma_wait3A_433] : memref<2x8x128xi32, #tpu.memory_space<vmem>> -> memref<1x1x128xi32, #tpu.memory_space<vmem>>
      %dma_wait3A_435 = tpu.memref_squeeze %dma_wait3A_434 : memref<1x1x128xi32, #tpu.memory_space<vmem>> -> memref<128xi32, #tpu.memory_space<vmem>>
      %dma_wait3A_436 = arith.constant 0 : i32
      %dma_wait3A_437 = arith.constant 0 : i32
      %dma_wait3A_438 = tpu.memref_slice %arg2[%dma_wait3A_436, %dma_wait3A_437] : memref<10000x128xf32, #tpu.memory_space<hbm>> -> memref<10000x128xf32, #tpu.memory_space<hbm>>
      tpu.wait_indirect_dma semaphore(%arg11 : memref<!tpu.dma_semaphore, #tpu.memory_space<semaphore_mem>>) src(%dma_wait3A_438 : memref<10000x128xf32, #tpu.memory_space<hbm>>) dst(%dma_wait3A_432 : memref<128x128xf32, #tpu.memory_space<vmem>>)
      %dma_start3A_439 = arith.constant 0 : i32
      %dma_start3A_440 = arith.constant 0 : i32
      %dma_start3A_441 = arith.constant 6 : i32
      %dma_start3A_442 = arith.constant 0 : i32
      %dma_start3A_443 = arith.constant 0 : i32
      %dma_start3A_444 = tpu.memref_slice %arg9[%dma_start3A_439, %dma_start3A_442, %dma_start3A_443] : memref<2x128x128xf32, #tpu.memory_space<vmem>> -> memref<1x128x128xf32, #tpu.memory_space<vmem>>
      %dma_start3A_445 = tpu.memref_squeeze %dma_start3A_444 : memref<1x128x128xf32, #tpu.memory_space<vmem>> -> memref<128x128xf32, #tpu.memory_space<vmem>>
      %dma_start3A_446 = arith.constant 0 : i32
      %dma_start3A_447 = tpu.memref_slice %arg8[%dma_start3A_440, %dma_start3A_441, %dma_start3A_446] : memref<2x8x128xi32, #tpu.memory_space<vmem>> -> memref<1x1x128xi32, #tpu.memory_space<vmem>>
      %dma_start3A_448 = tpu.memref_squeeze %dma_start3A_447 : memref<1x1x128xi32, #tpu.memory_space<vmem>> -> memref<128xi32, #tpu.memory_space<vmem>>
      %dma_start3A_449 = arith.constant 0 : i32
      %dma_start3A_450 = arith.constant 0 : i32
      %dma_start3A_451 = tpu.memref_slice %arg10[%dma_start3A_449, %dma_start3A_450] : memref<10112x128xf32, #tpu.memory_space<vmem_shared>> -> memref<10112x128xf32, #tpu.memory_space<vmem_shared>>
      tpu.enqueue_indirect_dma source(%dma_start3A_445 : memref<128x128xf32, #tpu.memory_space<vmem>>) target(%dma_start3A_451 : memref<10112x128xf32, #tpu.memory_space<vmem_shared>>) offsets(%dma_start3A_448 : memref<128xi32, #tpu.memory_space<vmem>>) semaphore(%arg15 : memref<!tpu.dma_semaphore, #tpu.memory_space<semaphore_mem>>) {add = true}
      %dma_start3A_452 = arith.constant 0 : i32
      %dma_start3A_453 = arith.constant 7 : i32
      %dma_start3A_454 = arith.constant 1 : i32
      %dma_start3A_455 = arith.constant 0 : i32
      %dma_start3A_456 = arith.constant 0 : i32
      %dma_start3A_457 = tpu.memref_slice %arg9[%dma_start3A_454, %dma_start3A_455, %dma_start3A_456] : memref<2x128x128xf32, #tpu.memory_space<vmem>> -> memref<1x128x128xf32, #tpu.memory_space<vmem>>
      %dma_start3A_458 = tpu.memref_squeeze %dma_start3A_457 : memref<1x128x128xf32, #tpu.memory_space<vmem>> -> memref<128x128xf32, #tpu.memory_space<vmem>>
      %dma_start3A_459 = arith.constant 0 : i32
      %dma_start3A_460 = tpu.memref_slice %arg7[%dma_start3A_452, %dma_start3A_453, %dma_start3A_459] : memref<2x8x128xi32, #tpu.memory_space<vmem>> -> memref<1x1x128xi32, #tpu.memory_space<vmem>>
      %dma_start3A_461 = tpu.memref_squeeze %dma_start3A_460 : memref<1x1x128xi32, #tpu.memory_space<vmem>> -> memref<128xi32, #tpu.memory_space<vmem>>
      %dma_start3A_462 = arith.constant 0 : i32
      %dma_start3A_463 = arith.constant 0 : i32
      %dma_start3A_464 = tpu.memref_slice %arg2[%dma_start3A_462, %dma_start3A_463] : memref<10000x128xf32, #tpu.memory_space<hbm>> -> memref<10000x128xf32, #tpu.memory_space<hbm>>
      tpu.enqueue_indirect_dma source(%dma_start3A_464 : memref<10000x128xf32, #tpu.memory_space<hbm>>) target(%dma_start3A_458 : memref<128x128xf32, #tpu.memory_space<vmem>>) offsets(%dma_start3A_461 : memref<128xi32, #tpu.memory_space<vmem>>) semaphore(%arg12 : memref<!tpu.dma_semaphore, #tpu.memory_space<semaphore_mem>>)
      %dma_wait3A_465 = arith.constant 0 : i32
      %dma_wait3A_466 = arith.constant 0 : i32
      %dma_wait3A_467 = arith.constant 6 : i32
      %dma_wait3A_468 = arith.constant 0 : i32
      %dma_wait3A_469 = arith.constant 0 : i32
      %dma_wait3A_470 = tpu.memref_slice %arg9[%dma_wait3A_465, %dma_wait3A_468, %dma_wait3A_469] : memref<2x128x128xf32, #tpu.memory_space<vmem>> -> memref<1x128x128xf32, #tpu.memory_space<vmem>>
      %dma_wait3A_471 = tpu.memref_squeeze %dma_wait3A_470 : memref<1x128x128xf32, #tpu.memory_space<vmem>> -> memref<128x128xf32, #tpu.memory_space<vmem>>
      %dma_wait3A_472 = arith.constant 0 : i32
      %dma_wait3A_473 = tpu.memref_slice %arg8[%dma_wait3A_466, %dma_wait3A_467, %dma_wait3A_472] : memref<2x8x128xi32, #tpu.memory_space<vmem>> -> memref<1x1x128xi32, #tpu.memory_space<vmem>>
      %dma_wait3A_474 = tpu.memref_squeeze %dma_wait3A_473 : memref<1x1x128xi32, #tpu.memory_space<vmem>> -> memref<128xi32, #tpu.memory_space<vmem>>
      %dma_wait3A_475 = arith.constant 0 : i32
      %dma_wait3A_476 = arith.constant 0 : i32
      %dma_wait3A_477 = tpu.memref_slice %arg10[%dma_wait3A_475, %dma_wait3A_476] : memref<10112x128xf32, #tpu.memory_space<vmem_shared>> -> memref<10112x128xf32, #tpu.memory_space<vmem_shared>>
      tpu.wait_indirect_dma semaphore(%arg15 : memref<!tpu.dma_semaphore, #tpu.memory_space<semaphore_mem>>) src(%dma_wait3A_471 : memref<128x128xf32, #tpu.memory_space<vmem>>) dst(%dma_wait3A_477 : memref<10112x128xf32, #tpu.memory_space<vmem_shared>>)
      %dma_wait3A_478 = arith.constant 0 : i32
      %dma_wait3A_479 = arith.constant 7 : i32
      %dma_wait3A_480 = arith.constant 1 : i32
      %dma_wait3A_481 = arith.constant 0 : i32
      %dma_wait3A_482 = arith.constant 0 : i32
      %dma_wait3A_483 = tpu.memref_slice %arg9[%dma_wait3A_480, %dma_wait3A_481, %dma_wait3A_482] : memref<2x128x128xf32, #tpu.memory_space<vmem>> -> memref<1x128x128xf32, #tpu.memory_space<vmem>>
      %dma_wait3A_484 = tpu.memref_squeeze %dma_wait3A_483 : memref<1x128x128xf32, #tpu.memory_space<vmem>> -> memref<128x128xf32, #tpu.memory_space<vmem>>
      %dma_wait3A_485 = arith.constant 0 : i32
      %dma_wait3A_486 = tpu.memref_slice %arg7[%dma_wait3A_478, %dma_wait3A_479, %dma_wait3A_485] : memref<2x8x128xi32, #tpu.memory_space<vmem>> -> memref<1x1x128xi32, #tpu.memory_space<vmem>>
      %dma_wait3A_487 = tpu.memref_squeeze %dma_wait3A_486 : memref<1x1x128xi32, #tpu.memory_space<vmem>> -> memref<128xi32, #tpu.memory_space<vmem>>
      %dma_wait3A_488 = arith.constant 0 : i32
      %dma_wait3A_489 = arith.constant 0 : i32
      %dma_wait3A_490 = tpu.memref_slice %arg2[%dma_wait3A_488, %dma_wait3A_489] : memref<10000x128xf32, #tpu.memory_space<hbm>> -> memref<10000x128xf32, #tpu.memory_space<hbm>>
      tpu.wait_indirect_dma semaphore(%arg12 : memref<!tpu.dma_semaphore, #tpu.memory_space<semaphore_mem>>) src(%dma_wait3A_490 : memref<10000x128xf32, #tpu.memory_space<hbm>>) dst(%dma_wait3A_484 : memref<128x128xf32, #tpu.memory_space<vmem>>)
      %dma_start3A_491 = arith.constant 1 : i32
      %dma_start3A_492 = arith.constant 0 : i32
      %dma_start3A_493 = arith.constant 7 : i32
      %dma_start3A_494 = arith.constant 0 : i32
      %dma_start3A_495 = arith.constant 0 : i32
      %dma_start3A_496 = tpu.memref_slice %arg9[%dma_start3A_491, %dma_start3A_494, %dma_start3A_495] : memref<2x128x128xf32, #tpu.memory_space<vmem>> -> memref<1x128x128xf32, #tpu.memory_space<vmem>>
      %dma_start3A_497 = tpu.memref_squeeze %dma_start3A_496 : memref<1x128x128xf32, #tpu.memory_space<vmem>> -> memref<128x128xf32, #tpu.memory_space<vmem>>
      %dma_start3A_498 = arith.constant 0 : i32
      %dma_start3A_499 = tpu.memref_slice %arg8[%dma_start3A_492, %dma_start3A_493, %dma_start3A_498] : memref<2x8x128xi32, #tpu.memory_space<vmem>> -> memref<1x1x128xi32, #tpu.memory_space<vmem>>
      %dma_start3A_500 = tpu.memref_squeeze %dma_start3A_499 : memref<1x1x128xi32, #tpu.memory_space<vmem>> -> memref<128xi32, #tpu.memory_space<vmem>>
      %dma_start3A_501 = arith.constant 0 : i32
      %dma_start3A_502 = arith.constant 0 : i32
      %dma_start3A_503 = tpu.memref_slice %arg10[%dma_start3A_501, %dma_start3A_502] : memref<10112x128xf32, #tpu.memory_space<vmem_shared>> -> memref<10112x128xf32, #tpu.memory_space<vmem_shared>>
      tpu.enqueue_indirect_dma source(%dma_start3A_497 : memref<128x128xf32, #tpu.memory_space<vmem>>) target(%dma_start3A_503 : memref<10112x128xf32, #tpu.memory_space<vmem_shared>>) offsets(%dma_start3A_500 : memref<128xi32, #tpu.memory_space<vmem>>) semaphore(%arg15 : memref<!tpu.dma_semaphore, #tpu.memory_space<semaphore_mem>>) {add = true}
      %add3A_504 = arith.constant 1 : i32
      %add3A_505 = arith.addi %add3A_113, %add3A_504 : i32
      %mul3A_506 = arith.constant 8 : i32
      %mul3A_507 = arith.muli %add3A_505, %mul3A_506 : i32
      %multiple_of3A_508 = tpu.assume_multiple %mul3A_507, 8 : i32
      %dma_wait3A_509 = arith.constant 1 : i32
      %dma_wait3A_510 = arith.constant 0 : i32
      %dma_wait3A_511 = arith.constant 0 : i32
      %dma_wait3A_512 = tpu.memref_slice %arg7[%dma_wait3A_509, %dma_wait3A_510, %dma_wait3A_511] : memref<2x8x128xi32, #tpu.memory_space<vmem>> -> memref<1x8x128xi32, #tpu.memory_space<vmem>>
      %dma_wait3A_513 = tpu.memref_squeeze %dma_wait3A_512 : memref<1x8x128xi32, #tpu.memory_space<vmem>> -> memref<8x128xi32, #tpu.memory_space<vmem>>
      %dma_wait3A_514 = arith.constant 0 : i32
      %dma_wait3A_515 = tpu.memref_slice %arg3[%add3A, %multiple_of3A_508, %dma_wait3A_514] : memref<32x96x128xi32, #tpu.memory_space<hbm>> -> memref<1x8x128xi32, #tpu.memory_space<hbm>>
      %dma_wait3A_516 = tpu.memref_squeeze %dma_wait3A_515 : memref<1x8x128xi32, #tpu.memory_space<hbm>> -> memref<8x128xi32, #tpu.memory_space<hbm>>
      %dma_wait3A_517 = arith.constant 0 : i32
      %dma_wait3A_518 = arith.constant 0 : i32
      %dma_wait3A_519 = tpu.memref_slice %arg7[%dma_wait3A_509, %dma_wait3A_517, %dma_wait3A_518] : memref<2x8x128xi32, #tpu.memory_space<vmem>> -> memref<1x8x128xi32, #tpu.memory_space<vmem>>
      %dma_wait3A_520 = tpu.memref_squeeze %dma_wait3A_519 : memref<1x8x128xi32, #tpu.memory_space<vmem>> -> memref<8x128xi32, #tpu.memory_space<vmem>>
      %dma_wait3A_521 = arith.constant 0 : i32
      %dma_wait3A_522 = tpu.memref_slice %arg3[%add3A, %multiple_of3A_508, %dma_wait3A_521] : memref<32x96x128xi32, #tpu.memory_space<hbm>> -> memref<1x8x128xi32, #tpu.memory_space<hbm>>
      %dma_wait3A_523 = tpu.memref_squeeze %dma_wait3A_522 : memref<1x8x128xi32, #tpu.memory_space<hbm>> -> memref<8x128xi32, #tpu.memory_space<hbm>>
      tpu.wait_dma2 semaphore(%arg14 : memref<!tpu.dma_semaphore, #tpu.memory_space<semaphore_mem>>) src(%dma_wait3A_523 : memref<8x128xi32, #tpu.memory_space<hbm>>) dst(%dma_wait3A_520 : memref<8x128xi32, #tpu.memory_space<vmem>>)
      %add3A_524 = arith.constant 1 : i32
      %add3A_525 = arith.addi %add3A_113, %add3A_524 : i32
      %mul3A_526 = arith.constant 8 : i32
      %mul3A_527 = arith.muli %add3A_525, %mul3A_526 : i32
      %multiple_of3A_528 = tpu.assume_multiple %mul3A_527, 8 : i32
      %dma_wait3A_529 = arith.constant 1 : i32
      %dma_wait3A_530 = arith.constant 0 : i32
      %dma_wait3A_531 = arith.constant 0 : i32
      %dma_wait3A_532 = tpu.memref_slice %arg8[%dma_wait3A_529, %dma_wait3A_530, %dma_wait3A_531] : memref<2x8x128xi32, #tpu.memory_space<vmem>> -> memref<1x8x128xi32, #tpu.memory_space<vmem>>
      %dma_wait3A_533 = tpu.memref_squeeze %dma_wait3A_532 : memref<1x8x128xi32, #tpu.memory_space<vmem>> -> memref<8x128xi32, #tpu.memory_space<vmem>>
      %dma_wait3A_534 = arith.constant 0 : i32
      %dma_wait3A_535 = tpu.memref_slice %arg4[%add3A, %multiple_of3A_528, %dma_wait3A_534] : memref<32x96x128xi32, #tpu.memory_space<hbm>> -> memref<1x8x128xi32, #tpu.memory_space<hbm>>
      %dma_wait3A_536 = tpu.memref_squeeze %dma_wait3A_535 : memref<1x8x128xi32, #tpu.memory_space<hbm>> -> memref<8x128xi32, #tpu.memory_space<hbm>>
      %dma_wait3A_537 = arith.constant 0 : i32
      %dma_wait3A_538 = arith.constant 0 : i32
      %dma_wait3A_539 = tpu.memref_slice %arg8[%dma_wait3A_529, %dma_wait3A_537, %dma_wait3A_538] : memref<2x8x128xi32, #tpu.memory_space<vmem>> -> memref<1x8x128xi32, #tpu.memory_space<vmem>>
      %dma_wait3A_540 = tpu.memref_squeeze %dma_wait3A_539 : memref<1x8x128xi32, #tpu.memory_space<vmem>> -> memref<8x128xi32, #tpu.memory_space<vmem>>
      %dma_wait3A_541 = arith.constant 0 : i32
      %dma_wait3A_542 = tpu.memref_slice %arg4[%add3A, %multiple_of3A_528, %dma_wait3A_541] : memref<32x96x128xi32, #tpu.memory_space<hbm>> -> memref<1x8x128xi32, #tpu.memory_space<hbm>>
      %dma_wait3A_543 = tpu.memref_squeeze %dma_wait3A_542 : memref<1x8x128xi32, #tpu.memory_space<hbm>> -> memref<8x128xi32, #tpu.memory_space<hbm>>
      tpu.wait_dma2 semaphore(%arg14 : memref<!tpu.dma_semaphore, #tpu.memory_space<semaphore_mem>>) src(%dma_wait3A_543 : memref<8x128xi32, #tpu.memory_space<hbm>>) dst(%dma_wait3A_540 : memref<8x128xi32, #tpu.memory_space<vmem>>)
      %dma_start3A_544 = arith.constant 1 : i32
      %dma_start3A_545 = arith.constant 0 : i32
      %dma_start3A_546 = arith.constant 0 : i32
      %dma_start3A_547 = arith.constant 0 : i32
      %dma_start3A_548 = arith.constant 0 : i32
      %dma_start3A_549 = tpu.memref_slice %arg9[%dma_start3A_546, %dma_start3A_547, %dma_start3A_548] : memref<2x128x128xf32, #tpu.memory_space<vmem>> -> memref<1x128x128xf32, #tpu.memory_space<vmem>>
      %dma_start3A_550 = tpu.memref_squeeze %dma_start3A_549 : memref<1x128x128xf32, #tpu.memory_space<vmem>> -> memref<128x128xf32, #tpu.memory_space<vmem>>
      %dma_start3A_551 = arith.constant 0 : i32
      %dma_start3A_552 = tpu.memref_slice %arg7[%dma_start3A_544, %dma_start3A_545, %dma_start3A_551] : memref<2x8x128xi32, #tpu.memory_space<vmem>> -> memref<1x1x128xi32, #tpu.memory_space<vmem>>
      %dma_start3A_553 = tpu.memref_squeeze %dma_start3A_552 : memref<1x1x128xi32, #tpu.memory_space<vmem>> -> memref<128xi32, #tpu.memory_space<vmem>>
      %dma_start3A_554 = arith.constant 0 : i32
      %dma_start3A_555 = arith.constant 0 : i32
      %dma_start3A_556 = tpu.memref_slice %arg2[%dma_start3A_554, %dma_start3A_555] : memref<10000x128xf32, #tpu.memory_space<hbm>> -> memref<10000x128xf32, #tpu.memory_space<hbm>>
      tpu.enqueue_indirect_dma source(%dma_start3A_556 : memref<10000x128xf32, #tpu.memory_space<hbm>>) target(%dma_start3A_550 : memref<128x128xf32, #tpu.memory_space<vmem>>) offsets(%dma_start3A_553 : memref<128xi32, #tpu.memory_space<vmem>>) semaphore(%arg11 : memref<!tpu.dma_semaphore, #tpu.memory_space<semaphore_mem>>)
      %dma_wait3A_557 = arith.constant 1 : i32
      %dma_wait3A_558 = arith.constant 0 : i32
      %dma_wait3A_559 = arith.constant 7 : i32
      %dma_wait3A_560 = arith.constant 0 : i32
      %dma_wait3A_561 = arith.constant 0 : i32
      %dma_wait3A_562 = tpu.memref_slice %arg9[%dma_wait3A_557, %dma_wait3A_560, %dma_wait3A_561] : memref<2x128x128xf32, #tpu.memory_space<vmem>> -> memref<1x128x128xf32, #tpu.memory_space<vmem>>
      %dma_wait3A_563 = tpu.memref_squeeze %dma_wait3A_562 : memref<1x128x128xf32, #tpu.memory_space<vmem>> -> memref<128x128xf32, #tpu.memory_space<vmem>>
      %dma_wait3A_564 = arith.constant 0 : i32
      %dma_wait3A_565 = tpu.memref_slice %arg8[%dma_wait3A_558, %dma_wait3A_559, %dma_wait3A_564] : memref<2x8x128xi32, #tpu.memory_space<vmem>> -> memref<1x1x128xi32, #tpu.memory_space<vmem>>
      %dma_wait3A_566 = tpu.memref_squeeze %dma_wait3A_565 : memref<1x1x128xi32, #tpu.memory_space<vmem>> -> memref<128xi32, #tpu.memory_space<vmem>>
      %dma_wait3A_567 = arith.constant 0 : i32
      %dma_wait3A_568 = arith.constant 0 : i32
      %dma_wait3A_569 = tpu.memref_slice %arg10[%dma_wait3A_567, %dma_wait3A_568] : memref<10112x128xf32, #tpu.memory_space<vmem_shared>> -> memref<10112x128xf32, #tpu.memory_space<vmem_shared>>
      tpu.wait_indirect_dma semaphore(%arg15 : memref<!tpu.dma_semaphore, #tpu.memory_space<semaphore_mem>>) src(%dma_wait3A_563 : memref<128x128xf32, #tpu.memory_space<vmem>>) dst(%dma_wait3A_569 : memref<10112x128xf32, #tpu.memory_space<vmem_shared>>)
      %add3A_570 = arith.constant 2 : i32
      %add3A_571 = arith.addi %add3A_113, %add3A_570 : i32
      %mul3A_572 = arith.constant 8 : i32
      %mul3A_573 = arith.muli %add3A_571, %mul3A_572 : i32
      %multiple_of3A_574 = tpu.assume_multiple %mul3A_573, 8 : i32
      %dma_start3A_575 = arith.constant 0 : i32
      %dma_start3A_576 = arith.constant 0 : i32
      %dma_start3A_577 = arith.constant 0 : i32
      %dma_start3A_578 = tpu.memref_slice %arg7[%dma_start3A_575, %dma_start3A_576, %dma_start3A_577] : memref<2x8x128xi32, #tpu.memory_space<vmem>> -> memref<1x8x128xi32, #tpu.memory_space<vmem>>
      %dma_start3A_579 = tpu.memref_squeeze %dma_start3A_578 : memref<1x8x128xi32, #tpu.memory_space<vmem>> -> memref<8x128xi32, #tpu.memory_space<vmem>>
      %dma_start3A_580 = arith.constant 0 : i32
      %dma_start3A_581 = tpu.memref_slice %arg3[%add3A, %multiple_of3A_574, %dma_start3A_580] : memref<32x96x128xi32, #tpu.memory_space<hbm>> -> memref<1x8x128xi32, #tpu.memory_space<hbm>>
      %dma_start3A_582 = tpu.memref_squeeze %dma_start3A_581 : memref<1x8x128xi32, #tpu.memory_space<hbm>> -> memref<8x128xi32, #tpu.memory_space<hbm>>
      %dma_start3A_583 = arith.constant 0 : i32
      %dma_start3A_584 = arith.constant 0 : i32
      %dma_start3A_585 = tpu.memref_slice %arg7[%dma_start3A_575, %dma_start3A_583, %dma_start3A_584] : memref<2x8x128xi32, #tpu.memory_space<vmem>> -> memref<1x8x128xi32, #tpu.memory_space<vmem>>
      %dma_start3A_586 = tpu.memref_squeeze %dma_start3A_585 : memref<1x8x128xi32, #tpu.memory_space<vmem>> -> memref<8x128xi32, #tpu.memory_space<vmem>>
      %dma_start3A_587 = arith.constant 0 : i32
      %dma_start3A_588 = tpu.memref_slice %arg3[%add3A, %multiple_of3A_574, %dma_start3A_587] : memref<32x96x128xi32, #tpu.memory_space<hbm>> -> memref<1x8x128xi32, #tpu.memory_space<hbm>>
      %dma_start3A_589 = tpu.memref_squeeze %dma_start3A_588 : memref<1x8x128xi32, #tpu.memory_space<hbm>> -> memref<8x128xi32, #tpu.memory_space<hbm>>
      tpu.enqueue_dma source(%dma_start3A_589 : memref<8x128xi32, #tpu.memory_space<hbm>>) target(%dma_start3A_586 : memref<8x128xi32, #tpu.memory_space<vmem>>) target_semaphore(%arg13 : memref<!tpu.dma_semaphore, #tpu.memory_space<semaphore_mem>>)
      %add3A_590 = arith.constant 2 : i32
      %add3A_591 = arith.addi %add3A_113, %add3A_590 : i32
      %mul3A_592 = arith.constant 8 : i32
      %mul3A_593 = arith.muli %add3A_591, %mul3A_592 : i32
      %multiple_of3A_594 = tpu.assume_multiple %mul3A_593, 8 : i32
      %dma_start3A_595 = arith.constant 0 : i32
      %dma_start3A_596 = arith.constant 0 : i32
      %dma_start3A_597 = arith.constant 0 : i32
      %dma_start3A_598 = tpu.memref_slice %arg8[%dma_start3A_595, %dma_start3A_596, %dma_start3A_597] : memref<2x8x128xi32, #tpu.memory_space<vmem>> -> memref<1x8x128xi32, #tpu.memory_space<vmem>>
      %dma_start3A_599 = tpu.memref_squeeze %dma_start3A_598 : memref<1x8x128xi32, #tpu.memory_space<vmem>> -> memref<8x128xi32, #tpu.memory_space<vmem>>
      %dma_start3A_600 = arith.constant 0 : i32
      %dma_start3A_601 = tpu.memref_slice %arg4[%add3A, %multiple_of3A_594, %dma_start3A_600] : memref<32x96x128xi32, #tpu.memory_space<hbm>> -> memref<1x8x128xi32, #tpu.memory_space<hbm>>
      %dma_start3A_602 = tpu.memref_squeeze %dma_start3A_601 : memref<1x8x128xi32, #tpu.memory_space<hbm>> -> memref<8x128xi32, #tpu.memory_space<hbm>>
      %dma_start3A_603 = arith.constant 0 : i32
      %dma_start3A_604 = arith.constant 0 : i32
      %dma_start3A_605 = tpu.memref_slice %arg8[%dma_start3A_595, %dma_start3A_603, %dma_start3A_604] : memref<2x8x128xi32, #tpu.memory_space<vmem>> -> memref<1x8x128xi32, #tpu.memory_space<vmem>>
      %dma_start3A_606 = tpu.memref_squeeze %dma_start3A_605 : memref<1x8x128xi32, #tpu.memory_space<vmem>> -> memref<8x128xi32, #tpu.memory_space<vmem>>
      %dma_start3A_607 = arith.constant 0 : i32
      %dma_start3A_608 = tpu.memref_slice %arg4[%add3A, %multiple_of3A_594, %dma_start3A_607] : memref<32x96x128xi32, #tpu.memory_space<hbm>> -> memref<1x8x128xi32, #tpu.memory_space<hbm>>
      %dma_start3A_609 = tpu.memref_squeeze %dma_start3A_608 : memref<1x8x128xi32, #tpu.memory_space<hbm>> -> memref<8x128xi32, #tpu.memory_space<hbm>>
      tpu.enqueue_dma source(%dma_start3A_609 : memref<8x128xi32, #tpu.memory_space<hbm>>) target(%dma_start3A_606 : memref<8x128xi32, #tpu.memory_space<vmem>>) target_semaphore(%arg13 : memref<!tpu.dma_semaphore, #tpu.memory_space<semaphore_mem>>)
      %mul3A_610 = arith.constant 2 : i32
      %mul3A_611 = arith.muli %mul3A_610, %scan3A_109 : i32
      %add3A_612 = arith.constant 1 : i32
      %add3A_613 = arith.addi %mul3A_611, %add3A_612 : i32
      %dma_wait3A_614 = arith.constant 1 : i32
      %dma_wait3A_615 = arith.constant 0 : i32
      %dma_wait3A_616 = arith.constant 0 : i32
      %dma_wait3A_617 = arith.constant 0 : i32
      %dma_wait3A_618 = arith.constant 0 : i32
      %dma_wait3A_619 = tpu.memref_slice %arg9[%dma_wait3A_616, %dma_wait3A_617, %dma_wait3A_618] : memref<2x128x128xf32, #tpu.memory_space<vmem>> -> memref<1x128x128xf32, #tpu.memory_space<vmem>>
      %dma_wait3A_620 = tpu.memref_squeeze %dma_wait3A_619 : memref<1x128x128xf32, #tpu.memory_space<vmem>> -> memref<128x128xf32, #tpu.memory_space<vmem>>
      %dma_wait3A_621 = arith.constant 0 : i32
      %dma_wait3A_622 = tpu.memref_slice %arg7[%dma_wait3A_614, %dma_wait3A_615, %dma_wait3A_621] : memref<2x8x128xi32, #tpu.memory_space<vmem>> -> memref<1x1x128xi32, #tpu.memory_space<vmem>>
      %dma_wait3A_623 = tpu.memref_squeeze %dma_wait3A_622 : memref<1x1x128xi32, #tpu.memory_space<vmem>> -> memref<128xi32, #tpu.memory_space<vmem>>
      %dma_wait3A_624 = arith.constant 0 : i32
      %dma_wait3A_625 = arith.constant 0 : i32
      %dma_wait3A_626 = tpu.memref_slice %arg2[%dma_wait3A_624, %dma_wait3A_625] : memref<10000x128xf32, #tpu.memory_space<hbm>> -> memref<10000x128xf32, #tpu.memory_space<hbm>>
      tpu.wait_indirect_dma semaphore(%arg11 : memref<!tpu.dma_semaphore, #tpu.memory_space<semaphore_mem>>) src(%dma_wait3A_626 : memref<10000x128xf32, #tpu.memory_space<hbm>>) dst(%dma_wait3A_620 : memref<128x128xf32, #tpu.memory_space<vmem>>)
      %dma_start3A_627 = arith.constant 0 : i32
      %dma_start3A_628 = arith.constant 1 : i32
      %dma_start3A_629 = arith.constant 0 : i32
      %dma_start3A_630 = arith.constant 0 : i32
      %dma_start3A_631 = arith.constant 0 : i32
      %dma_start3A_632 = tpu.memref_slice %arg9[%dma_start3A_627, %dma_start3A_630, %dma_start3A_631] : memref<2x128x128xf32, #tpu.memory_space<vmem>> -> memref<1x128x128xf32, #tpu.memory_space<vmem>>
      %dma_start3A_633 = tpu.memref_squeeze %dma_start3A_632 : memref<1x128x128xf32, #tpu.memory_space<vmem>> -> memref<128x128xf32, #tpu.memory_space<vmem>>
      %dma_start3A_634 = arith.constant 0 : i32
      %dma_start3A_635 = tpu.memref_slice %arg8[%dma_start3A_628, %dma_start3A_629, %dma_start3A_634] : memref<2x8x128xi32, #tpu.memory_space<vmem>> -> memref<1x1x128xi32, #tpu.memory_space<vmem>>
      %dma_start3A_636 = tpu.memref_squeeze %dma_start3A_635 : memref<1x1x128xi32, #tpu.memory_space<vmem>> -> memref<128xi32, #tpu.memory_space<vmem>>
      %dma_start3A_637 = arith.constant 0 : i32
      %dma_start3A_638 = arith.constant 0 : i32
      %dma_start3A_639 = tpu.memref_slice %arg10[%dma_start3A_637, %dma_start3A_638] : memref<10112x128xf32, #tpu.memory_space<vmem_shared>> -> memref<10112x128xf32, #tpu.memory_space<vmem_shared>>
      tpu.enqueue_indirect_dma source(%dma_start3A_633 : memref<128x128xf32, #tpu.memory_space<vmem>>) target(%dma_start3A_639 : memref<10112x128xf32, #tpu.memory_space<vmem_shared>>) offsets(%dma_start3A_636 : memref<128xi32, #tpu.memory_space<vmem>>) semaphore(%arg15 : memref<!tpu.dma_semaphore, #tpu.memory_space<semaphore_mem>>) {add = true}
      %dma_start3A_640 = arith.constant 1 : i32
      %dma_start3A_641 = arith.constant 1 : i32
      %dma_start3A_642 = arith.constant 1 : i32
      %dma_start3A_643 = arith.constant 0 : i32
      %dma_start3A_644 = arith.constant 0 : i32
      %dma_start3A_645 = tpu.memref_slice %arg9[%dma_start3A_642, %dma_start3A_643, %dma_start3A_644] : memref<2x128x128xf32, #tpu.memory_space<vmem>> -> memref<1x128x128xf32, #tpu.memory_space<vmem>>
      %dma_start3A_646 = tpu.memref_squeeze %dma_start3A_645 : memref<1x128x128xf32, #tpu.memory_space<vmem>> -> memref<128x128xf32, #tpu.memory_space<vmem>>
      %dma_start3A_647 = arith.constant 0 : i32
      %dma_start3A_648 = tpu.memref_slice %arg7[%dma_start3A_640, %dma_start3A_641, %dma_start3A_647] : memref<2x8x128xi32, #tpu.memory_space<vmem>> -> memref<1x1x128xi32, #tpu.memory_space<vmem>>
      %dma_start3A_649 = tpu.memref_squeeze %dma_start3A_648 : memref<1x1x128xi32, #tpu.memory_space<vmem>> -> memref<128xi32, #tpu.memory_space<vmem>>
      %dma_start3A_650 = arith.constant 0 : i32
      %dma_start3A_651 = arith.constant 0 : i32
      %dma_start3A_652 = tpu.memref_slice %arg2[%dma_start3A_650, %dma_start3A_651] : memref<10000x128xf32, #tpu.memory_space<hbm>> -> memref<10000x128xf32, #tpu.memory_space<hbm>>
      tpu.enqueue_indirect_dma source(%dma_start3A_652 : memref<10000x128xf32, #tpu.memory_space<hbm>>) target(%dma_start3A_646 : memref<128x128xf32, #tpu.memory_space<vmem>>) offsets(%dma_start3A_649 : memref<128xi32, #tpu.memory_space<vmem>>) semaphore(%arg12 : memref<!tpu.dma_semaphore, #tpu.memory_space<semaphore_mem>>)
      %dma_wait3A_653 = arith.constant 0 : i32
      %dma_wait3A_654 = arith.constant 1 : i32
      %dma_wait3A_655 = arith.constant 0 : i32
      %dma_wait3A_656 = arith.constant 0 : i32
      %dma_wait3A_657 = arith.constant 0 : i32
      %dma_wait3A_658 = tpu.memref_slice %arg9[%dma_wait3A_653, %dma_wait3A_656, %dma_wait3A_657] : memref<2x128x128xf32, #tpu.memory_space<vmem>> -> memref<1x128x128xf32, #tpu.memory_space<vmem>>
      %dma_wait3A_659 = tpu.memref_squeeze %dma_wait3A_658 : memref<1x128x128xf32, #tpu.memory_space<vmem>> -> memref<128x128xf32, #tpu.memory_space<vmem>>
      %dma_wait3A_660 = arith.constant 0 : i32
      %dma_wait3A_661 = tpu.memref_slice %arg8[%dma_wait3A_654, %dma_wait3A_655, %dma_wait3A_660] : memref<2x8x128xi32, #tpu.memory_space<vmem>> -> memref<1x1x128xi32, #tpu.memory_space<vmem>>
      %dma_wait3A_662 = tpu.memref_squeeze %dma_wait3A_661 : memref<1x1x128xi32, #tpu.memory_space<vmem>> -> memref<128xi32, #tpu.memory_space<vmem>>
      %dma_wait3A_663 = arith.constant 0 : i32
      %dma_wait3A_664 = arith.constant 0 : i32
      %dma_wait3A_665 = tpu.memref_slice %arg10[%dma_wait3A_663, %dma_wait3A_664] : memref<10112x128xf32, #tpu.memory_space<vmem_shared>> -> memref<10112x128xf32, #tpu.memory_space<vmem_shared>>
      tpu.wait_indirect_dma semaphore(%arg15 : memref<!tpu.dma_semaphore, #tpu.memory_space<semaphore_mem>>) src(%dma_wait3A_659 : memref<128x128xf32, #tpu.memory_space<vmem>>) dst(%dma_wait3A_665 : memref<10112x128xf32, #tpu.memory_space<vmem_shared>>)
      %dma_wait3A_666 = arith.constant 1 : i32
      %dma_wait3A_667 = arith.constant 1 : i32
      %dma_wait3A_668 = arith.constant 1 : i32
      %dma_wait3A_669 = arith.constant 0 : i32
      %dma_wait3A_670 = arith.constant 0 : i32
      %dma_wait3A_671 = tpu.memref_slice %arg9[%dma_wait3A_668, %dma_wait3A_669, %dma_wait3A_670] : memref<2x128x128xf32, #tpu.memory_space<vmem>> -> memref<1x128x128xf32, #tpu.memory_space<vmem>>
      %dma_wait3A_672 = tpu.memref_squeeze %dma_wait3A_671 : memref<1x128x128xf32, #tpu.memory_space<vmem>> -> memref<128x128xf32, #tpu.memory_space<vmem>>
      %dma_wait3A_673 = arith.constant 0 : i32
      %dma_wait3A_674 = tpu.memref_slice %arg7[%dma_wait3A_666, %dma_wait3A_667, %dma_wait3A_673] : memref<2x8x128xi32, #tpu.memory_space<vmem>> -> memref<1x1x128xi32, #tpu.memory_space<vmem>>
      %dma_wait3A_675 = tpu.memref_squeeze %dma_wait3A_674 : memref<1x1x128xi32, #tpu.memory_space<vmem>> -> memref<128xi32, #tpu.memory_space<vmem>>
      %dma_wait3A_676 = arith.constant 0 : i32
      %dma_wait3A_677 = arith.constant 0 : i32
      %dma_wait3A_678 = tpu.memref_slice %arg2[%dma_wait3A_676, %dma_wait3A_677] : memref<10000x128xf32, #tpu.memory_space<hbm>> -> memref<10000x128xf32, #tpu.memory_space<hbm>>
      tpu.wait_indirect_dma semaphore(%arg12 : memref<!tpu.dma_semaphore, #tpu.memory_space<semaphore_mem>>) src(%dma_wait3A_678 : memref<10000x128xf32, #tpu.memory_space<hbm>>) dst(%dma_wait3A_672 : memref<128x128xf32, #tpu.memory_space<vmem>>)
      %dma_start3A_679 = arith.constant 1 : i32
      %dma_start3A_680 = arith.constant 1 : i32
      %dma_start3A_681 = arith.constant 1 : i32
      %dma_start3A_682 = arith.constant 0 : i32
      %dma_start3A_683 = arith.constant 0 : i32
      %dma_start3A_684 = tpu.memref_slice %arg9[%dma_start3A_679, %dma_start3A_682, %dma_start3A_683] : memref<2x128x128xf32, #tpu.memory_space<vmem>> -> memref<1x128x128xf32, #tpu.memory_space<vmem>>
      %dma_start3A_685 = tpu.memref_squeeze %dma_start3A_684 : memref<1x128x128xf32, #tpu.memory_space<vmem>> -> memref<128x128xf32, #tpu.memory_space<vmem>>
      %dma_start3A_686 = arith.constant 0 : i32
      %dma_start3A_687 = tpu.memref_slice %arg8[%dma_start3A_680, %dma_start3A_681, %dma_start3A_686] : memref<2x8x128xi32, #tpu.memory_space<vmem>> -> memref<1x1x128xi32, #tpu.memory_space<vmem>>
      %dma_start3A_688 = tpu.memref_squeeze %dma_start3A_687 : memref<1x1x128xi32, #tpu.memory_space<vmem>> -> memref<128xi32, #tpu.memory_space<vmem>>
      %dma_start3A_689 = arith.constant 0 : i32
      %dma_start3A_690 = arith.constant 0 : i32
      %dma_start3A_691 = tpu.memref_slice %arg10[%dma_start3A_689, %dma_start3A_690] : memref<10112x128xf32, #tpu.memory_space<vmem_shared>> -> memref<10112x128xf32, #tpu.memory_space<vmem_shared>>
      tpu.enqueue_indirect_dma source(%dma_start3A_685 : memref<128x128xf32, #tpu.memory_space<vmem>>) target(%dma_start3A_691 : memref<10112x128xf32, #tpu.memory_space<vmem_shared>>) offsets(%dma_start3A_688 : memref<128xi32, #tpu.memory_space<vmem>>) semaphore(%arg15 : memref<!tpu.dma_semaphore, #tpu.memory_space<semaphore_mem>>) {add = true}
      %dma_start3A_692 = arith.constant 1 : i32
      %dma_start3A_693 = arith.constant 2 : i32
      %dma_start3A_694 = arith.constant 0 : i32
      %dma_start3A_695 = arith.constant 0 : i32
      %dma_start3A_696 = arith.constant 0 : i32
      %dma_start3A_697 = tpu.memref_slice %arg9[%dma_start3A_694, %dma_start3A_695, %dma_start3A_696] : memref<2x128x128xf32, #tpu.memory_space<vmem>> -> memref<1x128x128xf32, #tpu.memory_space<vmem>>
      %dma_start3A_698 = tpu.memref_squeeze %dma_start3A_697 : memref<1x128x128xf32, #tpu.memory_space<vmem>> -> memref<128x128xf32, #tpu.memory_space<vmem>>
      %dma_start3A_699 = arith.constant 0 : i32
      %dma_start3A_700 = tpu.memref_slice %arg7[%dma_start3A_692, %dma_start3A_693, %dma_start3A_699] : memref<2x8x128xi32, #tpu.memory_space<vmem>> -> memref<1x1x128xi32, #tpu.memory_space<vmem>>
      %dma_start3A_701 = tpu.memref_squeeze %dma_start3A_700 : memref<1x1x128xi32, #tpu.memory_space<vmem>> -> memref<128xi32, #tpu.memory_space<vmem>>
      %dma_start3A_702 = arith.constant 0 : i32
      %dma_start3A_703 = arith.constant 0 : i32
      %dma_start3A_704 = tpu.memref_slice %arg2[%dma_start3A_702, %dma_start3A_703] : memref<10000x128xf32, #tpu.memory_space<hbm>> -> memref<10000x128xf32, #tpu.memory_space<hbm>>
      tpu.enqueue_indirect_dma source(%dma_start3A_704 : memref<10000x128xf32, #tpu.memory_space<hbm>>) target(%dma_start3A_698 : memref<128x128xf32, #tpu.memory_space<vmem>>) offsets(%dma_start3A_701 : memref<128xi32, #tpu.memory_space<vmem>>) semaphore(%arg11 : memref<!tpu.dma_semaphore, #tpu.memory_space<semaphore_mem>>)
      %dma_wait3A_705 = arith.constant 1 : i32
      %dma_wait3A_706 = arith.constant 1 : i32
      %dma_wait3A_707 = arith.constant 1 : i32
      %dma_wait3A_708 = arith.constant 0 : i32
      %dma_wait3A_709 = arith.constant 0 : i32
      %dma_wait3A_710 = tpu.memref_slice %arg9[%dma_wait3A_705, %dma_wait3A_708, %dma_wait3A_709] : memref<2x128x128xf32, #tpu.memory_space<vmem>> -> memref<1x128x128xf32, #tpu.memory_space<vmem>>
      %dma_wait3A_711 = tpu.memref_squeeze %dma_wait3A_710 : memref<1x128x128xf32, #tpu.memory_space<vmem>> -> memref<128x128xf32, #tpu.memory_space<vmem>>
      %dma_wait3A_712 = arith.constant 0 : i32
      %dma_wait3A_713 = tpu.memref_slice %arg8[%dma_wait3A_706, %dma_wait3A_707, %dma_wait3A_712] : memref<2x8x128xi32, #tpu.memory_space<vmem>> -> memref<1x1x128xi32, #tpu.memory_space<vmem>>
      %dma_wait3A_714 = tpu.memref_squeeze %dma_wait3A_713 : memref<1x1x128xi32, #tpu.memory_space<vmem>> -> memref<128xi32, #tpu.memory_space<vmem>>
      %dma_wait3A_715 = arith.constant 0 : i32
      %dma_wait3A_716 = arith.constant 0 : i32
      %dma_wait3A_717 = tpu.memref_slice %arg10[%dma_wait3A_715, %dma_wait3A_716] : memref<10112x128xf32, #tpu.memory_space<vmem_shared>> -> memref<10112x128xf32, #tpu.memory_space<vmem_shared>>
      tpu.wait_indirect_dma semaphore(%arg15 : memref<!tpu.dma_semaphore, #tpu.memory_space<semaphore_mem>>) src(%dma_wait3A_711 : memref<128x128xf32, #tpu.memory_space<vmem>>) dst(%dma_wait3A_717 : memref<10112x128xf32, #tpu.memory_space<vmem_shared>>)
      %dma_wait3A_718 = arith.constant 1 : i32
      %dma_wait3A_719 = arith.constant 2 : i32
      %dma_wait3A_720 = arith.constant 0 : i32
      %dma_wait3A_721 = arith.constant 0 : i32
      %dma_wait3A_722 = arith.constant 0 : i32
      %dma_wait3A_723 = tpu.memref_slice %arg9[%dma_wait3A_720, %dma_wait3A_721, %dma_wait3A_722] : memref<2x128x128xf32, #tpu.memory_space<vmem>> -> memref<1x128x128xf32, #tpu.memory_space<vmem>>
      %dma_wait3A_724 = tpu.memref_squeeze %dma_wait3A_723 : memref<1x128x128xf32, #tpu.memory_space<vmem>> -> memref<128x128xf32, #tpu.memory_space<vmem>>
      %dma_wait3A_725 = arith.constant 0 : i32
      %dma_wait3A_726 = tpu.memref_slice %arg7[%dma_wait3A_718, %dma_wait3A_719, %dma_wait3A_725] : memref<2x8x128xi32, #tpu.memory_space<vmem>> -> memref<1x1x128xi32, #tpu.memory_space<vmem>>
      %dma_wait3A_727 = tpu.memref_squeeze %dma_wait3A_726 : memref<1x1x128xi32, #tpu.memory_space<vmem>> -> memref<128xi32, #tpu.memory_space<vmem>>
      %dma_wait3A_728 = arith.constant 0 : i32
      %dma_wait3A_729 = arith.constant 0 : i32
      %dma_wait3A_730 = tpu.memref_slice %arg2[%dma_wait3A_728, %dma_wait3A_729] : memref<10000x128xf32, #tpu.memory_space<hbm>> -> memref<10000x128xf32, #tpu.memory_space<hbm>>
      tpu.wait_indirect_dma semaphore(%arg11 : memref<!tpu.dma_semaphore, #tpu.memory_space<semaphore_mem>>) src(%dma_wait3A_730 : memref<10000x128xf32, #tpu.memory_space<hbm>>) dst(%dma_wait3A_724 : memref<128x128xf32, #tpu.memory_space<vmem>>)
      %dma_start3A_731 = arith.constant 0 : i32
      %dma_start3A_732 = arith.constant 1 : i32
      %dma_start3A_733 = arith.constant 2 : i32
      %dma_start3A_734 = arith.constant 0 : i32
      %dma_start3A_735 = arith.constant 0 : i32
      %dma_start3A_736 = tpu.memref_slice %arg9[%dma_start3A_731, %dma_start3A_734, %dma_start3A_735] : memref<2x128x128xf32, #tpu.memory_space<vmem>> -> memref<1x128x128xf32, #tpu.memory_space<vmem>>
      %dma_start3A_737 = tpu.memref_squeeze %dma_start3A_736 : memref<1x128x128xf32, #tpu.memory_space<vmem>> -> memref<128x128xf32, #tpu.memory_space<vmem>>
      %dma_start3A_738 = arith.constant 0 : i32
      %dma_start3A_739 = tpu.memref_slice %arg8[%dma_start3A_732, %dma_start3A_733, %dma_start3A_738] : memref<2x8x128xi32, #tpu.memory_space<vmem>> -> memref<1x1x128xi32, #tpu.memory_space<vmem>>
      %dma_start3A_740 = tpu.memref_squeeze %dma_start3A_739 : memref<1x1x128xi32, #tpu.memory_space<vmem>> -> memref<128xi32, #tpu.memory_space<vmem>>
      %dma_start3A_741 = arith.constant 0 : i32
      %dma_start3A_742 = arith.constant 0 : i32
      %dma_start3A_743 = tpu.memref_slice %arg10[%dma_start3A_741, %dma_start3A_742] : memref<10112x128xf32, #tpu.memory_space<vmem_shared>> -> memref<10112x128xf32, #tpu.memory_space<vmem_shared>>
      tpu.enqueue_indirect_dma source(%dma_start3A_737 : memref<128x128xf32, #tpu.memory_space<vmem>>) target(%dma_start3A_743 : memref<10112x128xf32, #tpu.memory_space<vmem_shared>>) offsets(%dma_start3A_740 : memref<128xi32, #tpu.memory_space<vmem>>) semaphore(%arg15 : memref<!tpu.dma_semaphore, #tpu.memory_space<semaphore_mem>>) {add = true}
      %dma_start3A_744 = arith.constant 1 : i32
      %dma_start3A_745 = arith.constant 3 : i32
      %dma_start3A_746 = arith.constant 1 : i32
      %dma_start3A_747 = arith.constant 0 : i32
      %dma_start3A_748 = arith.constant 0 : i32
      %dma_start3A_749 = tpu.memref_slice %arg9[%dma_start3A_746, %dma_start3A_747, %dma_start3A_748] : memref<2x128x128xf32, #tpu.memory_space<vmem>> -> memref<1x128x128xf32, #tpu.memory_space<vmem>>
      %dma_start3A_750 = tpu.memref_squeeze %dma_start3A_749 : memref<1x128x128xf32, #tpu.memory_space<vmem>> -> memref<128x128xf32, #tpu.memory_space<vmem>>
      %dma_start3A_751 = arith.constant 0 : i32
      %dma_start3A_752 = tpu.memref_slice %arg7[%dma_start3A_744, %dma_start3A_745, %dma_start3A_751] : memref<2x8x128xi32, #tpu.memory_space<vmem>> -> memref<1x1x128xi32, #tpu.memory_space<vmem>>
      %dma_start3A_753 = tpu.memref_squeeze %dma_start3A_752 : memref<1x1x128xi32, #tpu.memory_space<vmem>> -> memref<128xi32, #tpu.memory_space<vmem>>
      %dma_start3A_754 = arith.constant 0 : i32
      %dma_start3A_755 = arith.constant 0 : i32
      %dma_start3A_756 = tpu.memref_slice %arg2[%dma_start3A_754, %dma_start3A_755] : memref<10000x128xf32, #tpu.memory_space<hbm>> -> memref<10000x128xf32, #tpu.memory_space<hbm>>
      tpu.enqueue_indirect_dma source(%dma_start3A_756 : memref<10000x128xf32, #tpu.memory_space<hbm>>) target(%dma_start3A_750 : memref<128x128xf32, #tpu.memory_space<vmem>>) offsets(%dma_start3A_753 : memref<128xi32, #tpu.memory_space<vmem>>) semaphore(%arg12 : memref<!tpu.dma_semaphore, #tpu.memory_space<semaphore_mem>>)
      %dma_wait3A_757 = arith.constant 0 : i32
      %dma_wait3A_758 = arith.constant 1 : i32
      %dma_wait3A_759 = arith.constant 2 : i32
      %dma_wait3A_760 = arith.constant 0 : i32
      %dma_wait3A_761 = arith.constant 0 : i32
      %dma_wait3A_762 = tpu.memref_slice %arg9[%dma_wait3A_757, %dma_wait3A_760, %dma_wait3A_761] : memref<2x128x128xf32, #tpu.memory_space<vmem>> -> memref<1x128x128xf32, #tpu.memory_space<vmem>>
      %dma_wait3A_763 = tpu.memref_squeeze %dma_wait3A_762 : memref<1x128x128xf32, #tpu.memory_space<vmem>> -> memref<128x128xf32, #tpu.memory_space<vmem>>
      %dma_wait3A_764 = arith.constant 0 : i32
      %dma_wait3A_765 = tpu.memref_slice %arg8[%dma_wait3A_758, %dma_wait3A_759, %dma_wait3A_764] : memref<2x8x128xi32, #tpu.memory_space<vmem>> -> memref<1x1x128xi32, #tpu.memory_space<vmem>>
      %dma_wait3A_766 = tpu.memref_squeeze %dma_wait3A_765 : memref<1x1x128xi32, #tpu.memory_space<vmem>> -> memref<128xi32, #tpu.memory_space<vmem>>
      %dma_wait3A_767 = arith.constant 0 : i32
      %dma_wait3A_768 = arith.constant 0 : i32
      %dma_wait3A_769 = tpu.memref_slice %arg10[%dma_wait3A_767, %dma_wait3A_768] : memref<10112x128xf32, #tpu.memory_space<vmem_shared>> -> memref<10112x128xf32, #tpu.memory_space<vmem_shared>>
      tpu.wait_indirect_dma semaphore(%arg15 : memref<!tpu.dma_semaphore, #tpu.memory_space<semaphore_mem>>) src(%dma_wait3A_763 : memref<128x128xf32, #tpu.memory_space<vmem>>) dst(%dma_wait3A_769 : memref<10112x128xf32, #tpu.memory_space<vmem_shared>>)
      %dma_wait3A_770 = arith.constant 1 : i32
      %dma_wait3A_771 = arith.constant 3 : i32
      %dma_wait3A_772 = arith.constant 1 : i32
      %dma_wait3A_773 = arith.constant 0 : i32
      %dma_wait3A_774 = arith.constant 0 : i32
      %dma_wait3A_775 = tpu.memref_slice %arg9[%dma_wait3A_772, %dma_wait3A_773, %dma_wait3A_774] : memref<2x128x128xf32, #tpu.memory_space<vmem>> -> memref<1x128x128xf32, #tpu.memory_space<vmem>>
      %dma_wait3A_776 = tpu.memref_squeeze %dma_wait3A_775 : memref<1x128x128xf32, #tpu.memory_space<vmem>> -> memref<128x128xf32, #tpu.memory_space<vmem>>
      %dma_wait3A_777 = arith.constant 0 : i32
      %dma_wait3A_778 = tpu.memref_slice %arg7[%dma_wait3A_770, %dma_wait3A_771, %dma_wait3A_777] : memref<2x8x128xi32, #tpu.memory_space<vmem>> -> memref<1x1x128xi32, #tpu.memory_space<vmem>>
      %dma_wait3A_779 = tpu.memref_squeeze %dma_wait3A_778 : memref<1x1x128xi32, #tpu.memory_space<vmem>> -> memref<128xi32, #tpu.memory_space<vmem>>
      %dma_wait3A_780 = arith.constant 0 : i32
      %dma_wait3A_781 = arith.constant 0 : i32
      %dma_wait3A_782 = tpu.memref_slice %arg2[%dma_wait3A_780, %dma_wait3A_781] : memref<10000x128xf32, #tpu.memory_space<hbm>> -> memref<10000x128xf32, #tpu.memory_space<hbm>>
      tpu.wait_indirect_dma semaphore(%arg12 : memref<!tpu.dma_semaphore, #tpu.memory_space<semaphore_mem>>) src(%dma_wait3A_782 : memref<10000x128xf32, #tpu.memory_space<hbm>>) dst(%dma_wait3A_776 : memref<128x128xf32, #tpu.memory_space<vmem>>)
      %dma_start3A_783 = arith.constant 1 : i32
      %dma_start3A_784 = arith.constant 1 : i32
      %dma_start3A_785 = arith.constant 3 : i32
      %dma_start3A_786 = arith.constant 0 : i32
      %dma_start3A_787 = arith.constant 0 : i32
      %dma_start3A_788 = tpu.memref_slice %arg9[%dma_start3A_783, %dma_start3A_786, %dma_start3A_787] : memref<2x128x128xf32, #tpu.memory_space<vmem>> -> memref<1x128x128xf32, #tpu.memory_space<vmem>>
      %dma_start3A_789 = tpu.memref_squeeze %dma_start3A_788 : memref<1x128x128xf32, #tpu.memory_space<vmem>> -> memref<128x128xf32, #tpu.memory_space<vmem>>
      %dma_start3A_790 = arith.constant 0 : i32
      %dma_start3A_791 = tpu.memref_slice %arg8[%dma_start3A_784, %dma_start3A_785, %dma_start3A_790] : memref<2x8x128xi32, #tpu.memory_space<vmem>> -> memref<1x1x128xi32, #tpu.memory_space<vmem>>
      %dma_start3A_792 = tpu.memref_squeeze %dma_start3A_791 : memref<1x1x128xi32, #tpu.memory_space<vmem>> -> memref<128xi32, #tpu.memory_space<vmem>>
      %dma_start3A_793 = arith.constant 0 : i32
      %dma_start3A_794 = arith.constant 0 : i32
      %dma_start3A_795 = tpu.memref_slice %arg10[%dma_start3A_793, %dma_start3A_794] : memref<10112x128xf32, #tpu.memory_space<vmem_shared>> -> memref<10112x128xf32, #tpu.memory_space<vmem_shared>>
      tpu.enqueue_indirect_dma source(%dma_start3A_789 : memref<128x128xf32, #tpu.memory_space<vmem>>) target(%dma_start3A_795 : memref<10112x128xf32, #tpu.memory_space<vmem_shared>>) offsets(%dma_start3A_792 : memref<128xi32, #tpu.memory_space<vmem>>) semaphore(%arg15 : memref<!tpu.dma_semaphore, #tpu.memory_space<semaphore_mem>>) {add = true}
      %dma_start3A_796 = arith.constant 1 : i32
      %dma_start3A_797 = arith.constant 4 : i32
      %dma_start3A_798 = arith.constant 0 : i32
      %dma_start3A_799 = arith.constant 0 : i32
      %dma_start3A_800 = arith.constant 0 : i32
      %dma_start3A_801 = tpu.memref_slice %arg9[%dma_start3A_798, %dma_start3A_799, %dma_start3A_800] : memref<2x128x128xf32, #tpu.memory_space<vmem>> -> memref<1x128x128xf32, #tpu.memory_space<vmem>>
      %dma_start3A_802 = tpu.memref_squeeze %dma_start3A_801 : memref<1x128x128xf32, #tpu.memory_space<vmem>> -> memref<128x128xf32, #tpu.memory_space<vmem>>
      %dma_start3A_803 = arith.constant 0 : i32
      %dma_start3A_804 = tpu.memref_slice %arg7[%dma_start3A_796, %dma_start3A_797, %dma_start3A_803] : memref<2x8x128xi32, #tpu.memory_space<vmem>> -> memref<1x1x128xi32, #tpu.memory_space<vmem>>
      %dma_start3A_805 = tpu.memref_squeeze %dma_start3A_804 : memref<1x1x128xi32, #tpu.memory_space<vmem>> -> memref<128xi32, #tpu.memory_space<vmem>>
      %dma_start3A_806 = arith.constant 0 : i32
      %dma_start3A_807 = arith.constant 0 : i32
      %dma_start3A_808 = tpu.memref_slice %arg2[%dma_start3A_806, %dma_start3A_807] : memref<10000x128xf32, #tpu.memory_space<hbm>> -> memref<10000x128xf32, #tpu.memory_space<hbm>>
      tpu.enqueue_indirect_dma source(%dma_start3A_808 : memref<10000x128xf32, #tpu.memory_space<hbm>>) target(%dma_start3A_802 : memref<128x128xf32, #tpu.memory_space<vmem>>) offsets(%dma_start3A_805 : memref<128xi32, #tpu.memory_space<vmem>>) semaphore(%arg11 : memref<!tpu.dma_semaphore, #tpu.memory_space<semaphore_mem>>)
      %dma_wait3A_809 = arith.constant 1 : i32
      %dma_wait3A_810 = arith.constant 1 : i32
      %dma_wait3A_811 = arith.constant 3 : i32
      %dma_wait3A_812 = arith.constant 0 : i32
      %dma_wait3A_813 = arith.constant 0 : i32
      %dma_wait3A_814 = tpu.memref_slice %arg9[%dma_wait3A_809, %dma_wait3A_812, %dma_wait3A_813] : memref<2x128x128xf32, #tpu.memory_space<vmem>> -> memref<1x128x128xf32, #tpu.memory_space<vmem>>
      %dma_wait3A_815 = tpu.memref_squeeze %dma_wait3A_814 : memref<1x128x128xf32, #tpu.memory_space<vmem>> -> memref<128x128xf32, #tpu.memory_space<vmem>>
      %dma_wait3A_816 = arith.constant 0 : i32
      %dma_wait3A_817 = tpu.memref_slice %arg8[%dma_wait3A_810, %dma_wait3A_811, %dma_wait3A_816] : memref<2x8x128xi32, #tpu.memory_space<vmem>> -> memref<1x1x128xi32, #tpu.memory_space<vmem>>
      %dma_wait3A_818 = tpu.memref_squeeze %dma_wait3A_817 : memref<1x1x128xi32, #tpu.memory_space<vmem>> -> memref<128xi32, #tpu.memory_space<vmem>>
      %dma_wait3A_819 = arith.constant 0 : i32
      %dma_wait3A_820 = arith.constant 0 : i32
      %dma_wait3A_821 = tpu.memref_slice %arg10[%dma_wait3A_819, %dma_wait3A_820] : memref<10112x128xf32, #tpu.memory_space<vmem_shared>> -> memref<10112x128xf32, #tpu.memory_space<vmem_shared>>
      tpu.wait_indirect_dma semaphore(%arg15 : memref<!tpu.dma_semaphore, #tpu.memory_space<semaphore_mem>>) src(%dma_wait3A_815 : memref<128x128xf32, #tpu.memory_space<vmem>>) dst(%dma_wait3A_821 : memref<10112x128xf32, #tpu.memory_space<vmem_shared>>)
      %dma_wait3A_822 = arith.constant 1 : i32
      %dma_wait3A_823 = arith.constant 4 : i32
      %dma_wait3A_824 = arith.constant 0 : i32
      %dma_wait3A_825 = arith.constant 0 : i32
      %dma_wait3A_826 = arith.constant 0 : i32
      %dma_wait3A_827 = tpu.memref_slice %arg9[%dma_wait3A_824, %dma_wait3A_825, %dma_wait3A_826] : memref<2x128x128xf32, #tpu.memory_space<vmem>> -> memref<1x128x128xf32, #tpu.memory_space<vmem>>
      %dma_wait3A_828 = tpu.memref_squeeze %dma_wait3A_827 : memref<1x128x128xf32, #tpu.memory_space<vmem>> -> memref<128x128xf32, #tpu.memory_space<vmem>>
      %dma_wait3A_829 = arith.constant 0 : i32
      %dma_wait3A_830 = tpu.memref_slice %arg7[%dma_wait3A_822, %dma_wait3A_823, %dma_wait3A_829] : memref<2x8x128xi32, #tpu.memory_space<vmem>> -> memref<1x1x128xi32, #tpu.memory_space<vmem>>
      %dma_wait3A_831 = tpu.memref_squeeze %dma_wait3A_830 : memref<1x1x128xi32, #tpu.memory_space<vmem>> -> memref<128xi32, #tpu.memory_space<vmem>>
      %dma_wait3A_832 = arith.constant 0 : i32
      %dma_wait3A_833 = arith.constant 0 : i32
      %dma_wait3A_834 = tpu.memref_slice %arg2[%dma_wait3A_832, %dma_wait3A_833] : memref<10000x128xf32, #tpu.memory_space<hbm>> -> memref<10000x128xf32, #tpu.memory_space<hbm>>
      tpu.wait_indirect_dma semaphore(%arg11 : memref<!tpu.dma_semaphore, #tpu.memory_space<semaphore_mem>>) src(%dma_wait3A_834 : memref<10000x128xf32, #tpu.memory_space<hbm>>) dst(%dma_wait3A_828 : memref<128x128xf32, #tpu.memory_space<vmem>>)
      %dma_start3A_835 = arith.constant 0 : i32
      %dma_start3A_836 = arith.constant 1 : i32
      %dma_start3A_837 = arith.constant 4 : i32
      %dma_start3A_838 = arith.constant 0 : i32
      %dma_start3A_839 = arith.constant 0 : i32
      %dma_start3A_840 = tpu.memref_slice %arg9[%dma_start3A_835, %dma_start3A_838, %dma_start3A_839] : memref<2x128x128xf32, #tpu.memory_space<vmem>> -> memref<1x128x128xf32, #tpu.memory_space<vmem>>
      %dma_start3A_841 = tpu.memref_squeeze %dma_start3A_840 : memref<1x128x128xf32, #tpu.memory_space<vmem>> -> memref<128x128xf32, #tpu.memory_space<vmem>>
      %dma_start3A_842 = arith.constant 0 : i32
      %dma_start3A_843 = tpu.memref_slice %arg8[%dma_start3A_836, %dma_start3A_837, %dma_start3A_842] : memref<2x8x128xi32, #tpu.memory_space<vmem>> -> memref<1x1x128xi32, #tpu.memory_space<vmem>>
      %dma_start3A_844 = tpu.memref_squeeze %dma_start3A_843 : memref<1x1x128xi32, #tpu.memory_space<vmem>> -> memref<128xi32, #tpu.memory_space<vmem>>
      %dma_start3A_845 = arith.constant 0 : i32
      %dma_start3A_846 = arith.constant 0 : i32
      %dma_start3A_847 = tpu.memref_slice %arg10[%dma_start3A_845, %dma_start3A_846] : memref<10112x128xf32, #tpu.memory_space<vmem_shared>> -> memref<10112x128xf32, #tpu.memory_space<vmem_shared>>
      tpu.enqueue_indirect_dma source(%dma_start3A_841 : memref<128x128xf32, #tpu.memory_space<vmem>>) target(%dma_start3A_847 : memref<10112x128xf32, #tpu.memory_space<vmem_shared>>) offsets(%dma_start3A_844 : memref<128xi32, #tpu.memory_space<vmem>>) semaphore(%arg15 : memref<!tpu.dma_semaphore, #tpu.memory_space<semaphore_mem>>) {add = true}
      %dma_start3A_848 = arith.constant 1 : i32
      %dma_start3A_849 = arith.constant 5 : i32
      %dma_start3A_850 = arith.constant 1 : i32
      %dma_start3A_851 = arith.constant 0 : i32
      %dma_start3A_852 = arith.constant 0 : i32
      %dma_start3A_853 = tpu.memref_slice %arg9[%dma_start3A_850, %dma_start3A_851, %dma_start3A_852] : memref<2x128x128xf32, #tpu.memory_space<vmem>> -> memref<1x128x128xf32, #tpu.memory_space<vmem>>
      %dma_start3A_854 = tpu.memref_squeeze %dma_start3A_853 : memref<1x128x128xf32, #tpu.memory_space<vmem>> -> memref<128x128xf32, #tpu.memory_space<vmem>>
      %dma_start3A_855 = arith.constant 0 : i32
      %dma_start3A_856 = tpu.memref_slice %arg7[%dma_start3A_848, %dma_start3A_849, %dma_start3A_855] : memref<2x8x128xi32, #tpu.memory_space<vmem>> -> memref<1x1x128xi32, #tpu.memory_space<vmem>>
      %dma_start3A_857 = tpu.memref_squeeze %dma_start3A_856 : memref<1x1x128xi32, #tpu.memory_space<vmem>> -> memref<128xi32, #tpu.memory_space<vmem>>
      %dma_start3A_858 = arith.constant 0 : i32
      %dma_start3A_859 = arith.constant 0 : i32
      %dma_start3A_860 = tpu.memref_slice %arg2[%dma_start3A_858, %dma_start3A_859] : memref<10000x128xf32, #tpu.memory_space<hbm>> -> memref<10000x128xf32, #tpu.memory_space<hbm>>
      tpu.enqueue_indirect_dma source(%dma_start3A_860 : memref<10000x128xf32, #tpu.memory_space<hbm>>) target(%dma_start3A_854 : memref<128x128xf32, #tpu.memory_space<vmem>>) offsets(%dma_start3A_857 : memref<128xi32, #tpu.memory_space<vmem>>) semaphore(%arg12 : memref<!tpu.dma_semaphore, #tpu.memory_space<semaphore_mem>>)
      %dma_wait3A_861 = arith.constant 0 : i32
      %dma_wait3A_862 = arith.constant 1 : i32
      %dma_wait3A_863 = arith.constant 4 : i32
      %dma_wait3A_864 = arith.constant 0 : i32
      %dma_wait3A_865 = arith.constant 0 : i32
      %dma_wait3A_866 = tpu.memref_slice %arg9[%dma_wait3A_861, %dma_wait3A_864, %dma_wait3A_865] : memref<2x128x128xf32, #tpu.memory_space<vmem>> -> memref<1x128x128xf32, #tpu.memory_space<vmem>>
      %dma_wait3A_867 = tpu.memref_squeeze %dma_wait3A_866 : memref<1x128x128xf32, #tpu.memory_space<vmem>> -> memref<128x128xf32, #tpu.memory_space<vmem>>
      %dma_wait3A_868 = arith.constant 0 : i32
      %dma_wait3A_869 = tpu.memref_slice %arg8[%dma_wait3A_862, %dma_wait3A_863, %dma_wait3A_868] : memref<2x8x128xi32, #tpu.memory_space<vmem>> -> memref<1x1x128xi32, #tpu.memory_space<vmem>>
      %dma_wait3A_870 = tpu.memref_squeeze %dma_wait3A_869 : memref<1x1x128xi32, #tpu.memory_space<vmem>> -> memref<128xi32, #tpu.memory_space<vmem>>
      %dma_wait3A_871 = arith.constant 0 : i32
      %dma_wait3A_872 = arith.constant 0 : i32
      %dma_wait3A_873 = tpu.memref_slice %arg10[%dma_wait3A_871, %dma_wait3A_872] : memref<10112x128xf32, #tpu.memory_space<vmem_shared>> -> memref<10112x128xf32, #tpu.memory_space<vmem_shared>>
      tpu.wait_indirect_dma semaphore(%arg15 : memref<!tpu.dma_semaphore, #tpu.memory_space<semaphore_mem>>) src(%dma_wait3A_867 : memref<128x128xf32, #tpu.memory_space<vmem>>) dst(%dma_wait3A_873 : memref<10112x128xf32, #tpu.memory_space<vmem_shared>>)
      %dma_wait3A_874 = arith.constant 1 : i32
      %dma_wait3A_875 = arith.constant 5 : i32
      %dma_wait3A_876 = arith.constant 1 : i32
      %dma_wait3A_877 = arith.constant 0 : i32
      %dma_wait3A_878 = arith.constant 0 : i32
      %dma_wait3A_879 = tpu.memref_slice %arg9[%dma_wait3A_876, %dma_wait3A_877, %dma_wait3A_878] : memref<2x128x128xf32, #tpu.memory_space<vmem>> -> memref<1x128x128xf32, #tpu.memory_space<vmem>>
      %dma_wait3A_880 = tpu.memref_squeeze %dma_wait3A_879 : memref<1x128x128xf32, #tpu.memory_space<vmem>> -> memref<128x128xf32, #tpu.memory_space<vmem>>
      %dma_wait3A_881 = arith.constant 0 : i32
      %dma_wait3A_882 = tpu.memref_slice %arg7[%dma_wait3A_874, %dma_wait3A_875, %dma_wait3A_881] : memref<2x8x128xi32, #tpu.memory_space<vmem>> -> memref<1x1x128xi32, #tpu.memory_space<vmem>>
      %dma_wait3A_883 = tpu.memref_squeeze %dma_wait3A_882 : memref<1x1x128xi32, #tpu.memory_space<vmem>> -> memref<128xi32, #tpu.memory_space<vmem>>
      %dma_wait3A_884 = arith.constant 0 : i32
      %dma_wait3A_885 = arith.constant 0 : i32
      %dma_wait3A_886 = tpu.memref_slice %arg2[%dma_wait3A_884, %dma_wait3A_885] : memref<10000x128xf32, #tpu.memory_space<hbm>> -> memref<10000x128xf32, #tpu.memory_space<hbm>>
      tpu.wait_indirect_dma semaphore(%arg12 : memref<!tpu.dma_semaphore, #tpu.memory_space<semaphore_mem>>) src(%dma_wait3A_886 : memref<10000x128xf32, #tpu.memory_space<hbm>>) dst(%dma_wait3A_880 : memref<128x128xf32, #tpu.memory_space<vmem>>)
      %dma_start3A_887 = arith.constant 1 : i32
      %dma_start3A_888 = arith.constant 1 : i32
      %dma_start3A_889 = arith.constant 5 : i32
      %dma_start3A_890 = arith.constant 0 : i32
      %dma_start3A_891 = arith.constant 0 : i32
      %dma_start3A_892 = tpu.memref_slice %arg9[%dma_start3A_887, %dma_start3A_890, %dma_start3A_891] : memref<2x128x128xf32, #tpu.memory_space<vmem>> -> memref<1x128x128xf32, #tpu.memory_space<vmem>>
      %dma_start3A_893 = tpu.memref_squeeze %dma_start3A_892 : memref<1x128x128xf32, #tpu.memory_space<vmem>> -> memref<128x128xf32, #tpu.memory_space<vmem>>
      %dma_start3A_894 = arith.constant 0 : i32
      %dma_start3A_895 = tpu.memref_slice %arg8[%dma_start3A_888, %dma_start3A_889, %dma_start3A_894] : memref<2x8x128xi32, #tpu.memory_space<vmem>> -> memref<1x1x128xi32, #tpu.memory_space<vmem>>
      %dma_start3A_896 = tpu.memref_squeeze %dma_start3A_895 : memref<1x1x128xi32, #tpu.memory_space<vmem>> -> memref<128xi32, #tpu.memory_space<vmem>>
      %dma_start3A_897 = arith.constant 0 : i32
      %dma_start3A_898 = arith.constant 0 : i32
      %dma_start3A_899 = tpu.memref_slice %arg10[%dma_start3A_897, %dma_start3A_898] : memref<10112x128xf32, #tpu.memory_space<vmem_shared>> -> memref<10112x128xf32, #tpu.memory_space<vmem_shared>>
      tpu.enqueue_indirect_dma source(%dma_start3A_893 : memref<128x128xf32, #tpu.memory_space<vmem>>) target(%dma_start3A_899 : memref<10112x128xf32, #tpu.memory_space<vmem_shared>>) offsets(%dma_start3A_896 : memref<128xi32, #tpu.memory_space<vmem>>) semaphore(%arg15 : memref<!tpu.dma_semaphore, #tpu.memory_space<semaphore_mem>>) {add = true}
      %dma_start3A_900 = arith.constant 1 : i32
      %dma_start3A_901 = arith.constant 6 : i32
      %dma_start3A_902 = arith.constant 0 : i32
      %dma_start3A_903 = arith.constant 0 : i32
      %dma_start3A_904 = arith.constant 0 : i32
      %dma_start3A_905 = tpu.memref_slice %arg9[%dma_start3A_902, %dma_start3A_903, %dma_start3A_904] : memref<2x128x128xf32, #tpu.memory_space<vmem>> -> memref<1x128x128xf32, #tpu.memory_space<vmem>>
      %dma_start3A_906 = tpu.memref_squeeze %dma_start3A_905 : memref<1x128x128xf32, #tpu.memory_space<vmem>> -> memref<128x128xf32, #tpu.memory_space<vmem>>
      %dma_start3A_907 = arith.constant 0 : i32
      %dma_start3A_908 = tpu.memref_slice %arg7[%dma_start3A_900, %dma_start3A_901, %dma_start3A_907] : memref<2x8x128xi32, #tpu.memory_space<vmem>> -> memref<1x1x128xi32, #tpu.memory_space<vmem>>
      %dma_start3A_909 = tpu.memref_squeeze %dma_start3A_908 : memref<1x1x128xi32, #tpu.memory_space<vmem>> -> memref<128xi32, #tpu.memory_space<vmem>>
      %dma_start3A_910 = arith.constant 0 : i32
      %dma_start3A_911 = arith.constant 0 : i32
      %dma_start3A_912 = tpu.memref_slice %arg2[%dma_start3A_910, %dma_start3A_911] : memref<10000x128xf32, #tpu.memory_space<hbm>> -> memref<10000x128xf32, #tpu.memory_space<hbm>>
      tpu.enqueue_indirect_dma source(%dma_start3A_912 : memref<10000x128xf32, #tpu.memory_space<hbm>>) target(%dma_start3A_906 : memref<128x128xf32, #tpu.memory_space<vmem>>) offsets(%dma_start3A_909 : memref<128xi32, #tpu.memory_space<vmem>>) semaphore(%arg11 : memref<!tpu.dma_semaphore, #tpu.memory_space<semaphore_mem>>)
      %dma_wait3A_913 = arith.constant 1 : i32
      %dma_wait3A_914 = arith.constant 1 : i32
      %dma_wait3A_915 = arith.constant 5 : i32
      %dma_wait3A_916 = arith.constant 0 : i32
      %dma_wait3A_917 = arith.constant 0 : i32
      %dma_wait3A_918 = tpu.memref_slice %arg9[%dma_wait3A_913, %dma_wait3A_916, %dma_wait3A_917] : memref<2x128x128xf32, #tpu.memory_space<vmem>> -> memref<1x128x128xf32, #tpu.memory_space<vmem>>
      %dma_wait3A_919 = tpu.memref_squeeze %dma_wait3A_918 : memref<1x128x128xf32, #tpu.memory_space<vmem>> -> memref<128x128xf32, #tpu.memory_space<vmem>>
      %dma_wait3A_920 = arith.constant 0 : i32
      %dma_wait3A_921 = tpu.memref_slice %arg8[%dma_wait3A_914, %dma_wait3A_915, %dma_wait3A_920] : memref<2x8x128xi32, #tpu.memory_space<vmem>> -> memref<1x1x128xi32, #tpu.memory_space<vmem>>
      %dma_wait3A_922 = tpu.memref_squeeze %dma_wait3A_921 : memref<1x1x128xi32, #tpu.memory_space<vmem>> -> memref<128xi32, #tpu.memory_space<vmem>>
      %dma_wait3A_923 = arith.constant 0 : i32
      %dma_wait3A_924 = arith.constant 0 : i32
      %dma_wait3A_925 = tpu.memref_slice %arg10[%dma_wait3A_923, %dma_wait3A_924] : memref<10112x128xf32, #tpu.memory_space<vmem_shared>> -> memref<10112x128xf32, #tpu.memory_space<vmem_shared>>
      tpu.wait_indirect_dma semaphore(%arg15 : memref<!tpu.dma_semaphore, #tpu.memory_space<semaphore_mem>>) src(%dma_wait3A_919 : memref<128x128xf32, #tpu.memory_space<vmem>>) dst(%dma_wait3A_925 : memref<10112x128xf32, #tpu.memory_space<vmem_shared>>)
      %dma_wait3A_926 = arith.constant 1 : i32
      %dma_wait3A_927 = arith.constant 6 : i32
      %dma_wait3A_928 = arith.constant 0 : i32
      %dma_wait3A_929 = arith.constant 0 : i32
      %dma_wait3A_930 = arith.constant 0 : i32
      %dma_wait3A_931 = tpu.memref_slice %arg9[%dma_wait3A_928, %dma_wait3A_929, %dma_wait3A_930] : memref<2x128x128xf32, #tpu.memory_space<vmem>> -> memref<1x128x128xf32, #tpu.memory_space<vmem>>
      %dma_wait3A_932 = tpu.memref_squeeze %dma_wait3A_931 : memref<1x128x128xf32, #tpu.memory_space<vmem>> -> memref<128x128xf32, #tpu.memory_space<vmem>>
      %dma_wait3A_933 = arith.constant 0 : i32
      %dma_wait3A_934 = tpu.memref_slice %arg7[%dma_wait3A_926, %dma_wait3A_927, %dma_wait3A_933] : memref<2x8x128xi32, #tpu.memory_space<vmem>> -> memref<1x1x128xi32, #tpu.memory_space<vmem>>
      %dma_wait3A_935 = tpu.memref_squeeze %dma_wait3A_934 : memref<1x1x128xi32, #tpu.memory_space<vmem>> -> memref<128xi32, #tpu.memory_space<vmem>>
      %dma_wait3A_936 = arith.constant 0 : i32
      %dma_wait3A_937 = arith.constant 0 : i32
      %dma_wait3A_938 = tpu.memref_slice %arg2[%dma_wait3A_936, %dma_wait3A_937] : memref<10000x128xf32, #tpu.memory_space<hbm>> -> memref<10000x128xf32, #tpu.memory_space<hbm>>
      tpu.wait_indirect_dma semaphore(%arg11 : memref<!tpu.dma_semaphore, #tpu.memory_space<semaphore_mem>>) src(%dma_wait3A_938 : memref<10000x128xf32, #tpu.memory_space<hbm>>) dst(%dma_wait3A_932 : memref<128x128xf32, #tpu.memory_space<vmem>>)
      %dma_start3A_939 = arith.constant 0 : i32
      %dma_start3A_940 = arith.constant 1 : i32
      %dma_start3A_941 = arith.constant 6 : i32
      %dma_start3A_942 = arith.constant 0 : i32
      %dma_start3A_943 = arith.constant 0 : i32
      %dma_start3A_944 = tpu.memref_slice %arg9[%dma_start3A_939, %dma_start3A_942, %dma_start3A_943] : memref<2x128x128xf32, #tpu.memory_space<vmem>> -> memref<1x128x128xf32, #tpu.memory_space<vmem>>
      %dma_start3A_945 = tpu.memref_squeeze %dma_start3A_944 : memref<1x128x128xf32, #tpu.memory_space<vmem>> -> memref<128x128xf32, #tpu.memory_space<vmem>>
      %dma_start3A_946 = arith.constant 0 : i32
      %dma_start3A_947 = tpu.memref_slice %arg8[%dma_start3A_940, %dma_start3A_941, %dma_start3A_946] : memref<2x8x128xi32, #tpu.memory_space<vmem>> -> memref<1x1x128xi32, #tpu.memory_space<vmem>>
      %dma_start3A_948 = tpu.memref_squeeze %dma_start3A_947 : memref<1x1x128xi32, #tpu.memory_space<vmem>> -> memref<128xi32, #tpu.memory_space<vmem>>
      %dma_start3A_949 = arith.constant 0 : i32
      %dma_start3A_950 = arith.constant 0 : i32
      %dma_start3A_951 = tpu.memref_slice %arg10[%dma_start3A_949, %dma_start3A_950] : memref<10112x128xf32, #tpu.memory_space<vmem_shared>> -> memref<10112x128xf32, #tpu.memory_space<vmem_shared>>
      tpu.enqueue_indirect_dma source(%dma_start3A_945 : memref<128x128xf32, #tpu.memory_space<vmem>>) target(%dma_start3A_951 : memref<10112x128xf32, #tpu.memory_space<vmem_shared>>) offsets(%dma_start3A_948 : memref<128xi32, #tpu.memory_space<vmem>>) semaphore(%arg15 : memref<!tpu.dma_semaphore, #tpu.memory_space<semaphore_mem>>) {add = true}
      %dma_start3A_952 = arith.constant 1 : i32
      %dma_start3A_953 = arith.constant 7 : i32
      %dma_start3A_954 = arith.constant 1 : i32
      %dma_start3A_955 = arith.constant 0 : i32
      %dma_start3A_956 = arith.constant 0 : i32
      %dma_start3A_957 = tpu.memref_slice %arg9[%dma_start3A_954, %dma_start3A_955, %dma_start3A_956] : memref<2x128x128xf32, #tpu.memory_space<vmem>> -> memref<1x128x128xf32, #tpu.memory_space<vmem>>
      %dma_start3A_958 = tpu.memref_squeeze %dma_start3A_957 : memref<1x128x128xf32, #tpu.memory_space<vmem>> -> memref<128x128xf32, #tpu.memory_space<vmem>>
      %dma_start3A_959 = arith.constant 0 : i32
      %dma_start3A_960 = tpu.memref_slice %arg7[%dma_start3A_952, %dma_start3A_953, %dma_start3A_959] : memref<2x8x128xi32, #tpu.memory_space<vmem>> -> memref<1x1x128xi32, #tpu.memory_space<vmem>>
      %dma_start3A_961 = tpu.memref_squeeze %dma_start3A_960 : memref<1x1x128xi32, #tpu.memory_space<vmem>> -> memref<128xi32, #tpu.memory_space<vmem>>
      %dma_start3A_962 = arith.constant 0 : i32
      %dma_start3A_963 = arith.constant 0 : i32
      %dma_start3A_964 = tpu.memref_slice %arg2[%dma_start3A_962, %dma_start3A_963] : memref<10000x128xf32, #tpu.memory_space<hbm>> -> memref<10000x128xf32, #tpu.memory_space<hbm>>
      tpu.enqueue_indirect_dma source(%dma_start3A_964 : memref<10000x128xf32, #tpu.memory_space<hbm>>) target(%dma_start3A_958 : memref<128x128xf32, #tpu.memory_space<vmem>>) offsets(%dma_start3A_961 : memref<128xi32, #tpu.memory_space<vmem>>) semaphore(%arg12 : memref<!tpu.dma_semaphore, #tpu.memory_space<semaphore_mem>>)
      %dma_wait3A_965 = arith.constant 0 : i32
      %dma_wait3A_966 = arith.constant 1 : i32
      %dma_wait3A_967 = arith.constant 6 : i32
      %dma_wait3A_968 = arith.constant 0 : i32
      %dma_wait3A_969 = arith.constant 0 : i32
      %dma_wait3A_970 = tpu.memref_slice %arg9[%dma_wait3A_965, %dma_wait3A_968, %dma_wait3A_969] : memref<2x128x128xf32, #tpu.memory_space<vmem>> -> memref<1x128x128xf32, #tpu.memory_space<vmem>>
      %dma_wait3A_971 = tpu.memref_squeeze %dma_wait3A_970 : memref<1x128x128xf32, #tpu.memory_space<vmem>> -> memref<128x128xf32, #tpu.memory_space<vmem>>
      %dma_wait3A_972 = arith.constant 0 : i32
      %dma_wait3A_973 = tpu.memref_slice %arg8[%dma_wait3A_966, %dma_wait3A_967, %dma_wait3A_972] : memref<2x8x128xi32, #tpu.memory_space<vmem>> -> memref<1x1x128xi32, #tpu.memory_space<vmem>>
      %dma_wait3A_974 = tpu.memref_squeeze %dma_wait3A_973 : memref<1x1x128xi32, #tpu.memory_space<vmem>> -> memref<128xi32, #tpu.memory_space<vmem>>
      %dma_wait3A_975 = arith.constant 0 : i32
      %dma_wait3A_976 = arith.constant 0 : i32
      %dma_wait3A_977 = tpu.memref_slice %arg10[%dma_wait3A_975, %dma_wait3A_976] : memref<10112x128xf32, #tpu.memory_space<vmem_shared>> -> memref<10112x128xf32, #tpu.memory_space<vmem_shared>>
      tpu.wait_indirect_dma semaphore(%arg15 : memref<!tpu.dma_semaphore, #tpu.memory_space<semaphore_mem>>) src(%dma_wait3A_971 : memref<128x128xf32, #tpu.memory_space<vmem>>) dst(%dma_wait3A_977 : memref<10112x128xf32, #tpu.memory_space<vmem_shared>>)
      %dma_wait3A_978 = arith.constant 1 : i32
      %dma_wait3A_979 = arith.constant 7 : i32
      %dma_wait3A_980 = arith.constant 1 : i32
      %dma_wait3A_981 = arith.constant 0 : i32
      %dma_wait3A_982 = arith.constant 0 : i32
      %dma_wait3A_983 = tpu.memref_slice %arg9[%dma_wait3A_980, %dma_wait3A_981, %dma_wait3A_982] : memref<2x128x128xf32, #tpu.memory_space<vmem>> -> memref<1x128x128xf32, #tpu.memory_space<vmem>>
      %dma_wait3A_984 = tpu.memref_squeeze %dma_wait3A_983 : memref<1x128x128xf32, #tpu.memory_space<vmem>> -> memref<128x128xf32, #tpu.memory_space<vmem>>
      %dma_wait3A_985 = arith.constant 0 : i32
      %dma_wait3A_986 = tpu.memref_slice %arg7[%dma_wait3A_978, %dma_wait3A_979, %dma_wait3A_985] : memref<2x8x128xi32, #tpu.memory_space<vmem>> -> memref<1x1x128xi32, #tpu.memory_space<vmem>>
      %dma_wait3A_987 = tpu.memref_squeeze %dma_wait3A_986 : memref<1x1x128xi32, #tpu.memory_space<vmem>> -> memref<128xi32, #tpu.memory_space<vmem>>
      %dma_wait3A_988 = arith.constant 0 : i32
      %dma_wait3A_989 = arith.constant 0 : i32
      %dma_wait3A_990 = tpu.memref_slice %arg2[%dma_wait3A_988, %dma_wait3A_989] : memref<10000x128xf32, #tpu.memory_space<hbm>> -> memref<10000x128xf32, #tpu.memory_space<hbm>>
      tpu.wait_indirect_dma semaphore(%arg12 : memref<!tpu.dma_semaphore, #tpu.memory_space<semaphore_mem>>) src(%dma_wait3A_990 : memref<10000x128xf32, #tpu.memory_space<hbm>>) dst(%dma_wait3A_984 : memref<128x128xf32, #tpu.memory_space<vmem>>)
      %dma_start3A_991 = arith.constant 1 : i32
      %dma_start3A_992 = arith.constant 1 : i32
      %dma_start3A_993 = arith.constant 7 : i32
      %dma_start3A_994 = arith.constant 0 : i32
      %dma_start3A_995 = arith.constant 0 : i32
      %dma_start3A_996 = tpu.memref_slice %arg9[%dma_start3A_991, %dma_start3A_994, %dma_start3A_995] : memref<2x128x128xf32, #tpu.memory_space<vmem>> -> memref<1x128x128xf32, #tpu.memory_space<vmem>>
      %dma_start3A_997 = tpu.memref_squeeze %dma_start3A_996 : memref<1x128x128xf32, #tpu.memory_space<vmem>> -> memref<128x128xf32, #tpu.memory_space<vmem>>
      %dma_start3A_998 = arith.constant 0 : i32
      %dma_start3A_999 = tpu.memref_slice %arg8[%dma_start3A_992, %dma_start3A_993, %dma_start3A_998] : memref<2x8x128xi32, #tpu.memory_space<vmem>> -> memref<1x1x128xi32, #tpu.memory_space<vmem>>
      %dma_start3A_1000 = tpu.memref_squeeze %dma_start3A_999 : memref<1x1x128xi32, #tpu.memory_space<vmem>> -> memref<128xi32, #tpu.memory_space<vmem>>
      %dma_start3A_1001 = arith.constant 0 : i32
      %dma_start3A_1002 = arith.constant 0 : i32
      %dma_start3A_1003 = tpu.memref_slice %arg10[%dma_start3A_1001, %dma_start3A_1002] : memref<10112x128xf32, #tpu.memory_space<vmem_shared>> -> memref<10112x128xf32, #tpu.memory_space<vmem_shared>>
      tpu.enqueue_indirect_dma source(%dma_start3A_997 : memref<128x128xf32, #tpu.memory_space<vmem>>) target(%dma_start3A_1003 : memref<10112x128xf32, #tpu.memory_space<vmem_shared>>) offsets(%dma_start3A_1000 : memref<128xi32, #tpu.memory_space<vmem>>) semaphore(%arg15 : memref<!tpu.dma_semaphore, #tpu.memory_space<semaphore_mem>>) {add = true}
      %add3A_1004 = arith.constant 1 : i32
      %add3A_1005 = arith.addi %add3A_613, %add3A_1004 : i32
      %mul3A_1006 = arith.constant 8 : i32
      %mul3A_1007 = arith.muli %add3A_1005, %mul3A_1006 : i32
      %multiple_of3A_1008 = tpu.assume_multiple %mul3A_1007, 8 : i32
      %dma_wait3A_1009 = arith.constant 0 : i32
      %dma_wait3A_1010 = arith.constant 0 : i32
      %dma_wait3A_1011 = arith.constant 0 : i32
      %dma_wait3A_1012 = tpu.memref_slice %arg7[%dma_wait3A_1009, %dma_wait3A_1010, %dma_wait3A_1011] : memref<2x8x128xi32, #tpu.memory_space<vmem>> -> memref<1x8x128xi32, #tpu.memory_space<vmem>>
      %dma_wait3A_1013 = tpu.memref_squeeze %dma_wait3A_1012 : memref<1x8x128xi32, #tpu.memory_space<vmem>> -> memref<8x128xi32, #tpu.memory_space<vmem>>
      %dma_wait3A_1014 = arith.constant 0 : i32
      %dma_wait3A_1015 = tpu.memref_slice %arg3[%add3A, %multiple_of3A_1008, %dma_wait3A_1014] : memref<32x96x128xi32, #tpu.memory_space<hbm>> -> memref<1x8x128xi32, #tpu.memory_space<hbm>>
      %dma_wait3A_1016 = tpu.memref_squeeze %dma_wait3A_1015 : memref<1x8x128xi32, #tpu.memory_space<hbm>> -> memref<8x128xi32, #tpu.memory_space<hbm>>
      %dma_wait3A_1017 = arith.constant 0 : i32
      %dma_wait3A_1018 = arith.constant 0 : i32
      %dma_wait3A_1019 = tpu.memref_slice %arg7[%dma_wait3A_1009, %dma_wait3A_1017, %dma_wait3A_1018] : memref<2x8x128xi32, #tpu.memory_space<vmem>> -> memref<1x8x128xi32, #tpu.memory_space<vmem>>
      %dma_wait3A_1020 = tpu.memref_squeeze %dma_wait3A_1019 : memref<1x8x128xi32, #tpu.memory_space<vmem>> -> memref<8x128xi32, #tpu.memory_space<vmem>>
      %dma_wait3A_1021 = arith.constant 0 : i32
      %dma_wait3A_1022 = tpu.memref_slice %arg3[%add3A, %multiple_of3A_1008, %dma_wait3A_1021] : memref<32x96x128xi32, #tpu.memory_space<hbm>> -> memref<1x8x128xi32, #tpu.memory_space<hbm>>
      %dma_wait3A_1023 = tpu.memref_squeeze %dma_wait3A_1022 : memref<1x8x128xi32, #tpu.memory_space<hbm>> -> memref<8x128xi32, #tpu.memory_space<hbm>>
      tpu.wait_dma2 semaphore(%arg13 : memref<!tpu.dma_semaphore, #tpu.memory_space<semaphore_mem>>) src(%dma_wait3A_1023 : memref<8x128xi32, #tpu.memory_space<hbm>>) dst(%dma_wait3A_1020 : memref<8x128xi32, #tpu.memory_space<vmem>>)
      %add3A_1024 = arith.constant 1 : i32
      %add3A_1025 = arith.addi %add3A_613, %add3A_1024 : i32
      %mul3A_1026 = arith.constant 8 : i32
      %mul3A_1027 = arith.muli %add3A_1025, %mul3A_1026 : i32
      %multiple_of3A_1028 = tpu.assume_multiple %mul3A_1027, 8 : i32
      %dma_wait3A_1029 = arith.constant 0 : i32
      %dma_wait3A_1030 = arith.constant 0 : i32
      %dma_wait3A_1031 = arith.constant 0 : i32
      %dma_wait3A_1032 = tpu.memref_slice %arg8[%dma_wait3A_1029, %dma_wait3A_1030, %dma_wait3A_1031] : memref<2x8x128xi32, #tpu.memory_space<vmem>> -> memref<1x8x128xi32, #tpu.memory_space<vmem>>
      %dma_wait3A_1033 = tpu.memref_squeeze %dma_wait3A_1032 : memref<1x8x128xi32, #tpu.memory_space<vmem>> -> memref<8x128xi32, #tpu.memory_space<vmem>>
      %dma_wait3A_1034 = arith.constant 0 : i32
      %dma_wait3A_1035 = tpu.memref_slice %arg4[%add3A, %multiple_of3A_1028, %dma_wait3A_1034] : memref<32x96x128xi32, #tpu.memory_space<hbm>> -> memref<1x8x128xi32, #tpu.memory_space<hbm>>
      %dma_wait3A_1036 = tpu.memref_squeeze %dma_wait3A_1035 : memref<1x8x128xi32, #tpu.memory_space<hbm>> -> memref<8x128xi32, #tpu.memory_space<hbm>>
      %dma_wait3A_1037 = arith.constant 0 : i32
      %dma_wait3A_1038 = arith.constant 0 : i32
      %dma_wait3A_1039 = tpu.memref_slice %arg8[%dma_wait3A_1029, %dma_wait3A_1037, %dma_wait3A_1038] : memref<2x8x128xi32, #tpu.memory_space<vmem>> -> memref<1x8x128xi32, #tpu.memory_space<vmem>>
      %dma_wait3A_1040 = tpu.memref_squeeze %dma_wait3A_1039 : memref<1x8x128xi32, #tpu.memory_space<vmem>> -> memref<8x128xi32, #tpu.memory_space<vmem>>
      %dma_wait3A_1041 = arith.constant 0 : i32
      %dma_wait3A_1042 = tpu.memref_slice %arg4[%add3A, %multiple_of3A_1028, %dma_wait3A_1041] : memref<32x96x128xi32, #tpu.memory_space<hbm>> -> memref<1x8x128xi32, #tpu.memory_space<hbm>>
      %dma_wait3A_1043 = tpu.memref_squeeze %dma_wait3A_1042 : memref<1x8x128xi32, #tpu.memory_space<hbm>> -> memref<8x128xi32, #tpu.memory_space<hbm>>
      tpu.wait_dma2 semaphore(%arg13 : memref<!tpu.dma_semaphore, #tpu.memory_space<semaphore_mem>>) src(%dma_wait3A_1043 : memref<8x128xi32, #tpu.memory_space<hbm>>) dst(%dma_wait3A_1040 : memref<8x128xi32, #tpu.memory_space<vmem>>)
      %dma_start3A_1044 = arith.constant 0 : i32
      %dma_start3A_1045 = arith.constant 0 : i32
      %dma_start3A_1046 = arith.constant 0 : i32
      %dma_start3A_1047 = arith.constant 0 : i32
      %dma_start3A_1048 = arith.constant 0 : i32
      %dma_start3A_1049 = tpu.memref_slice %arg9[%dma_start3A_1046, %dma_start3A_1047, %dma_start3A_1048] : memref<2x128x128xf32, #tpu.memory_space<vmem>> -> memref<1x128x128xf32, #tpu.memory_space<vmem>>
      %dma_start3A_1050 = tpu.memref_squeeze %dma_start3A_1049 : memref<1x128x128xf32, #tpu.memory_space<vmem>> -> memref<128x128xf32, #tpu.memory_space<vmem>>
      %dma_start3A_1051 = arith.constant 0 : i32
      %dma_start3A_1052 = tpu.memref_slice %arg7[%dma_start3A_1044, %dma_start3A_1045, %dma_start3A_1051] : memref<2x8x128xi32, #tpu.memory_space<vmem>> -> memref<1x1x128xi32, #tpu.memory_space<vmem>>
      %dma_start3A_1053 = tpu.memref_squeeze %dma_start3A_1052 : memref<1x1x128xi32, #tpu.memory_space<vmem>> -> memref<128xi32, #tpu.memory_space<vmem>>
      %dma_start3A_1054 = arith.constant 0 : i32
      %dma_start3A_1055 = arith.constant 0 : i32
      %dma_start3A_1056 = tpu.memref_slice %arg2[%dma_start3A_1054, %dma_start3A_1055] : memref<10000x128xf32, #tpu.memory_space<hbm>> -> memref<10000x128xf32, #tpu.memory_space<hbm>>
      tpu.enqueue_indirect_dma source(%dma_start3A_1056 : memref<10000x128xf32, #tpu.memory_space<hbm>>) target(%dma_start3A_1050 : memref<128x128xf32, #tpu.memory_space<vmem>>) offsets(%dma_start3A_1053 : memref<128xi32, #tpu.memory_space<vmem>>) semaphore(%arg11 : memref<!tpu.dma_semaphore, #tpu.memory_space<semaphore_mem>>)
      %dma_wait3A_1057 = arith.constant 1 : i32
      %dma_wait3A_1058 = arith.constant 1 : i32
      %dma_wait3A_1059 = arith.constant 7 : i32
      %dma_wait3A_1060 = arith.constant 0 : i32
      %dma_wait3A_1061 = arith.constant 0 : i32
      %dma_wait3A_1062 = tpu.memref_slice %arg9[%dma_wait3A_1057, %dma_wait3A_1060, %dma_wait3A_1061] : memref<2x128x128xf32, #tpu.memory_space<vmem>> -> memref<1x128x128xf32, #tpu.memory_space<vmem>>
      %dma_wait3A_1063 = tpu.memref_squeeze %dma_wait3A_1062 : memref<1x128x128xf32, #tpu.memory_space<vmem>> -> memref<128x128xf32, #tpu.memory_space<vmem>>
      %dma_wait3A_1064 = arith.constant 0 : i32
      %dma_wait3A_1065 = tpu.memref_slice %arg8[%dma_wait3A_1058, %dma_wait3A_1059, %dma_wait3A_1064] : memref<2x8x128xi32, #tpu.memory_space<vmem>> -> memref<1x1x128xi32, #tpu.memory_space<vmem>>
      %dma_wait3A_1066 = tpu.memref_squeeze %dma_wait3A_1065 : memref<1x1x128xi32, #tpu.memory_space<vmem>> -> memref<128xi32, #tpu.memory_space<vmem>>
      %dma_wait3A_1067 = arith.constant 0 : i32
      %dma_wait3A_1068 = arith.constant 0 : i32
      %dma_wait3A_1069 = tpu.memref_slice %arg10[%dma_wait3A_1067, %dma_wait3A_1068] : memref<10112x128xf32, #tpu.memory_space<vmem_shared>> -> memref<10112x128xf32, #tpu.memory_space<vmem_shared>>
      tpu.wait_indirect_dma semaphore(%arg15 : memref<!tpu.dma_semaphore, #tpu.memory_space<semaphore_mem>>) src(%dma_wait3A_1063 : memref<128x128xf32, #tpu.memory_space<vmem>>) dst(%dma_wait3A_1069 : memref<10112x128xf32, #tpu.memory_space<vmem_shared>>)
      %add3A_1070 = arith.constant 2 : i32
      %add3A_1071 = arith.addi %add3A_613, %add3A_1070 : i32
      %mul3A_1072 = arith.constant 8 : i32
      %mul3A_1073 = arith.muli %add3A_1071, %mul3A_1072 : i32
      %multiple_of3A_1074 = tpu.assume_multiple %mul3A_1073, 8 : i32
      %dma_start3A_1075 = arith.constant 1 : i32
      %dma_start3A_1076 = arith.constant 0 : i32
      %dma_start3A_1077 = arith.constant 0 : i32
      %dma_start3A_1078 = tpu.memref_slice %arg7[%dma_start3A_1075, %dma_start3A_1076, %dma_start3A_1077] : memref<2x8x128xi32, #tpu.memory_space<vmem>> -> memref<1x8x128xi32, #tpu.memory_space<vmem>>
      %dma_start3A_1079 = tpu.memref_squeeze %dma_start3A_1078 : memref<1x8x128xi32, #tpu.memory_space<vmem>> -> memref<8x128xi32, #tpu.memory_space<vmem>>
      %dma_start3A_1080 = arith.constant 0 : i32
      %dma_start3A_1081 = tpu.memref_slice %arg3[%add3A, %multiple_of3A_1074, %dma_start3A_1080] : memref<32x96x128xi32, #tpu.memory_space<hbm>> -> memref<1x8x128xi32, #tpu.memory_space<hbm>>
      %dma_start3A_1082 = tpu.memref_squeeze %dma_start3A_1081 : memref<1x8x128xi32, #tpu.memory_space<hbm>> -> memref<8x128xi32, #tpu.memory_space<hbm>>
      %dma_start3A_1083 = arith.constant 0 : i32
      %dma_start3A_1084 = arith.constant 0 : i32
      %dma_start3A_1085 = tpu.memref_slice %arg7[%dma_start3A_1075, %dma_start3A_1083, %dma_start3A_1084] : memref<2x8x128xi32, #tpu.memory_space<vmem>> -> memref<1x8x128xi32, #tpu.memory_space<vmem>>
      %dma_start3A_1086 = tpu.memref_squeeze %dma_start3A_1085 : memref<1x8x128xi32, #tpu.memory_space<vmem>> -> memref<8x128xi32, #tpu.memory_space<vmem>>
      %dma_start3A_1087 = arith.constant 0 : i32
      %dma_start3A_1088 = tpu.memref_slice %arg3[%add3A, %multiple_of3A_1074, %dma_start3A_1087] : memref<32x96x128xi32, #tpu.memory_space<hbm>> -> memref<1x8x128xi32, #tpu.memory_space<hbm>>
      %dma_start3A_1089 = tpu.memref_squeeze %dma_start3A_1088 : memref<1x8x128xi32, #tpu.memory_space<hbm>> -> memref<8x128xi32, #tpu.memory_space<hbm>>
      tpu.enqueue_dma source(%dma_start3A_1089 : memref<8x128xi32, #tpu.memory_space<hbm>>) target(%dma_start3A_1086 : memref<8x128xi32, #tpu.memory_space<vmem>>) target_semaphore(%arg14 : memref<!tpu.dma_semaphore, #tpu.memory_space<semaphore_mem>>)
      %add3A_1090 = arith.constant 2 : i32
      %add3A_1091 = arith.addi %add3A_613, %add3A_1090 : i32
      %mul3A_1092 = arith.constant 8 : i32
      %mul3A_1093 = arith.muli %add3A_1091, %mul3A_1092 : i32
      %multiple_of3A_1094 = tpu.assume_multiple %mul3A_1093, 8 : i32
      %dma_start3A_1095 = arith.constant 1 : i32
      %dma_start3A_1096 = arith.constant 0 : i32
      %dma_start3A_1097 = arith.constant 0 : i32
      %dma_start3A_1098 = tpu.memref_slice %arg8[%dma_start3A_1095, %dma_start3A_1096, %dma_start3A_1097] : memref<2x8x128xi32, #tpu.memory_space<vmem>> -> memref<1x8x128xi32, #tpu.memory_space<vmem>>
      %dma_start3A_1099 = tpu.memref_squeeze %dma_start3A_1098 : memref<1x8x128xi32, #tpu.memory_space<vmem>> -> memref<8x128xi32, #tpu.memory_space<vmem>>
      %dma_start3A_1100 = arith.constant 0 : i32
      %dma_start3A_1101 = tpu.memref_slice %arg4[%add3A, %multiple_of3A_1094, %dma_start3A_1100] : memref<32x96x128xi32, #tpu.memory_space<hbm>> -> memref<1x8x128xi32, #tpu.memory_space<hbm>>
      %dma_start3A_1102 = tpu.memref_squeeze %dma_start3A_1101 : memref<1x8x128xi32, #tpu.memory_space<hbm>> -> memref<8x128xi32, #tpu.memory_space<hbm>>
      %dma_start3A_1103 = arith.constant 0 : i32
      %dma_start3A_1104 = arith.constant 0 : i32
      %dma_start3A_1105 = tpu.memref_slice %arg8[%dma_start3A_1095, %dma_start3A_1103, %dma_start3A_1104] : memref<2x8x128xi32, #tpu.memory_space<vmem>> -> memref<1x8x128xi32, #tpu.memory_space<vmem>>
      %dma_start3A_1106 = tpu.memref_squeeze %dma_start3A_1105 : memref<1x8x128xi32, #tpu.memory_space<vmem>> -> memref<8x128xi32, #tpu.memory_space<vmem>>
      %dma_start3A_1107 = arith.constant 0 : i32
      %dma_start3A_1108 = tpu.memref_slice %arg4[%add3A, %multiple_of3A_1094, %dma_start3A_1107] : memref<32x96x128xi32, #tpu.memory_space<hbm>> -> memref<1x8x128xi32, #tpu.memory_space<hbm>>
      %dma_start3A_1109 = tpu.memref_squeeze %dma_start3A_1108 : memref<1x8x128xi32, #tpu.memory_space<hbm>> -> memref<8x128xi32, #tpu.memory_space<hbm>>
      tpu.enqueue_dma source(%dma_start3A_1109 : memref<8x128xi32, #tpu.memory_space<hbm>>) target(%dma_start3A_1106 : memref<8x128xi32, #tpu.memory_space<vmem>>) target_semaphore(%arg14 : memref<!tpu.dma_semaphore, #tpu.memory_space<semaphore_mem>>)
    }
    %scan3A_57 = arith.constant 5 : i32
    %dma_wait3A = arith.constant 0 : i32
    %dma_wait3A_58 = arith.constant 0 : i32
    %dma_wait3A_59 = arith.constant 0 : i32
    %dma_wait3A_60 = arith.constant 0 : i32
    %dma_wait3A_61 = arith.constant 0 : i32
    %dma_wait3A_62 = tpu.memref_slice %arg9[%dma_wait3A_59, %dma_wait3A_60, %dma_wait3A_61] : memref<2x128x128xf32, #tpu.memory_space<vmem>> -> memref<1x128x128xf32, #tpu.memory_space<vmem>>
    %dma_wait3A_63 = tpu.memref_squeeze %dma_wait3A_62 : memref<1x128x128xf32, #tpu.memory_space<vmem>> -> memref<128x128xf32, #tpu.memory_space<vmem>>
    %dma_wait3A_64 = arith.constant 0 : i32
    %dma_wait3A_65 = tpu.memref_slice %arg7[%dma_wait3A, %dma_wait3A_58, %dma_wait3A_64] : memref<2x8x128xi32, #tpu.memory_space<vmem>> -> memref<1x1x128xi32, #tpu.memory_space<vmem>>
    %dma_wait3A_66 = tpu.memref_squeeze %dma_wait3A_65 : memref<1x1x128xi32, #tpu.memory_space<vmem>> -> memref<128xi32, #tpu.memory_space<vmem>>
    %dma_wait3A_67 = arith.constant 0 : i32
    %dma_wait3A_68 = arith.constant 0 : i32
    %dma_wait3A_69 = tpu.memref_slice %arg2[%dma_wait3A_67, %dma_wait3A_68] : memref<10000x128xf32, #tpu.memory_space<hbm>> -> memref<10000x128xf32, #tpu.memory_space<hbm>>
    tpu.wait_indirect_dma semaphore(%arg11 : memref<!tpu.dma_semaphore, #tpu.memory_space<semaphore_mem>>) src(%dma_wait3A_69 : memref<10000x128xf32, #tpu.memory_space<hbm>>) dst(%dma_wait3A_63 : memref<128x128xf32, #tpu.memory_space<vmem>>)
    %multiple_of3A_70 = arith.constant 88 : i32
    %multiple_of3A_71 = tpu.assume_multiple %multiple_of3A_70, 8 : i32
    %dma_wait3A_72 = arith.constant 1 : i32
    %dma_wait3A_73 = arith.constant 0 : i32
    %dma_wait3A_74 = arith.constant 0 : i32
    %dma_wait3A_75 = tpu.memref_slice %arg7[%dma_wait3A_72, %dma_wait3A_73, %dma_wait3A_74] : memref<2x8x128xi32, #tpu.memory_space<vmem>> -> memref<1x8x128xi32, #tpu.memory_space<vmem>>
    %dma_wait3A_76 = tpu.memref_squeeze %dma_wait3A_75 : memref<1x8x128xi32, #tpu.memory_space<vmem>> -> memref<8x128xi32, #tpu.memory_space<vmem>>
    %dma_wait3A_77 = arith.constant 0 : i32
    %dma_wait3A_78 = tpu.memref_slice %arg3[%add3A, %multiple_of3A_71, %dma_wait3A_77] : memref<32x96x128xi32, #tpu.memory_space<hbm>> -> memref<1x8x128xi32, #tpu.memory_space<hbm>>
    %dma_wait3A_79 = tpu.memref_squeeze %dma_wait3A_78 : memref<1x8x128xi32, #tpu.memory_space<hbm>> -> memref<8x128xi32, #tpu.memory_space<hbm>>
    %dma_wait3A_80 = arith.constant 0 : i32
    %dma_wait3A_81 = arith.constant 0 : i32
    %dma_wait3A_82 = tpu.memref_slice %arg7[%dma_wait3A_72, %dma_wait3A_80, %dma_wait3A_81] : memref<2x8x128xi32, #tpu.memory_space<vmem>> -> memref<1x8x128xi32, #tpu.memory_space<vmem>>
    %dma_wait3A_83 = tpu.memref_squeeze %dma_wait3A_82 : memref<1x8x128xi32, #tpu.memory_space<vmem>> -> memref<8x128xi32, #tpu.memory_space<vmem>>
    %dma_wait3A_84 = arith.constant 0 : i32
    %dma_wait3A_85 = tpu.memref_slice %arg3[%add3A, %multiple_of3A_71, %dma_wait3A_84] : memref<32x96x128xi32, #tpu.memory_space<hbm>> -> memref<1x8x128xi32, #tpu.memory_space<hbm>>
    %dma_wait3A_86 = tpu.memref_squeeze %dma_wait3A_85 : memref<1x8x128xi32, #tpu.memory_space<hbm>> -> memref<8x128xi32, #tpu.memory_space<hbm>>
    tpu.wait_dma2 semaphore(%arg14 : memref<!tpu.dma_semaphore, #tpu.memory_space<semaphore_mem>>) src(%dma_wait3A_86 : memref<8x128xi32, #tpu.memory_space<hbm>>) dst(%dma_wait3A_83 : memref<8x128xi32, #tpu.memory_space<vmem>>)
    %multiple_of3A_87 = arith.constant 88 : i32
    %multiple_of3A_88 = tpu.assume_multiple %multiple_of3A_87, 8 : i32
    %dma_wait3A_89 = arith.constant 1 : i32
    %dma_wait3A_90 = arith.constant 0 : i32
    %dma_wait3A_91 = arith.constant 0 : i32
    %dma_wait3A_92 = tpu.memref_slice %arg8[%dma_wait3A_89, %dma_wait3A_90, %dma_wait3A_91] : memref<2x8x128xi32, #tpu.memory_space<vmem>> -> memref<1x8x128xi32, #tpu.memory_space<vmem>>
    %dma_wait3A_93 = tpu.memref_squeeze %dma_wait3A_92 : memref<1x8x128xi32, #tpu.memory_space<vmem>> -> memref<8x128xi32, #tpu.memory_space<vmem>>
    %dma_wait3A_94 = arith.constant 0 : i32
    %dma_wait3A_95 = tpu.memref_slice %arg4[%add3A, %multiple_of3A_88, %dma_wait3A_94] : memref<32x96x128xi32, #tpu.memory_space<hbm>> -> memref<1x8x128xi32, #tpu.memory_space<hbm>>
    %dma_wait3A_96 = tpu.memref_squeeze %dma_wait3A_95 : memref<1x8x128xi32, #tpu.memory_space<hbm>> -> memref<8x128xi32, #tpu.memory_space<hbm>>
    %dma_wait3A_97 = arith.constant 0 : i32
    %dma_wait3A_98 = arith.constant 0 : i32
    %dma_wait3A_99 = tpu.memref_slice %arg8[%dma_wait3A_89, %dma_wait3A_97, %dma_wait3A_98] : memref<2x8x128xi32, #tpu.memory_space<vmem>> -> memref<1x8x128xi32, #tpu.memory_space<vmem>>
    %dma_wait3A_100 = tpu.memref_squeeze %dma_wait3A_99 : memref<1x8x128xi32, #tpu.memory_space<vmem>> -> memref<8x128xi32, #tpu.memory_space<vmem>>
    %dma_wait3A_101 = arith.constant 0 : i32
    %dma_wait3A_102 = tpu.memref_slice %arg4[%add3A, %multiple_of3A_88, %dma_wait3A_101] : memref<32x96x128xi32, #tpu.memory_space<hbm>> -> memref<1x8x128xi32, #tpu.memory_space<hbm>>
    %dma_wait3A_103 = tpu.memref_squeeze %dma_wait3A_102 : memref<1x8x128xi32, #tpu.memory_space<hbm>> -> memref<8x128xi32, #tpu.memory_space<hbm>>
    tpu.wait_dma2 semaphore(%arg14 : memref<!tpu.dma_semaphore, #tpu.memory_space<semaphore_mem>>) src(%dma_wait3A_103 : memref<8x128xi32, #tpu.memory_space<hbm>>) dst(%dma_wait3A_100 : memref<8x128xi32, #tpu.memory_space<vmem>>)
    %barrier3A_104 = arith.constant 0 : index
    tpu.barrier barrier_id(%barrier3A_104)
    %mul3A_105 = arith.constant 632 : i32
    %mul3A_106 = arith.muli %arg1, %mul3A_105 : i32
    %mul3A_107 = arith.constant 632 : i32
    %mul3A_108 = arith.muli %arg1, %mul3A_107 : i32
    "tpu.region"() ({
      %run_scoped3A_109 = tpu.sem_alloc : memref<!tpu.dma_semaphore, #tpu.memory_space<semaphore_mem>>
      %dma_start3A_110 = arith.constant 0 : i32
      %dma_start3A_111 = tpu.memref_slice %arg6[%arg0, %mul3A_108, %dma_start3A_110] : memref<2x10112x128xf32, #tpu.memory_space<hbm>> -> memref<1x632x128xf32, #tpu.memory_space<hbm>>
      %dma_start3A_112 = tpu.memref_squeeze %dma_start3A_111 : memref<1x632x128xf32, #tpu.memory_space<hbm>> -> memref<632x128xf32, #tpu.memory_space<hbm>>
      %dma_start3A_113 = arith.constant 0 : i32
      %dma_start3A_114 = tpu.memref_slice %arg10[%mul3A_106, %dma_start3A_113] : memref<10112x128xf32, #tpu.memory_space<vmem_shared>> -> memref<632x128xf32, #tpu.memory_space<vmem_shared>>
      tpu.enqueue_dma source(%dma_start3A_114 : memref<632x128xf32, #tpu.memory_space<vmem_shared>>) target(%dma_start3A_112 : memref<632x128xf32, #tpu.memory_space<hbm>>) target_semaphore(%run_scoped3A_109 : memref<!tpu.dma_semaphore, #tpu.memory_space<semaphore_mem>>)
      %dma_wait3A_115 = arith.constant 0 : i32
      %dma_wait3A_116 = tpu.memref_slice %arg6[%arg0, %mul3A_108, %dma_wait3A_115] : memref<2x10112x128xf32, #tpu.memory_space<hbm>> -> memref<1x632x128xf32, #tpu.memory_space<hbm>>
      %dma_wait3A_117 = tpu.memref_squeeze %dma_wait3A_116 : memref<1x632x128xf32, #tpu.memory_space<hbm>> -> memref<632x128xf32, #tpu.memory_space<hbm>>
      %dma_wait3A_118 = arith.constant 0 : i32
      %dma_wait3A_119 = tpu.memref_slice %arg10[%mul3A_106, %dma_wait3A_118] : memref<10112x128xf32, #tpu.memory_space<vmem_shared>> -> memref<632x128xf32, #tpu.memory_space<vmem_shared>>
      tpu.wait_dma2 semaphore(%run_scoped3A_109 : memref<!tpu.dma_semaphore, #tpu.memory_space<semaphore_mem>>) src(%dma_wait3A_119 : memref<632x128xf32, #tpu.memory_space<vmem_shared>>) dst(%dma_wait3A_117 : memref<632x128xf32, #tpu.memory_space<hbm>>)
      tpu.yield
    }) : () -> ()
    return
  }
}

#map = affine_map<(d0, d1) -> (0, 0, 0)>
#map1 = affine_map<(d0, d1) -> (0, 0)>
module attributes {stable_mosaic.version = 14 : i64} {
  func.func @_sc_counts_body(%arg0: i32, %arg1: i32, %arg2: memref<32x96x128xi32, #tpu.memory_space<hbm>>, %arg3: memref<632x16xf32, #tpu.memory_space<hbm>>, %arg4: memref<128x16xf32, #tpu.memory_space<hbm>>, %arg5: memref<2x10112x16xf32, #tpu.memory_space<hbm>>, %arg6: memref<80x128xi32, #tpu.memory_space<vmem>>, %arg7: memref<128x16xf32, #tpu.memory_space<vmem>>, %arg8: memref<10112x16xf32, #tpu.memory_space<vmem_shared>>) attributes {dimension_semantics = [#tpu.dimension_semantics<core_parallel>, #tpu.dimension_semantics<subcore_parallel>], iteration_bounds = array<i64: 2, 16>, scalar_prefetch = 0 : i64, scratch_operands = 3 : i64, tpu.core_type = #tpu.core_type<sc_vector_subcore>, window_params = [{transform_indices = #map}, {transform_indices = #map1}, {transform_indices = #map1}, {transform_indices = #map}]} {
    %mul3A = arith.constant 16 : i32
    %mul3A_0 = arith.muli %arg0, %mul3A : i32
    %add3A = arith.addi %mul3A_0, %arg1 : i32
    %mul3A_1 = arith.constant 632 : i32
    %mul3A_2 = arith.muli %arg1, %mul3A_1 : i32
    "tpu.region"() ({
      %run_scoped3A = tpu.sem_alloc : memref<!tpu.dma_semaphore, #tpu.memory_space<semaphore_mem>>
      %dma_start3A = arith.constant 0 : i32
      %dma_start3A_13 = tpu.memref_slice %arg8[%mul3A_2, %dma_start3A] : memref<10112x16xf32, #tpu.memory_space<vmem_shared>> -> memref<632x16xf32, #tpu.memory_space<vmem_shared>>
      tpu.enqueue_dma source(%arg3 : memref<632x16xf32, #tpu.memory_space<hbm>>) target(%dma_start3A_13 : memref<632x16xf32, #tpu.memory_space<vmem_shared>>) target_semaphore(%run_scoped3A : memref<!tpu.dma_semaphore, #tpu.memory_space<semaphore_mem>>)
      %dma_wait3A = arith.constant 0 : i32
      %dma_wait3A_14 = tpu.memref_slice %arg8[%mul3A_2, %dma_wait3A] : memref<10112x16xf32, #tpu.memory_space<vmem_shared>> -> memref<632x16xf32, #tpu.memory_space<vmem_shared>>
      tpu.wait_dma2 semaphore(%run_scoped3A : memref<!tpu.dma_semaphore, #tpu.memory_space<semaphore_mem>>) src(%arg3 : memref<632x16xf32, #tpu.memory_space<hbm>>) dst(%dma_wait3A_14 : memref<632x16xf32, #tpu.memory_space<vmem_shared>>)
      tpu.yield
    }) : () -> ()
    "tpu.region"() ({
      %run_scoped3A = tpu.sem_alloc : memref<!tpu.dma_semaphore, #tpu.memory_space<semaphore_mem>>
      %dma_start3A = arith.constant 0 : i32
      %dma_start3A_13 = arith.constant 0 : i32
      %dma_start3A_14 = tpu.memref_slice %arg2[%add3A, %dma_start3A, %dma_start3A_13] : memref<32x96x128xi32, #tpu.memory_space<hbm>> -> memref<1x80x128xi32, #tpu.memory_space<hbm>>
      %dma_start3A_15 = tpu.memref_squeeze %dma_start3A_14 : memref<1x80x128xi32, #tpu.memory_space<hbm>> -> memref<80x128xi32, #tpu.memory_space<hbm>>
      %dma_start3A_16 = arith.constant 0 : i32
      %dma_start3A_17 = arith.constant 0 : i32
      %dma_start3A_18 = tpu.memref_slice %arg2[%add3A, %dma_start3A_16, %dma_start3A_17] : memref<32x96x128xi32, #tpu.memory_space<hbm>> -> memref<1x80x128xi32, #tpu.memory_space<hbm>>
      %dma_start3A_19 = tpu.memref_squeeze %dma_start3A_18 : memref<1x80x128xi32, #tpu.memory_space<hbm>> -> memref<80x128xi32, #tpu.memory_space<hbm>>
      tpu.enqueue_dma source(%dma_start3A_19 : memref<80x128xi32, #tpu.memory_space<hbm>>) target(%arg6 : memref<80x128xi32, #tpu.memory_space<vmem>>) target_semaphore(%run_scoped3A : memref<!tpu.dma_semaphore, #tpu.memory_space<semaphore_mem>>)
      %dma_wait3A = arith.constant 0 : i32
      %dma_wait3A_20 = arith.constant 0 : i32
      %dma_wait3A_21 = tpu.memref_slice %arg2[%add3A, %dma_wait3A, %dma_wait3A_20] : memref<32x96x128xi32, #tpu.memory_space<hbm>> -> memref<1x80x128xi32, #tpu.memory_space<hbm>>
      %dma_wait3A_22 = tpu.memref_squeeze %dma_wait3A_21 : memref<1x80x128xi32, #tpu.memory_space<hbm>> -> memref<80x128xi32, #tpu.memory_space<hbm>>
      %dma_wait3A_23 = arith.constant 0 : i32
      %dma_wait3A_24 = arith.constant 0 : i32
      %dma_wait3A_25 = tpu.memref_slice %arg2[%add3A, %dma_wait3A_23, %dma_wait3A_24] : memref<32x96x128xi32, #tpu.memory_space<hbm>> -> memref<1x80x128xi32, #tpu.memory_space<hbm>>
      %dma_wait3A_26 = tpu.memref_squeeze %dma_wait3A_25 : memref<1x80x128xi32, #tpu.memory_space<hbm>> -> memref<80x128xi32, #tpu.memory_space<hbm>>
      tpu.wait_dma2 semaphore(%run_scoped3A : memref<!tpu.dma_semaphore, #tpu.memory_space<semaphore_mem>>) src(%dma_wait3A_26 : memref<80x128xi32, #tpu.memory_space<hbm>>) dst(%arg6 : memref<80x128xi32, #tpu.memory_space<vmem>>)
      tpu.yield
    }) : () -> ()
    "tpu.region"() ({
      %run_scoped3A = tpu.sem_alloc : memref<!tpu.dma_semaphore, #tpu.memory_space<semaphore_mem>>
      tpu.enqueue_dma source(%arg4 : memref<128x16xf32, #tpu.memory_space<hbm>>) target(%arg7 : memref<128x16xf32, #tpu.memory_space<vmem>>) target_semaphore(%run_scoped3A : memref<!tpu.dma_semaphore, #tpu.memory_space<semaphore_mem>>)
      tpu.wait_dma2 semaphore(%run_scoped3A : memref<!tpu.dma_semaphore, #tpu.memory_space<semaphore_mem>>) src(%arg4 : memref<128x16xf32, #tpu.memory_space<hbm>>) dst(%arg7 : memref<128x16xf32, #tpu.memory_space<vmem>>)
      tpu.yield
    }) : () -> ()
    %barrier3A = arith.constant 0 : index
    tpu.barrier barrier_id(%barrier3A)
    %scan3A = arith.constant 0 : i32
    %scan3A_3 = arith.constant 0 : i32
    %scan3A_4 = arith.constant 80 : i32
    %scan3A_5 = arith.addi %scan3A_3, %scan3A_4 : i32
    %scan3A_6 = arith.constant 1 : i32
    scf.for %scan3A_13 = %scan3A_3 to %scan3A_5 step %scan3A_6  : i32 {
      "tpu.region"() ({
        %run_scoped3A = tpu.sem_alloc : memref<!tpu.dma_semaphore, #tpu.memory_space<semaphore_mem>>
        %dma_start3A = arith.constant 0 : i32
        %dma_start3A_14 = tpu.memref_slice %arg6[%scan3A_13, %dma_start3A] : memref<80x128xi32, #tpu.memory_space<vmem>> -> memref<1x128xi32, #tpu.memory_space<vmem>>
        %dma_start3A_15 = tpu.memref_squeeze %dma_start3A_14 : memref<1x128xi32, #tpu.memory_space<vmem>> -> memref<128xi32, #tpu.memory_space<vmem>>
        %dma_start3A_16 = arith.constant 0 : i32
        %dma_start3A_17 = arith.constant 0 : i32
        %dma_start3A_18 = tpu.memref_slice %arg8[%dma_start3A_16, %dma_start3A_17] : memref<10112x16xf32, #tpu.memory_space<vmem_shared>> -> memref<10112x16xf32, #tpu.memory_space<vmem_shared>>
        tpu.enqueue_indirect_dma source(%arg7 : memref<128x16xf32, #tpu.memory_space<vmem>>) target(%dma_start3A_18 : memref<10112x16xf32, #tpu.memory_space<vmem_shared>>) offsets(%dma_start3A_15 : memref<128xi32, #tpu.memory_space<vmem>>) semaphore(%run_scoped3A : memref<!tpu.dma_semaphore, #tpu.memory_space<semaphore_mem>>) {add = true}
        %dma_wait3A = arith.constant 0 : i32
        %dma_wait3A_19 = tpu.memref_slice %arg6[%scan3A_13, %dma_wait3A] : memref<80x128xi32, #tpu.memory_space<vmem>> -> memref<1x128xi32, #tpu.memory_space<vmem>>
        %dma_wait3A_20 = tpu.memref_squeeze %dma_wait3A_19 : memref<1x128xi32, #tpu.memory_space<vmem>> -> memref<128xi32, #tpu.memory_space<vmem>>
        %dma_wait3A_21 = arith.constant 0 : i32
        %dma_wait3A_22 = arith.constant 0 : i32
        %dma_wait3A_23 = tpu.memref_slice %arg8[%dma_wait3A_21, %dma_wait3A_22] : memref<10112x16xf32, #tpu.memory_space<vmem_shared>> -> memref<10112x16xf32, #tpu.memory_space<vmem_shared>>
        tpu.wait_indirect_dma semaphore(%run_scoped3A : memref<!tpu.dma_semaphore, #tpu.memory_space<semaphore_mem>>) src(%arg7 : memref<128x16xf32, #tpu.memory_space<vmem>>) dst(%dma_wait3A_23 : memref<10112x16xf32, #tpu.memory_space<vmem_shared>>)
        tpu.yield
      }) : () -> ()
    }
    %scan3A_7 = arith.constant 80 : i32
    %barrier3A_8 = arith.constant 0 : index
    tpu.barrier barrier_id(%barrier3A_8)
    %mul3A_9 = arith.constant 632 : i32
    %mul3A_10 = arith.muli %arg1, %mul3A_9 : i32
    %mul3A_11 = arith.constant 632 : i32
    %mul3A_12 = arith.muli %arg1, %mul3A_11 : i32
    "tpu.region"() ({
      %run_scoped3A = tpu.sem_alloc : memref<!tpu.dma_semaphore, #tpu.memory_space<semaphore_mem>>
      %dma_start3A = arith.constant 0 : i32
      %dma_start3A_13 = tpu.memref_slice %arg5[%arg0, %mul3A_12, %dma_start3A] : memref<2x10112x16xf32, #tpu.memory_space<hbm>> -> memref<1x632x16xf32, #tpu.memory_space<hbm>>
      %dma_start3A_14 = tpu.memref_squeeze %dma_start3A_13 : memref<1x632x16xf32, #tpu.memory_space<hbm>> -> memref<632x16xf32, #tpu.memory_space<hbm>>
      %dma_start3A_15 = arith.constant 0 : i32
      %dma_start3A_16 = tpu.memref_slice %arg8[%mul3A_10, %dma_start3A_15] : memref<10112x16xf32, #tpu.memory_space<vmem_shared>> -> memref<632x16xf32, #tpu.memory_space<vmem_shared>>
      tpu.enqueue_dma source(%dma_start3A_16 : memref<632x16xf32, #tpu.memory_space<vmem_shared>>) target(%dma_start3A_14 : memref<632x16xf32, #tpu.memory_space<hbm>>) target_semaphore(%run_scoped3A : memref<!tpu.dma_semaphore, #tpu.memory_space<semaphore_mem>>)
      %dma_wait3A = arith.constant 0 : i32
      %dma_wait3A_17 = tpu.memref_slice %arg5[%arg0, %mul3A_12, %dma_wait3A] : memref<2x10112x16xf32, #tpu.memory_space<hbm>> -> memref<1x632x16xf32, #tpu.memory_space<hbm>>
      %dma_wait3A_18 = tpu.memref_squeeze %dma_wait3A_17 : memref<1x632x16xf32, #tpu.memory_space<hbm>> -> memref<632x16xf32, #tpu.memory_space<hbm>>
      %dma_wait3A_19 = arith.constant 0 : i32
      %dma_wait3A_20 = tpu.memref_slice %arg8[%mul3A_10, %dma_wait3A_19] : memref<10112x16xf32, #tpu.memory_space<vmem_shared>> -> memref<632x16xf32, #tpu.memory_space<vmem_shared>>
      tpu.wait_dma2 semaphore(%run_scoped3A : memref<!tpu.dma_semaphore, #tpu.memory_space<semaphore_mem>>) src(%dma_wait3A_20 : memref<632x16xf32, #tpu.memory_space<vmem_shared>>) dst(%dma_wait3A_18 : memref<632x16xf32, #tpu.memory_space<hbm>>)
      tpu.yield
    }) : () -> ()
    return
  }
}

module attributes {stable_mosaic.version = 14 : i64} {
  func.func @_tc1_body(%arg0: i32, %arg1: memref<2000x128xf32, #tpu.memory_space<vmem>>, %arg2: memref<128x128xf32, #tpu.memory_space<vmem>>, %arg3: memref<128x128xf32, #tpu.memory_space<vmem>>, %arg4: memref<1x128xf32, #tpu.memory_space<vmem>>, %arg5: memref<2000x128xf32, #tpu.memory_space<vmem>>, %arg6: memref<2000x128xf32, #tpu.memory_space<vmem>>) attributes {dimension_semantics = [#tpu.dimension_semantics<arbitrary>], iteration_bounds = array<i64: 5>, scalar_prefetch = 0 : i64, scratch_operands = 0 : i64, tpu.core_type = #tpu.core_type<tc>, window_params = [{transform_indices = @transform_0, window_bounds = array<i64: 2000, 128>}, {pipeline_mode = #tpu.pipeline_mode<synchronous>, transform_indices = @transform_1, window_bounds = array<i64: 128, 128>}, {pipeline_mode = #tpu.pipeline_mode<synchronous>, transform_indices = @transform_2, window_bounds = array<i64: 128, 128>}, {pipeline_mode = #tpu.pipeline_mode<synchronous>, transform_indices = @transform_3, window_bounds = array<i64: 1, 128>}, {transform_indices = @transform_4, window_bounds = array<i64: 2000, 128>}, {transform_indices = @transform_5, window_bounds = array<i64: 2000, 128>}]} {
    %get3A = arith.constant 0 : index
    %get3A_0 = arith.constant 0 : index
    %get3A_1 = vector.load %arg1[%get3A, %get3A_0] : memref<2000x128xf32, #tpu.memory_space<vmem>>, vector<2000x128xf32>
    %get3A_2 = arith.constant 0 : index
    %get3A_3 = arith.constant 0 : index
    %get3A_4 = vector.load %arg2[%get3A_2, %get3A_3] : memref<128x128xf32, #tpu.memory_space<vmem>>, vector<128x128xf32>
    %dot_general3A = arith.constant dense<0.000000e+00> : vector<2000x128xf32>
    %dot_general3A_5 = tpu.matmul %get3A_1, %get3A_4, %dot_general3A {dimension_numbers = #tpu.dot_dimension_numbers<[1], [1], [0], [0], [0, 0, 1, 0], [], []>, precision = #tpu.contract_precision<fp32>, transpose_lhs_hint = false} : vector<2000x128xf32>, vector<128x128xf32>, vector<2000x128xf32> -> vector<2000x128xf32>
    %swap3A = arith.constant 0 : index
    %swap3A_6 = arith.constant 0 : index
    %swap3A_7 = vector.load %arg5[%swap3A, %swap3A_6] : memref<2000x128xf32, #tpu.memory_space<vmem>>, vector<2000x128xf32>
    tpu.vector_store %arg5[%swap3A, %swap3A_6], %dot_general3A_5 {strides = array<i32>} : memref<2000x128xf32, #tpu.memory_space<vmem>>, vector<2000x128xf32>,
    %get3A_8 = arith.constant 0 : index
    %get3A_9 = arith.constant 0 : index
    %get3A_10 = vector.load %arg3[%get3A_8, %get3A_9] : memref<128x128xf32, #tpu.memory_space<vmem>>, vector<128x128xf32>
    %dot_general3A_11 = arith.constant dense<0.000000e+00> : vector<2000x128xf32>
    %dot_general3A_12 = tpu.matmul %get3A_1, %get3A_10, %dot_general3A_11 {dimension_numbers = #tpu.dot_dimension_numbers<[1], [1], [0], [0], [0, 0, 1, 0], [], []>, precision = #tpu.contract_precision<fp32>, transpose_lhs_hint = false} : vector<2000x128xf32>, vector<128x128xf32>, vector<2000x128xf32> -> vector<2000x128xf32>
    %get3A_13 = arith.constant 0 : index
    %get3A_14 = arith.constant 0 : index
    %get3A_15 = vector.load %arg4[%get3A_13, %get3A_14] : memref<1x128xf32, #tpu.memory_space<vmem>>, vector<1x128xf32>
    %add3A = vector.broadcast %get3A_15 : vector<1x128xf32> to vector<2000x128xf32>
    %add3A_16 = arith.addf %dot_general3A_12, %add3A : vector<2000x128xf32>
    %swap3A_17 = arith.constant 0 : index
    %swap3A_18 = arith.constant 0 : index
    %swap3A_19 = vector.load %arg6[%swap3A_17, %swap3A_18] : memref<2000x128xf32, #tpu.memory_space<vmem>>, vector<2000x128xf32>
    tpu.vector_store %arg6[%swap3A_17, %swap3A_18], %add3A_16 {strides = array<i32>} : memref<2000x128xf32, #tpu.memory_space<vmem>>, vector<2000x128xf32>,
    return
  }
  func.func @transform_0(%arg0: i32) -> (i32, i32) {
    %c0_i32 = arith.constant 0 : i32
    %c0_i32_0 = arith.constant 0 : i32
    return %arg0, %c0_i32 : i32, i32
  }
  func.func @transform_1(%arg0: i32) -> (i32, i32) {
    %c0_i32 = arith.constant 0 : i32
    %c0_i32_0 = arith.constant 0 : i32
    %c0_i32_1 = arith.constant 0 : i32
    return %c0_i32, %c0_i32_0 : i32, i32
  }
  func.func @transform_2(%arg0: i32) -> (i32, i32) {
    %c0_i32 = arith.constant 0 : i32
    %c0_i32_0 = arith.constant 0 : i32
    %c0_i32_1 = arith.constant 0 : i32
    return %c0_i32, %c0_i32_0 : i32, i32
  }
  func.func @transform_3(%arg0: i32) -> (i32, i32) {
    %c0_i32 = arith.constant 0 : i32
    %c0_i32_0 = arith.constant 0 : i32
    %c0_i32_1 = arith.constant 0 : i32
    return %c0_i32, %c0_i32_0 : i32, i32
  }
  func.func @transform_4(%arg0: i32) -> (i32, i32) {
    %c0_i32 = arith.constant 0 : i32
    %c0_i32_0 = arith.constant 0 : i32
    return %arg0, %c0_i32 : i32, i32
  }
  func.func @transform_5(%arg0: i32) -> (i32, i32) {
    %c0_i32 = arith.constant 0 : i32
    %c0_i32_0 = arith.constant 0 : i32
    return %arg0, %c0_i32 : i32, i32
  }
}

module attributes {stable_mosaic.version = 14 : i64} {
  func.func @_tc2_body(%arg0: i32, %arg1: memref<2x2000x128xf32, #tpu.memory_space<vmem>>, %arg2: memref<2x2000x16xf32, #tpu.memory_space<vmem>>, %arg3: memref<2000x128xf32, #tpu.memory_space<vmem>>, %arg4: memref<128x128xf32, #tpu.memory_space<vmem>>, %arg5: memref<128x128xf32, #tpu.memory_space<vmem>>, %arg6: memref<1x128xf32, #tpu.memory_space<vmem>>, %arg7: memref<2000x128xf32, #tpu.memory_space<vmem>>, %arg8: memref<2000x128xf32, #tpu.memory_space<vmem>>, %arg9: memref<2000x16xf32, #tpu.memory_space<vmem>>) attributes {dimension_semantics = [#tpu.dimension_semantics<arbitrary>], iteration_bounds = array<i64: 5>, scalar_prefetch = 0 : i64, scratch_operands = 0 : i64, tpu.core_type = #tpu.core_type<tc>, window_params = [{transform_indices = @transform_0, window_bounds = array<i64: 2, 2000, 128>}, {transform_indices = @transform_1, window_bounds = array<i64: 2, 2000, 16>}, {transform_indices = @transform_2, window_bounds = array<i64: 2000, 128>}, {pipeline_mode = #tpu.pipeline_mode<synchronous>, transform_indices = @transform_3, window_bounds = array<i64: 128, 128>}, {pipeline_mode = #tpu.pipeline_mode<synchronous>, transform_indices = @transform_4, window_bounds = array<i64: 128, 128>}, {pipeline_mode = #tpu.pipeline_mode<synchronous>, transform_indices = @transform_5, window_bounds = array<i64: 1, 128>}, {transform_indices = @transform_6, window_bounds = array<i64: 2000, 128>}, {transform_indices = @transform_7, window_bounds = array<i64: 2000, 128>}, {transform_indices = @transform_8, window_bounds = array<i64: 2000, 16>}]} {
    %get3A = arith.constant 0 : index
    %get3A_0 = arith.constant 0 : index
    %get3A_1 = arith.constant 0 : index
    %get3A_2 = vector.load %arg2[%get3A, %get3A_0, %get3A_1] : memref<2x2000x16xf32, #tpu.memory_space<vmem>>, vector<1x2000x16xf32>
    %get3A_3 = vector.shape_cast %get3A_2 : vector<1x2000x16xf32> to vector<2000x16xf32>
    %get3A_4 = arith.constant 1 : index
    %get3A_5 = arith.constant 0 : index
    %get3A_6 = arith.constant 0 : index
    %get3A_7 = vector.load %arg2[%get3A_4, %get3A_5, %get3A_6] : memref<2x2000x16xf32, #tpu.memory_space<vmem>>, vector<1x2000x16xf32>
    %get3A_8 = vector.shape_cast %get3A_7 : vector<1x2000x16xf32> to vector<2000x16xf32>
    %add3A = arith.addf %get3A_3, %get3A_8 : vector<2000x16xf32>
    %max3A = arith.constant 1.000000e+00 : f32
    %max3A_9 = vector.broadcast %max3A : f32 to vector<2000x16xf32>
    %max3A_10 = arith.maximumf %add3A, %max3A_9 : vector<2000x16xf32>
    %div3A = arith.constant 1.000000e+00 : f32
    %div3A_11 = vector.broadcast %div3A : f32 to vector<2000x16xf32>
    %div3A_12 = arith.divf %div3A_11, %max3A_10 : vector<2000x16xf32>
    %get3A_13 = arith.constant 0 : index
    %get3A_14 = arith.constant 0 : index
    %get3A_15 = arith.constant 0 : index
    %get3A_16 = vector.load %arg1[%get3A_13, %get3A_14, %get3A_15] : memref<2x2000x128xf32, #tpu.memory_space<vmem>>, vector<1x2000x128xf32>
    %get3A_17 = vector.shape_cast %get3A_16 : vector<1x2000x128xf32> to vector<2000x128xf32>
    %get3A_18 = arith.constant 1 : index
    %get3A_19 = arith.constant 0 : index
    %get3A_20 = arith.constant 0 : index
    %get3A_21 = vector.load %arg1[%get3A_18, %get3A_19, %get3A_20] : memref<2x2000x128xf32, #tpu.memory_space<vmem>>, vector<1x2000x128xf32>
    %get3A_22 = vector.shape_cast %get3A_21 : vector<1x2000x128xf32> to vector<2000x128xf32>
    %add3A_23 = arith.addf %get3A_17, %get3A_22 : vector<2000x128xf32>
    %slice3A = vector.extract_strided_slice %div3A_12 {offsets = [0, 0], sizes = [2000, 1], strides = [1, 1]} : vector<2000x16xf32> to vector<2000x1xf32>
    %mul3A = vector.broadcast %slice3A : vector<2000x1xf32> to vector<2000x128xf32>
    %mul3A_24 = arith.mulf %add3A_23, %mul3A : vector<2000x128xf32>
    %get3A_25 = arith.constant 0 : index
    %get3A_26 = arith.constant 0 : index
    %get3A_27 = vector.load %arg3[%get3A_25, %get3A_26] : memref<2000x128xf32, #tpu.memory_space<vmem>>, vector<2000x128xf32>
    %add3A_28 = arith.addf %mul3A_24, %get3A_27 : vector<2000x128xf32>
    %max3A_29 = arith.constant 0.000000e+00 : f32
    %max3A_30 = vector.broadcast %max3A_29 : f32 to vector<2000x128xf32>
    %max3A_31 = arith.maximumf %add3A_28, %max3A_30 : vector<2000x128xf32>
    %get3A_32 = arith.constant 0 : index
    %get3A_33 = arith.constant 0 : index
    %get3A_34 = vector.load %arg4[%get3A_32, %get3A_33] : memref<128x128xf32, #tpu.memory_space<vmem>>, vector<128x128xf32>
    %dot_general3A = arith.constant dense<0.000000e+00> : vector<2000x128xf32>
    %dot_general3A_35 = tpu.matmul %max3A_31, %get3A_34, %dot_general3A {dimension_numbers = #tpu.dot_dimension_numbers<[1], [1], [0], [0], [0, 0, 1, 0], [], []>, precision = #tpu.contract_precision<fp32>, transpose_lhs_hint = false} : vector<2000x128xf32>, vector<128x128xf32>, vector<2000x128xf32> -> vector<2000x128xf32>
    %swap3A = arith.constant 0 : index
    %swap3A_36 = arith.constant 0 : index
    %swap3A_37 = vector.load %arg7[%swap3A, %swap3A_36] : memref<2000x128xf32, #tpu.memory_space<vmem>>, vector<2000x128xf32>
    tpu.vector_store %arg7[%swap3A, %swap3A_36], %dot_general3A_35 {strides = array<i32>} : memref<2000x128xf32, #tpu.memory_space<vmem>>, vector<2000x128xf32>,
    %get3A_38 = arith.constant 0 : index
    %get3A_39 = arith.constant 0 : index
    %get3A_40 = vector.load %arg5[%get3A_38, %get3A_39] : memref<128x128xf32, #tpu.memory_space<vmem>>, vector<128x128xf32>
    %dot_general3A_41 = arith.constant dense<0.000000e+00> : vector<2000x128xf32>
    %dot_general3A_42 = tpu.matmul %max3A_31, %get3A_40, %dot_general3A_41 {dimension_numbers = #tpu.dot_dimension_numbers<[1], [1], [0], [0], [0, 0, 1, 0], [], []>, precision = #tpu.contract_precision<fp32>, transpose_lhs_hint = false} : vector<2000x128xf32>, vector<128x128xf32>, vector<2000x128xf32> -> vector<2000x128xf32>
    %get3A_43 = arith.constant 0 : index
    %get3A_44 = arith.constant 0 : index
    %get3A_45 = vector.load %arg6[%get3A_43, %get3A_44] : memref<1x128xf32, #tpu.memory_space<vmem>>, vector<1x128xf32>
    %add3A_46 = vector.broadcast %get3A_45 : vector<1x128xf32> to vector<2000x128xf32>
    %add3A_47 = arith.addf %dot_general3A_42, %add3A_46 : vector<2000x128xf32>
    %swap3A_48 = arith.constant 0 : index
    %swap3A_49 = arith.constant 0 : index
    %swap3A_50 = vector.load %arg8[%swap3A_48, %swap3A_49] : memref<2000x128xf32, #tpu.memory_space<vmem>>, vector<2000x128xf32>
    tpu.vector_store %arg8[%swap3A_48, %swap3A_49], %add3A_47 {strides = array<i32>} : memref<2000x128xf32, #tpu.memory_space<vmem>>, vector<2000x128xf32>,
    %swap3A_51 = arith.constant 0 : index
    %swap3A_52 = arith.constant 0 : index
    %swap3A_53 = vector.load %arg9[%swap3A_51, %swap3A_52] : memref<2000x16xf32, #tpu.memory_space<vmem>>, vector<2000x16xf32>
    tpu.vector_store %arg9[%swap3A_51, %swap3A_52], %div3A_12 {strides = array<i32>} : memref<2000x16xf32, #tpu.memory_space<vmem>>, vector<2000x16xf32>,
    return
  }
  func.func @transform_0(%arg0: i32) -> (i32, i32, i32) {
    %c0_i32 = arith.constant 0 : i32
    %c0_i32_0 = arith.constant 0 : i32
    %c0_i32_1 = arith.constant 0 : i32
    return %c0_i32, %arg0, %c0_i32_0 : i32, i32, i32
  }
  func.func @transform_1(%arg0: i32) -> (i32, i32, i32) {
    %c0_i32 = arith.constant 0 : i32
    %c0_i32_0 = arith.constant 0 : i32
    %c0_i32_1 = arith.constant 0 : i32
    return %c0_i32, %arg0, %c0_i32_0 : i32, i32, i32
  }
  func.func @transform_2(%arg0: i32) -> (i32, i32) {
    %c0_i32 = arith.constant 0 : i32
    %c0_i32_0 = arith.constant 0 : i32
    return %arg0, %c0_i32 : i32, i32
  }
  func.func @transform_3(%arg0: i32) -> (i32, i32) {
    %c0_i32 = arith.constant 0 : i32
    %c0_i32_0 = arith.constant 0 : i32
    %c0_i32_1 = arith.constant 0 : i32
    return %c0_i32, %c0_i32_0 : i32, i32
  }
  func.func @transform_4(%arg0: i32) -> (i32, i32) {
    %c0_i32 = arith.constant 0 : i32
    %c0_i32_0 = arith.constant 0 : i32
    %c0_i32_1 = arith.constant 0 : i32
    return %c0_i32, %c0_i32_0 : i32, i32
  }
  func.func @transform_5(%arg0: i32) -> (i32, i32) {
    %c0_i32 = arith.constant 0 : i32
    %c0_i32_0 = arith.constant 0 : i32
    %c0_i32_1 = arith.constant 0 : i32
    return %c0_i32, %c0_i32_0 : i32, i32
  }
  func.func @transform_6(%arg0: i32) -> (i32, i32) {
    %c0_i32 = arith.constant 0 : i32
    %c0_i32_0 = arith.constant 0 : i32
    return %arg0, %c0_i32 : i32, i32
  }
  func.func @transform_7(%arg0: i32) -> (i32, i32) {
    %c0_i32 = arith.constant 0 : i32
    %c0_i32_0 = arith.constant 0 : i32
    return %arg0, %c0_i32 : i32, i32
  }
  func.func @transform_8(%arg0: i32) -> (i32, i32) {
    %c0_i32 = arith.constant 0 : i32
    %c0_i32_0 = arith.constant 0 : i32
    return %arg0, %c0_i32 : i32, i32
  }
}

module attributes {stable_mosaic.version = 14 : i64} {
  func.func @_tc3_body(%arg0: i32, %arg1: memref<2x2000x128xf32, #tpu.memory_space<vmem>>, %arg2: memref<2000x16xf32, #tpu.memory_space<vmem>>, %arg3: memref<2000x128xf32, #tpu.memory_space<vmem>>, %arg4: memref<2000x128xf32, #tpu.memory_space<vmem>>) attributes {dimension_semantics = [#tpu.dimension_semantics<arbitrary>], iteration_bounds = array<i64: 5>, scalar_prefetch = 0 : i64, scratch_operands = 0 : i64, tpu.core_type = #tpu.core_type<tc>, window_params = [{transform_indices = @transform_0, window_bounds = array<i64: 2, 2000, 128>}, {transform_indices = @transform_1, window_bounds = array<i64: 2000, 16>}, {transform_indices = @transform_2, window_bounds = array<i64: 2000, 128>}, {transform_indices = @transform_3, window_bounds = array<i64: 2000, 128>}]} {
    %get3A = arith.constant 0 : index
    %get3A_0 = arith.constant 0 : index
    %get3A_1 = arith.constant 0 : index
    %get3A_2 = vector.load %arg1[%get3A, %get3A_0, %get3A_1] : memref<2x2000x128xf32, #tpu.memory_space<vmem>>, vector<1x2000x128xf32>
    %get3A_3 = vector.shape_cast %get3A_2 : vector<1x2000x128xf32> to vector<2000x128xf32>
    %get3A_4 = arith.constant 1 : index
    %get3A_5 = arith.constant 0 : index
    %get3A_6 = arith.constant 0 : index
    %get3A_7 = vector.load %arg1[%get3A_4, %get3A_5, %get3A_6] : memref<2x2000x128xf32, #tpu.memory_space<vmem>>, vector<1x2000x128xf32>
    %get3A_8 = vector.shape_cast %get3A_7 : vector<1x2000x128xf32> to vector<2000x128xf32>
    %add3A = arith.addf %get3A_3, %get3A_8 : vector<2000x128xf32>
    %get3A_9 = arith.constant 0 : index
    %get3A_10 = arith.constant 0 : index
    %get3A_11 = vector.load %arg2[%get3A_9, %get3A_10] : memref<2000x16xf32, #tpu.memory_space<vmem>>, vector<2000x1xf32>
    %mul3A = vector.broadcast %get3A_11 : vector<2000x1xf32> to vector<2000x128xf32>
    %mul3A_12 = arith.mulf %add3A, %mul3A : vector<2000x128xf32>
    %get3A_13 = arith.constant 0 : index
    %get3A_14 = arith.constant 0 : index
    %get3A_15 = vector.load %arg3[%get3A_13, %get3A_14] : memref<2000x128xf32, #tpu.memory_space<vmem>>, vector<2000x128xf32>
    %add3A_16 = arith.addf %mul3A_12, %get3A_15 : vector<2000x128xf32>
    %swap3A = arith.constant 0 : index
    %swap3A_17 = arith.constant 0 : index
    %swap3A_18 = vector.load %arg4[%swap3A, %swap3A_17] : memref<2000x128xf32, #tpu.memory_space<vmem>>, vector<2000x128xf32>
    tpu.vector_store %arg4[%swap3A, %swap3A_17], %add3A_16 {strides = array<i32>} : memref<2000x128xf32, #tpu.memory_space<vmem>>, vector<2000x128xf32>,
    return
  }
  func.func @transform_0(%arg0: i32) -> (i32, i32, i32) {
    %c0_i32 = arith.constant 0 : i32
    %c0_i32_0 = arith.constant 0 : i32
    %c0_i32_1 = arith.constant 0 : i32
    return %c0_i32, %arg0, %c0_i32_0 : i32, i32, i32
  }
  func.func @transform_1(%arg0: i32) -> (i32, i32) {
    %c0_i32 = arith.constant 0 : i32
    %c0_i32_0 = arith.constant 0 : i32
    return %arg0, %c0_i32 : i32, i32
  }
  func.func @transform_2(%arg0: i32) -> (i32, i32) {
    %c0_i32 = arith.constant 0 : i32
    %c0_i32_0 = arith.constant 0 : i32
    return %arg0, %c0_i32 : i32, i32
  }
  func.func @transform_3(%arg0: i32) -> (i32, i32) {
    %c0_i32 = arith.constant 0 : i32
    %c0_i32_0 = arith.constant 0 : i32
    return %arg0, %c0_i32 : i32, i32
  }
}

</mosaic_0001>

<sc_bundles>
// kernel: kernel.11.cloned.1.call-start
scs
__scs_entry_jumppad:
0x0: {  	(pc) =	sbr.rel $0x88, $3  }
0x1: {  	(tag) =	ssettag $0x0;
	lr =	simm.s32 $0x1  }
0x2: {  	[smem:$0x3F99] =	sst lr;
	_ =	strace $0xD0000000  }
0x3: {  	_ = 	snop  }
0x4: {  	_ = 	snop  }
0x5: {  	_ = 	snop  }
0x6: {  	_ = 	snop  }
0x7: {  	_ = 	snop  }
__scs_overlays_trampoline_lowered:
0x8: {  	[smem:$0x3FA8] =	sst s0  }
0x9: {  	[smem:$0x3FA9] =	sst s1  }
0xa: {  	[smem:$0x3FAA] =	sst s2  }
0xb: {  	[smem:$0x3FAB] =	sst s3  }
0xc: {  	[smem:$0x3FAC] =	sst s4  }
0xd: {  	[smem:$0x3FAD] =	sst s5  }
0xe: {  	[smem:$0x3FAE] =	sst s6  }
0xf: {  	[smem:$0x3FAF] =	sst s7  }
0x10: {  	[smem:$0x3FB0] =	sst s8  }
0x11: {  	[smem:$0x3FB1] =	sst s9;
	s0 =	simm.s32 @!p0 $0x0  }
0x12: {  	s1 =	sld [smem:$0x3F97];
	s0 =	simm.s32 @p0 $0x1  }
0x13: {  	[smem:$0x3FB2] =	sst s0;
	s0 =	simm.s32 @!p1 $0x0  }
0x14: {  	s2 =	sld [smem:$0x3F96];
	s0 =	simm.s32 @p1 $0x1  }
0x15: {  	[smem:$0x3FB3] =	sst s0;
	s0 =	simm.s32 @!p2 $0x0  }
0x16: {  	s3 =	sld [smem:$0x3FDB];
	s0 =	simm.s32 @p2 $0x1  }
0x17: {  	s4 =	simm.s32 $0x1BF5;
	[smem:$0x3FB5] =	sst s0  }
0x18: {  	s0 =	sld [smem:$0x3F98];
	_ =	swait.ge [sflag:s4], $0x0  }
0x19: {  	s7 =	sld [smem:$0x3F99]  }
0x1a: {  	s8 =	sadd.s32 $0xFFFFE003, lr  }
0x1b: {  	s9 =	sadd.s32 $0xFFFFFEF7, lr;
	s5 =	simm.s32 $0xFFFFFFFF;
	p2 =	slt.u32 s8, $0xFFFFF086  }
0x1c: {  	p1 =	slt.u32 s9, $0xF7A;
	s5 =	simm.s32 @!p2 $0x0  }
0x1d: {  	s5 =	simm.s32 @p1 $0x1;
	p0 =	seq.s32 s7, s2  }
0x1e: {  	s7 =	smul.u32 @!p0 $0xF7A, s2;
	p2 =	seq.s32 @!p0 s5, $0x0  }
0x1f: {  	s9 =	smul.u32 $0xF7A, s1;
	s8 =	simm.s32 @!p0 $0x1BF5;
	p2 =	por !p2, p0  }
0x20: {  	[sflag:s8] =	ssyncset.s32 @!p0 $0xFFFFF086;
	s6 =	sadd.s32 @!p0 s3, s7;
	s7 =	simm.s32 @!p0 $0x108  }
0x21: {  	s3 =	sadd.s32 s3, s9;
	s6 =	sadd.s32 @!p0 $0x88, s6;
	s7 =	simm.s32 @p2 $0x1082  }
0x22: {  	[simem:s7], [sflag:s8] =	dma.local @!p0 [hbm:s6], $0xF7A  }
0x23: {  	s9 =	sor.u32 $0xD0000000, s2;
	s6 =	simm.s32 $0x108;
	_ =	swait.ge @!p0 [sflag:s8], $0x0  }
0x24: {  	s3 =	sadd.s32 $0x88, s3;
	s6 =	simm.s32 @!p1 $0x1082;
	[sflag:s4] =	ssyncset.s32 $0xFFFFF086  }
0x25: {  	[simem:s6], [sflag:s4] =	dma.local [hbm:s3], $0xF7A  }
0x26: {  	[smem:$0x3F99] =	sst s1;
	(tag) =	ssettag s2;
	_ =	strace s9  }
0x27: {  	s1 =	sld [smem:$0x3FA9]  }
0x28: {  	s2 =	sld [smem:$0x3FAA]  }
0x29: {  	s4 =	sld [smem:$0x3FAC]  }
0x2a: {  	p0 =	seq.s32 s5, $0x0;
	s5 =	sld [smem:$0x3FAD]  }
0x2b: {  	s6 =	sld [smem:$0x3FAE]  }
0x2c: {  	s7 =	sld [smem:$0x3FAF]  }
0x2d: {  	s3 =	simm.s32 $0x108;
	s8 =	sld [smem:$0x3FB0]  }
0x2e: {  	s3 =	simm.s32 @!p0 $0x1082;
	s9 =	sld [smem:$0x3FB1]  }
0x2f: {  	lr =	sadd.s32 s0, s3;
	s0 =	sld [smem:$0x3FA8]  }
0x30: {  	s3 =	sld [smem:$0x3FAB]  }
0x31: {  	[smem:$0x3FB4] =	sst s10  }
0x32: {  	s10 =	sld [smem:$0x3FB2];
	_ =	sdelay $0x3  }
0x33: {  	p0 =	seq.s32 s10, $0x1;
	s10 =	sld [smem:$0x3FB4];
	_ =	sdelay $0x3  }
0x34: {  	[smem:$0x3FB4] =	sst s10  }
0x35: {  	s10 =	sld [smem:$0x3FB3];
	_ =	sdelay $0x3  }
0x36: {  	p1 =	seq.s32 s10, $0x1;
	s10 =	sld [smem:$0x3FB4];
	_ =	sdelay $0x3  }
0x37: {  	[smem:$0x3FB4] =	sst s10  }
0x38: {  	s10 =	sld [smem:$0x3FB5]  }
0x39: {  	_ = 	snop;
	(pc) =	sbr.ind lr, $3  }
0x3a: {  	_ = 	snop  }
0x3b: {  	_ = 	snop  }
0x3c: {  	p2 =	seq.s32 s10, $0x1;
	s10 =	sld [smem:$0x3FB4]  }
0x3d: {  	_ =	shalt  }
0x3e: {  	_ =	shalt  }
0x3f: {  	_ =	shalt  }
0x40: {  	_ =	shalt  }
0x41: {  	_ =	shalt  }
0x42: {  	_ =	shalt  }
0x43: {  	_ =	shalt  }
0x44: {  	_ =	shalt  }
0x45: {  	_ =	shalt  }
0x46: {  	_ =	shalt  }
0x47: {  	_ =	shalt  }
0x48: {  	_ =	shalt  }
0x49: {  	_ =	shalt  }
0x4a: {  	_ =	shalt  }
0x4b: {  	_ =	shalt  }
0x4c: {  	_ =	shalt  }
0x4d: {  	_ =	shalt  }
0x4e: {  	_ =	shalt  }
0x4f: {  	_ =	shalt  }
0x50: {  	_ =	shalt  }
0x51: {  	_ =	shalt  }
0x52: {  	_ =	shalt  }
0x53: {  	_ =	shalt  }
0x54: {  	_ =	shalt  }
0x55: {  	_ =	shalt  }
0x56: {  	_ =	shalt  }
0x57: {  	_ =	shalt  }
0x58: {  	_ =	shalt  }
0x59: {  	_ =	shalt  }
0x5a: {  	_ =	shalt  }
0x5b: {  	_ =	shalt  }
0x5c: {  	_ =	shalt  }
0x5d: {  	_ =	shalt  }
0x5e: {  	_ =	shalt  }
0x5f: {  	_ =	shalt  }
0x60: {  	_ =	shalt  }
0x61: {  	_ =	shalt  }
0x62: {  	_ =	shalt  }
0x63: {  	_ =	shalt  }
0x64: {  	_ =	shalt  }
0x65: {  	_ =	shalt  }
0x66: {  	_ =	shalt  }
0x67: {  	_ =	shalt  }
0x68: {  	_ =	shalt  }
0x69: {  	_ =	shalt  }
0x6a: {  	_ =	shalt  }
0x6b: {  	_ =	shalt  }
0x6c: {  	_ =	shalt  }
0x6d: {  	_ =	shalt  }
0x6e: {  	_ =	shalt  }
0x6f: {  	_ =	shalt  }
0x70: {  	_ =	shalt  }
0x71: {  	_ =	shalt  }
0x72: {  	_ =	shalt  }
0x73: {  	_ =	shalt  }
0x74: {  	_ =	shalt  }
0x75: {  	_ =	shalt  }
0x76: {  	_ =	shalt  }
0x77: {  	_ =	shalt  }
0x78: {  	_ =	shalt  }
0x79: {  	_ =	shalt  }
0x7a: {  	_ =	shalt  }
0x7b: {  	_ =	shalt  }
0x7c: {  	_ =	shalt  }
0x7d: {  	_ =	shalt  }
0x7e: {  	_ =	shalt  }
0x7f: {  	_ =	shalt  }
0x80: {  	_ =	shalt  }
0x81: {  	_ =	shalt  }
0x82: {  	_ =	shalt  }
0x83: {  	_ =	shalt  }
0x84: {  	_ =	shalt  }
0x85: {  	_ =	shalt  }
0x86: {  	_ =	shalt  }
0x87: {  	_ =	shalt  }
.Lfunc_end0:
.L_simem_size_0:
called_computation.1_lowered:
.L_overlay_start_0:
0x88: {  	s2 =	sld [smem:$0x3FD9]  }
0x89: {  	s3 =	sld [smem:$0x3FFE];
	_ =	sdelay $0x1  }
0x8a: {  	s1 =	srdreg.scid  }
0x8b: {  	s0 =	sand.u32 $0x1, s1  }
0x8c: {  	s17 =	sshll.u32 s0, $0xA;
	s2 =	sadd.s32 s3, s2  }
0x8d: {  	s2 =	sadd.s32 s2, s17  }
0x8e: {  	[smem:$0x3FC0] =	sst s2  }
0x8f: {  	_ = 	snop  }
0x90: {  	s18 =	sld [smem:$0x3FD0];
	(tm) =	ssettm $0x1  }
0x91: {  	s19 =	sld [smem:$0x3FFB];
	_ =	sdelay $0x3  }
0x92: {  	_ =	strace s19  }
0x93: {  	s2 =	sld [smem:$0x3FFC];
	_ =	sdelay $0x3  }
0x94: {  	_ =	strace s2  }
0x95: {  	s2 =	sld [smem:$0x3FFD];
	_ =	sdelay $0x3  }
0x96: {  	_ =	strace s2  }
0x97: {  	_ =	strace $0x8FFFFFFF  }
0x98: {  	s20 =	sld [smem:$0x3FDB];
	_ =	sdelay $0x1  }
0x99: {  	s4 =	simm.s32 $_scs_section_size  }
0x9a: {  	s5 =	simm.s32 $_size__tile_overlayer_lowered;
	s6 =	simm.s32 $_tile_overlayer_lowered  }
0x9b: {  	s7 =	simm.s32 $0x1BFF;
	s21 =	sshll.u32 s6, $0x1;
	s4 =	sadd.s32 s4, s20  }
0x9c: {  	s22 =	simm.s32 $0x0;
	s5 =	sshll.u32 s5, $0x1;
	s6 =	sadd.s32 s21, s4  }
0x9d: {  	[timem:s22], [sflag:s7] =	dma.local [hbm:s6], s5  }
0x9e: {  	_ =	swait.ge [sflag:s7], s5  }
0x9f: {  	s5 =	ssub.s32 $0x0, s5;
	[sflag:s7] =	ssyncset.done $0x0  }
0xa0: {  	[sflag:s7] =	ssyncadd.s32 s5;
	_ =	sdelay $0x1  }
0xa1: {  	s23 =	simm.s32 $0x1B8B  }
0xa2: {  	_ =	swait.ge [sflag:s23], $0x1  }
0xa3: {  	[sflag:s23] =	ssyncset.done $0x0  }
0xa4: {  	[sflag:s23] =	ssyncadd.s32 $0xFFFFFFFF  }
0xa5: {  	s5 =	sld [smem:$0x0]  }
0xa6: {  	s6 =	sand.u32 $0xFFFFFFFE, s1  }
0xa7: {  	p0 =	sne.s32 s1, s6  }
0xa8: {  	s6 =	sshll.u32 @p0 s6, $0xE  }
0xa9: {  	s6 =	sadd.s32 @p0 $0x11B8D, s6;
	s7 =	sshll.u32 @p0 s5, $0x11  }
0xaa: {  	s6 =	sor.u32 @p0 s7, s6  }
0xab: {  	[sflag:s6] =	ssyncadd.remote.s32 @p0 $0x1;
	_ =	sdelay $0x1  }
0xac: {  	s6 =	simm.s32 @p0 $0x1B8D  }
0xad: {  	_ =	swait.eq @p0 [sflag:s6], $0x1  }
0xae: {  	[sflag:s6] =	ssyncadd.s32 @p0 $0xFFFFFFFF  }
0xaf: {  	s7 =	sshll.u32 @!p0 s1, $0xE  }
0xb0: {  	s7 =	sor.u32 @!p0 $0x4000, s7;
	s6 =	simm.s32 @!p0 $0x1B8D  }
0xb1: {  	s5 =	sshll.u32 @!p0 s5, $0x11;
	s7 =	sadd.s32 @!p0 $0x11B8D, s7;
	_ =	swait.eq @!p0 [sflag:s6], $0x1  }
0xb2: {  	s5 =	sor.u32 @!p0 s5, s7;
	[sflag:s6] =	ssyncadd.s32 @!p0 $0xFFFFFFFF  }
0xb3: {  	s25 =	simm.s32 $0x1B8E;
	s24 =	sld [smem:$0x3FFE];
	[sflag:s5] =	ssyncadd.remote.s32 @!p0 $0x1  }
0xb4: {  	s26 =	simm.s32 $execute0_lowered;
	[smem:$0x3FD2] =	sst s25  }
0xb5: {  	s6 =	sshll.u32 s26, $0x1;
	_ =	strace $0x80000049;
	[dreg:$0x1] =	wrdreg $0xFFFFFFFF  }
0xb6: {  	s28 =	simm.s32 $_size_execute0_lowered;
	s4 =	sadd.s32 s4, s6;
	[dreg:$0x0] =	wrdreg $0x0  }
0xb7: {  	s6 =	sshll.u32 s28, $0x1;
	[dreg:$0x2] =	wrdreg s4  }
0xb8: {  	[dreg:$0x3] =	wrdreg s6  }
0xb9: {  	[dreg:$0x4] =	wrdreg $0xC0  }
0xba: {  	_ =	task [dreg:s22], $0x5FFFF  }
0xbb: {  	[dreg:$0x1] =	wrdreg $0xFFFFFFFF  }
0xbc: {  	[dreg:$0x0] =	wrdreg $0x60  }
0xbd: {  	[dreg:$0x2] =	wrdreg s18  }
0xbe: {  	[dreg:$0x3] =	wrdreg s24  }
0xbf: {  	[dreg:$0x4] =	wrdreg $0x90000  }
0xc0: {  	[dreg:$0x5] =	wrdreg $0xA  }
0xc1: {  	_ =	task.clear_ibuf [dreg:s22], $0x6FFFF;
	_ =	strace $0x90000049  }
0xc2: {  	s29 =	simm.s32 $0xA;
	_ =	strace $0x8000004B  }
0xc3: {  	_ =	swait.ge [sflag:s29], $0x1  }
0xc4: {  	[sflag:s29] =	ssyncadd.s32 $0xFFFFFFFF  }
0xc5: {  	_ =	strace $0x9000004B  }
0xc6: {  	_ =	sfence  }
0xc7: {  	s30 =	sld [smem:$0x0];
	_ =	sdelay $0x2  }
0xc8: {  	s31 =	sshll.u32 s1, $0xD;
	s1 =	sshrl.u32 s1, $0x2  }
0xc9: {  	s4 =	sand.u32 $0x4000, s31;
	s1 =	sadd.s32 s1, s30  }
0xca: {  	s0 =	sor.u32 s4, s0;
	s1 =	sshll.u32 s1, $0x11  }
0xcb: {  	s0 =	sor.u32 s1, s0  }
0xcc: {  	s0 =	sadd.s32 $0x8F2B, s0  }
0xcd: {  	[sflag:s0] =	ssyncadd.remote.s32 $0x1  }
0xce: {  	_ =	sfence.sel $0xFFFF  }
0xcf: {  	[dreg:$0x0] =	wrdreg $0xFFFFFFFF;
	(pc) =	sbr.abs _section_cstart, $3  }
0xd0: {  	[dreg:$0x1] =	wrdreg $0xFFFFFFFF  }
0xd1: {  	_ =	task.clear_ibuf [dreg:s22], $0x2FFFF;
	_ =	strace $0x9FFFFFFF  }
0xd2: {  	(tm) =	ssettm $0x7FFFFFFF  }
0xd3: {  	_ =	shalt  }
tec
execute0_lowered:
.L_overlay_start_1:
0x0: {  	(tag) =	ssettag $0x1  }
0x1: {  	s1 =	rddreg [dreg:$0x0]  }
0x2: {  	s0 =	rddreg [dreg:$0x1]  }
0x3: {  	s2 =	rddreg [dreg:$0x2]  }
0x4: {  	s4 =	simm.s32 $0x0;
	s3 =	srdreg.scid;
	s13 =	stileid.u32  }
0x5: {  	s26 =	simm.s32 $0x880;
	s28 =	simm.s32 $0xD80;
	s29 =	simm.s32 $0x600  }
0x6: {  	s30 =	simm.s32 $0xE00;
	s31 =	simm.s32 $0x680;
	s6 =	smul.u32 $0x13C00, s13  }
0x7: {  	[smem:$0x7FF] =	sst s4;
	s3 =	sand.u32 $0x1, s3;
	s14 =	smul.u32 $0x4F000, s13  }
0x8: {  	s7 =	sadd.s32 $0x18800, s0;
	s8 =	sadd.s32 $0x2200, s0;
	s12 =	smul.u32 $0x3000, s13  }
0x9: {  	s9 =	sadd.s32 $0x24800, s0;
	s19 =	sshll.u32 s13, $0x6;
	s5 =	smul.u32 $0x13C000, s3  }
0xa: {  	_ =	strace $0x8000004A;
	[dreg:$0x18] =	wrdreg s9;
	s15 =	ssub.s32 $0x2, s3  }
0xb: {  	s10 =	smul.u32 $0x30000, s3;
	s3 =	sshll.u32 s3, $0x4;
	[dreg:$0x8] =	wrdreg s26  }
0xc: {  	s26 =	simm.s32 $0x500;
	s11 =	sshrl.u32 s15, $0x1;
	s3 =	sor.u32 s13, s3  }
0xd: {  	s17 =	sshrl.u32 s14, $0x2;
	s13 =	sor.u32 $0x1C06, s19;
	s19 =	simm.s32 $0xA80  }
0xe: {  	[dreg:$0x17] =	wrdreg s26;
	s26 =	simm.s32 $0x580;
	s5 =	sadd.s32 s6, s5  }
0xf: {  	s16 =	ssub.s32 s15, s11;
	s18 =	sadd.s32 s12, s10;
	[dreg:$0x10] =	wrdreg s19  }
0x10: {  	s3 =	smul.u32 $0x3000, s3;
	s15 =	simm.s32 $0x980;
	[dreg:$0x19] =	wrdreg s13  }
0x11: {  	s21 =	sadd.s32 s17, s2;
	s17 =	simm.s32 $0xA00;
	[dreg:$0xc] =	wrdreg s15  }
0x12: {  	s19 =	simm.s32 $0x1000;
	s14 =	smax.u32 s16, $0x1;
	[dreg:$0xe] =	wrdreg s17  }
0x13: {  	s20 =	sor.u32 $0xC00, s18;
	s16 =	simm.s32 $0x200;
	[dreg:$0x1f] =	wrdreg s14  }
0x14: {  	s9 =	sor.u32 $0x800, s18;
	s18 =	simm.s32 $0x280;
	[dreg:$0xd] =	wrdreg s16  }
0x15: {  	s22 =	sshrl.u32 s20, $0x3;
	[dreg:$0xf] =	wrdreg s18;
	s20 =	simm.s32 $0x300  }
0x16: {  	s3 =	sshrl.u32 s3, $0x3;
	s11 =	sadd.s32 s22, s8;
	[dreg:$0x11] =	wrdreg s20  }
0x17: {  	s5 =	sshrl.u32 s5, $0x3;
	s23 =	sadd.s32 s7, s3;
	[dreg:$0x4] =	wrdreg s11  }
0x18: {  	s15 =	simm.s32 $0x800;
	s10 =	sadd.s32 s22, s7;
	[dreg:$0x1a] =	wrdreg s23  }
0x19: {  	s9 =	sshrl.u32 s9, $0x3;
	s25 =	sadd.s32 s8, s3;
	[dreg:$0x5] =	wrdreg s10  }
0x1a: {  	s17 =	simm.s32 $0xC00;
	s24 =	sadd.s32 s9, s8;
	[dreg:$0x1b] =	wrdreg s25  }
0x1b: {  	s0 =	sadd.s32 s5, s0;
	s9 =	sadd.s32 s9, s7;
	[dreg:$0x6] =	wrdreg s24  }
0x1c: {  	s14 =	simm.s32 $0x6;
	s0 =	sadd.s32 $0x27000, s0;
	[dreg:$0x7] =	wrdreg s9  }
0x1d: {  	s3 =	sor.u32 $0x80, s3;
	s22 =	simm.s32 $0x380;
	[dreg:$0x1e] =	wrdreg s0  }
0x1e: {  	s16 =	simm.s32 $0x400;
	s7 =	sadd.s32 s7, s3;
	[dreg:$0x13] =	wrdreg s22  }
0x1f: {  	s18 =	simm.s32 $0x80;
	s3 =	sadd.s32 s8, s3;
	[dreg:$0x1c] =	wrdreg s7  }
0x20: {  	s5 =	simm.s32 $0xF00;
	s9 =	simm.s32 $0x100;
	[dreg:$0x1d] =	wrdreg s3  }
0x21: {  	s20 =	simm.s32 $0x1;
	s10 =	simm.s32 $0x900;
	[dreg:$0x9] =	wrdreg s9  }
0x22: {  	s11 =	simm.s32 $0x180;
	s23 =	simm.s32 $0xB80;
	[dreg:$0xa] =	wrdreg s10  }
0x23: {  	s24 =	simm.s32 $0x480;
	s22 =	simm.s32 $0x5;
	[dreg:$0xb] =	wrdreg s11  }
0x24: {  	s25 =	simm.s32 $0xC80;
	s0 =	simm.s32 $0xE80;
	[dreg:$0x14] =	wrdreg s23  }
0x25: {  	s8 =	simm.s32 $0xF80;
	s11 =	sshrl.u32 s21, $0x3;
	[dreg:$0x15] =	wrdreg s24  }
0x26: {  	s21 =	simm.s32 $0xB00;
	s23 =	simm.s32 $0x2;
	[dreg:$0x16] =	wrdreg s25  }
0x27: {  	s24 =	simm.s32 $0x4;
	s25 =	simm.s32 $0xD00;
	s3 =	simm.s32 $0x700  }
0x28: {  	s7 =	simm.s32 $0x780;
	s9 =	simm.s32 $0x3;
	[dreg:$0x12] =	wrdreg s21  }
0x29: {  	s10 =	simm.s32 $0x0;
	s21 =	simm.s32 $0x5000;
	[smem:$0x7FD] =	sst s11  }
.LBB2_1:
0x2a: {  	s6 =	rddreg [dreg:$0x18]  }
0x2b: {  	[spmem:s11], [sflag:s13] =	dma.local [hbm:s6], $0x2780  }
0x2c: {  	_ =	swait.ge [sflag:s14], $0x2780  }
0x2d: {  	[sflag:s14] =	ssyncset.done $0x0  }
0x2e: {  	s13 =	rddreg [dreg:$0x1a];
	[sflag:s14] =	ssyncadd.s32 $0xFFFFD880  }
0x2f: {  	[tilespmem:s4], [sflag:$0x6] =	stream.linear.gather [hbm4b:s13+s4], $0x400, $0x38;
	[tilespmem:$0x1CC00] =	vst v63  }
0x30: {  	_ =	swait.ge [sflag:s14], $0x400  }
0x31: {  	[sflag:s14] =	ssyncset.done $0x0  }
0x32: {  	s11 =	rddreg [dreg:$0x1b];
	[sflag:s14] =	ssyncadd.s32 $0xFFFFFC00  }
0x33: {  	[tilespmem:s15], [sflag:$0x6] =	stream.linear.gather [hbm4b:s11+s4], $0x400, $0x38;
	[tilespmem:$0x1CC00] =	vst v63  }
0x34: {  	_ =	swait.ge [sflag:s14], $0x400  }
0x35: {  	[sflag:s14] =	ssyncset.done $0x0  }
0x36: {  	[sflag:s14] =	ssyncadd.s32 $0xFFFFFC00  }
0x37: {  	[bflag:$0x0] =	sbarrier.arrive $0xFFFF  }
0x38: {  	s12 =	rddreg [dreg:$0x1c]  }
0x39: {  	[tilespmem:s16], [sflag:$0x4] =	stream.linear.gather [hbm4b:s12+s4], $0x400, $0x38;
	[tilespmem:$0x1CC00] =	vst v63  }
0x3a: {  	s13 =	rddreg [dreg:$0x1d]  }
0x3b: {  	[tilespmem:s17], [sflag:$0x4] =	stream.linear.gather [hbm4b:s13+s4], $0x400, $0x38;
	[tilespmem:$0x1CC00] =	vst v63  }
0x3c: {  	_ = 	snop  }
0x3d: {  	[tilespmem:s19], [sflag:$0x1] =	stream.indirect.gather [hbm4b:s1+s18], $0x80, s4, s18, $0xb8;
	[tilespmem:$0x1CC00] =	vst v63  }
0x3e: {  	_ =	swait.ge [sflag:s20], $0x4000  }
0x3f: {  	[sflag:s20] =	ssyncset.done $0x0  }
0x40: {  	[sflag:s20] =	ssyncadd.s32 $0xFFFFC000  }
0x41: {  	[spmem:s2] =	stream.indirect.scatter.add.f32 [tilespmem:s19], [sflag:$0x5], $0x80, s15, s18, $0xb8;
	[tilespmem:$0x1CC00] =	vst v63  }
0x42: {  	_ = 	snop  }
0x43: {  	[tilespmem:s21], [sflag:$0x2] =	stream.indirect.gather [hbm4b:s1+s18], $0x80, s18, s18, $0xb8;
	[tilespmem:$0x1CC00] =	vst v63  }
0x44: {  	_ =	swait.ge [sflag:s22], $0x4000  }
0x45: {  	[sflag:s22] =	ssyncset.done $0x0  }
0x46: {  	[sflag:s22] =	ssyncadd.s32 $0xFFFFC000  }
0x47: {  	_ =	swait.ge [sflag:s23], $0x4000  }
0x48: {  	[sflag:s23] =	ssyncset.done $0x0  }
0x49: {  	s6 =	rddreg [dreg:$0x8];
	[sflag:s23] =	ssyncadd.s32 $0xFFFFC000  }
0x4a: {  	[spmem:s2] =	stream.indirect.scatter.add.f32 [tilespmem:s21], [sflag:$0x5], $0x80, s6, s18, $0xb8;
	[tilespmem:$0x1CC00] =	vst v63  }
0x4b: {  	s12 =	rddreg [dreg:$0x9]  }
0x4c: {  	[tilespmem:s19], [sflag:$0x1] =	stream.indirect.gather [hbm4b:s1+s18], $0x80, s12, s18, $0xb8;
	[tilespmem:$0x1CC00] =	vst v63  }
0x4d: {  	_ =	swait.ge [sflag:s22], $0x4000  }
0x4e: {  	[sflag:s22] =	ssyncset.done $0x0  }
0x4f: {  	[sflag:s22] =	ssyncadd.s32 $0xFFFFC000  }
0x50: {  	_ =	swait.ge [sflag:s20], $0x4000  }
0x51: {  	[sflag:s20] =	ssyncset.done $0x0  }
0x52: {  	s13 =	rddreg [dreg:$0xa];
	[sflag:s20] =	ssyncadd.s32 $0xFFFFC000  }
0x53: {  	[spmem:s2] =	stream.indirect.scatter.add.f32 [tilespmem:s19], [sflag:$0x5], $0x80, s13, s18, $0xb8;
	[tilespmem:$0x1CC00] =	vst v63  }
0x54: {  	s6 =	rddreg [dreg:$0xb]  }
0x55: {  	[tilespmem:s21], [sflag:$0x2] =	stream.indirect.gather [hbm4b:s1+s18], $0x80, s6, s18, $0xb8;
	[tilespmem:$0x1CC00] =	vst v63  }
0x56: {  	_ =	swait.ge [sflag:s22], $0x4000  }
0x57: {  	[sflag:s22] =	ssyncset.done $0x0  }
0x58: {  	[sflag:s22] =	ssyncadd.s32 $0xFFFFC000  }
0x59: {  	_ =	swait.ge [sflag:s23], $0x4000  }
0x5a: {  	[sflag:s23] =	ssyncset.done $0x0  }
0x5b: {  	s13 =	rddreg [dreg:$0xc];
	[sflag:s23] =	ssyncadd.s32 $0xFFFFC000  }
0x5c: {  	[spmem:s2] =	stream.indirect.scatter.add.f32 [tilespmem:s21], [sflag:$0x5], $0x80, s13, s18, $0xb8;
	[tilespmem:$0x1CC00] =	vst v63  }
0x5d: {  	s6 =	rddreg [dreg:$0xd]  }
0x5e: {  	[tilespmem:s19], [sflag:$0x1] =	stream.indirect.gather [hbm4b:s1+s18], $0x80, s6, s18, $0xb8;
	[tilespmem:$0x1CC00] =	vst v63  }
0x5f: {  	_ =	swait.ge [sflag:s22], $0x4000  }
0x60: {  	[sflag:s22] =	ssyncset.done $0x0  }
0x61: {  	[sflag:s22] =	ssyncadd.s32 $0xFFFFC000  }
0x62: {  	_ =	swait.ge [sflag:s20], $0x4000  }
0x63: {  	[sflag:s20] =	ssyncset.done $0x0  }
0x64: {  	s13 =	rddreg [dreg:$0xe];
	[sflag:s20] =	ssyncadd.s32 $0xFFFFC000  }
0x65: {  	[spmem:s2] =	stream.indirect.scatter.add.f32 [tilespmem:s19], [sflag:$0x5], $0x80, s13, s18, $0xb8;
	[tilespmem:$0x1CC00] =	vst v63  }
0x66: {  	s6 =	rddreg [dreg:$0xf]  }
0x67: {  	[tilespmem:s21], [sflag:$0x2] =	stream.indirect.gather [hbm4b:s1+s18], $0x80, s6, s18, $0xb8;
	[tilespmem:$0x1CC00] =	vst v63  }
0x68: {  	_ =	swait.ge [sflag:s22], $0x4000  }
0x69: {  	[sflag:s22] =	ssyncset.done $0x0  }
0x6a: {  	[sflag:s22] =	ssyncadd.s32 $0xFFFFC000  }
0x6b: {  	_ =	swait.ge [sflag:s23], $0x4000  }
0x6c: {  	[sflag:s23] =	ssyncset.done $0x0  }
0x6d: {  	s13 =	rddreg [dreg:$0x10];
	[sflag:s23] =	ssyncadd.s32 $0xFFFFC000  }
0x6e: {  	[spmem:s2] =	stream.indirect.scatter.add.f32 [tilespmem:s21], [sflag:$0x5], $0x80, s13, s18, $0xb8;
	[tilespmem:$0x1CC00] =	vst v63  }
0x6f: {  	s6 =	rddreg [dreg:$0x11]  }
0x70: {  	[tilespmem:s19], [sflag:$0x1] =	stream.indirect.gather [hbm4b:s1+s18], $0x80, s6, s18, $0xb8;
	[tilespmem:$0x1CC00] =	vst v63  }
0x71: {  	_ =	swait.ge [sflag:s22], $0x4000  }
0x72: {  	[sflag:s22] =	ssyncset.done $0x0  }
0x73: {  	[sflag:s22] =	ssyncadd.s32 $0xFFFFC000  }
0x74: {  	_ =	swait.ge [sflag:s20], $0x4000  }
0x75: {  	[sflag:s20] =	ssyncset.done $0x0  }
0x76: {  	s12 =	rddreg [dreg:$0x12];
	[sflag:s20] =	ssyncadd.s32 $0xFFFFC000  }
0x77: {  	[spmem:s2] =	stream.indirect.scatter.add.f32 [tilespmem:s19], [sflag:$0x5], $0x80, s12, s18, $0xb8;
	[tilespmem:$0x1CC00] =	vst v63  }
0x78: {  	s13 =	rddreg [dreg:$0x13]  }
0x79: {  	[tilespmem:s21], [sflag:$0x2] =	stream.indirect.gather [hbm4b:s1+s18], $0x80, s13, s18, $0xb8;
	[tilespmem:$0x1CC00] =	vst v63  }
0x7a: {  	_ =	swait.ge [sflag:s22], $0x4000  }
0x7b: {  	[sflag:s22] =	ssyncset.done $0x0  }
0x7c: {  	[sflag:s22] =	ssyncadd.s32 $0xFFFFC000  }
0x7d: {  	_ =	swait.ge [sflag:s23], $0x4000  }
0x7e: {  	[sflag:s23] =	ssyncset.done $0x0  }
0x7f: {  	s6 =	rddreg [dreg:$0x14];
	[sflag:s23] =	ssyncadd.s32 $0xFFFFC000  }
0x80: {  	[spmem:s2] =	stream.indirect.scatter.add.f32 [tilespmem:s21], [sflag:$0x5], $0x80, s6, s18, $0xb8;
	[tilespmem:$0x1CC00] =	vst v63  }
0x81: {  	_ =	swait.ge [sflag:s24], $0x400  }
0x82: {  	[sflag:s24] =	ssyncset.done $0x0  }
0x83: {  	[sflag:s24] =	ssyncadd.s32 $0xFFFFFC00  }
0x84: {  	_ =	swait.ge [sflag:s24], $0x400  }
0x85: {  	[sflag:s24] =	ssyncset.done $0x0  }
0x86: {  	[sflag:s24] =	ssyncadd.s32 $0xFFFFFC00  }
0x87: {  	[tilespmem:s19], [sflag:$0x1] =	stream.indirect.gather [hbm4b:s1+s18], $0x80, s16, s18, $0xb8;
	[tilespmem:$0x1CC00] =	vst v63  }
0x88: {  	_ =	swait.ge [sflag:s22], $0x4000  }
0x89: {  	s12 =	rddreg [dreg:$0x7];
	[sflag:s22] =	ssyncset.done $0x0  }
0x8a: {  	s13 =	rddreg [dreg:$0x6];
	[sflag:s22] =	ssyncadd.s32 $0xFFFFC000;
	s11 =	sadd.s32 $0x0, s12  }
0x8b: {  	[tilespmem:s4], [sflag:$0x3] =	stream.linear.gather [hbm4b:s11+s4], $0x400, $0x38;
	[tilespmem:$0x1CC00] =	vst v63  }
0x8c: {  	s6 =	sadd.s32 $0x0, s13  }
0x8d: {  	[tilespmem:s15], [sflag:$0x3] =	stream.linear.gather [hbm4b:s6+s4], $0x400, $0x38;
	[tilespmem:$0x1CC00] =	vst v63  }
0x8e: {  	_ =	swait.ge [sflag:s20], $0x4000  }
0x8f: {  	[sflag:s20] =	ssyncset.done $0x0  }
0x90: {  	[sflag:s20] =	ssyncadd.s32 $0xFFFFC000  }
0x91: {  	[spmem:s2] =	stream.indirect.scatter.add.f32 [tilespmem:s19], [sflag:$0x5], $0x80, s17, s18, $0xb8;
	[tilespmem:$0x1CC00] =	vst v63  }
0x92: {  	s12 =	rddreg [dreg:$0x15]  }
0x93: {  	[tilespmem:s21], [sflag:$0x2] =	stream.indirect.gather [hbm4b:s1+s18], $0x80, s12, s18, $0xb8;
	[tilespmem:$0x1CC00] =	vst v63  }
0x94: {  	_ =	swait.ge [sflag:s22], $0x4000  }
0x95: {  	[sflag:s22] =	ssyncset.done $0x0  }
0x96: {  	[sflag:s22] =	ssyncadd.s32 $0xFFFFC000  }
0x97: {  	_ =	swait.ge [sflag:s23], $0x4000  }
0x98: {  	[sflag:s23] =	ssyncset.done $0x0  }
0x99: {  	s13 =	rddreg [dreg:$0x16];
	[sflag:s23] =	ssyncadd.s32 $0xFFFFC000  }
0x9a: {  	[spmem:s2] =	stream.indirect.scatter.add.f32 [tilespmem:s21], [sflag:$0x5], $0x80, s13, s18, $0xb8;
	[tilespmem:$0x1CC00] =	vst v63  }
0x9b: {  	s6 =	rddreg [dreg:$0x17]  }
0x9c: {  	[tilespmem:s19], [sflag:$0x1] =	stream.indirect.gather [hbm4b:s1+s18], $0x80, s6, s18, $0xb8;
	[tilespmem:$0x1CC00] =	vst v63  }
0x9d: {  	_ =	swait.ge [sflag:s22], $0x4000  }
0x9e: {  	[sflag:s22] =	ssyncset.done $0x0  }
0x9f: {  	[sflag:s22] =	ssyncadd.s32 $0xFFFFC000  }
0xa0: {  	_ =	swait.ge [sflag:s20], $0x4000  }
0xa1: {  	[sflag:s20] =	ssyncset.done $0x0  }
0xa2: {  	[sflag:s20] =	ssyncadd.s32 $0xFFFFC000  }
0xa3: {  	[spmem:s2] =	stream.indirect.scatter.add.f32 [tilespmem:s19], [sflag:$0x5], $0x80, s25, s18, $0xb8;
	[tilespmem:$0x1CC00] =	vst v63  }
0xa4: {  	_ = 	snop  }
0xa5: {  	[tilespmem:s21], [sflag:$0x2] =	stream.indirect.gather [hbm4b:s1+s18], $0x80, s26, s18, $0xb8;
	[tilespmem:$0x1CC00] =	vst v63  }
0xa6: {  	_ =	swait.ge [sflag:s22], $0x4000  }
0xa7: {  	[sflag:s22] =	ssyncset.done $0x0  }
0xa8: {  	[sflag:s22] =	ssyncadd.s32 $0xFFFFC000  }
0xa9: {  	_ =	swait.ge [sflag:s23], $0x4000  }
0xaa: {  	[sflag:s23] =	ssyncset.done $0x0  }
0xab: {  	[sflag:s23] =	ssyncadd.s32 $0xFFFFC000  }
0xac: {  	[spmem:s2] =	stream.indirect.scatter.add.f32 [tilespmem:s21], [sflag:$0x5], $0x80, s28, s18, $0xb8;
	[tilespmem:$0x1CC00] =	vst v63  }
0xad: {  	_ = 	snop  }
0xae: {  	[tilespmem:s19], [sflag:$0x1] =	stream.indirect.gather [hbm4b:s1+s18], $0x80, s29, s18, $0xb8;
	[tilespmem:$0x1CC00] =	vst v63  }
0xaf: {  	_ =	swait.ge [sflag:s22], $0x4000  }
0xb0: {  	[sflag:s22] =	ssyncset.done $0x0  }
0xb1: {  	[sflag:s22] =	ssyncadd.s32 $0xFFFFC000  }
0xb2: {  	_ =	swait.ge [sflag:s20], $0x4000  }
0xb3: {  	[sflag:s20] =	ssyncset.done $0x0  }
0xb4: {  	[sflag:s20] =	ssyncadd.s32 $0xFFFFC000  }
0xb5: {  	[spmem:s2] =	stream.indirect.scatter.add.f32 [tilespmem:s19], [sflag:$0x5], $0x80, s30, s18, $0xb8;
	[tilespmem:$0x1CC00] =	vst v63  }
0xb6: {  	_ = 	snop  }
0xb7: {  	[tilespmem:s21], [sflag:$0x2] =	stream.indirect.gather [hbm4b:s1+s18], $0x80, s31, s18, $0xb8;
	[tilespmem:$0x1CC00] =	vst v63  }
0xb8: {  	_ =	swait.ge [sflag:s22], $0x4000  }
0xb9: {  	[sflag:s22] =	ssyncset.done $0x0  }
0xba: {  	[sflag:s22] =	ssyncadd.s32 $0xFFFFC000  }
0xbb: {  	_ =	swait.ge [sflag:s23], $0x4000  }
0xbc: {  	[sflag:s23] =	ssyncset.done $0x0  }
0xbd: {  	[sflag:s23] =	ssyncadd.s32 $0xFFFFC000  }
0xbe: {  	[spmem:s2] =	stream.indirect.scatter.add.f32 [tilespmem:s21], [sflag:$0x5], $0x80, s0, s18, $0xb8;
	[tilespmem:$0x1CC00] =	vst v63  }
0xbf: {  	_ = 	snop  }
0xc0: {  	[tilespmem:s19], [sflag:$0x1] =	stream.indirect.gather [hbm4b:s1+s18], $0x80, s3, s18, $0xb8;
	[tilespmem:$0x1CC00] =	vst v63  }
0xc1: {  	_ =	swait.ge [sflag:s22], $0x4000  }
0xc2: {  	[sflag:s22] =	ssyncset.done $0x0  }
0xc3: {  	[sflag:s22] =	ssyncadd.s32 $0xFFFFC000  }
0xc4: {  	_ =	swait.ge [sflag:s20], $0x4000  }
0xc5: {  	[sflag:s20] =	ssyncset.done $0x0  }
0xc6: {  	[sflag:s20] =	ssyncadd.s32 $0xFFFFC000  }
0xc7: {  	[spmem:s2] =	stream.indirect.scatter.add.f32 [tilespmem:s19], [sflag:$0x5], $0x80, s5, s18, $0xb8;
	[tilespmem:$0x1CC00] =	vst v63  }
0xc8: {  	_ = 	snop  }
0xc9: {  	[tilespmem:s21], [sflag:$0x2] =	stream.indirect.gather [hbm4b:s1+s18], $0x80, s7, s18, $0xb8;
	[tilespmem:$0x1CC00] =	vst v63  }
0xca: {  	_ =	swait.ge [sflag:s22], $0x4000  }
0xcb: {  	[sflag:s22] =	ssyncset.done $0x0  }
0xcc: {  	[sflag:s22] =	ssyncadd.s32 $0xFFFFC000  }
0xcd: {  	_ =	swait.ge [sflag:s23], $0x4000  }
0xce: {  	[sflag:s23] =	ssyncset.done $0x0  }
0xcf: {  	[sflag:s23] =	ssyncadd.s32 $0xFFFFC000  }
0xd0: {  	[spmem:s2] =	stream.indirect.scatter.add.f32 [tilespmem:s21], [sflag:$0x5], $0x80, s8, s18, $0xb8;
	[tilespmem:$0x1CC00] =	vst v63  }
0xd1: {  	_ =	swait.ge [sflag:s9], $0x400  }
0xd2: {  	[sflag:s9] =	ssyncset.done $0x0  }
0xd3: {  	[sflag:s9] =	ssyncadd.s32 $0xFFFFFC00  }
0xd4: {  	_ =	swait.ge [sflag:s9], $0x400  }
0xd5: {  	[sflag:s9] =	ssyncset.done $0x0  }
0xd6: {  	[sflag:s9] =	ssyncadd.s32 $0xFFFFFC00  }
0xd7: {  	[tilespmem:s19], [sflag:$0x1] =	stream.indirect.gather [hbm4b:s1+s18], $0x80, s4, s18, $0xb8;
	[tilespmem:$0x1CC00] =	vst v63  }
0xd8: {  	_ =	swait.ge [sflag:s22], $0x4000  }
0xd9: {  	s12 =	rddreg [dreg:$0x5];
	[sflag:s22] =	ssyncset.done $0x0  }
0xda: {  	s13 =	rddreg [dreg:$0x4];
	[sflag:s22] =	ssyncadd.s32 $0xFFFFC000;
	s11 =	sadd.s32 $0x0, s12  }
0xdb: {  	[tilespmem:s16], [sflag:$0x4] =	stream.linear.gather [hbm4b:s11+s4], $0x400, $0x38;
	[tilespmem:$0x1CC00] =	vst v63  }
0xdc: {  	s12 =	sadd.s32 $0x0, s13;
	s11 =	simm.s32 $0x100  }
.LBB2_2:
0xdd: {  	[tilespmem:s17], [sflag:$0x4] =	stream.linear.gather [hbm4b:s12+s4], $0x400, $0x38;
	[tilespmem:$0x1CC00] =	vst v63  }
0xde: {  	_ =	swait.ge [sflag:s20], $0x4000  }
0xdf: {  	[sflag:s20] =	ssyncset.done $0x0  }
0xe0: {  	[sflag:s20] =	ssyncadd.s32 $0xFFFFC000  }
0xe1: {  	[spmem:s2] =	stream.indirect.scatter.add.f32 [tilespmem:s19], [sflag:$0x5], $0x80, s15, s18, $0xb8;
	[tilespmem:$0x1CC00] =	vst v63  }
0xe2: {  	_ = 	snop  }
0xe3: {  	[tilespmem:s21], [sflag:$0x2] =	stream.indirect.gather [hbm4b:s1+s18], $0x80, s18, s18, $0xb8;
	[tilespmem:$0x1CC00] =	vst v63  }
0xe4: {  	_ =	swait.ge [sflag:s22], $0x4000  }
0xe5: {  	[sflag:s22] =	ssyncset.done $0x0  }
0xe6: {  	[sflag:s22] =	ssyncadd.s32 $0xFFFFC000  }
0xe7: {  	_ =	swait.ge [sflag:s23], $0x4000  }
0xe8: {  	[sflag:s23] =	ssyncset.done $0x0  }
0xe9: {  	s6 =	rddreg [dreg:$0x8];
	[sflag:s23] =	ssyncadd.s32 $0xFFFFC000  }
0xea: {  	[spmem:s2] =	stream.indirect.scatter.add.f32 [tilespmem:s21], [sflag:$0x5], $0x80, s6, s18, $0xb8;
	[tilespmem:$0x1CC00] =	vst v63  }
0xeb: {  	s13 =	rddreg [dreg:$0x9]  }
0xec: {  	[tilespmem:s19], [sflag:$0x1] =	stream.indirect.gather [hbm4b:s1+s18], $0x80, s13, s18, $0xb8;
	[tilespmem:$0x1CC00] =	vst v63  }
0xed: {  	_ =	swait.ge [sflag:s22], $0x4000  }
0xee: {  	[sflag:s22] =	ssyncset.done $0x0  }
0xef: {  	[sflag:s22] =	ssyncadd.s32 $0xFFFFC000  }
0xf0: {  	_ =	swait.ge [sflag:s20], $0x4000  }
0xf1: {  	[sflag:s20] =	ssyncset.done $0x0  }
0xf2: {  	s6 =	rddreg [dreg:$0xa];
	[sflag:s20] =	ssyncadd.s32 $0xFFFFC000  }
0xf3: {  	[spmem:s2] =	stream.indirect.scatter.add.f32 [tilespmem:s19], [sflag:$0x5], $0x80, s6, s18, $0xb8;
	[tilespmem:$0x1CC00] =	vst v63  }
0xf4: {  	s13 =	rddreg [dreg:$0xb]  }
0xf5: {  	[tilespmem:s21], [sflag:$0x2] =	stream.indirect.gather [hbm4b:s1+s18], $0x80, s13, s18, $0xb8;
	[tilespmem:$0x1CC00] =	vst v63  }
0xf6: {  	_ =	swait.ge [sflag:s22], $0x4000  }
0xf7: {  	[sflag:s22] =	ssyncset.done $0x0  }
0xf8: {  	[sflag:s22] =	ssyncadd.s32 $0xFFFFC000  }
0xf9: {  	_ =	swait.ge [sflag:s23], $0x4000  }
0xfa: {  	[sflag:s23] =	ssyncset.done $0x0  }
0xfb: {  	s6 =	rddreg [dreg:$0xc];
	[sflag:s23] =	ssyncadd.s32 $0xFFFFC000  }
0xfc: {  	[spmem:s2] =	stream.indirect.scatter.add.f32 [tilespmem:s21], [sflag:$0x5], $0x80, s6, s18, $0xb8;
	[tilespmem:$0x1CC00] =	vst v63  }
0xfd: {  	s13 =	rddreg [dreg:$0xd]  }
0xfe: {  	[tilespmem:s19], [sflag:$0x1] =	stream.indirect.gather [hbm4b:s1+s18], $0x80, s13, s18, $0xb8;
	[tilespmem:$0x1CC00] =	vst v63  }
0xff: {  	_ =	swait.ge [sflag:s22], $0x4000  }
0x100: {  	[sflag:s22] =	ssyncset.done $0x0  }
0x101: {  	[sflag:s22] =	ssyncadd.s32 $0xFFFFC000  }
0x102: {  	_ =	swait.ge [sflag:s20], $0x4000  }
0x103: {  	[sflag:s20] =	ssyncset.done $0x0  }
0x104: {  	s6 =	rddreg [dreg:$0xe];
	[sflag:s20] =	ssyncadd.s32 $0xFFFFC000  }
0x105: {  	[spmem:s2] =	stream.indirect.scatter.add.f32 [tilespmem:s19], [sflag:$0x5], $0x80, s6, s18, $0xb8;
	[tilespmem:$0x1CC00] =	vst v63  }
0x106: {  	s13 =	rddreg [dreg:$0xf]  }
0x107: {  	[tilespmem:s21], [sflag:$0x2] =	stream.indirect.gather [hbm4b:s1+s18], $0x80, s13, s18, $0xb8;
	[tilespmem:$0x1CC00] =	vst v63  }
0x108: {  	_ =	swait.ge [sflag:s22], $0x4000  }
0x109: {  	[sflag:s22] =	ssyncset.done $0x0  }
0x10a: {  	[sflag:s22] =	ssyncadd.s32 $0xFFFFC000  }
0x10b: {  	_ =	swait.ge [sflag:s23], $0x4000  }
0x10c: {  	[sflag:s23] =	ssyncset.done $0x0  }
0x10d: {  	s6 =	rddreg [dreg:$0x10];
	[sflag:s23] =	ssyncadd.s32 $0xFFFFC000  }
0x10e: {  	[spmem:s2] =	stream.indirect.scatter.add.f32 [tilespmem:s21], [sflag:$0x5], $0x80, s6, s18, $0xb8;
	[tilespmem:$0x1CC00] =	vst v63  }
0x10f: {  	s13 =	rddreg [dreg:$0x11]  }
0x110: {  	[tilespmem:s19], [sflag:$0x1] =	stream.indirect.gather [hbm4b:s1+s18], $0x80, s13, s18, $0xb8;
	[tilespmem:$0x1CC00] =	vst v63  }
0x111: {  	_ =	swait.ge [sflag:s22], $0x4000  }
0x112: {  	[sflag:s22] =	ssyncset.done $0x0  }
0x113: {  	[sflag:s22] =	ssyncadd.s32 $0xFFFFC000  }
0x114: {  	_ =	swait.ge [sflag:s20], $0x4000  }
0x115: {  	[sflag:s20] =	ssyncset.done $0x0  }
0x116: {  	s6 =	rddreg [dreg:$0x12];
	[sflag:s20] =	ssyncadd.s32 $0xFFFFC000  }
0x117: {  	[spmem:s2] =	stream.indirect.scatter.add.f32 [tilespmem:s19], [sflag:$0x5], $0x80, s6, s18, $0xb8;
	[tilespmem:$0x1CC00] =	vst v63  }
0x118: {  	s13 =	rddreg [dreg:$0x13]  }
0x119: {  	[tilespmem:s21], [sflag:$0x2] =	stream.indirect.gather [hbm4b:s1+s18], $0x80, s13, s18, $0xb8;
	[tilespmem:$0x1CC00] =	vst v63  }
0x11a: {  	_ =	swait.ge [sflag:s22], $0x4000  }
0x11b: {  	[sflag:s22] =	ssyncset.done $0x0  }
0x11c: {  	[sflag:s22] =	ssyncadd.s32 $0xFFFFC000  }
0x11d: {  	_ =	swait.ge [sflag:s23], $0x4000  }
0x11e: {  	[sflag:s23] =	ssyncset.done $0x0  }
0x11f: {  	s13 =	rddreg [dreg:$0x14];
	[sflag:s23] =	ssyncadd.s32 $0xFFFFC000  }
0x120: {  	[spmem:s2] =	stream.indirect.scatter.add.f32 [tilespmem:s21], [sflag:$0x5], $0x80, s13, s18, $0xb8;
	[tilespmem:$0x1CC00] =	vst v63  }
0x121: {  	_ =	swait.ge [sflag:s24], $0x400  }
0x122: {  	[sflag:s24] =	ssyncset.done $0x0  }
0x123: {  	[sflag:s24] =	ssyncadd.s32 $0xFFFFFC00  }
0x124: {  	_ =	swait.ge [sflag:s24], $0x400  }
0x125: {  	[sflag:s24] =	ssyncset.done $0x0  }
0x126: {  	[sflag:s24] =	ssyncadd.s32 $0xFFFFFC00  }
0x127: {  	[tilespmem:s19], [sflag:$0x1] =	stream.indirect.gather [hbm4b:s1+s18], $0x80, s16, s18, $0xb8;
	[tilespmem:$0x1CC00] =	vst v63  }
0x128: {  	_ =	swait.ge [sflag:s22], $0x4000  }
0x129: {  	s12 =	smov.u32 s11;
	s6 =	rddreg [dreg:$0x7];
	[sflag:s22] =	ssyncset.done $0x0  }
0x12a: {  	s13 =	rddreg [dreg:$0x6];
	[sflag:s22] =	ssyncadd.s32 $0xFFFFC000;
	s6 =	sadd.s32 s12, s6  }
0x12b: {  	[tilespmem:s4], [sflag:$0x3] =	stream.linear.gather [hbm4b:s6+s4], $0x400, $0x38;
	[tilespmem:$0x1CC00] =	vst v63  }
0x12c: {  	s13 =	sadd.s32 s12, s13  }
0x12d: {  	[tilespmem:s15], [sflag:$0x3] =	stream.linear.gather [hbm4b:s13+s4], $0x400, $0x38;
	[tilespmem:$0x1CC00] =	vst v63  }
0x12e: {  	_ =	swait.ge [sflag:s20], $0x4000  }
0x12f: {  	[sflag:s20] =	ssyncset.done $0x0  }
0x130: {  	[sflag:s20] =	ssyncadd.s32 $0xFFFFC000  }
0x131: {  	[spmem:s2] =	stream.indirect.scatter.add.f32 [tilespmem:s19], [sflag:$0x5], $0x80, s17, s18, $0xb8;
	[tilespmem:$0x1CC00] =	vst v63  }
0x132: {  	s13 =	rddreg [dreg:$0x15]  }
0x133: {  	[tilespmem:s21], [sflag:$0x2] =	stream.indirect.gather [hbm4b:s1+s18], $0x80, s13, s18, $0xb8;
	[tilespmem:$0x1CC00] =	vst v63  }
0x134: {  	_ =	swait.ge [sflag:s22], $0x4000  }
0x135: {  	[sflag:s22] =	ssyncset.done $0x0  }
0x136: {  	[sflag:s22] =	ssyncadd.s32 $0xFFFFC000  }
0x137: {  	_ =	swait.ge [sflag:s23], $0x4000  }
0x138: {  	[sflag:s23] =	ssyncset.done $0x0  }
0x139: {  	s6 =	rddreg [dreg:$0x16];
	[sflag:s23] =	ssyncadd.s32 $0xFFFFC000  }
0x13a: {  	[spmem:s2] =	stream.indirect.scatter.add.f32 [tilespmem:s21], [sflag:$0x5], $0x80, s6, s18, $0xb8;
	[tilespmem:$0x1CC00] =	vst v63  }
0x13b: {  	s13 =	rddreg [dreg:$0x17]  }
0x13c: {  	[tilespmem:s19], [sflag:$0x1] =	stream.indirect.gather [hbm4b:s1+s18], $0x80, s13, s18, $0xb8;
	[tilespmem:$0x1CC00] =	vst v63  }
0x13d: {  	_ =	swait.ge [sflag:s22], $0x4000  }
0x13e: {  	[sflag:s22] =	ssyncset.done $0x0  }
0x13f: {  	[sflag:s22] =	ssyncadd.s32 $0xFFFFC000  }
0x140: {  	_ =	swait.ge [sflag:s20], $0x4000  }
0x141: {  	[sflag:s20] =	ssyncset.done $0x0  }
0x142: {  	[sflag:s20] =	ssyncadd.s32 $0xFFFFC000  }
0x143: {  	[spmem:s2] =	stream.indirect.scatter.add.f32 [tilespmem:s19], [sflag:$0x5], $0x80, s25, s18, $0xb8;
	[tilespmem:$0x1CC00] =	vst v63  }
0x144: {  	_ = 	snop  }
0x145: {  	[tilespmem:s21], [sflag:$0x2] =	stream.indirect.gather [hbm4b:s1+s18], $0x80, s26, s18, $0xb8;
	[tilespmem:$0x1CC00] =	vst v63  }
0x146: {  	_ =	swait.ge [sflag:s22], $0x4000  }
0x147: {  	[sflag:s22] =	ssyncset.done $0x0  }
0x148: {  	[sflag:s22] =	ssyncadd.s32 $0xFFFFC000  }
0x149: {  	_ =	swait.ge [sflag:s23], $0x4000  }
0x14a: {  	[sflag:s23] =	ssyncset.done $0x0  }
0x14b: {  	[sflag:s23] =	ssyncadd.s32 $0xFFFFC000  }
0x14c: {  	[spmem:s2] =	stream.indirect.scatter.add.f32 [tilespmem:s21], [sflag:$0x5], $0x80, s28, s18, $0xb8;
	[tilespmem:$0x1CC00] =	vst v63  }
0x14d: {  	_ = 	snop  }
0x14e: {  	[tilespmem:s19], [sflag:$0x1] =	stream.indirect.gather [hbm4b:s1+s18], $0x80, s29, s18, $0xb8;
	[tilespmem:$0x1CC00] =	vst v63  }
0x14f: {  	_ =	swait.ge [sflag:s22], $0x4000  }
0x150: {  	[sflag:s22] =	ssyncset.done $0x0  }
0x151: {  	[sflag:s22] =	ssyncadd.s32 $0xFFFFC000  }
0x152: {  	_ =	swait.ge [sflag:s20], $0x4000  }
0x153: {  	[sflag:s20] =	ssyncset.done $0x0  }
0x154: {  	[sflag:s20] =	ssyncadd.s32 $0xFFFFC000  }
0x155: {  	[spmem:s2] =	stream.indirect.scatter.add.f32 [tilespmem:s19], [sflag:$0x5], $0x80, s30, s18, $0xb8;
	[tilespmem:$0x1CC00] =	vst v63  }
0x156: {  	_ = 	snop  }
0x157: {  	[tilespmem:s21], [sflag:$0x2] =	stream.indirect.gather [hbm4b:s1+s18], $0x80, s31, s18, $0xb8;
	[tilespmem:$0x1CC00] =	vst v63  }
0x158: {  	_ =	swait.ge [sflag:s22], $0x4000  }
0x159: {  	[sflag:s22] =	ssyncset.done $0x0  }
0x15a: {  	[sflag:s22] =	ssyncadd.s32 $0xFFFFC000  }
0x15b: {  	_ =	swait.ge [sflag:s23], $0x4000  }
0x15c: {  	[sflag:s23] =	ssyncset.done $0x0  }
0x15d: {  	[sflag:s23] =	ssyncadd.s32 $0xFFFFC000  }
0x15e: {  	[spmem:s2] =	stream.indirect.scatter.add.f32 [tilespmem:s21], [sflag:$0x5], $0x80, s0, s18, $0xb8;
	[tilespmem:$0x1CC00] =	vst v63  }
0x15f: {  	_ = 	snop  }
0x160: {  	[tilespmem:s19], [sflag:$0x1] =	stream.indirect.gather [hbm4b:s1+s18], $0x80, s3, s18, $0xb8;
	[tilespmem:$0x1CC00] =	vst v63  }
0x161: {  	_ =	swait.ge [sflag:s22], $0x4000  }
0x162: {  	[sflag:s22] =	ssyncset.done $0x0  }
0x163: {  	[sflag:s22] =	ssyncadd.s32 $0xFFFFC000  }
0x164: {  	_ =	swait.ge [sflag:s20], $0x4000  }
0x165: {  	[sflag:s20] =	ssyncset.done $0x0  }
0x166: {  	[sflag:s20] =	ssyncadd.s32 $0xFFFFC000  }
0x167: {  	[spmem:s2] =	stream.indirect.scatter.add.f32 [tilespmem:s19], [sflag:$0x5], $0x80, s5, s18, $0xb8;
	[tilespmem:$0x1CC00] =	vst v63  }
0x168: {  	_ = 	snop  }
0x169: {  	[tilespmem:s21], [sflag:$0x2] =	stream.indirect.gather [hbm4b:s1+s18], $0x80, s7, s18, $0xb8;
	[tilespmem:$0x1CC00] =	vst v63  }
0x16a: {  	_ =	swait.ge [sflag:s22], $0x4000  }
0x16b: {  	[sflag:s22] =	ssyncset.done $0x0  }
0x16c: {  	[sflag:s22] =	ssyncadd.s32 $0xFFFFC000  }
0x16d: {  	_ =	swait.ge [sflag:s23], $0x4000  }
0x16e: {  	[sflag:s23] =	ssyncset.done $0x0  }
0x16f: {  	[sflag:s23] =	ssyncadd.s32 $0xFFFFC000  }
0x170: {  	[spmem:s2] =	stream.indirect.scatter.add.f32 [tilespmem:s21], [sflag:$0x5], $0x80, s8, s18, $0xb8;
	[tilespmem:$0x1CC00] =	vst v63  }
0x171: {  	_ =	swait.ge [sflag:s9], $0x400  }
0x172: {  	[sflag:s9] =	ssyncset.done $0x0  }
0x173: {  	[sflag:s9] =	ssyncadd.s32 $0xFFFFFC00  }
0x174: {  	_ =	swait.ge [sflag:s9], $0x400  }
0x175: {  	[sflag:s9] =	ssyncset.done $0x0  }
0x176: {  	p0 =	sne.s32 s11, $0x400;
	[sflag:s9] =	ssyncadd.s32 $0xFFFFFC00  }
0x177: {  	[tilespmem:s19], [sflag:$0x1] =	stream.indirect.gather [hbm4b:s1+s18], $0x80, s4, s18, $0xb8;
	[tilespmem:$0x1CC00] =	vst v63  }
.Ltmp0:
0x178: {  	_ =	swait.ge [sflag:s22], $0x4000;
	(pc) =	sbr.rel @p0 .LBB2_2-.Ltmp0, $4  }
0x179: {  	s6 =	rddreg [dreg:$0x5]  }
0x17a: {  	s11 =	sadd.s32 $0x100, s11;
	s13 =	rddreg [dreg:$0x4];
	[sflag:s22] =	ssyncset.done $0x0  }
0x17b: {  	[sflag:s22] =	ssyncadd.s32 $0xFFFFC000;
	s6 =	sadd.s32 s12, s6;
	s12 =	sadd.s32 s12, s13  }
0x17c: {  	[tilespmem:s16], [sflag:$0x4] =	stream.linear.gather [hbm4b:s6+s4], $0x400, $0x38;
	[tilespmem:$0x1CC00] =	vst v63  }
0x17d: {  	[tilespmem:s17], [sflag:$0x4] =	stream.linear.gather [hbm4b:s12+s4], $0x400, $0x38;
	[tilespmem:$0x1CC00] =	vst v63  }
0x17e: {  	_ =	swait.ge [sflag:s20], $0x4000  }
0x17f: {  	[sflag:s20] =	ssyncset.done $0x0  }
0x180: {  	[sflag:s20] =	ssyncadd.s32 $0xFFFFC000  }
0x181: {  	_ =	swait.ge [sflag:s24], $0x400  }
0x182: {  	[sflag:s24] =	ssyncset.done $0x0  }
0x183: {  	[sflag:s24] =	ssyncadd.s32 $0xFFFFFC00  }
0x184: {  	_ =	swait.ge [sflag:s24], $0x400  }
0x185: {  	[sflag:s24] =	ssyncset.done $0x0  }
0x186: {  	[sflag:s24] =	ssyncadd.s32 $0xFFFFFC00  }
0x187: {  	[bflag:$0x0] =	sbarrier.arrive $0xFFFF  }
0x188: {  	s11 =	sld [smem:$0x7FD]  }
0x189: {  	s13 =	rddreg [dreg:$0x19]  }
0x18a: {  	s6 =	rddreg [dreg:$0x1e]  }
0x18b: {  	[hbm:s6], [sflag:s13] =	dma.local [spmem:s11], $0x2780  }
0x18c: {  	_ =	swait.ge [sflag:s14], $0x2780  }
0x18d: {  	s10 =	sadd.s32 $0x1, s10;
	s12 =	rddreg [dreg:$0x1f]  }
0x18e: {  	p0 =	sne.s32 s10, s12  }
.Ltmp1:
0x18f: {  	_ = 	snop;
	(pc) =	sbr.rel @p0 .LBB2_1-.Ltmp1, $3  }
0x190: {  	_ =	sdelay $0x1  }
0x191: {  	[sflag:s14] =	ssyncset.done $0x0  }
0x192: {  	[sflag:s14] =	ssyncadd.s32 $0xFFFFD880  }
0x193: {  	_ =	sfence.sel $0x180000  }
0x194: {  	[bflag:$0x0] =	sbarrier.arrive $0xFFFF  }
0x195: {  	_ =	strace $0x9000004A  }
0x196: {  	s0 =	stileid.u32;
	[bflag:$0x2] =	sbarrier.arrive $0xFFFF  }
0x197: {  	p0 =	sne.s32 s0, $0x0;
	s0 =	rddreg [dreg:$0x3]  }
0x198: {  	s0 =	sadd.s32 @!p0 $0x100000, s0  }
0x199: {  	[sflag:s0] =	ssyncadd.tile.s32 @!p0 $0x1;
	_ =	shalt  }
.Lfunc_end2:
_tile_overlayer_lowered:
.L_overlay_start_2:
0x19a: {  	(tag) =	ssettag $0x2  }
0x19b: {  	s0 =	rddreg [dreg:$0x0];
	s2 =	stileid.u32  }
0x19c: {  	s1 =	rddreg [dreg:$0x1];
	p0 =	sne.s32 s2, $0x0  }
0x19d: {  	s3 =	rddreg [dreg:$0x2];
	[bflag:$0x3] =	sbarrier.arrive $0xFFFF;
	s2 =	simm.s32 @!p0 $0x1C06  }
0x19e: {  	[timem:s3], [sflag:s2] =	dma.local @!p0 [hbm:s0], s1  }
0x19f: {  	s0 =	simm.s32 @!p0 $0x6  }
0x1a0: {  	_ =	swait.ge @!p0 [sflag:s0], s1  }
0x1a1: {  	s1 =	ssub.s32 @!p0 $0x0, s1;
	[sflag:s0] =	ssyncset.done @!p0 $0x0  }
0x1a2: {  	[sflag:s0] =	ssyncadd.s32 @!p0 s1  }
0x1a3: {  	[bflag:$0x3] =	sbarrier.arrive $0xFFFF  }
0x1a4: {  	_ =	shalt  }

// kernel: kernel.14.cloned.1.call-start
scs
__scs_entry_jumppad:
0x0: {  	(pc) =	sbr.rel $0x88, $3  }
0x1: {  	(tag) =	ssettag $0x0;
	lr =	simm.s32 $0x1  }
0x2: {  	[smem:$0x3F99] =	sst lr;
	_ =	strace $0xD0000000  }
0x3: {  	_ = 	snop  }
0x4: {  	_ = 	snop  }
0x5: {  	_ = 	snop  }
0x6: {  	_ = 	snop  }
0x7: {  	_ = 	snop  }
__scs_overlays_trampoline_lowered:
0x8: {  	[smem:$0x3FA8] =	sst s0  }
0x9: {  	[smem:$0x3FA9] =	sst s1  }
0xa: {  	[smem:$0x3FAA] =	sst s2  }
0xb: {  	[smem:$0x3FAB] =	sst s3  }
0xc: {  	[smem:$0x3FAC] =	sst s4  }
0xd: {  	[smem:$0x3FAD] =	sst s5  }
0xe: {  	[smem:$0x3FAE] =	sst s6  }
0xf: {  	[smem:$0x3FAF] =	sst s7  }
0x10: {  	[smem:$0x3FB0] =	sst s8  }
0x11: {  	[smem:$0x3FB1] =	sst s9;
	s0 =	simm.s32 @!p0 $0x0  }
0x12: {  	s1 =	sld [smem:$0x3F97];
	s0 =	simm.s32 @p0 $0x1  }
0x13: {  	[smem:$0x3FB2] =	sst s0;
	s0 =	simm.s32 @!p1 $0x0  }
0x14: {  	s2 =	sld [smem:$0x3F96];
	s0 =	simm.s32 @p1 $0x1  }
0x15: {  	[smem:$0x3FB3] =	sst s0;
	s0 =	simm.s32 @!p2 $0x0  }
0x16: {  	s3 =	sld [smem:$0x3FDB];
	s0 =	simm.s32 @p2 $0x1  }
0x17: {  	s4 =	simm.s32 $0x1BF5;
	[smem:$0x3FB5] =	sst s0  }
0x18: {  	s0 =	sld [smem:$0x3F98];
	_ =	swait.ge [sflag:s4], $0x0  }
0x19: {  	s7 =	sld [smem:$0x3F99]  }
0x1a: {  	s8 =	sadd.s32 $0xFFFFE003, lr  }
0x1b: {  	s9 =	sadd.s32 $0xFFFFFEF7, lr;
	s5 =	simm.s32 $0xFFFFFFFF;
	p2 =	slt.u32 s8, $0xFFFFF086  }
0x1c: {  	p1 =	slt.u32 s9, $0xF7A;
	s5 =	simm.s32 @!p2 $0x0  }
0x1d: {  	s5 =	simm.s32 @p1 $0x1;
	p0 =	seq.s32 s7, s2  }
0x1e: {  	s7 =	smul.u32 @!p0 $0xF7A, s2;
	p2 =	seq.s32 @!p0 s5, $0x0  }
0x1f: {  	s9 =	smul.u32 $0xF7A, s1;
	s8 =	simm.s32 @!p0 $0x1BF5;
	p2 =	por !p2, p0  }
0x20: {  	[sflag:s8] =	ssyncset.s32 @!p0 $0xFFFFF086;
	s6 =	sadd.s32 @!p0 s3, s7;
	s7 =	simm.s32 @!p0 $0x108  }
0x21: {  	s3 =	sadd.s32 s3, s9;
	s6 =	sadd.s32 @!p0 $0x88, s6;
	s7 =	simm.s32 @p2 $0x1082  }
0x22: {  	[simem:s7], [sflag:s8] =	dma.local @!p0 [hbm:s6], $0xF7A  }
0x23: {  	s9 =	sor.u32 $0xD0000000, s2;
	s6 =	simm.s32 $0x108;
	_ =	swait.ge @!p0 [sflag:s8], $0x0  }
0x24: {  	s3 =	sadd.s32 $0x88, s3;
	s6 =	simm.s32 @!p1 $0x1082;
	[sflag:s4] =	ssyncset.s32 $0xFFFFF086  }
0x25: {  	[simem:s6], [sflag:s4] =	dma.local [hbm:s3], $0xF7A  }
0x26: {  	[smem:$0x3F99] =	sst s1;
	(tag) =	ssettag s2;
	_ =	strace s9  }
0x27: {  	s1 =	sld [smem:$0x3FA9]  }
0x28: {  	s2 =	sld [smem:$0x3FAA]  }
0x29: {  	s4 =	sld [smem:$0x3FAC]  }
0x2a: {  	p0 =	seq.s32 s5, $0x0;
	s5 =	sld [smem:$0x3FAD]  }
0x2b: {  	s6 =	sld [smem:$0x3FAE]  }
0x2c: {  	s7 =	sld [smem:$0x3FAF]  }
0x2d: {  	s3 =	simm.s32 $0x108;
	s8 =	sld [smem:$0x3FB0]  }
0x2e: {  	s3 =	simm.s32 @!p0 $0x1082;
	s9 =	sld [smem:$0x3FB1]  }
0x2f: {  	lr =	sadd.s32 s0, s3;
	s0 =	sld [smem:$0x3FA8]  }
0x30: {  	s3 =	sld [smem:$0x3FAB]  }
0x31: {  	[smem:$0x3FB4] =	sst s10  }
0x32: {  	s10 =	sld [smem:$0x3FB2];
	_ =	sdelay $0x3  }
0x33: {  	p0 =	seq.s32 s10, $0x1;
	s10 =	sld [smem:$0x3FB4];
	_ =	sdelay $0x3  }
0x34: {  	[smem:$0x3FB4] =	sst s10  }
0x35: {  	s10 =	sld [smem:$0x3FB3];
	_ =	sdelay $0x3  }
0x36: {  	p1 =	seq.s32 s10, $0x1;
	s10 =	sld [smem:$0x3FB4];
	_ =	sdelay $0x3  }
0x37: {  	[smem:$0x3FB4] =	sst s10  }
0x38: {  	s10 =	sld [smem:$0x3FB5]  }
0x39: {  	_ = 	snop;
	(pc) =	sbr.ind lr, $3  }
0x3a: {  	_ = 	snop  }
0x3b: {  	_ = 	snop  }
0x3c: {  	p2 =	seq.s32 s10, $0x1;
	s10 =	sld [smem:$0x3FB4]  }
0x3d: {  	_ =	shalt  }
0x3e: {  	_ =	shalt  }
0x3f: {  	_ =	shalt  }
0x40: {  	_ =	shalt  }
0x41: {  	_ =	shalt  }
0x42: {  	_ =	shalt  }
0x43: {  	_ =	shalt  }
0x44: {  	_ =	shalt  }
0x45: {  	_ =	shalt  }
0x46: {  	_ =	shalt  }
0x47: {  	_ =	shalt  }
0x48: {  	_ =	shalt  }
0x49: {  	_ =	shalt  }
0x4a: {  	_ =	shalt  }
0x4b: {  	_ =	shalt  }
0x4c: {  	_ =	shalt  }
0x4d: {  	_ =	shalt  }
0x4e: {  	_ =	shalt  }
0x4f: {  	_ =	shalt  }
0x50: {  	_ =	shalt  }
0x51: {  	_ =	shalt  }
0x52: {  	_ =	shalt  }
0x53: {  	_ =	shalt  }
0x54: {  	_ =	shalt  }
0x55: {  	_ =	shalt  }
0x56: {  	_ =	shalt  }
0x57: {  	_ =	shalt  }
0x58: {  	_ =	shalt  }
0x59: {  	_ =	shalt  }
0x5a: {  	_ =	shalt  }
0x5b: {  	_ =	shalt  }
0x5c: {  	_ =	shalt  }
0x5d: {  	_ =	shalt  }
0x5e: {  	_ =	shalt  }
0x5f: {  	_ =	shalt  }
0x60: {  	_ =	shalt  }
0x61: {  	_ =	shalt  }
0x62: {  	_ =	shalt  }
0x63: {  	_ =	shalt  }
0x64: {  	_ =	shalt  }
0x65: {  	_ =	shalt  }
0x66: {  	_ =	shalt  }
0x67: {  	_ =	shalt  }
0x68: {  	_ =	shalt  }
0x69: {  	_ =	shalt  }
0x6a: {  	_ =	shalt  }
0x6b: {  	_ =	shalt  }
0x6c: {  	_ =	shalt  }
0x6d: {  	_ =	shalt  }
0x6e: {  	_ =	shalt  }
0x6f: {  	_ =	shalt  }
0x70: {  	_ =	shalt  }
0x71: {  	_ =	shalt  }
0x72: {  	_ =	shalt  }
0x73: {  	_ =	shalt  }
0x74: {  	_ =	shalt  }
0x75: {  	_ =	shalt  }
0x76: {  	_ =	shalt  }
0x77: {  	_ =	shalt  }
0x78: {  	_ =	shalt  }
0x79: {  	_ =	shalt  }
0x7a: {  	_ =	shalt  }
0x7b: {  	_ =	shalt  }
0x7c: {  	_ =	shalt  }
0x7d: {  	_ =	shalt  }
0x7e: {  	_ =	shalt  }
0x7f: {  	_ =	shalt  }
0x80: {  	_ =	shalt  }
0x81: {  	_ =	shalt  }
0x82: {  	_ =	shalt  }
0x83: {  	_ =	shalt  }
0x84: {  	_ =	shalt  }
0x85: {  	_ =	shalt  }
0x86: {  	_ =	shalt  }
0x87: {  	_ =	shalt  }
.Lfunc_end0:
.L_simem_size_0:
called_computation.2_lowered:
.L_overlay_start_0:
0x88: {  	s2 =	sld [smem:$0x3FD9]  }
0x89: {  	s3 =	sld [smem:$0x3FFE];
	_ =	sdelay $0x1  }
0x8a: {  	s1 =	srdreg.scid  }
0x8b: {  	s0 =	sand.u32 $0x1, s1  }
0x8c: {  	s17 =	sshll.u32 s0, $0xA;
	s2 =	sadd.s32 s3, s2  }
0x8d: {  	s2 =	sadd.s32 s2, s17  }
0x8e: {  	[smem:$0x3FC0] =	sst s2  }
0x8f: {  	_ = 	snop  }
0x90: {  	s2 =	sld [smem:$0x3FD0];
	(tm) =	ssettm $0x1  }
0x91: {  	s18 =	sld [smem:$0x3FFB];
	_ =	sdelay $0x3  }
0x92: {  	_ =	strace s18  }
0x93: {  	s3 =	sld [smem:$0x3FFC];
	_ =	sdelay $0x3  }
0x94: {  	_ =	strace s3  }
0x95: {  	s3 =	sld [smem:$0x3FFD];
	_ =	sdelay $0x3  }
0x96: {  	_ =	strace s3  }
0x97: {  	_ =	strace $0x8FFFFFFF  }
0x98: {  	s19 =	sld [smem:$0x3FDB];
	_ =	sdelay $0x1  }
0x99: {  	s4 =	simm.s32 $_scs_section_size  }
0x9a: {  	s5 =	simm.s32 $_size__tile_overlayer_lowered;
	s6 =	simm.s32 $_tile_overlayer_lowered  }
0x9b: {  	s22 =	simm.s32 $0x1BFF;
	s21 =	sshll.u32 s6, $0x1;
	s3 =	sadd.s32 s4, s19  }
0x9c: {  	s7 =	simm.s32 $0x0;
	s20 =	sshll.u32 s5, $0x1;
	s5 =	sadd.s32 s21, s3  }
0x9d: {  	[timem:s7], [sflag:s22] =	dma.local [hbm:s5], s20  }
0x9e: {  	_ =	swait.ge [sflag:s22], s20  }
0x9f: {  	s4 =	ssub.s32 $0x0, s20;
	[sflag:s22] =	ssyncset.done $0x0  }
0xa0: {  	[sflag:s22] =	ssyncadd.s32 s4;
	_ =	sdelay $0x1  }
0xa1: {  	s23 =	simm.s32 $0x1B8B  }
0xa2: {  	_ =	swait.ge [sflag:s23], $0x1  }
0xa3: {  	[sflag:s23] =	ssyncset.done $0x0  }
0xa4: {  	s25 =	simm.s32 $0x1B8E;
	s24 =	sld [smem:$0x3FFE];
	[sflag:s23] =	ssyncadd.s32 $0xFFFFFFFF  }
0xa5: {  	s26 =	simm.s32 $execute0_lowered;
	[smem:$0x3FD2] =	sst s25  }
0xa6: {  	s5 =	sshll.u32 s26, $0x1;
	_ =	strace $0x8000004C;
	[dreg:$0x1] =	wrdreg $0xFFFFFFFF  }
0xa7: {  	s28 =	simm.s32 $_size_execute0_lowered;
	s3 =	sadd.s32 s3, s5;
	[dreg:$0x0] =	wrdreg $0x0  }
0xa8: {  	s5 =	sshll.u32 s28, $0x1;
	[dreg:$0x2] =	wrdreg s3  }
0xa9: {  	[dreg:$0x3] =	wrdreg s5  }
0xaa: {  	[dreg:$0x4] =	wrdreg $0xC0  }
0xab: {  	_ =	task [dreg:s7], $0x5FFFF  }
0xac: {  	[dreg:$0x1] =	wrdreg $0xFFFFFFFF  }
0xad: {  	[dreg:$0x0] =	wrdreg $0x60  }
0xae: {  	[dreg:$0x2] =	wrdreg s2  }
0xaf: {  	[dreg:$0x3] =	wrdreg s24  }
0xb0: {  	[dreg:$0x4] =	wrdreg $0x90000  }
0xb1: {  	[dreg:$0x5] =	wrdreg $0x9  }
0xb2: {  	_ =	task.clear_ibuf [dreg:s7], $0x6FFFF;
	_ =	strace $0x9000004C  }
0xb3: {  	s29 =	simm.s32 $0x9;
	_ =	strace $0x8000004E  }
0xb4: {  	_ =	swait.ge [sflag:s29], $0x1  }
0xb5: {  	[sflag:s29] =	ssyncadd.s32 $0xFFFFFFFF  }
0xb6: {  	_ =	strace $0x9000004E  }
0xb7: {  	_ =	sfence  }
0xb8: {  	s30 =	sld [smem:$0x0];
	_ =	sdelay $0x2  }
0xb9: {  	s31 =	sshll.u32 s1, $0xD;
	s1 =	sshrl.u32 s1, $0x2  }
0xba: {  	s3 =	sand.u32 $0x4000, s31;
	s1 =	sadd.s32 s1, s30  }
0xbb: {  	s0 =	sor.u32 s3, s0;
	s1 =	sshll.u32 s1, $0x11  }
0xbc: {  	s0 =	sor.u32 s1, s0  }
0xbd: {  	s0 =	sadd.s32 $0x8F2B, s0  }
0xbe: {  	[sflag:s0] =	ssyncadd.remote.s32 $0x1  }
0xbf: {  	_ =	sfence.sel $0xFFFF  }
0xc0: {  	[dreg:$0x0] =	wrdreg $0xFFFFFFFF;
	(pc) =	sbr.abs _section_cstart, $3  }
0xc1: {  	[dreg:$0x1] =	wrdreg $0xFFFFFFFF  }
0xc2: {  	_ =	task.clear_ibuf [dreg:s7], $0x2FFFF;
	_ =	strace $0x9FFFFFFF  }
0xc3: {  	(tm) =	ssettm $0x7FFFFFFF  }
tec
execute0_lowered:
.L_overlay_start_1:
0x0: {  	(tag) =	ssettag $0x1  }
0x1: {  	s1 =	rddreg [dreg:$0x0]  }
0x2: {  	s0 =	rddreg [dreg:$0x1]  }
0x3: {  	s2 =	rddreg [dreg:$0x2]  }
0x4: {  	s4 =	simm.s32 $0x0;
	s3 =	srdreg.scid;
	s13 =	stileid.u32  }
0x5: {  	s26 =	simm.s32 $0x880;
	s28 =	simm.s32 $0xD80;
	s29 =	simm.s32 $0x600  }
0x6: {  	s30 =	simm.s32 $0xE00;
	s31 =	simm.s32 $0x680;
	s6 =	smul.u32 $0x13C00, s13  }
0x7: {  	[smem:$0x7FF] =	sst s4;
	s3 =	sand.u32 $0x1, s3;
	s14 =	smul.u32 $0x4F000, s13  }
0x8: {  	s7 =	sadd.s32 $0x18800, s0;
	s8 =	sadd.s32 $0x2200, s0;
	s12 =	smul.u32 $0x3000, s13  }
0x9: {  	s9 =	sadd.s32 $0x24800, s0;
	s19 =	sshll.u32 s13, $0x6;
	s5 =	smul.u32 $0x13C000, s3  }
0xa: {  	_ =	strace $0x8000004D;
	[dreg:$0x18] =	wrdreg s9;
	s15 =	ssub.s32 $0x2, s3  }
0xb: {  	s10 =	smul.u32 $0x30000, s3;
	s3 =	sshll.u32 s3, $0x4;
	[dreg:$0x8] =	wrdreg s26  }
0xc: {  	s26 =	simm.s32 $0x500;
	s11 =	sshrl.u32 s15, $0x1;
	s3 =	sor.u32 s13, s3  }
0xd: {  	s17 =	sshrl.u32 s14, $0x2;
	s13 =	sor.u32 $0x1C06, s19;
	s19 =	simm.s32 $0xA80  }
0xe: {  	[dreg:$0x17] =	wrdreg s26;
	s26 =	simm.s32 $0x580;
	s5 =	sadd.s32 s6, s5  }
0xf: {  	s16 =	ssub.s32 s15, s11;
	s18 =	sadd.s32 s12, s10;
	[dreg:$0x10] =	wrdreg s19  }
0x10: {  	s3 =	smul.u32 $0x3000, s3;
	s15 =	simm.s32 $0x980;
	[dreg:$0x19] =	wrdreg s13  }
0x11: {  	s21 =	sadd.s32 s17, s2;
	s17 =	simm.s32 $0xA00;
	[dreg:$0xc] =	wrdreg s15  }
0x12: {  	s19 =	simm.s32 $0x1000;
	s14 =	smax.u32 s16, $0x1;
	[dreg:$0xe] =	wrdreg s17  }
0x13: {  	s20 =	sor.u32 $0xC00, s18;
	s16 =	simm.s32 $0x200;
	[dreg:$0x1f] =	wrdreg s14  }
0x14: {  	s9 =	sor.u32 $0x800, s18;
	s18 =	simm.s32 $0x280;
	[dreg:$0xd] =	wrdreg s16  }
0x15: {  	s22 =	sshrl.u32 s20, $0x3;
	[dreg:$0xf] =	wrdreg s18;
	s20 =	simm.s32 $0x300  }
0x16: {  	s3 =	sshrl.u32 s3, $0x3;
	s11 =	sadd.s32 s22, s8;
	[dreg:$0x11] =	wrdreg s20  }
0x17: {  	s5 =	sshrl.u32 s5, $0x3;
	s23 =	sadd.s32 s7, s3;
	[dreg:$0x4] =	wrdreg s11  }
0x18: {  	s15 =	simm.s32 $0x800;
	s10 =	sadd.s32 s22, s7;
	[dreg:$0x1a] =	wrdreg s23  }
0x19: {  	s9 =	sshrl.u32 s9, $0x3;
	s25 =	sadd.s32 s8, s3;
	[dreg:$0x5] =	wrdreg s10  }
0x1a: {  	s17 =	simm.s32 $0xC00;
	s24 =	sadd.s32 s9, s8;
	[dreg:$0x1b] =	wrdreg s25  }
0x1b: {  	s0 =	sadd.s32 s5, s0;
	s9 =	sadd.s32 s9, s7;
	[dreg:$0x6] =	wrdreg s24  }
0x1c: {  	s14 =	simm.s32 $0x6;
	s0 =	sadd.s32 $0x27000, s0;
	[dreg:$0x7] =	wrdreg s9  }
0x1d: {  	s3 =	sor.u32 $0x80, s3;
	s22 =	simm.s32 $0x380;
	[dreg:$0x1e] =	wrdreg s0  }
0x1e: {  	s16 =	simm.s32 $0x400;
	s7 =	sadd.s32 s7, s3;
	[dreg:$0x13] =	wrdreg s22  }
0x1f: {  	s18 =	simm.s32 $0x80;
	s3 =	sadd.s32 s8, s3;
	[dreg:$0x1c] =	wrdreg s7  }
0x20: {  	s5 =	simm.s32 $0xF00;
	s9 =	simm.s32 $0x100;
	[dreg:$0x1d] =	wrdreg s3  }
0x21: {  	s20 =	simm.s32 $0x1;
	s10 =	simm.s32 $0x900;
	[dreg:$0x9] =	wrdreg s9  }
0x22: {  	s11 =	simm.s32 $0x180;
	s23 =	simm.s32 $0xB80;
	[dreg:$0xa] =	wrdreg s10  }
0x23: {  	s24 =	simm.s32 $0x480;
	s22 =	simm.s32 $0x5;
	[dreg:$0xb] =	wrdreg s11  }
0x24: {  	s25 =	simm.s32 $0xC80;
	s0 =	simm.s32 $0xE80;
	[dreg:$0x14] =	wrdreg s23  }
0x25: {  	s8 =	simm.s32 $0xF80;
	s11 =	sshrl.u32 s21, $0x3;
	[dreg:$0x15] =	wrdreg s24  }
0x26: {  	s21 =	simm.s32 $0xB00;
	s23 =	simm.s32 $0x2;
	[dreg:$0x16] =	wrdreg s25  }
0x27: {  	s24 =	simm.s32 $0x4;
	s25 =	simm.s32 $0xD00;
	s3 =	simm.s32 $0x700  }
0x28: {  	s7 =	simm.s32 $0x780;
	s9 =	simm.s32 $0x3;
	[dreg:$0x12] =	wrdreg s21  }
0x29: {  	s10 =	simm.s32 $0x0;
	s21 =	simm.s32 $0x5000;
	[smem:$0x7FD] =	sst s11  }
.LBB2_1:
0x2a: {  	s6 =	rddreg [dreg:$0x18]  }
0x2b: {  	[spmem:s11], [sflag:s13] =	dma.local [hbm:s6], $0x2780  }
0x2c: {  	_ =	swait.ge [sflag:s14], $0x2780  }
0x2d: {  	[sflag:s14] =	ssyncset.done $0x0  }
0x2e: {  	s13 =	rddreg [dreg:$0x1a];
	[sflag:s14] =	ssyncadd.s32 $0xFFFFD880  }
0x2f: {  	[tilespmem:s4], [sflag:$0x6] =	stream.linear.gather [hbm4b:s13+s4], $0x400, $0x38;
	[tilespmem:$0x1CC00] =	vst v63  }
0x30: {  	_ =	swait.ge [sflag:s14], $0x400  }
0x31: {  	[sflag:s14] =	ssyncset.done $0x0  }
0x32: {  	s11 =	rddreg [dreg:$0x1b];
	[sflag:s14] =	ssyncadd.s32 $0xFFFFFC00  }
0x33: {  	[tilespmem:s15], [sflag:$0x6] =	stream.linear.gather [hbm4b:s11+s4], $0x400, $0x38;
	[tilespmem:$0x1CC00] =	vst v63  }
0x34: {  	_ =	swait.ge [sflag:s14], $0x400  }
0x35: {  	[sflag:s14] =	ssyncset.done $0x0  }
0x36: {  	[sflag:s14] =	ssyncadd.s32 $0xFFFFFC00  }
0x37: {  	[bflag:$0x0] =	sbarrier.arrive $0xFFFF  }
0x38: {  	s12 =	rddreg [dreg:$0x1c]  }
0x39: {  	[tilespmem:s16], [sflag:$0x4] =	stream.linear.gather [hbm4b:s12+s4], $0x400, $0x38;
	[tilespmem:$0x1CC00] =	vst v63  }
0x3a: {  	s13 =	rddreg [dreg:$0x1d]  }
0x3b: {  	[tilespmem:s17], [sflag:$0x4] =	stream.linear.gather [hbm4b:s13+s4], $0x400, $0x38;
	[tilespmem:$0x1CC00] =	vst v63  }
0x3c: {  	_ = 	snop  }
0x3d: {  	[tilespmem:s19], [sflag:$0x1] =	stream.indirect.gather [hbm4b:s1+s18], $0x80, s4, s18, $0xb8;
	[tilespmem:$0x1CC00] =	vst v63  }
0x3e: {  	_ =	swait.ge [sflag:s20], $0x4000  }
0x3f: {  	[sflag:s20] =	ssyncset.done $0x0  }
0x40: {  	[sflag:s20] =	ssyncadd.s32 $0xFFFFC000  }
0x41: {  	[spmem:s2] =	stream.indirect.scatter.add.f32 [tilespmem:s19], [sflag:$0x5], $0x80, s15, s18, $0xb8;
	[tilespmem:$0x1CC00] =	vst v63  }
0x42: {  	_ = 	snop  }
0x43: {  	[tilespmem:s21], [sflag:$0x2] =	stream.indirect.gather [hbm4b:s1+s18], $0x80, s18, s18, $0xb8;
	[tilespmem:$0x1CC00] =	vst v63  }
0x44: {  	_ =	swait.ge [sflag:s22], $0x4000  }
0x45: {  	[sflag:s22] =	ssyncset.done $0x0  }
0x46: {  	[sflag:s22] =	ssyncadd.s32 $0xFFFFC000  }
0x47: {  	_ =	swait.ge [sflag:s23], $0x4000  }
0x48: {  	[sflag:s23] =	ssyncset.done $0x0  }
0x49: {  	s6 =	rddreg [dreg:$0x8];
	[sflag:s23] =	ssyncadd.s32 $0xFFFFC000  }
0x4a: {  	[spmem:s2] =	stream.indirect.scatter.add.f32 [tilespmem:s21], [sflag:$0x5], $0x80, s6, s18, $0xb8;
	[tilespmem:$0x1CC00] =	vst v63  }
0x4b: {  	s12 =	rddreg [dreg:$0x9]  }
0x4c: {  	[tilespmem:s19], [sflag:$0x1] =	stream.indirect.gather [hbm4b:s1+s18], $0x80, s12, s18, $0xb8;
	[tilespmem:$0x1CC00] =	vst v63  }
0x4d: {  	_ =	swait.ge [sflag:s22], $0x4000  }
0x4e: {  	[sflag:s22] =	ssyncset.done $0x0  }
0x4f: {  	[sflag:s22] =	ssyncadd.s32 $0xFFFFC000  }
0x50: {  	_ =	swait.ge [sflag:s20], $0x4000  }
0x51: {  	[sflag:s20] =	ssyncset.done $0x0  }
0x52: {  	s13 =	rddreg [dreg:$0xa];
	[sflag:s20] =	ssyncadd.s32 $0xFFFFC000  }
0x53: {  	[spmem:s2] =	stream.indirect.scatter.add.f32 [tilespmem:s19], [sflag:$0x5], $0x80, s13, s18, $0xb8;
	[tilespmem:$0x1CC00] =	vst v63  }
0x54: {  	s6 =	rddreg [dreg:$0xb]  }
0x55: {  	[tilespmem:s21], [sflag:$0x2] =	stream.indirect.gather [hbm4b:s1+s18], $0x80, s6, s18, $0xb8;
	[tilespmem:$0x1CC00] =	vst v63  }
0x56: {  	_ =	swait.ge [sflag:s22], $0x4000  }
0x57: {  	[sflag:s22] =	ssyncset.done $0x0  }
0x58: {  	[sflag:s22] =	ssyncadd.s32 $0xFFFFC000  }
0x59: {  	_ =	swait.ge [sflag:s23], $0x4000  }
0x5a: {  	[sflag:s23] =	ssyncset.done $0x0  }
0x5b: {  	s13 =	rddreg [dreg:$0xc];
	[sflag:s23] =	ssyncadd.s32 $0xFFFFC000  }
0x5c: {  	[spmem:s2] =	stream.indirect.scatter.add.f32 [tilespmem:s21], [sflag:$0x5], $0x80, s13, s18, $0xb8;
	[tilespmem:$0x1CC00] =	vst v63  }
0x5d: {  	s6 =	rddreg [dreg:$0xd]  }
0x5e: {  	[tilespmem:s19], [sflag:$0x1] =	stream.indirect.gather [hbm4b:s1+s18], $0x80, s6, s18, $0xb8;
	[tilespmem:$0x1CC00] =	vst v63  }
0x5f: {  	_ =	swait.ge [sflag:s22], $0x4000  }
0x60: {  	[sflag:s22] =	ssyncset.done $0x0  }
0x61: {  	[sflag:s22] =	ssyncadd.s32 $0xFFFFC000  }
0x62: {  	_ =	swait.ge [sflag:s20], $0x4000  }
0x63: {  	[sflag:s20] =	ssyncset.done $0x0  }
0x64: {  	s13 =	rddreg [dreg:$0xe];
	[sflag:s20] =	ssyncadd.s32 $0xFFFFC000  }
0x65: {  	[spmem:s2] =	stream.indirect.scatter.add.f32 [tilespmem:s19], [sflag:$0x5], $0x80, s13, s18, $0xb8;
	[tilespmem:$0x1CC00] =	vst v63  }
0x66: {  	s6 =	rddreg [dreg:$0xf]  }
0x67: {  	[tilespmem:s21], [sflag:$0x2] =	stream.indirect.gather [hbm4b:s1+s18], $0x80, s6, s18, $0xb8;
	[tilespmem:$0x1CC00] =	vst v63  }
0x68: {  	_ =	swait.ge [sflag:s22], $0x4000  }
0x69: {  	[sflag:s22] =	ssyncset.done $0x0  }
0x6a: {  	[sflag:s22] =	ssyncadd.s32 $0xFFFFC000  }
0x6b: {  	_ =	swait.ge [sflag:s23], $0x4000  }
0x6c: {  	[sflag:s23] =	ssyncset.done $0x0  }
0x6d: {  	s13 =	rddreg [dreg:$0x10];
	[sflag:s23] =	ssyncadd.s32 $0xFFFFC000  }
0x6e: {  	[spmem:s2] =	stream.indirect.scatter.add.f32 [tilespmem:s21], [sflag:$0x5], $0x80, s13, s18, $0xb8;
	[tilespmem:$0x1CC00] =	vst v63  }
0x6f: {  	s6 =	rddreg [dreg:$0x11]  }
0x70: {  	[tilespmem:s19], [sflag:$0x1] =	stream.indirect.gather [hbm4b:s1+s18], $0x80, s6, s18, $0xb8;
	[tilespmem:$0x1CC00] =	vst v63  }
0x71: {  	_ =	swait.ge [sflag:s22], $0x4000  }
0x72: {  	[sflag:s22] =	ssyncset.done $0x0  }
0x73: {  	[sflag:s22] =	ssyncadd.s32 $0xFFFFC000  }
0x74: {  	_ =	swait.ge [sflag:s20], $0x4000  }
0x75: {  	[sflag:s20] =	ssyncset.done $0x0  }
0x76: {  	s12 =	rddreg [dreg:$0x12];
	[sflag:s20] =	ssyncadd.s32 $0xFFFFC000  }
0x77: {  	[spmem:s2] =	stream.indirect.scatter.add.f32 [tilespmem:s19], [sflag:$0x5], $0x80, s12, s18, $0xb8;
	[tilespmem:$0x1CC00] =	vst v63  }
0x78: {  	s13 =	rddreg [dreg:$0x13]  }
0x79: {  	[tilespmem:s21], [sflag:$0x2] =	stream.indirect.gather [hbm4b:s1+s18], $0x80, s13, s18, $0xb8;
	[tilespmem:$0x1CC00] =	vst v63  }
0x7a: {  	_ =	swait.ge [sflag:s22], $0x4000  }
0x7b: {  	[sflag:s22] =	ssyncset.done $0x0  }
0x7c: {  	[sflag:s22] =	ssyncadd.s32 $0xFFFFC000  }
0x7d: {  	_ =	swait.ge [sflag:s23], $0x4000  }
0x7e: {  	[sflag:s23] =	ssyncset.done $0x0  }
0x7f: {  	s6 =	rddreg [dreg:$0x14];
	[sflag:s23] =	ssyncadd.s32 $0xFFFFC000  }
0x80: {  	[spmem:s2] =	stream.indirect.scatter.add.f32 [tilespmem:s21], [sflag:$0x5], $0x80, s6, s18, $0xb8;
	[tilespmem:$0x1CC00] =	vst v63  }
0x81: {  	_ =	swait.ge [sflag:s24], $0x400  }
0x82: {  	[sflag:s24] =	ssyncset.done $0x0  }
0x83: {  	[sflag:s24] =	ssyncadd.s32 $0xFFFFFC00  }
0x84: {  	_ =	swait.ge [sflag:s24], $0x400  }
0x85: {  	[sflag:s24] =	ssyncset.done $0x0  }
0x86: {  	[sflag:s24] =	ssyncadd.s32 $0xFFFFFC00  }
0x87: {  	[tilespmem:s19], [sflag:$0x1] =	stream.indirect.gather [hbm4b:s1+s18], $0x80, s16, s18, $0xb8;
	[tilespmem:$0x1CC00] =	vst v63  }
0x88: {  	_ =	swait.ge [sflag:s22], $0x4000  }
0x89: {  	s12 =	rddreg [dreg:$0x7];
	[sflag:s22] =	ssyncset.done $0x0  }
0x8a: {  	s13 =	rddreg [dreg:$0x6];
	[sflag:s22] =	ssyncadd.s32 $0xFFFFC000;
	s11 =	sadd.s32 $0x0, s12  }
0x8b: {  	[tilespmem:s4], [sflag:$0x3] =	stream.linear.gather [hbm4b:s11+s4], $0x400, $0x38;
	[tilespmem:$0x1CC00] =	vst v63  }
0x8c: {  	s6 =	sadd.s32 $0x0, s13  }
0x8d: {  	[tilespmem:s15], [sflag:$0x3] =	stream.linear.gather [hbm4b:s6+s4], $0x400, $0x38;
	[tilespmem:$0x1CC00] =	vst v63  }
0x8e: {  	_ =	swait.ge [sflag:s20], $0x4000  }
0x8f: {  	[sflag:s20] =	ssyncset.done $0x0  }
0x90: {  	[sflag:s20] =	ssyncadd.s32 $0xFFFFC000  }
0x91: {  	[spmem:s2] =	stream.indirect.scatter.add.f32 [tilespmem:s19], [sflag:$0x5], $0x80, s17, s18, $0xb8;
	[tilespmem:$0x1CC00] =	vst v63  }
0x92: {  	s12 =	rddreg [dreg:$0x15]  }
0x93: {  	[tilespmem:s21], [sflag:$0x2] =	stream.indirect.gather [hbm4b:s1+s18], $0x80, s12, s18, $0xb8;
	[tilespmem:$0x1CC00] =	vst v63  }
0x94: {  	_ =	swait.ge [sflag:s22], $0x4000  }
0x95: {  	[sflag:s22] =	ssyncset.done $0x0  }
0x96: {  	[sflag:s22] =	ssyncadd.s32 $0xFFFFC000  }
0x97: {  	_ =	swait.ge [sflag:s23], $0x4000  }
0x98: {  	[sflag:s23] =	ssyncset.done $0x0  }
0x99: {  	s13 =	rddreg [dreg:$0x16];
	[sflag:s23] =	ssyncadd.s32 $0xFFFFC000  }
0x9a: {  	[spmem:s2] =	stream.indirect.scatter.add.f32 [tilespmem:s21], [sflag:$0x5], $0x80, s13, s18, $0xb8;
	[tilespmem:$0x1CC00] =	vst v63  }
0x9b: {  	s6 =	rddreg [dreg:$0x17]  }
0x9c: {  	[tilespmem:s19], [sflag:$0x1] =	stream.indirect.gather [hbm4b:s1+s18], $0x80, s6, s18, $0xb8;
	[tilespmem:$0x1CC00] =	vst v63  }
0x9d: {  	_ =	swait.ge [sflag:s22], $0x4000  }
0x9e: {  	[sflag:s22] =	ssyncset.done $0x0  }
0x9f: {  	[sflag:s22] =	ssyncadd.s32 $0xFFFFC000  }
0xa0: {  	_ =	swait.ge [sflag:s20], $0x4000  }
0xa1: {  	[sflag:s20] =	ssyncset.done $0x0  }
0xa2: {  	[sflag:s20] =	ssyncadd.s32 $0xFFFFC000  }
0xa3: {  	[spmem:s2] =	stream.indirect.scatter.add.f32 [tilespmem:s19], [sflag:$0x5], $0x80, s25, s18, $0xb8;
	[tilespmem:$0x1CC00] =	vst v63  }
0xa4: {  	_ = 	snop  }
0xa5: {  	[tilespmem:s21], [sflag:$0x2] =	stream.indirect.gather [hbm4b:s1+s18], $0x80, s26, s18, $0xb8;
	[tilespmem:$0x1CC00] =	vst v63  }
0xa6: {  	_ =	swait.ge [sflag:s22], $0x4000  }
0xa7: {  	[sflag:s22] =	ssyncset.done $0x0  }
0xa8: {  	[sflag:s22] =	ssyncadd.s32 $0xFFFFC000  }
0xa9: {  	_ =	swait.ge [sflag:s23], $0x4000  }
0xaa: {  	[sflag:s23] =	ssyncset.done $0x0  }
0xab: {  	[sflag:s23] =	ssyncadd.s32 $0xFFFFC000  }
0xac: {  	[spmem:s2] =	stream.indirect.scatter.add.f32 [tilespmem:s21], [sflag:$0x5], $0x80, s28, s18, $0xb8;
	[tilespmem:$0x1CC00] =	vst v63  }
0xad: {  	_ = 	snop  }
0xae: {  	[tilespmem:s19], [sflag:$0x1] =	stream.indirect.gather [hbm4b:s1+s18], $0x80, s29, s18, $0xb8;
	[tilespmem:$0x1CC00] =	vst v63  }
0xaf: {  	_ =	swait.ge [sflag:s22], $0x4000  }
0xb0: {  	[sflag:s22] =	ssyncset.done $0x0  }
0xb1: {  	[sflag:s22] =	ssyncadd.s32 $0xFFFFC000  }
0xb2: {  	_ =	swait.ge [sflag:s20], $0x4000  }
0xb3: {  	[sflag:s20] =	ssyncset.done $0x0  }
0xb4: {  	[sflag:s20] =	ssyncadd.s32 $0xFFFFC000  }
0xb5: {  	[spmem:s2] =	stream.indirect.scatter.add.f32 [tilespmem:s19], [sflag:$0x5], $0x80, s30, s18, $0xb8;
	[tilespmem:$0x1CC00] =	vst v63  }
0xb6: {  	_ = 	snop  }
0xb7: {  	[tilespmem:s21], [sflag:$0x2] =	stream.indirect.gather [hbm4b:s1+s18], $0x80, s31, s18, $0xb8;
	[tilespmem:$0x1CC00] =	vst v63  }
0xb8: {  	_ =	swait.ge [sflag:s22], $0x4000  }
0xb9: {  	[sflag:s22] =	ssyncset.done $0x0  }
0xba: {  	[sflag:s22] =	ssyncadd.s32 $0xFFFFC000  }
0xbb: {  	_ =	swait.ge [sflag:s23], $0x4000  }
0xbc: {  	[sflag:s23] =	ssyncset.done $0x0  }
0xbd: {  	[sflag:s23] =	ssyncadd.s32 $0xFFFFC000  }
0xbe: {  	[spmem:s2] =	stream.indirect.scatter.add.f32 [tilespmem:s21], [sflag:$0x5], $0x80, s0, s18, $0xb8;
	[tilespmem:$0x1CC00] =	vst v63  }
0xbf: {  	_ = 	snop  }
0xc0: {  	[tilespmem:s19], [sflag:$0x1] =	stream.indirect.gather [hbm4b:s1+s18], $0x80, s3, s18, $0xb8;
	[tilespmem:$0x1CC00] =	vst v63  }
0xc1: {  	_ =	swait.ge [sflag:s22], $0x4000  }
0xc2: {  	[sflag:s22] =	ssyncset.done $0x0  }
0xc3: {  	[sflag:s22] =	ssyncadd.s32 $0xFFFFC000  }
0xc4: {  	_ =	swait.ge [sflag:s20], $0x4000  }
0xc5: {  	[sflag:s20] =	ssyncset.done $0x0  }
0xc6: {  	[sflag:s20] =	ssyncadd.s32 $0xFFFFC000  }
0xc7: {  	[spmem:s2] =	stream.indirect.scatter.add.f32 [tilespmem:s19], [sflag:$0x5], $0x80, s5, s18, $0xb8;
	[tilespmem:$0x1CC00] =	vst v63  }
0xc8: {  	_ = 	snop  }
0xc9: {  	[tilespmem:s21], [sflag:$0x2] =	stream.indirect.gather [hbm4b:s1+s18], $0x80, s7, s18, $0xb8;
	[tilespmem:$0x1CC00] =	vst v63  }
0xca: {  	_ =	swait.ge [sflag:s22], $0x4000  }
0xcb: {  	[sflag:s22] =	ssyncset.done $0x0  }
0xcc: {  	[sflag:s22] =	ssyncadd.s32 $0xFFFFC000  }
0xcd: {  	_ =	swait.ge [sflag:s23], $0x4000  }
0xce: {  	[sflag:s23] =	ssyncset.done $0x0  }
0xcf: {  	[sflag:s23] =	ssyncadd.s32 $0xFFFFC000  }
0xd0: {  	[spmem:s2] =	stream.indirect.scatter.add.f32 [tilespmem:s21], [sflag:$0x5], $0x80, s8, s18, $0xb8;
	[tilespmem:$0x1CC00] =	vst v63  }
0xd1: {  	_ =	swait.ge [sflag:s9], $0x400  }
0xd2: {  	[sflag:s9] =	ssyncset.done $0x0  }
0xd3: {  	[sflag:s9] =	ssyncadd.s32 $0xFFFFFC00  }
0xd4: {  	_ =	swait.ge [sflag:s9], $0x400  }
0xd5: {  	[sflag:s9] =	ssyncset.done $0x0  }
0xd6: {  	[sflag:s9] =	ssyncadd.s32 $0xFFFFFC00  }
0xd7: {  	[tilespmem:s19], [sflag:$0x1] =	stream.indirect.gather [hbm4b:s1+s18], $0x80, s4, s18, $0xb8;
	[tilespmem:$0x1CC00] =	vst v63  }
0xd8: {  	_ =	swait.ge [sflag:s22], $0x4000  }
0xd9: {  	s12 =	rddreg [dreg:$0x5];
	[sflag:s22] =	ssyncset.done $0x0  }
0xda: {  	s13 =	rddreg [dreg:$0x4];
	[sflag:s22] =	ssyncadd.s32 $0xFFFFC000;
	s11 =	sadd.s32 $0x0, s12  }
0xdb: {  	[tilespmem:s16], [sflag:$0x4] =	stream.linear.gather [hbm4b:s11+s4], $0x400, $0x38;
	[tilespmem:$0x1CC00] =	vst v63  }
0xdc: {  	s12 =	sadd.s32 $0x0, s13;
	s11 =	simm.s32 $0x100  }
.LBB2_2:
0xdd: {  	[tilespmem:s17], [sflag:$0x4] =	stream.linear.gather [hbm4b:s12+s4], $0x400, $0x38;
	[tilespmem:$0x1CC00] =	vst v63  }
0xde: {  	_ =	swait.ge [sflag:s20], $0x4000  }
0xdf: {  	[sflag:s20] =	ssyncset.done $0x0  }
0xe0: {  	[sflag:s20] =	ssyncadd.s32 $0xFFFFC000  }
0xe1: {  	[spmem:s2] =	stream.indirect.scatter.add.f32 [tilespmem:s19], [sflag:$0x5], $0x80, s15, s18, $0xb8;
	[tilespmem:$0x1CC00] =	vst v63  }
0xe2: {  	_ = 	snop  }
0xe3: {  	[tilespmem:s21], [sflag:$0x2] =	stream.indirect.gather [hbm4b:s1+s18], $0x80, s18, s18, $0xb8;
	[tilespmem:$0x1CC00] =	vst v63  }
0xe4: {  	_ =	swait.ge [sflag:s22], $0x4000  }
0xe5: {  	[sflag:s22] =	ssyncset.done $0x0  }
0xe6: {  	[sflag:s22] =	ssyncadd.s32 $0xFFFFC000  }
0xe7: {  	_ =	swait.ge [sflag:s23], $0x4000  }
0xe8: {  	[sflag:s23] =	ssyncset.done $0x0  }
0xe9: {  	s6 =	rddreg [dreg:$0x8];
	[sflag:s23] =	ssyncadd.s32 $0xFFFFC000  }
0xea: {  	[spmem:s2] =	stream.indirect.scatter.add.f32 [tilespmem:s21], [sflag:$0x5], $0x80, s6, s18, $0xb8;
	[tilespmem:$0x1CC00] =	vst v63  }
0xeb: {  	s13 =	rddreg [dreg:$0x9]  }
0xec: {  	[tilespmem:s19], [sflag:$0x1] =	stream.indirect.gather [hbm4b:s1+s18], $0x80, s13, s18, $0xb8;
	[tilespmem:$0x1CC00] =	vst v63  }
0xed: {  	_ =	swait.ge [sflag:s22], $0x4000  }
0xee: {  	[sflag:s22] =	ssyncset.done $0x0  }
0xef: {  	[sflag:s22] =	ssyncadd.s32 $0xFFFFC000  }
0xf0: {  	_ =	swait.ge [sflag:s20], $0x4000  }
0xf1: {  	[sflag:s20] =	ssyncset.done $0x0  }
0xf2: {  	s6 =	rddreg [dreg:$0xa];
	[sflag:s20] =	ssyncadd.s32 $0xFFFFC000  }
0xf3: {  	[spmem:s2] =	stream.indirect.scatter.add.f32 [tilespmem:s19], [sflag:$0x5], $0x80, s6, s18, $0xb8;
	[tilespmem:$0x1CC00] =	vst v63  }
0xf4: {  	s13 =	rddreg [dreg:$0xb]  }
0xf5: {  	[tilespmem:s21], [sflag:$0x2] =	stream.indirect.gather [hbm4b:s1+s18], $0x80, s13, s18, $0xb8;
	[tilespmem:$0x1CC00] =	vst v63  }
0xf6: {  	_ =	swait.ge [sflag:s22], $0x4000  }
0xf7: {  	[sflag:s22] =	ssyncset.done $0x0  }
0xf8: {  	[sflag:s22] =	ssyncadd.s32 $0xFFFFC000  }
0xf9: {  	_ =	swait.ge [sflag:s23], $0x4000  }
0xfa: {  	[sflag:s23] =	ssyncset.done $0x0  }
0xfb: {  	s6 =	rddreg [dreg:$0xc];
	[sflag:s23] =	ssyncadd.s32 $0xFFFFC000  }
0xfc: {  	[spmem:s2] =	stream.indirect.scatter.add.f32 [tilespmem:s21], [sflag:$0x5], $0x80, s6, s18, $0xb8;
	[tilespmem:$0x1CC00] =	vst v63  }
0xfd: {  	s13 =	rddreg [dreg:$0xd]  }
0xfe: {  	[tilespmem:s19], [sflag:$0x1] =	stream.indirect.gather [hbm4b:s1+s18], $0x80, s13, s18, $0xb8;
	[tilespmem:$0x1CC00] =	vst v63  }
0xff: {  	_ =	swait.ge [sflag:s22], $0x4000  }
0x100: {  	[sflag:s22] =	ssyncset.done $0x0  }
0x101: {  	[sflag:s22] =	ssyncadd.s32 $0xFFFFC000  }
0x102: {  	_ =	swait.ge [sflag:s20], $0x4000  }
0x103: {  	[sflag:s20] =	ssyncset.done $0x0  }
0x104: {  	s6 =	rddreg [dreg:$0xe];
	[sflag:s20] =	ssyncadd.s32 $0xFFFFC000  }
0x105: {  	[spmem:s2] =	stream.indirect.scatter.add.f32 [tilespmem:s19], [sflag:$0x5], $0x80, s6, s18, $0xb8;
	[tilespmem:$0x1CC00] =	vst v63  }
0x106: {  	s13 =	rddreg [dreg:$0xf]  }
0x107: {  	[tilespmem:s21], [sflag:$0x2] =	stream.indirect.gather [hbm4b:s1+s18], $0x80, s13, s18, $0xb8;
	[tilespmem:$0x1CC00] =	vst v63  }
0x108: {  	_ =	swait.ge [sflag:s22], $0x4000  }
0x109: {  	[sflag:s22] =	ssyncset.done $0x0  }
0x10a: {  	[sflag:s22] =	ssyncadd.s32 $0xFFFFC000  }
0x10b: {  	_ =	swait.ge [sflag:s23], $0x4000  }
0x10c: {  	[sflag:s23] =	ssyncset.done $0x0  }
0x10d: {  	s6 =	rddreg [dreg:$0x10];
	[sflag:s23] =	ssyncadd.s32 $0xFFFFC000  }
0x10e: {  	[spmem:s2] =	stream.indirect.scatter.add.f32 [tilespmem:s21], [sflag:$0x5], $0x80, s6, s18, $0xb8;
	[tilespmem:$0x1CC00] =	vst v63  }
0x10f: {  	s13 =	rddreg [dreg:$0x11]  }
0x110: {  	[tilespmem:s19], [sflag:$0x1] =	stream.indirect.gather [hbm4b:s1+s18], $0x80, s13, s18, $0xb8;
	[tilespmem:$0x1CC00] =	vst v63  }
0x111: {  	_ =	swait.ge [sflag:s22], $0x4000  }
0x112: {  	[sflag:s22] =	ssyncset.done $0x0  }
0x113: {  	[sflag:s22] =	ssyncadd.s32 $0xFFFFC000  }
0x114: {  	_ =	swait.ge [sflag:s20], $0x4000  }
0x115: {  	[sflag:s20] =	ssyncset.done $0x0  }
0x116: {  	s6 =	rddreg [dreg:$0x12];
	[sflag:s20] =	ssyncadd.s32 $0xFFFFC000  }
0x117: {  	[spmem:s2] =	stream.indirect.scatter.add.f32 [tilespmem:s19], [sflag:$0x5], $0x80, s6, s18, $0xb8;
	[tilespmem:$0x1CC00] =	vst v63  }
0x118: {  	s13 =	rddreg [dreg:$0x13]  }
0x119: {  	[tilespmem:s21], [sflag:$0x2] =	stream.indirect.gather [hbm4b:s1+s18], $0x80, s13, s18, $0xb8;
	[tilespmem:$0x1CC00] =	vst v63  }
0x11a: {  	_ =	swait.ge [sflag:s22], $0x4000  }
0x11b: {  	[sflag:s22] =	ssyncset.done $0x0  }
0x11c: {  	[sflag:s22] =	ssyncadd.s32 $0xFFFFC000  }
0x11d: {  	_ =	swait.ge [sflag:s23], $0x4000  }
0x11e: {  	[sflag:s23] =	ssyncset.done $0x0  }
0x11f: {  	s13 =	rddreg [dreg:$0x14];
	[sflag:s23] =	ssyncadd.s32 $0xFFFFC000  }
0x120: {  	[spmem:s2] =	stream.indirect.scatter.add.f32 [tilespmem:s21], [sflag:$0x5], $0x80, s13, s18, $0xb8;
	[tilespmem:$0x1CC00] =	vst v63  }
0x121: {  	_ =	swait.ge [sflag:s24], $0x400  }
0x122: {  	[sflag:s24] =	ssyncset.done $0x0  }
0x123: {  	[sflag:s24] =	ssyncadd.s32 $0xFFFFFC00  }
0x124: {  	_ =	swait.ge [sflag:s24], $0x400  }
0x125: {  	[sflag:s24] =	ssyncset.done $0x0  }
0x126: {  	[sflag:s24] =	ssyncadd.s32 $0xFFFFFC00  }
0x127: {  	[tilespmem:s19], [sflag:$0x1] =	stream.indirect.gather [hbm4b:s1+s18], $0x80, s16, s18, $0xb8;
	[tilespmem:$0x1CC00] =	vst v63  }
0x128: {  	_ =	swait.ge [sflag:s22], $0x4000  }
0x129: {  	s12 =	smov.u32 s11;
	s6 =	rddreg [dreg:$0x7];
	[sflag:s22] =	ssyncset.done $0x0  }
0x12a: {  	s13 =	rddreg [dreg:$0x6];
	[sflag:s22] =	ssyncadd.s32 $0xFFFFC000;
	s6 =	sadd.s32 s12, s6  }
0x12b: {  	[tilespmem:s4], [sflag:$0x3] =	stream.linear.gather [hbm4b:s6+s4], $0x400, $0x38;
	[tilespmem:$0x1CC00] =	vst v63  }
0x12c: {  	s13 =	sadd.s32 s12, s13  }
0x12d: {  	[tilespmem:s15], [sflag:$0x3] =	stream.linear.gather [hbm4b:s13+s4], $0x400, $0x38;
	[tilespmem:$0x1CC00] =	vst v63  }
0x12e: {  	_ =	swait.ge [sflag:s20], $0x4000  }
0x12f: {  	[sflag:s20] =	ssyncset.done $0x0  }
0x130: {  	[sflag:s20] =	ssyncadd.s32 $0xFFFFC000  }
0x131: {  	[spmem:s2] =	stream.indirect.scatter.add.f32 [tilespmem:s19], [sflag:$0x5], $0x80, s17, s18, $0xb8;
	[tilespmem:$0x1CC00] =	vst v63  }
0x132: {  	s13 =	rddreg [dreg:$0x15]  }
0x133: {  	[tilespmem:s21], [sflag:$0x2] =	stream.indirect.gather [hbm4b:s1+s18], $0x80, s13, s18, $0xb8;
	[tilespmem:$0x1CC00] =	vst v63  }
0x134: {  	_ =	swait.ge [sflag:s22], $0x4000  }
0x135: {  	[sflag:s22] =	ssyncset.done $0x0  }
0x136: {  	[sflag:s22] =	ssyncadd.s32 $0xFFFFC000  }
0x137: {  	_ =	swait.ge [sflag:s23], $0x4000  }
0x138: {  	[sflag:s23] =	ssyncset.done $0x0  }
0x139: {  	s6 =	rddreg [dreg:$0x16];
	[sflag:s23] =	ssyncadd.s32 $0xFFFFC000  }
0x13a: {  	[spmem:s2] =	stream.indirect.scatter.add.f32 [tilespmem:s21], [sflag:$0x5], $0x80, s6, s18, $0xb8;
	[tilespmem:$0x1CC00] =	vst v63  }
0x13b: {  	s13 =	rddreg [dreg:$0x17]  }
0x13c: {  	[tilespmem:s19], [sflag:$0x1] =	stream.indirect.gather [hbm4b:s1+s18], $0x80, s13, s18, $0xb8;
	[tilespmem:$0x1CC00] =	vst v63  }
0x13d: {  	_ =	swait.ge [sflag:s22], $0x4000  }
0x13e: {  	[sflag:s22] =	ssyncset.done $0x0  }
0x13f: {  	[sflag:s22] =	ssyncadd.s32 $0xFFFFC000  }
0x140: {  	_ =	swait.ge [sflag:s20], $0x4000  }
0x141: {  	[sflag:s20] =	ssyncset.done $0x0  }
0x142: {  	[sflag:s20] =	ssyncadd.s32 $0xFFFFC000  }
0x143: {  	[spmem:s2] =	stream.indirect.scatter.add.f32 [tilespmem:s19], [sflag:$0x5], $0x80, s25, s18, $0xb8;
	[tilespmem:$0x1CC00] =	vst v63  }
0x144: {  	_ = 	snop  }
0x145: {  	[tilespmem:s21], [sflag:$0x2] =	stream.indirect.gather [hbm4b:s1+s18], $0x80, s26, s18, $0xb8;
	[tilespmem:$0x1CC00] =	vst v63  }
0x146: {  	_ =	swait.ge [sflag:s22], $0x4000  }
0x147: {  	[sflag:s22] =	ssyncset.done $0x0  }
0x148: {  	[sflag:s22] =	ssyncadd.s32 $0xFFFFC000  }
0x149: {  	_ =	swait.ge [sflag:s23], $0x4000  }
0x14a: {  	[sflag:s23] =	ssyncset.done $0x0  }
0x14b: {  	[sflag:s23] =	ssyncadd.s32 $0xFFFFC000  }
0x14c: {  	[spmem:s2] =	stream.indirect.scatter.add.f32 [tilespmem:s21], [sflag:$0x5], $0x80, s28, s18, $0xb8;
	[tilespmem:$0x1CC00] =	vst v63  }
0x14d: {  	_ = 	snop  }
0x14e: {  	[tilespmem:s19], [sflag:$0x1] =	stream.indirect.gather [hbm4b:s1+s18], $0x80, s29, s18, $0xb8;
	[tilespmem:$0x1CC00] =	vst v63  }
0x14f: {  	_ =	swait.ge [sflag:s22], $0x4000  }
0x150: {  	[sflag:s22] =	ssyncset.done $0x0  }
0x151: {  	[sflag:s22] =	ssyncadd.s32 $0xFFFFC000  }
0x152: {  	_ =	swait.ge [sflag:s20], $0x4000  }
0x153: {  	[sflag:s20] =	ssyncset.done $0x0  }
0x154: {  	[sflag:s20] =	ssyncadd.s32 $0xFFFFC000  }
0x155: {  	[spmem:s2] =	stream.indirect.scatter.add.f32 [tilespmem:s19], [sflag:$0x5], $0x80, s30, s18, $0xb8;
	[tilespmem:$0x1CC00] =	vst v63  }
0x156: {  	_ = 	snop  }
0x157: {  	[tilespmem:s21], [sflag:$0x2] =	stream.indirect.gather [hbm4b:s1+s18], $0x80, s31, s18, $0xb8;
	[tilespmem:$0x1CC00] =	vst v63  }
0x158: {  	_ =	swait.ge [sflag:s22], $0x4000  }
0x159: {  	[sflag:s22] =	ssyncset.done $0x0  }
0x15a: {  	[sflag:s22] =	ssyncadd.s32 $0xFFFFC000  }
0x15b: {  	_ =	swait.ge [sflag:s23], $0x4000  }
0x15c: {  	[sflag:s23] =	ssyncset.done $0x0  }
0x15d: {  	[sflag:s23] =	ssyncadd.s32 $0xFFFFC000  }
0x15e: {  	[spmem:s2] =	stream.indirect.scatter.add.f32 [tilespmem:s21], [sflag:$0x5], $0x80, s0, s18, $0xb8;
	[tilespmem:$0x1CC00] =	vst v63  }
0x15f: {  	_ = 	snop  }
0x160: {  	[tilespmem:s19], [sflag:$0x1] =	stream.indirect.gather [hbm4b:s1+s18], $0x80, s3, s18, $0xb8;
	[tilespmem:$0x1CC00] =	vst v63  }
0x161: {  	_ =	swait.ge [sflag:s22], $0x4000  }
0x162: {  	[sflag:s22] =	ssyncset.done $0x0  }
0x163: {  	[sflag:s22] =	ssyncadd.s32 $0xFFFFC000  }
0x164: {  	_ =	swait.ge [sflag:s20], $0x4000  }
0x165: {  	[sflag:s20] =	ssyncset.done $0x0  }
0x166: {  	[sflag:s20] =	ssyncadd.s32 $0xFFFFC000  }
0x167: {  	[spmem:s2] =	stream.indirect.scatter.add.f32 [tilespmem:s19], [sflag:$0x5], $0x80, s5, s18, $0xb8;
	[tilespmem:$0x1CC00] =	vst v63  }
0x168: {  	_ = 	snop  }
0x169: {  	[tilespmem:s21], [sflag:$0x2] =	stream.indirect.gather [hbm4b:s1+s18], $0x80, s7, s18, $0xb8;
	[tilespmem:$0x1CC00] =	vst v63  }
0x16a: {  	_ =	swait.ge [sflag:s22], $0x4000  }
0x16b: {  	[sflag:s22] =	ssyncset.done $0x0  }
0x16c: {  	[sflag:s22] =	ssyncadd.s32 $0xFFFFC000  }
0x16d: {  	_ =	swait.ge [sflag:s23], $0x4000  }
0x16e: {  	[sflag:s23] =	ssyncset.done $0x0  }
0x16f: {  	[sflag:s23] =	ssyncadd.s32 $0xFFFFC000  }
0x170: {  	[spmem:s2] =	stream.indirect.scatter.add.f32 [tilespmem:s21], [sflag:$0x5], $0x80, s8, s18, $0xb8;
	[tilespmem:$0x1CC00] =	vst v63  }
0x171: {  	_ =	swait.ge [sflag:s9], $0x400  }
0x172: {  	[sflag:s9] =	ssyncset.done $0x0  }
0x173: {  	[sflag:s9] =	ssyncadd.s32 $0xFFFFFC00  }
0x174: {  	_ =	swait.ge [sflag:s9], $0x400  }
0x175: {  	[sflag:s9] =	ssyncset.done $0x0  }
0x176: {  	p0 =	sne.s32 s11, $0x400;
	[sflag:s9] =	ssyncadd.s32 $0xFFFFFC00  }
0x177: {  	[tilespmem:s19], [sflag:$0x1] =	stream.indirect.gather [hbm4b:s1+s18], $0x80, s4, s18, $0xb8;
	[tilespmem:$0x1CC00] =	vst v63  }
.Ltmp0:
0x178: {  	_ =	swait.ge [sflag:s22], $0x4000;
	(pc) =	sbr.rel @p0 .LBB2_2-.Ltmp0, $4  }
0x179: {  	s6 =	rddreg [dreg:$0x5]  }
0x17a: {  	s11 =	sadd.s32 $0x100, s11;
	s13 =	rddreg [dreg:$0x4];
	[sflag:s22] =	ssyncset.done $0x0  }
0x17b: {  	[sflag:s22] =	ssyncadd.s32 $0xFFFFC000;
	s6 =	sadd.s32 s12, s6;
	s12 =	sadd.s32 s12, s13  }
0x17c: {  	[tilespmem:s16], [sflag:$0x4] =	stream.linear.gather [hbm4b:s6+s4], $0x400, $0x38;
	[tilespmem:$0x1CC00] =	vst v63  }
0x17d: {  	[tilespmem:s17], [sflag:$0x4] =	stream.linear.gather [hbm4b:s12+s4], $0x400, $0x38;
	[tilespmem:$0x1CC00] =	vst v63  }
0x17e: {  	_ =	swait.ge [sflag:s20], $0x4000  }
0x17f: {  	[sflag:s20] =	ssyncset.done $0x0  }
0x180: {  	[sflag:s20] =	ssyncadd.s32 $0xFFFFC000  }
0x181: {  	_ =	swait.ge [sflag:s24], $0x400  }
0x182: {  	[sflag:s24] =	ssyncset.done $0x0  }
0x183: {  	[sflag:s24] =	ssyncadd.s32 $0xFFFFFC00  }
0x184: {  	_ =	swait.ge [sflag:s24], $0x400  }
0x185: {  	[sflag:s24] =	ssyncset.done $0x0  }
0x186: {  	[sflag:s24] =	ssyncadd.s32 $0xFFFFFC00  }
0x187: {  	[bflag:$0x0] =	sbarrier.arrive $0xFFFF  }
0x188: {  	s11 =	sld [smem:$0x7FD]  }
0x189: {  	s13 =	rddreg [dreg:$0x19]  }
0x18a: {  	s6 =	rddreg [dreg:$0x1e]  }
0x18b: {  	[hbm:s6], [sflag:s13] =	dma.local [spmem:s11], $0x2780  }
0x18c: {  	_ =	swait.ge [sflag:s14], $0x2780  }
0x18d: {  	s10 =	sadd.s32 $0x1, s10;
	s12 =	rddreg [dreg:$0x1f]  }
0x18e: {  	p0 =	sne.s32 s10, s12  }
.Ltmp1:
0x18f: {  	_ = 	snop;
	(pc) =	sbr.rel @p0 .LBB2_1-.Ltmp1, $3  }
0x190: {  	_ =	sdelay $0x1  }
0x191: {  	[sflag:s14] =	ssyncset.done $0x0  }
0x192: {  	[sflag:s14] =	ssyncadd.s32 $0xFFFFD880  }
0x193: {  	_ =	sfence.sel $0x180000  }
0x194: {  	[bflag:$0x0] =	sbarrier.arrive $0xFFFF  }
0x195: {  	_ =	strace $0x9000004D  }
0x196: {  	s0 =	stileid.u32;
	[bflag:$0x2] =	sbarrier.arrive $0xFFFF  }
0x197: {  	p0 =	sne.s32 s0, $0x0;
	s0 =	rddreg [dreg:$0x3]  }
0x198: {  	s0 =	sadd.s32 @!p0 $0x100000, s0  }
0x199: {  	[sflag:s0] =	ssyncadd.tile.s32 @!p0 $0x1;
	_ =	shalt  }
.Lfunc_end2:
_tile_overlayer_lowered:
.L_overlay_start_2:
0x19a: {  	(tag) =	ssettag $0x2  }
0x19b: {  	s0 =	rddreg [dreg:$0x0];
	s2 =	stileid.u32  }
0x19c: {  	s1 =	rddreg [dreg:$0x1];
	p0 =	sne.s32 s2, $0x0  }
0x19d: {  	s3 =	rddreg [dreg:$0x2];
	[bflag:$0x3] =	sbarrier.arrive $0xFFFF;
	s2 =	simm.s32 @!p0 $0x1C06  }
0x19e: {  	[timem:s3], [sflag:s2] =	dma.local @!p0 [hbm:s0], s1  }
0x19f: {  	s0 =	simm.s32 @!p0 $0x6  }
0x1a0: {  	_ =	swait.ge @!p0 [sflag:s0], s1  }
0x1a1: {  	s1 =	ssub.s32 @!p0 $0x0, s1;
	[sflag:s0] =	ssyncset.done @!p0 $0x0  }
0x1a2: {  	[sflag:s0] =	ssyncadd.s32 @!p0 s1  }
0x1a3: {  	[bflag:$0x3] =	sbarrier.arrive $0xFFFF  }
0x1a4: {  	_ =	shalt  }

// kernel: kernel.8.cloned.1.call-start
scs
__scs_entry_jumppad:
0x0: {  	(pc) =	sbr.rel $0x88, $3  }
0x1: {  	(tag) =	ssettag $0x0;
	lr =	simm.s32 $0x1  }
0x2: {  	[smem:$0x3F99] =	sst lr;
	_ =	strace $0xD0000000  }
0x3: {  	_ = 	snop  }
0x4: {  	_ = 	snop  }
0x5: {  	_ = 	snop  }
0x6: {  	_ = 	snop  }
0x7: {  	_ = 	snop  }
__scs_overlays_trampoline_lowered:
0x8: {  	[smem:$0x3FA8] =	sst s0  }
0x9: {  	[smem:$0x3FA9] =	sst s1  }
0xa: {  	[smem:$0x3FAA] =	sst s2  }
0xb: {  	[smem:$0x3FAB] =	sst s3  }
0xc: {  	[smem:$0x3FAC] =	sst s4  }
0xd: {  	[smem:$0x3FAD] =	sst s5  }
0xe: {  	[smem:$0x3FAE] =	sst s6  }
0xf: {  	[smem:$0x3FAF] =	sst s7  }
0x10: {  	[smem:$0x3FB0] =	sst s8  }
0x11: {  	[smem:$0x3FB1] =	sst s9;
	s0 =	simm.s32 @!p0 $0x0  }
0x12: {  	s1 =	sld [smem:$0x3F97];
	s0 =	simm.s32 @p0 $0x1  }
0x13: {  	[smem:$0x3FB2] =	sst s0;
	s0 =	simm.s32 @!p1 $0x0  }
0x14: {  	s2 =	sld [smem:$0x3F96];
	s0 =	simm.s32 @p1 $0x1  }
0x15: {  	[smem:$0x3FB3] =	sst s0;
	s0 =	simm.s32 @!p2 $0x0  }
0x16: {  	s3 =	sld [smem:$0x3FDB];
	s0 =	simm.s32 @p2 $0x1  }
0x17: {  	s4 =	simm.s32 $0x1BF5;
	[smem:$0x3FB5] =	sst s0  }
0x18: {  	s0 =	sld [smem:$0x3F98];
	_ =	swait.ge [sflag:s4], $0x0  }
0x19: {  	s7 =	sld [smem:$0x3F99]  }
0x1a: {  	s8 =	sadd.s32 $0xFFFFE003, lr  }
0x1b: {  	s9 =	sadd.s32 $0xFFFFFEF7, lr;
	s5 =	simm.s32 $0xFFFFFFFF;
	p2 =	slt.u32 s8, $0xFFFFF086  }
0x1c: {  	p1 =	slt.u32 s9, $0xF7A;
	s5 =	simm.s32 @!p2 $0x0  }
0x1d: {  	s5 =	simm.s32 @p1 $0x1;
	p0 =	seq.s32 s7, s2  }
0x1e: {  	s7 =	smul.u32 @!p0 $0xF7A, s2;
	p2 =	seq.s32 @!p0 s5, $0x0  }
0x1f: {  	s9 =	smul.u32 $0xF7A, s1;
	s8 =	simm.s32 @!p0 $0x1BF5;
	p2 =	por !p2, p0  }
0x20: {  	[sflag:s8] =	ssyncset.s32 @!p0 $0xFFFFF086;
	s6 =	sadd.s32 @!p0 s3, s7;
	s7 =	simm.s32 @!p0 $0x108  }
0x21: {  	s3 =	sadd.s32 s3, s9;
	s6 =	sadd.s32 @!p0 $0x88, s6;
	s7 =	simm.s32 @p2 $0x1082  }
0x22: {  	[simem:s7], [sflag:s8] =	dma.local @!p0 [hbm:s6], $0xF7A  }
0x23: {  	s9 =	sor.u32 $0xD0000000, s2;
	s6 =	simm.s32 $0x108;
	_ =	swait.ge @!p0 [sflag:s8], $0x0  }
0x24: {  	s3 =	sadd.s32 $0x88, s3;
	s6 =	simm.s32 @!p1 $0x1082;
	[sflag:s4] =	ssyncset.s32 $0xFFFFF086  }
0x25: {  	[simem:s6], [sflag:s4] =	dma.local [hbm:s3], $0xF7A  }
0x26: {  	[smem:$0x3F99] =	sst s1;
	(tag) =	ssettag s2;
	_ =	strace s9  }
0x27: {  	s1 =	sld [smem:$0x3FA9]  }
0x28: {  	s2 =	sld [smem:$0x3FAA]  }
0x29: {  	s4 =	sld [smem:$0x3FAC]  }
0x2a: {  	p0 =	seq.s32 s5, $0x0;
	s5 =	sld [smem:$0x3FAD]  }
0x2b: {  	s6 =	sld [smem:$0x3FAE]  }
0x2c: {  	s7 =	sld [smem:$0x3FAF]  }
0x2d: {  	s3 =	simm.s32 $0x108;
	s8 =	sld [smem:$0x3FB0]  }
0x2e: {  	s3 =	simm.s32 @!p0 $0x1082;
	s9 =	sld [smem:$0x3FB1]  }
0x2f: {  	lr =	sadd.s32 s0, s3;
	s0 =	sld [smem:$0x3FA8]  }
0x30: {  	s3 =	sld [smem:$0x3FAB]  }
0x31: {  	[smem:$0x3FB4] =	sst s10  }
0x32: {  	s10 =	sld [smem:$0x3FB2];
	_ =	sdelay $0x3  }
0x33: {  	p0 =	seq.s32 s10, $0x1;
	s10 =	sld [smem:$0x3FB4];
	_ =	sdelay $0x3  }
0x34: {  	[smem:$0x3FB4] =	sst s10  }
0x35: {  	s10 =	sld [smem:$0x3FB3];
	_ =	sdelay $0x3  }
0x36: {  	p1 =	seq.s32 s10, $0x1;
	s10 =	sld [smem:$0x3FB4];
	_ =	sdelay $0x3  }
0x37: {  	[smem:$0x3FB4] =	sst s10  }
0x38: {  	s10 =	sld [smem:$0x3FB5]  }
0x39: {  	_ = 	snop;
	(pc) =	sbr.ind lr, $3  }
0x3a: {  	_ = 	snop  }
0x3b: {  	_ = 	snop  }
0x3c: {  	p2 =	seq.s32 s10, $0x1;
	s10 =	sld [smem:$0x3FB4]  }
0x3d: {  	_ =	shalt  }
0x3e: {  	_ =	shalt  }
0x3f: {  	_ =	shalt  }
0x40: {  	_ =	shalt  }
0x41: {  	_ =	shalt  }
0x42: {  	_ =	shalt  }
0x43: {  	_ =	shalt  }
0x44: {  	_ =	shalt  }
0x45: {  	_ =	shalt  }
0x46: {  	_ =	shalt  }
0x47: {  	_ =	shalt  }
0x48: {  	_ =	shalt  }
0x49: {  	_ =	shalt  }
0x4a: {  	_ =	shalt  }
0x4b: {  	_ =	shalt  }
0x4c: {  	_ =	shalt  }
0x4d: {  	_ =	shalt  }
0x4e: {  	_ =	shalt  }
0x4f: {  	_ =	shalt  }
0x50: {  	_ =	shalt  }
0x51: {  	_ =	shalt  }
0x52: {  	_ =	shalt  }
0x53: {  	_ =	shalt  }
0x54: {  	_ =	shalt  }
0x55: {  	_ =	shalt  }
0x56: {  	_ =	shalt  }
0x57: {  	_ =	shalt  }
0x58: {  	_ =	shalt  }
0x59: {  	_ =	shalt  }
0x5a: {  	_ =	shalt  }
0x5b: {  	_ =	shalt  }
0x5c: {  	_ =	shalt  }
0x5d: {  	_ =	shalt  }
0x5e: {  	_ =	shalt  }
0x5f: {  	_ =	shalt  }
0x60: {  	_ =	shalt  }
0x61: {  	_ =	shalt  }
0x62: {  	_ =	shalt  }
0x63: {  	_ =	shalt  }
0x64: {  	_ =	shalt  }
0x65: {  	_ =	shalt  }
0x66: {  	_ =	shalt  }
0x67: {  	_ =	shalt  }
0x68: {  	_ =	shalt  }
0x69: {  	_ =	shalt  }
0x6a: {  	_ =	shalt  }
0x6b: {  	_ =	shalt  }
0x6c: {  	_ =	shalt  }
0x6d: {  	_ =	shalt  }
0x6e: {  	_ =	shalt  }
0x6f: {  	_ =	shalt  }
0x70: {  	_ =	shalt  }
0x71: {  	_ =	shalt  }
0x72: {  	_ =	shalt  }
0x73: {  	_ =	shalt  }
0x74: {  	_ =	shalt  }
0x75: {  	_ =	shalt  }
0x76: {  	_ =	shalt  }
0x77: {  	_ =	shalt  }
0x78: {  	_ =	shalt  }
0x79: {  	_ =	shalt  }
0x7a: {  	_ =	shalt  }
0x7b: {  	_ =	shalt  }
0x7c: {  	_ =	shalt  }
0x7d: {  	_ =	shalt  }
0x7e: {  	_ =	shalt  }
0x7f: {  	_ =	shalt  }
0x80: {  	_ =	shalt  }
0x81: {  	_ =	shalt  }
0x82: {  	_ =	shalt  }
0x83: {  	_ =	shalt  }
0x84: {  	_ =	shalt  }
0x85: {  	_ =	shalt  }
0x86: {  	_ =	shalt  }
0x87: {  	_ =	shalt  }
.Lfunc_end0:
.L_simem_size_0:
called_computation_lowered:
.L_overlay_start_0:
0x88: {  	s2 =	sld [smem:$0x3FD9]  }
0x89: {  	s3 =	sld [smem:$0x3FFE];
	_ =	sdelay $0x1  }
0x8a: {  	s1 =	srdreg.scid  }
0x8b: {  	s0 =	sand.u32 $0x1, s1  }
0x8c: {  	s16 =	sshll.u32 s0, $0xA;
	s2 =	sadd.s32 s3, s2  }
0x8d: {  	s2 =	sadd.s32 s2, s16  }
0x8e: {  	[smem:$0x3FC0] =	sst s2  }
0x8f: {  	_ = 	snop  }
0x90: {  	(tm) =	ssettm $0x1  }
0x91: {  	s17 =	sld [smem:$0x3FFB];
	_ =	sdelay $0x3  }
0x92: {  	_ =	strace s17  }
0x93: {  	s2 =	sld [smem:$0x3FFC];
	_ =	sdelay $0x3  }
0x94: {  	_ =	strace s2  }
0x95: {  	s2 =	sld [smem:$0x3FFD];
	_ =	sdelay $0x3  }
0x96: {  	_ =	strace s2  }
0x97: {  	_ =	strace $0x8FFFFFFF  }
0x98: {  	s18 =	sld [smem:$0x3FDB];
	_ =	sdelay $0x1  }
0x99: {  	s19 =	simm.s32 $_scs_section_size  }
0x9a: {  	s4 =	simm.s32 $_size__tile_overlayer_lowered;
	s5 =	simm.s32 $_tile_overlayer_lowered  }
0x9b: {  	s22 =	simm.s32 $0x1BFF;
	s21 =	sshll.u32 s5, $0x1;
	s2 =	sadd.s32 s19, s18  }
0x9c: {  	s6 =	simm.s32 $0x0;
	s20 =	sshll.u32 s4, $0x1;
	s4 =	sadd.s32 s21, s2  }
0x9d: {  	[timem:s6], [sflag:s22] =	dma.local [hbm:s4], s20  }
0x9e: {  	_ =	swait.ge [sflag:s22], s20  }
0x9f: {  	s3 =	ssub.s32 $0x0, s20;
	[sflag:s22] =	ssyncset.done $0x0  }
0xa0: {  	[sflag:s22] =	ssyncadd.s32 s3;
	_ =	sdelay $0x1  }
0xa1: {  	s23 =	simm.s32 $0x1B8B  }
0xa2: {  	_ =	swait.ge [sflag:s23], $0x1  }
0xa3: {  	[sflag:s23] =	ssyncset.done $0x0  }
0xa4: {  	s25 =	simm.s32 $0x1B8E;
	s24 =	sld [smem:$0x3FFE];
	[sflag:s23] =	ssyncadd.s32 $0xFFFFFFFF  }
0xa5: {  	s26 =	simm.s32 $execute0_lowered;
	[smem:$0x3FD2] =	sst s25  }
0xa6: {  	s4 =	sshll.u32 s26, $0x1;
	_ =	strace $0x80000046;
	[dreg:$0x1] =	wrdreg $0xFFFFFFFF  }
0xa7: {  	s28 =	simm.s32 $_size_execute0_lowered;
	s2 =	sadd.s32 s2, s4;
	[dreg:$0x0] =	wrdreg $0x0  }
0xa8: {  	s4 =	sshll.u32 s28, $0x1;
	[dreg:$0x2] =	wrdreg s2  }
0xa9: {  	[dreg:$0x3] =	wrdreg s4  }
0xaa: {  	[dreg:$0x4] =	wrdreg $0xC0  }
0xab: {  	_ =	task [dreg:s6], $0x5FFFF  }
0xac: {  	[dreg:$0x1] =	wrdreg $0xFFFFFFFF  }
0xad: {  	[dreg:$0x0] =	wrdreg $0x60  }
0xae: {  	[dreg:$0x2] =	wrdreg s24  }
0xaf: {  	[dreg:$0x3] =	wrdreg $0x30000  }
0xb0: {  	[dreg:$0x4] =	wrdreg $0x9  }
0xb1: {  	_ =	task.clear_ibuf [dreg:s6], $0x5FFFF;
	_ =	strace $0x90000046  }
0xb2: {  	s29 =	simm.s32 $0x9;
	_ =	strace $0x80000048  }
0xb3: {  	_ =	swait.ge [sflag:s29], $0x1  }
0xb4: {  	[sflag:s29] =	ssyncadd.s32 $0xFFFFFFFF  }
0xb5: {  	_ =	strace $0x90000048  }
0xb6: {  	_ =	sfence  }
0xb7: {  	s30 =	sld [smem:$0x0];
	_ =	sdelay $0x2  }
0xb8: {  	s31 =	sshll.u32 s1, $0xD;
	s1 =	sshrl.u32 s1, $0x2  }
0xb9: {  	s3 =	sand.u32 $0x4000, s31;
	s1 =	sadd.s32 s1, s30  }
0xba: {  	s0 =	sor.u32 s3, s0;
	s1 =	sshll.u32 s1, $0x11  }
0xbb: {  	s0 =	sor.u32 s1, s0  }
0xbc: {  	s0 =	sadd.s32 $0x8F2B, s0  }
0xbd: {  	[sflag:s0] =	ssyncadd.remote.s32 $0x1  }
0xbe: {  	_ =	sfence.sel $0xFFFF  }
0xbf: {  	[dreg:$0x0] =	wrdreg $0xFFFFFFFF;
	(pc) =	sbr.abs _section_cstart, $3  }
0xc0: {  	[dreg:$0x1] =	wrdreg $0xFFFFFFFF  }
0xc1: {  	_ =	task.clear_ibuf [dreg:s6], $0x2FFFF;
	_ =	strace $0x9FFFFFFF  }
0xc2: {  	(tm) =	ssettm $0x7FFFFFFF  }
0xc3: {  	_ =	shalt  }
tec
execute0_lowered:
.L_overlay_start_1:
0x0: {  	(tag) =	ssettag $0x1  }
0x1: {  	s6 =	rddreg [dreg:$0x0]  }
0x2: {  	s0 =	srdreg.scid;
	s2 =	rddreg [dreg:$0x1];
	s3 =	simm.s32 $0x0  }
0x3: {  	s12 =	simm.s32 $0x2800;
	s5 =	sand.u32 $0x1, s0;
	s0 =	stileid.u32  }
0x4: {  	s13 =	simm.s32 $0x80;
	s14 =	simm.s32 $0x0;
	s7 =	smul.u32 $0x2780, s0  }
0x5: {  	[smem:$0x7FF] =	sst s3;
	s1 =	sshll.u32 s5, $0x4;
	s8 =	smul.u32 $0x27800, s5  }
0x6: {  	s10 =	ssub.s32 $0x2, s5;
	s5 =	sadd.s32 $0xE200, s6;
	s1 =	sor.u32 s0, s1  }
0x7: {  	s31 =	sshll.u32 s0, $0x6;
	s30 =	sshrl.u32 s10, $0x1;
	s4 =	smul.u32 $0x600, s1  }
0x8: {  	s1 =	rddreg [dreg:$0x2];
	_ =	strace $0x80000047;
	s8 =	sadd.s32 s7, s8  }
0x9: {  	s10 =	ssub.s32 s10, s30;
	s11 =	sadd.s32 s7, s2;
	s8 =	sshrl.u32 s8, $0x3  }
0xa: {  	s9 =	sadd.s32 s4, s6;
	s4 =	sadd.s32 $0xE400, s6;
	s8 =	sadd.s32 s8, s6  }
0xb: {  	s6 =	sor.u32 $0x1C01, s31;
	s7 =	sadd.s32 $0x2200, s9;
	s8 =	sadd.s32 $0xEA00, s8  }
0xc: {  	s9 =	smax.u32 s10, $0x1;
	s10 =	sshrl.u32 s11, $0x3;
	s11 =	simm.s32 $0x1  }
.LBB2_1:
0xd: {  	[spmem:s10], [sflag:s6] =	dma.local [hbm:s4], $0x4F0  }
0xe: {  	_ =	swait.ge [sflag:s11], $0x4F0  }
0xf: {  	[sflag:s11] =	ssyncset.done $0x0  }
0x10: {  	[sflag:s11] =	ssyncadd.s32 $0xFFFFFB10  }
0x11: {  	[tilespmem:s3], [sflag:$0x1] =	stream.linear.gather [hbm4b:s7+s3], $0x2800, $0x38;
	[tilespmem:$0x5780] =	vst v63  }
0x12: {  	_ =	swait.ge [sflag:s11], $0x2800  }
0x13: {  	[sflag:s11] =	ssyncset.done $0x0  }
0x14: {  	[sflag:s11] =	ssyncadd.s32 $0xFFFFD800  }
0x15: {  	[tilespmem:s12], [sflag:$0x1] =	stream.linear.gather [hbm4b:s5+s3], $0x800, $0x38;
	[tilespmem:$0x5780] =	vst v63  }
0x16: {  	_ =	swait.ge [sflag:s11], $0x800  }
0x17: {  	[sflag:s11] =	ssyncset.done $0x0  }
0x18: {  	[sflag:s11] =	ssyncadd.s32 $0xFFFFF800  }
0x19: {  	s15 =	simm.s32 $0x0;
	[bflag:$0x0] =	sbarrier.arrive $0xFFFF  }
0x1a: {  	[spmem:s2] =	stream.indirect.scatter.add.f32 [tilespmem:s12], [sflag:$0x1], $0x10, s15, s13, $0xb8;
	[tilespmem:$0x5780] =	vst v63  }
0x1b: {  	_ =	swait.ge [sflag:s11], $0x800  }
0x1c: {  	s15 =	simm.s32 $0x200;
	[sflag:s11] =	ssyncset.done $0x0  }
.LBB2_2:
0x1d: {  	s16 =	sshra.s32 s15, $0x2;
	[sflag:s11] =	ssyncadd.s32 $0xFFFFF800;
	p0 =	sne.s32 s15, $0x9E00  }
0x1e: {  	[spmem:s2] =	stream.indirect.scatter.add.f32 [tilespmem:s12], [sflag:$0x1], $0x10, s16, s13, $0xb8;
	[tilespmem:$0x5780] =	vst v63  }
.Ltmp0:
0x1f: {  	_ = 	snop;
	(pc) =	sbr.rel @p0 .LBB2_2-.Ltmp0, $4  }
0x20: {  	_ = 	snop  }
0x21: {  	s15 =	sadd.s32 $0x200, s15  }
0x22: {  	_ =	swait.ge [sflag:s11], $0x800  }
0x23: {  	[sflag:s11] =	ssyncset.done $0x0  }
0x24: {  	s14 =	sadd.s32 $0x1, s14  }
0x25: {  	[sflag:s11] =	ssyncadd.s32 $0xFFFFF800;
	p0 =	sne.s32 s14, s9  }
.Ltmp1:
0x26: {  	[bflag:$0x0] =	sbarrier.arrive $0xFFFF;
	(pc) =	sbr.rel @p0 .LBB2_1-.Ltmp1, $4  }
0x27: {  	[hbm:s8], [sflag:s6] =	dma.local [spmem:s10], $0x4F0  }
0x28: {  	_ =	swait.ge [sflag:s11], $0x4F0  }
0x29: {  	[sflag:s11] =	ssyncset.done $0x0  }
0x2a: {  	[sflag:s11] =	ssyncadd.s32 $0xFFFFFB10  }
0x2b: {  	_ =	sfence.sel $0x180000  }
0x2c: {  	[bflag:$0x0] =	sbarrier.arrive $0xFFFF  }
0x2d: {  	p0 =	sne.s32 s0, $0x0;
	_ =	strace $0x90000047  }
0x2e: {  	s0 =	sadd.s32 @!p0 $0x100000, s1;
	[bflag:$0x2] =	sbarrier.arrive $0xFFFF  }
0x2f: {  	[sflag:s0] =	ssyncadd.tile.s32 @!p0 $0x1;
	_ =	shalt  }
.Lfunc_end2:
_tile_overlayer_lowered:
.L_overlay_start_2:
0x30: {  	(tag) =	ssettag $0x2  }
0x31: {  	s0 =	rddreg [dreg:$0x0];
	s2 =	stileid.u32  }
0x32: {  	s1 =	rddreg [dreg:$0x1];
	p0 =	sne.s32 s2, $0x0  }
0x33: {  	s3 =	rddreg [dreg:$0x2];
	[bflag:$0x3] =	sbarrier.arrive $0xFFFF;
	s2 =	simm.s32 @!p0 $0x1C01  }
0x34: {  	[timem:s3], [sflag:s2] =	dma.local @!p0 [hbm:s0], s1  }
0x35: {  	s0 =	simm.s32 @!p0 $0x1  }
0x36: {  	_ =	swait.ge @!p0 [sflag:s0], s1  }
0x37: {  	s1 =	ssub.s32 @!p0 $0x0, s1;
	[sflag:s0] =	ssyncset.done @!p0 $0x0  }
0x38: {  	[sflag:s0] =	ssyncadd.s32 @!p0 s1  }
0x39: {  	[bflag:$0x3] =	sbarrier.arrive $0xFFFF  }
0x3a: {  	_ =	shalt  }

</sc_bundles>
